<compile_context>
chip_gen: v7x
topology: tpu7x:2x2x1
jax: 0.10.2.dev20260603
libtpu: 0.0.44.dev20260713+nightly
codegen_flags: <defaults>
</compile_context>

<pallas_src>
import functools

import jax
import jax.numpy as jnp
from jax import lax
from jax.experimental import pallas as pl
from jax.experimental.pallas import tpu as pltpu
from jax.experimental.pallas import tpu_sc as plsc

SEQ, B = 4096, 4
NUM_SEGMENTS = 8
EMB_DIM = 128
OUT_DIM = 1024
N_TOKENS = SEQ * B

NC, NS = 2, 16
NW = NC * NS
TOK_PER_W = N_TOKENS // NW
CH = 32
NCH = TOK_PER_W // CH
LANES = 16
VPR = OUT_DIM // LANES


def _p_kernel(table_ref, w_ref, p_ref):
    p_ref[...] = lax.dot_general(
        table_ref[...], w_ref[...],
        dimension_numbers=(((1,), (1,)), ((), ())),
        preferred_element_type=jnp.float32,
    )


def _sc_body(p_hbm, ab_hbm, out_hbm, p_loc, ab_v, buf0, buf1, w0, w1):
    wid = lax.axis_index("s") * NC + lax.axis_index("c")
    base = wid * TOK_PER_W * OUT_DIM
    pltpu.sync_copy(p_hbm, p_loc)
    pltpu.sync_copy(ab_hbm.at[pl.ds(wid * TOK_PER_W * LANES, TOK_PER_W * LANES)],
                    ab_v)

    def half(jp, c0, buf, sem):
        @pl.when(jp > 0)
        def _():
            pltpu.make_async_copy(
                buf, out_hbm.at[pl.ds(base, CH * OUT_DIM)], sem).wait()

        @plsc.parallel_loop(0, CH, unroll=2)
        def fill(t):
            rb = ab_v[pl.ds((c0 + t) * LANES, LANES)]
            off = t * OUT_DIM
            G = 8
            for k0 in range(0, VPR, G):
                vals = [plsc.load_gather(p_loc, [rb + ((k0 + g) * LANES)])
                        for g in range(G)]
                for g in range(G):
                    buf[pl.ds(off + (k0 + g) * LANES, LANES)] = vals[g]
        pltpu.async_copy(
            buf, out_hbm.at[pl.ds(base + c0 * OUT_DIM, CH * OUT_DIM)], sem)

    def pair(jp, carry):
        half(jp, jp * (2 * CH), buf0, w0)
        half(jp, jp * (2 * CH) + CH, buf1, w1)
        return carry

    lax.fori_loop(0, NCH // 2, pair, 0)
    pltpu.make_async_copy(buf0, out_hbm.at[pl.ds(base, CH * OUT_DIM)], w0).wait()
    pltpu.make_async_copy(buf1, out_hbm.at[pl.ds(base, CH * OUT_DIM)], w1).wait()


@jax.jit
def kernel(input, align_pos, segment_ids, table, W):
    seg = segment_ids.astype(jnp.int32).reshape(N_TOKENS)
    ab = seg[:, None] * OUT_DIM + jnp.arange(LANES, dtype=jnp.int32)[None, :]
    ab = ab.reshape(N_TOKENS * LANES)
    P = pl.pallas_call(
        _p_kernel,
        out_shape=jax.ShapeDtypeStruct((NUM_SEGMENTS, OUT_DIM), jnp.float32),
    )(table, W)

    sc_expand = functools.partial(
        pl.kernel,
        out_type=jax.ShapeDtypeStruct((N_TOKENS * OUT_DIM,), jnp.float32),
        mesh=plsc.VectorSubcoreMesh(core_axis_name="c", subcore_axis_name="s"),
        compiler_params=pltpu.CompilerParams(
            needs_layout_passes=False, disable_bounds_checks=True),
        scratch_types=[
            pltpu.VMEM((NUM_SEGMENTS * OUT_DIM,), jnp.float32),
            pltpu.VMEM((TOK_PER_W * LANES,), jnp.int32),
            pltpu.VMEM((CH * OUT_DIM,), jnp.float32),
            pltpu.VMEM((CH * OUT_DIM,), jnp.float32),
            pltpu.SemaphoreType.DMA,
            pltpu.SemaphoreType.DMA,
        ],
    )(_sc_body)
    out = sc_expand(P.reshape(NUM_SEGMENTS * OUT_DIM), ab)
    return out.reshape(SEQ, B, OUT_DIM)

# --- scband reference (transcript-rebuilt; emitter-appended) ---
"""Pipeline reference for scband-multi-segment-embedding-34720515620882 (READ-ONLY COPY).

The authoritative reference and input builder live on the scoring server;
editing this copy changes nothing except your own understanding.
"""

import jax, jax.numpy as jnp
import numpy as np

SEQ, B = 4096, 4
NUM_SEGMENTS = 8
EMB_DIM = 128
OUT_DIM = 1024


def setup_inputs(seed: int = 0) -> dict:
    key = jax.random.key(seed)
    k1, k2, k3, k4 = jax.random.split(key, 4)
    inp = jax.random.randint(k1, (SEQ, B), 0, 30000)
    segment_ids = jax.random.randint(k2, (SEQ, B), 0, NUM_SEGMENTS)
    # nn.Embedding initialized with normal1 -> std=0.02
    table = jax.random.normal(k3, (NUM_SEGMENTS, EMB_DIM), dtype=jnp.float32) * 0.02
    # out_proj: nn.Linear(EMB_DIM, OUT_DIM, bias=False), xavier-uniform fan-in
    bound = float(np.sqrt(3.0 / EMB_DIM))
    W = jax.random.uniform(k4, (OUT_DIM, EMB_DIM), dtype=jnp.float32, minval=-bound, maxval=bound)
    return {"input": inp, "align_pos": 0, "segment_ids": segment_ids, "table": table, "W": W}


def reference(input, align_pos, segment_ids, table, W):
    # segment_ids provided explicitly, so get_segment_ids path is skipped.
    # embedded = self.embedding(segment_ids)
    embedded = jnp.take(table, segment_ids, axis=0)  # [SEQ, B, EMB_DIM]
    # out_proj = nn.Linear(embedding_dim, output_dim, bias=False)
    out = embedded @ W.T  # [SEQ, B, OUT_DIM]
    return out

if __name__ == "__main__":
    import jax
    _d = setup_inputs()
    print(jax.jit(kernel)(*tuple(_d.values())))

</pallas_src>

<mosaic_0001>
#map = affine_map<(d0, d1) -> (0)>
module attributes {stable_mosaic.version = 14 : i64} {
  func.func @_sc_body(%arg0: i32, %arg1: i32, %arg2: memref<8192xf32, #tpu.memory_space<hbm>>, %arg3: memref<262144xi32, #tpu.memory_space<hbm>>, %arg4: memref<16777216xf32, #tpu.memory_space<hbm>>, %arg5: memref<8192xf32, #tpu.memory_space<vmem>>, %arg6: memref<8192xi32, #tpu.memory_space<vmem>>, %arg7: memref<32768xf32, #tpu.memory_space<vmem>>, %arg8: memref<32768xf32, #tpu.memory_space<vmem>>, %arg9: memref<!tpu.dma_semaphore, #tpu.memory_space<semaphore_mem>>, %arg10: memref<!tpu.dma_semaphore, #tpu.memory_space<semaphore_mem>>) attributes {dimension_semantics = [#tpu.dimension_semantics<core_parallel>, #tpu.dimension_semantics<subcore_parallel>], iteration_bounds = array<i64: 2, 16>, scalar_prefetch = 0 : i64, scratch_operands = 6 : i64, tpu.core_type = #tpu.core_type<sc_vector_subcore>, window_params = [{transform_indices = #map}, {transform_indices = #map}, {transform_indices = #map}]} {
    %mul3A = arith.constant 2 : i32
    %mul3A_0 = arith.muli %arg1, %mul3A : i32
    %add3A = arith.addi %mul3A_0, %arg0 : i32
    %mul3A_1 = arith.constant 512 : i32
    %mul3A_2 = arith.muli %add3A, %mul3A_1 : i32
    %mul3A_3 = arith.constant 1024 : i32
    %mul3A_4 = arith.muli %mul3A_2, %mul3A_3 : i32
    "tpu.region"() ({
      %run_scoped3A = tpu.sem_alloc : memref<!tpu.dma_semaphore, #tpu.memory_space<semaphore_mem>>
      tpu.enqueue_dma source(%arg2 : memref<8192xf32, #tpu.memory_space<hbm>>) target(%arg5 : memref<8192xf32, #tpu.memory_space<vmem>>) target_semaphore(%run_scoped3A : memref<!tpu.dma_semaphore, #tpu.memory_space<semaphore_mem>>)
      tpu.wait_dma2 semaphore(%run_scoped3A : memref<!tpu.dma_semaphore, #tpu.memory_space<semaphore_mem>>) src(%arg2 : memref<8192xf32, #tpu.memory_space<hbm>>) dst(%arg5 : memref<8192xf32, #tpu.memory_space<vmem>>)
      tpu.yield
    }) : () -> ()
    %mul3A_5 = arith.constant 512 : i32
    %mul3A_6 = arith.muli %add3A, %mul3A_5 : i32
    %mul3A_7 = arith.constant 16 : i32
    %mul3A_8 = arith.muli %mul3A_6, %mul3A_7 : i32
    "tpu.region"() ({
      %run_scoped3A = tpu.sem_alloc : memref<!tpu.dma_semaphore, #tpu.memory_space<semaphore_mem>>
      %dma_start3A = tpu.memref_slice %arg3[%mul3A_8] : memref<262144xi32, #tpu.memory_space<hbm>> -> memref<8192xi32, #tpu.memory_space<hbm>>
      %dma_start3A_17 = tpu.memref_slice %arg3[%mul3A_8] : memref<262144xi32, #tpu.memory_space<hbm>> -> memref<8192xi32, #tpu.memory_space<hbm>>
      tpu.enqueue_dma source(%dma_start3A_17 : memref<8192xi32, #tpu.memory_space<hbm>>) target(%arg6 : memref<8192xi32, #tpu.memory_space<vmem>>) target_semaphore(%run_scoped3A : memref<!tpu.dma_semaphore, #tpu.memory_space<semaphore_mem>>)
      %dma_wait3A_18 = tpu.memref_slice %arg3[%mul3A_8] : memref<262144xi32, #tpu.memory_space<hbm>> -> memref<8192xi32, #tpu.memory_space<hbm>>
      %dma_wait3A_19 = tpu.memref_slice %arg3[%mul3A_8] : memref<262144xi32, #tpu.memory_space<hbm>> -> memref<8192xi32, #tpu.memory_space<hbm>>
      tpu.wait_dma2 semaphore(%run_scoped3A : memref<!tpu.dma_semaphore, #tpu.memory_space<semaphore_mem>>) src(%dma_wait3A_19 : memref<8192xi32, #tpu.memory_space<hbm>>) dst(%arg6 : memref<8192xi32, #tpu.memory_space<vmem>>)
      tpu.yield
    }) : () -> ()
    %scan3A = arith.constant 0 : i32
    %scan3A_9 = arith.constant 0 : i32
    %scan3A_10 = arith.constant 8 : i32
    %scan3A_11 = arith.addi %scan3A_9, %scan3A_10 : i32
    %scan3A_12 = arith.constant 1 : i32
    scf.for %scan3A_17 = %scan3A_9 to %scan3A_11 step %scan3A_12  : i32 {
      %mul3A_18 = arith.constant 64 : i32
      %mul3A_19 = arith.muli %scan3A_17, %mul3A_18 : i32
      %gt3A = arith.constant 0 : i32
      %gt3A_20 = arith.cmpi sgt, %scan3A_17, %gt3A : i32
      %convert_element_type3A = arith.extui %gt3A_20 : i1 to i32
      %cond3A = arith.constant 0 : i32
      %cond3A_21 = arith.cmpi ne, %convert_element_type3A, %cond3A : i32
      scf.if %cond3A_21 {
        %dma_wait3A_45 = tpu.memref_slice %arg4[%mul3A_4] : memref<16777216xf32, #tpu.memory_space<hbm>> -> memref<32768xf32, #tpu.memory_space<hbm>>
        %dma_wait3A_46 = tpu.memref_slice %arg4[%mul3A_4] : memref<16777216xf32, #tpu.memory_space<hbm>> -> memref<32768xf32, #tpu.memory_space<hbm>>
        tpu.wait_dma2 semaphore(%arg9 : memref<!tpu.dma_semaphore, #tpu.memory_space<semaphore_mem>>) src(%arg7 : memref<32768xf32, #tpu.memory_space<vmem>>) dst(%dma_wait3A_46 : memref<32768xf32, #tpu.memory_space<hbm>>)
      } else {
      }
      %parallel_loop3A = arith.constant 0 : i32
      %parallel_loop3A_22 = arith.constant 32 : i32
      %parallel_loop3A_23 = arith.constant 1 : i32
      scf.for %parallel_loop3A_45 = %parallel_loop3A to %parallel_loop3A_22 step %parallel_loop3A_23  : i32 {
        %parallel_loop3A_46 = arith.addi %mul3A_19, %parallel_loop3A_45 : i32
        %parallel_loop3A_47 = arith.constant 16 : i32
        %parallel_loop3A_48 = arith.muli %parallel_loop3A_46, %parallel_loop3A_47 : i32
        %parallel_loop3A_49 = arith.index_cast %parallel_loop3A_48 : i32 to index
        %parallel_loop3A_50 = tpu.vector_load %arg6[%parallel_loop3A_49] {strides = array<i32>} : memref<8192xi32, #tpu.memory_space<vmem>>, vector<16xi32>,
        %parallel_loop3A_51 = arith.constant 1024 : i32
        %parallel_loop3A_52 = arith.muli %parallel_loop3A_45, %parallel_loop3A_51 : i32
        %parallel_loop3A_53 = arith.constant 0 : i32
        %parallel_loop3A_54 = vector.broadcast %parallel_loop3A_53 : i32 to vector<16xi32>
        %parallel_loop3A_55 = arith.addi %parallel_loop3A_50, %parallel_loop3A_54 : vector<16xi32>
        %parallel_loop3A_56 = tpu.vector_load_idx %arg5[%parallel_loop3A_55] : memref<8192xf32, #tpu.memory_space<vmem>>[vector<16xi32>], vector<16xf32>,
        %parallel_loop3A_57 = arith.constant 16 : i32
        %parallel_loop3A_58 = vector.broadcast %parallel_loop3A_57 : i32 to vector<16xi32>
        %parallel_loop3A_59 = arith.addi %parallel_loop3A_50, %parallel_loop3A_58 : vector<16xi32>
        %parallel_loop3A_60 = tpu.vector_load_idx %arg5[%parallel_loop3A_59] : memref<8192xf32, #tpu.memory_space<vmem>>[vector<16xi32>], vector<16xf32>,
        %parallel_loop3A_61 = arith.constant 32 : i32
        %parallel_loop3A_62 = vector.broadcast %parallel_loop3A_61 : i32 to vector<16xi32>
        %parallel_loop3A_63 = arith.addi %parallel_loop3A_50, %parallel_loop3A_62 : vector<16xi32>
        %parallel_loop3A_64 = tpu.vector_load_idx %arg5[%parallel_loop3A_63] : memref<8192xf32, #tpu.memory_space<vmem>>[vector<16xi32>], vector<16xf32>,
        %parallel_loop3A_65 = arith.constant 48 : i32
        %parallel_loop3A_66 = vector.broadcast %parallel_loop3A_65 : i32 to vector<16xi32>
        %parallel_loop3A_67 = arith.addi %parallel_loop3A_50, %parallel_loop3A_66 : vector<16xi32>
        %parallel_loop3A_68 = tpu.vector_load_idx %arg5[%parallel_loop3A_67] : memref<8192xf32, #tpu.memory_space<vmem>>[vector<16xi32>], vector<16xf32>,
        %parallel_loop3A_69 = arith.constant 64 : i32
        %parallel_loop3A_70 = vector.broadcast %parallel_loop3A_69 : i32 to vector<16xi32>
        %parallel_loop3A_71 = arith.addi %parallel_loop3A_50, %parallel_loop3A_70 : vector<16xi32>
        %parallel_loop3A_72 = tpu.vector_load_idx %arg5[%parallel_loop3A_71] : memref<8192xf32, #tpu.memory_space<vmem>>[vector<16xi32>], vector<16xf32>,
        %parallel_loop3A_73 = arith.constant 80 : i32
        %parallel_loop3A_74 = vector.broadcast %parallel_loop3A_73 : i32 to vector<16xi32>
        %parallel_loop3A_75 = arith.addi %parallel_loop3A_50, %parallel_loop3A_74 : vector<16xi32>
        %parallel_loop3A_76 = tpu.vector_load_idx %arg5[%parallel_loop3A_75] : memref<8192xf32, #tpu.memory_space<vmem>>[vector<16xi32>], vector<16xf32>,
        %parallel_loop3A_77 = arith.constant 96 : i32
        %parallel_loop3A_78 = vector.broadcast %parallel_loop3A_77 : i32 to vector<16xi32>
        %parallel_loop3A_79 = arith.addi %parallel_loop3A_50, %parallel_loop3A_78 : vector<16xi32>
        %parallel_loop3A_80 = tpu.vector_load_idx %arg5[%parallel_loop3A_79] : memref<8192xf32, #tpu.memory_space<vmem>>[vector<16xi32>], vector<16xf32>,
        %parallel_loop3A_81 = arith.constant 112 : i32
        %parallel_loop3A_82 = vector.broadcast %parallel_loop3A_81 : i32 to vector<16xi32>
        %parallel_loop3A_83 = arith.addi %parallel_loop3A_50, %parallel_loop3A_82 : vector<16xi32>
        %parallel_loop3A_84 = tpu.vector_load_idx %arg5[%parallel_loop3A_83] : memref<8192xf32, #tpu.memory_space<vmem>>[vector<16xi32>], vector<16xf32>,
        %parallel_loop3A_85 = arith.constant 0 : i32
        %parallel_loop3A_86 = arith.addi %parallel_loop3A_52, %parallel_loop3A_85 : i32
        %parallel_loop3A_87 = arith.index_cast %parallel_loop3A_86 : i32 to index
        %parallel_loop3A_88 = tpu.vector_load %arg7[%parallel_loop3A_87] {strides = array<i32>} : memref<32768xf32, #tpu.memory_space<vmem>>, vector<16xf32>,
        tpu.vector_store %arg7[%parallel_loop3A_87], %parallel_loop3A_56 {strides = array<i32>} : memref<32768xf32, #tpu.memory_space<vmem>>, vector<16xf32>,
        %parallel_loop3A_89 = arith.constant 16 : i32
        %parallel_loop3A_90 = arith.addi %parallel_loop3A_52, %parallel_loop3A_89 : i32
        %parallel_loop3A_91 = arith.index_cast %parallel_loop3A_90 : i32 to index
        %parallel_loop3A_92 = tpu.vector_load %arg7[%parallel_loop3A_91] {strides = array<i32>} : memref<32768xf32, #tpu.memory_space<vmem>>, vector<16xf32>,
        tpu.vector_store %arg7[%parallel_loop3A_91], %parallel_loop3A_60 {strides = array<i32>} : memref<32768xf32, #tpu.memory_space<vmem>>, vector<16xf32>,
        %parallel_loop3A_93 = arith.constant 32 : i32
        %parallel_loop3A_94 = arith.addi %parallel_loop3A_52, %parallel_loop3A_93 : i32
        %parallel_loop3A_95 = arith.index_cast %parallel_loop3A_94 : i32 to index
        %parallel_loop3A_96 = tpu.vector_load %arg7[%parallel_loop3A_95] {strides = array<i32>} : memref<32768xf32, #tpu.memory_space<vmem>>, vector<16xf32>,
        tpu.vector_store %arg7[%parallel_loop3A_95], %parallel_loop3A_64 {strides = array<i32>} : memref<32768xf32, #tpu.memory_space<vmem>>, vector<16xf32>,
        %parallel_loop3A_97 = arith.constant 48 : i32
        %parallel_loop3A_98 = arith.addi %parallel_loop3A_52, %parallel_loop3A_97 : i32
        %parallel_loop3A_99 = arith.index_cast %parallel_loop3A_98 : i32 to index
        %parallel_loop3A_100 = tpu.vector_load %arg7[%parallel_loop3A_99] {strides = array<i32>} : memref<32768xf32, #tpu.memory_space<vmem>>, vector<16xf32>,
        tpu.vector_store %arg7[%parallel_loop3A_99], %parallel_loop3A_68 {strides = array<i32>} : memref<32768xf32, #tpu.memory_space<vmem>>, vector<16xf32>,
        %parallel_loop3A_101 = arith.constant 64 : i32
        %parallel_loop3A_102 = arith.addi %parallel_loop3A_52, %parallel_loop3A_101 : i32
        %parallel_loop3A_103 = arith.index_cast %parallel_loop3A_102 : i32 to index
        %parallel_loop3A_104 = tpu.vector_load %arg7[%parallel_loop3A_103] {strides = array<i32>} : memref<32768xf32, #tpu.memory_space<vmem>>, vector<16xf32>,
        tpu.vector_store %arg7[%parallel_loop3A_103], %parallel_loop3A_72 {strides = array<i32>} : memref<32768xf32, #tpu.memory_space<vmem>>, vector<16xf32>,
        %parallel_loop3A_105 = arith.constant 80 : i32
        %parallel_loop3A_106 = arith.addi %parallel_loop3A_52, %parallel_loop3A_105 : i32
        %parallel_loop3A_107 = arith.index_cast %parallel_loop3A_106 : i32 to index
        %parallel_loop3A_108 = tpu.vector_load %arg7[%parallel_loop3A_107] {strides = array<i32>} : memref<32768xf32, #tpu.memory_space<vmem>>, vector<16xf32>,
        tpu.vector_store %arg7[%parallel_loop3A_107], %parallel_loop3A_76 {strides = array<i32>} : memref<32768xf32, #tpu.memory_space<vmem>>, vector<16xf32>,
        %parallel_loop3A_109 = arith.constant 96 : i32
        %parallel_loop3A_110 = arith.addi %parallel_loop3A_52, %parallel_loop3A_109 : i32
        %parallel_loop3A_111 = arith.index_cast %parallel_loop3A_110 : i32 to index
        %parallel_loop3A_112 = tpu.vector_load %arg7[%parallel_loop3A_111] {strides = array<i32>} : memref<32768xf32, #tpu.memory_space<vmem>>, vector<16xf32>,
        tpu.vector_store %arg7[%parallel_loop3A_111], %parallel_loop3A_80 {strides = array<i32>} : memref<32768xf32, #tpu.memory_space<vmem>>, vector<16xf32>,
        %parallel_loop3A_113 = arith.constant 112 : i32
        %parallel_loop3A_114 = arith.addi %parallel_loop3A_52, %parallel_loop3A_113 : i32
        %parallel_loop3A_115 = arith.index_cast %parallel_loop3A_114 : i32 to index
        %parallel_loop3A_116 = tpu.vector_load %arg7[%parallel_loop3A_115] {strides = array<i32>} : memref<32768xf32, #tpu.memory_space<vmem>>, vector<16xf32>,
        tpu.vector_store %arg7[%parallel_loop3A_115], %parallel_loop3A_84 {strides = array<i32>} : memref<32768xf32, #tpu.memory_space<vmem>>, vector<16xf32>,
        %parallel_loop3A_117 = arith.constant 128 : i32
        %parallel_loop3A_118 = vector.broadcast %parallel_loop3A_117 : i32 to vector<16xi32>
        %parallel_loop3A_119 = arith.addi %parallel_loop3A_50, %parallel_loop3A_118 : vector<16xi32>
        %parallel_loop3A_120 = tpu.vector_load_idx %arg5[%parallel_loop3A_119] : memref<8192xf32, #tpu.memory_space<vmem>>[vector<16xi32>], vector<16xf32>,
        %parallel_loop3A_121 = arith.constant 144 : i32
        %parallel_loop3A_122 = vector.broadcast %parallel_loop3A_121 : i32 to vector<16xi32>
        %parallel_loop3A_123 = arith.addi %parallel_loop3A_50, %parallel_loop3A_122 : vector<16xi32>
        %parallel_loop3A_124 = tpu.vector_load_idx %arg5[%parallel_loop3A_123] : memref<8192xf32, #tpu.memory_space<vmem>>[vector<16xi32>], vector<16xf32>,
        %parallel_loop3A_125 = arith.constant 160 : i32
        %parallel_loop3A_126 = vector.broadcast %parallel_loop3A_125 : i32 to vector<16xi32>
        %parallel_loop3A_127 = arith.addi %parallel_loop3A_50, %parallel_loop3A_126 : vector<16xi32>
        %parallel_loop3A_128 = tpu.vector_load_idx %arg5[%parallel_loop3A_127] : memref<8192xf32, #tpu.memory_space<vmem>>[vector<16xi32>], vector<16xf32>,
        %parallel_loop3A_129 = arith.constant 176 : i32
        %parallel_loop3A_130 = vector.broadcast %parallel_loop3A_129 : i32 to vector<16xi32>
        %parallel_loop3A_131 = arith.addi %parallel_loop3A_50, %parallel_loop3A_130 : vector<16xi32>
        %parallel_loop3A_132 = tpu.vector_load_idx %arg5[%parallel_loop3A_131] : memref<8192xf32, #tpu.memory_space<vmem>>[vector<16xi32>], vector<16xf32>,
        %parallel_loop3A_133 = arith.constant 192 : i32
        %parallel_loop3A_134 = vector.broadcast %parallel_loop3A_133 : i32 to vector<16xi32>
        %parallel_loop3A_135 = arith.addi %parallel_loop3A_50, %parallel_loop3A_134 : vector<16xi32>
        %parallel_loop3A_136 = tpu.vector_load_idx %arg5[%parallel_loop3A_135] : memref<8192xf32, #tpu.memory_space<vmem>>[vector<16xi32>], vector<16xf32>,
        %parallel_loop3A_137 = arith.constant 208 : i32
        %parallel_loop3A_138 = vector.broadcast %parallel_loop3A_137 : i32 to vector<16xi32>
        %parallel_loop3A_139 = arith.addi %parallel_loop3A_50, %parallel_loop3A_138 : vector<16xi32>
        %parallel_loop3A_140 = tpu.vector_load_idx %arg5[%parallel_loop3A_139] : memref<8192xf32, #tpu.memory_space<vmem>>[vector<16xi32>], vector<16xf32>,
        %parallel_loop3A_141 = arith.constant 224 : i32
        %parallel_loop3A_142 = vector.broadcast %parallel_loop3A_141 : i32 to vector<16xi32>
        %parallel_loop3A_143 = arith.addi %parallel_loop3A_50, %parallel_loop3A_142 : vector<16xi32>
        %parallel_loop3A_144 = tpu.vector_load_idx %arg5[%parallel_loop3A_143] : memref<8192xf32, #tpu.memory_space<vmem>>[vector<16xi32>], vector<16xf32>,
        %parallel_loop3A_145 = arith.constant 240 : i32
        %parallel_loop3A_146 = vector.broadcast %parallel_loop3A_145 : i32 to vector<16xi32>
        %parallel_loop3A_147 = arith.addi %parallel_loop3A_50, %parallel_loop3A_146 : vector<16xi32>
        %parallel_loop3A_148 = tpu.vector_load_idx %arg5[%parallel_loop3A_147] : memref<8192xf32, #tpu.memory_space<vmem>>[vector<16xi32>], vector<16xf32>,
        %parallel_loop3A_149 = arith.constant 128 : i32
        %parallel_loop3A_150 = arith.addi %parallel_loop3A_52, %parallel_loop3A_149 : i32
        %parallel_loop3A_151 = arith.index_cast %parallel_loop3A_150 : i32 to index
        %parallel_loop3A_152 = tpu.vector_load %arg7[%parallel_loop3A_151] {strides = array<i32>} : memref<32768xf32, #tpu.memory_space<vmem>>, vector<16xf32>,
        tpu.vector_store %arg7[%parallel_loop3A_151], %parallel_loop3A_120 {strides = array<i32>} : memref<32768xf32, #tpu.memory_space<vmem>>, vector<16xf32>,
        %parallel_loop3A_153 = arith.constant 144 : i32
        %parallel_loop3A_154 = arith.addi %parallel_loop3A_52, %parallel_loop3A_153 : i32
        %parallel_loop3A_155 = arith.index_cast %parallel_loop3A_154 : i32 to index
        %parallel_loop3A_156 = tpu.vector_load %arg7[%parallel_loop3A_155] {strides = array<i32>} : memref<32768xf32, #tpu.memory_space<vmem>>, vector<16xf32>,
        tpu.vector_store %arg7[%parallel_loop3A_155], %parallel_loop3A_124 {strides = array<i32>} : memref<32768xf32, #tpu.memory_space<vmem>>, vector<16xf32>,
        %parallel_loop3A_157 = arith.constant 160 : i32
        %parallel_loop3A_158 = arith.addi %parallel_loop3A_52, %parallel_loop3A_157 : i32
        %parallel_loop3A_159 = arith.index_cast %parallel_loop3A_158 : i32 to index
        %parallel_loop3A_160 = tpu.vector_load %arg7[%parallel_loop3A_159] {strides = array<i32>} : memref<32768xf32, #tpu.memory_space<vmem>>, vector<16xf32>,
        tpu.vector_store %arg7[%parallel_loop3A_159], %parallel_loop3A_128 {strides = array<i32>} : memref<32768xf32, #tpu.memory_space<vmem>>, vector<16xf32>,
        %parallel_loop3A_161 = arith.constant 176 : i32
        %parallel_loop3A_162 = arith.addi %parallel_loop3A_52, %parallel_loop3A_161 : i32
        %parallel_loop3A_163 = arith.index_cast %parallel_loop3A_162 : i32 to index
        %parallel_loop3A_164 = tpu.vector_load %arg7[%parallel_loop3A_163] {strides = array<i32>} : memref<32768xf32, #tpu.memory_space<vmem>>, vector<16xf32>,
        tpu.vector_store %arg7[%parallel_loop3A_163], %parallel_loop3A_132 {strides = array<i32>} : memref<32768xf32, #tpu.memory_space<vmem>>, vector<16xf32>,
        %parallel_loop3A_165 = arith.constant 192 : i32
        %parallel_loop3A_166 = arith.addi %parallel_loop3A_52, %parallel_loop3A_165 : i32
        %parallel_loop3A_167 = arith.index_cast %parallel_loop3A_166 : i32 to index
        %parallel_loop3A_168 = tpu.vector_load %arg7[%parallel_loop3A_167] {strides = array<i32>} : memref<32768xf32, #tpu.memory_space<vmem>>, vector<16xf32>,
        tpu.vector_store %arg7[%parallel_loop3A_167], %parallel_loop3A_136 {strides = array<i32>} : memref<32768xf32, #tpu.memory_space<vmem>>, vector<16xf32>,
        %parallel_loop3A_169 = arith.constant 208 : i32
        %parallel_loop3A_170 = arith.addi %parallel_loop3A_52, %parallel_loop3A_169 : i32
        %parallel_loop3A_171 = arith.index_cast %parallel_loop3A_170 : i32 to index
        %parallel_loop3A_172 = tpu.vector_load %arg7[%parallel_loop3A_171] {strides = array<i32>} : memref<32768xf32, #tpu.memory_space<vmem>>, vector<16xf32>,
        tpu.vector_store %arg7[%parallel_loop3A_171], %parallel_loop3A_140 {strides = array<i32>} : memref<32768xf32, #tpu.memory_space<vmem>>, vector<16xf32>,
        %parallel_loop3A_173 = arith.constant 224 : i32
        %parallel_loop3A_174 = arith.addi %parallel_loop3A_52, %parallel_loop3A_173 : i32
        %parallel_loop3A_175 = arith.index_cast %parallel_loop3A_174 : i32 to index
        %parallel_loop3A_176 = tpu.vector_load %arg7[%parallel_loop3A_175] {strides = array<i32>} : memref<32768xf32, #tpu.memory_space<vmem>>, vector<16xf32>,
        tpu.vector_store %arg7[%parallel_loop3A_175], %parallel_loop3A_144 {strides = array<i32>} : memref<32768xf32, #tpu.memory_space<vmem>>, vector<16xf32>,
        %parallel_loop3A_177 = arith.constant 240 : i32
        %parallel_loop3A_178 = arith.addi %parallel_loop3A_52, %parallel_loop3A_177 : i32
        %parallel_loop3A_179 = arith.index_cast %parallel_loop3A_178 : i32 to index
        %parallel_loop3A_180 = tpu.vector_load %arg7[%parallel_loop3A_179] {strides = array<i32>} : memref<32768xf32, #tpu.memory_space<vmem>>, vector<16xf32>,
        tpu.vector_store %arg7[%parallel_loop3A_179], %parallel_loop3A_148 {strides = array<i32>} : memref<32768xf32, #tpu.memory_space<vmem>>, vector<16xf32>,
        %parallel_loop3A_181 = arith.constant 256 : i32
        %parallel_loop3A_182 = vector.broadcast %parallel_loop3A_181 : i32 to vector<16xi32>
        %parallel_loop3A_183 = arith.addi %parallel_loop3A_50, %parallel_loop3A_182 : vector<16xi32>
        %parallel_loop3A_184 = tpu.vector_load_idx %arg5[%parallel_loop3A_183] : memref<8192xf32, #tpu.memory_space<vmem>>[vector<16xi32>], vector<16xf32>,
        %parallel_loop3A_185 = arith.constant 272 : i32
        %parallel_loop3A_186 = vector.broadcast %parallel_loop3A_185 : i32 to vector<16xi32>
        %parallel_loop3A_187 = arith.addi %parallel_loop3A_50, %parallel_loop3A_186 : vector<16xi32>
        %parallel_loop3A_188 = tpu.vector_load_idx %arg5[%parallel_loop3A_187] : memref<8192xf32, #tpu.memory_space<vmem>>[vector<16xi32>], vector<16xf32>,
        %parallel_loop3A_189 = arith.constant 288 : i32
        %parallel_loop3A_190 = vector.broadcast %parallel_loop3A_189 : i32 to vector<16xi32>
        %parallel_loop3A_191 = arith.addi %parallel_loop3A_50, %parallel_loop3A_190 : vector<16xi32>
        %parallel_loop3A_192 = tpu.vector_load_idx %arg5[%parallel_loop3A_191] : memref<8192xf32, #tpu.memory_space<vmem>>[vector<16xi32>], vector<16xf32>,
        %parallel_loop3A_193 = arith.constant 304 : i32
        %parallel_loop3A_194 = vector.broadcast %parallel_loop3A_193 : i32 to vector<16xi32>
        %parallel_loop3A_195 = arith.addi %parallel_loop3A_50, %parallel_loop3A_194 : vector<16xi32>
        %parallel_loop3A_196 = tpu.vector_load_idx %arg5[%parallel_loop3A_195] : memref<8192xf32, #tpu.memory_space<vmem>>[vector<16xi32>], vector<16xf32>,
        %parallel_loop3A_197 = arith.constant 320 : i32
        %parallel_loop3A_198 = vector.broadcast %parallel_loop3A_197 : i32 to vector<16xi32>
        %parallel_loop3A_199 = arith.addi %parallel_loop3A_50, %parallel_loop3A_198 : vector<16xi32>
        %parallel_loop3A_200 = tpu.vector_load_idx %arg5[%parallel_loop3A_199] : memref<8192xf32, #tpu.memory_space<vmem>>[vector<16xi32>], vector<16xf32>,
        %parallel_loop3A_201 = arith.constant 336 : i32
        %parallel_loop3A_202 = vector.broadcast %parallel_loop3A_201 : i32 to vector<16xi32>
        %parallel_loop3A_203 = arith.addi %parallel_loop3A_50, %parallel_loop3A_202 : vector<16xi32>
        %parallel_loop3A_204 = tpu.vector_load_idx %arg5[%parallel_loop3A_203] : memref<8192xf32, #tpu.memory_space<vmem>>[vector<16xi32>], vector<16xf32>,
        %parallel_loop3A_205 = arith.constant 352 : i32
        %parallel_loop3A_206 = vector.broadcast %parallel_loop3A_205 : i32 to vector<16xi32>
        %parallel_loop3A_207 = arith.addi %parallel_loop3A_50, %parallel_loop3A_206 : vector<16xi32>
        %parallel_loop3A_208 = tpu.vector_load_idx %arg5[%parallel_loop3A_207] : memref<8192xf32, #tpu.memory_space<vmem>>[vector<16xi32>], vector<16xf32>,
        %parallel_loop3A_209 = arith.constant 368 : i32
        %parallel_loop3A_210 = vector.broadcast %parallel_loop3A_209 : i32 to vector<16xi32>
        %parallel_loop3A_211 = arith.addi %parallel_loop3A_50, %parallel_loop3A_210 : vector<16xi32>
        %parallel_loop3A_212 = tpu.vector_load_idx %arg5[%parallel_loop3A_211] : memref<8192xf32, #tpu.memory_space<vmem>>[vector<16xi32>], vector<16xf32>,
        %parallel_loop3A_213 = arith.constant 256 : i32
        %parallel_loop3A_214 = arith.addi %parallel_loop3A_52, %parallel_loop3A_213 : i32
        %parallel_loop3A_215 = arith.index_cast %parallel_loop3A_214 : i32 to index
        %parallel_loop3A_216 = tpu.vector_load %arg7[%parallel_loop3A_215] {strides = array<i32>} : memref<32768xf32, #tpu.memory_space<vmem>>, vector<16xf32>,
        tpu.vector_store %arg7[%parallel_loop3A_215], %parallel_loop3A_184 {strides = array<i32>} : memref<32768xf32, #tpu.memory_space<vmem>>, vector<16xf32>,
        %parallel_loop3A_217 = arith.constant 272 : i32
        %parallel_loop3A_218 = arith.addi %parallel_loop3A_52, %parallel_loop3A_217 : i32
        %parallel_loop3A_219 = arith.index_cast %parallel_loop3A_218 : i32 to index
        %parallel_loop3A_220 = tpu.vector_load %arg7[%parallel_loop3A_219] {strides = array<i32>} : memref<32768xf32, #tpu.memory_space<vmem>>, vector<16xf32>,
        tpu.vector_store %arg7[%parallel_loop3A_219], %parallel_loop3A_188 {strides = array<i32>} : memref<32768xf32, #tpu.memory_space<vmem>>, vector<16xf32>,
        %parallel_loop3A_221 = arith.constant 288 : i32
        %parallel_loop3A_222 = arith.addi %parallel_loop3A_52, %parallel_loop3A_221 : i32
        %parallel_loop3A_223 = arith.index_cast %parallel_loop3A_222 : i32 to index
        %parallel_loop3A_224 = tpu.vector_load %arg7[%parallel_loop3A_223] {strides = array<i32>} : memref<32768xf32, #tpu.memory_space<vmem>>, vector<16xf32>,
        tpu.vector_store %arg7[%parallel_loop3A_223], %parallel_loop3A_192 {strides = array<i32>} : memref<32768xf32, #tpu.memory_space<vmem>>, vector<16xf32>,
        %parallel_loop3A_225 = arith.constant 304 : i32
        %parallel_loop3A_226 = arith.addi %parallel_loop3A_52, %parallel_loop3A_225 : i32
        %parallel_loop3A_227 = arith.index_cast %parallel_loop3A_226 : i32 to index
        %parallel_loop3A_228 = tpu.vector_load %arg7[%parallel_loop3A_227] {strides = array<i32>} : memref<32768xf32, #tpu.memory_space<vmem>>, vector<16xf32>,
        tpu.vector_store %arg7[%parallel_loop3A_227], %parallel_loop3A_196 {strides = array<i32>} : memref<32768xf32, #tpu.memory_space<vmem>>, vector<16xf32>,
        %parallel_loop3A_229 = arith.constant 320 : i32
        %parallel_loop3A_230 = arith.addi %parallel_loop3A_52, %parallel_loop3A_229 : i32
        %parallel_loop3A_231 = arith.index_cast %parallel_loop3A_230 : i32 to index
        %parallel_loop3A_232 = tpu.vector_load %arg7[%parallel_loop3A_231] {strides = array<i32>} : memref<32768xf32, #tpu.memory_space<vmem>>, vector<16xf32>,
        tpu.vector_store %arg7[%parallel_loop3A_231], %parallel_loop3A_200 {strides = array<i32>} : memref<32768xf32, #tpu.memory_space<vmem>>, vector<16xf32>,
        %parallel_loop3A_233 = arith.constant 336 : i32
        %parallel_loop3A_234 = arith.addi %parallel_loop3A_52, %parallel_loop3A_233 : i32
        %parallel_loop3A_235 = arith.index_cast %parallel_loop3A_234 : i32 to index
        %parallel_loop3A_236 = tpu.vector_load %arg7[%parallel_loop3A_235] {strides = array<i32>} : memref<32768xf32, #tpu.memory_space<vmem>>, vector<16xf32>,
        tpu.vector_store %arg7[%parallel_loop3A_235], %parallel_loop3A_204 {strides = array<i32>} : memref<32768xf32, #tpu.memory_space<vmem>>, vector<16xf32>,
        %parallel_loop3A_237 = arith.constant 352 : i32
        %parallel_loop3A_238 = arith.addi %parallel_loop3A_52, %parallel_loop3A_237 : i32
        %parallel_loop3A_239 = arith.index_cast %parallel_loop3A_238 : i32 to index
        %parallel_loop3A_240 = tpu.vector_load %arg7[%parallel_loop3A_239] {strides = array<i32>} : memref<32768xf32, #tpu.memory_space<vmem>>, vector<16xf32>,
        tpu.vector_store %arg7[%parallel_loop3A_239], %parallel_loop3A_208 {strides = array<i32>} : memref<32768xf32, #tpu.memory_space<vmem>>, vector<16xf32>,
        %parallel_loop3A_241 = arith.constant 368 : i32
        %parallel_loop3A_242 = arith.addi %parallel_loop3A_52, %parallel_loop3A_241 : i32
        %parallel_loop3A_243 = arith.index_cast %parallel_loop3A_242 : i32 to index
        %parallel_loop3A_244 = tpu.vector_load %arg7[%parallel_loop3A_243] {strides = array<i32>} : memref<32768xf32, #tpu.memory_space<vmem>>, vector<16xf32>,
        tpu.vector_store %arg7[%parallel_loop3A_243], %parallel_loop3A_212 {strides = array<i32>} : memref<32768xf32, #tpu.memory_space<vmem>>, vector<16xf32>,
        %parallel_loop3A_245 = arith.constant 384 : i32
        %parallel_loop3A_246 = vector.broadcast %parallel_loop3A_245 : i32 to vector<16xi32>
        %parallel_loop3A_247 = arith.addi %parallel_loop3A_50, %parallel_loop3A_246 : vector<16xi32>
        %parallel_loop3A_248 = tpu.vector_load_idx %arg5[%parallel_loop3A_247] : memref<8192xf32, #tpu.memory_space<vmem>>[vector<16xi32>], vector<16xf32>,
        %parallel_loop3A_249 = arith.constant 400 : i32
        %parallel_loop3A_250 = vector.broadcast %parallel_loop3A_249 : i32 to vector<16xi32>
        %parallel_loop3A_251 = arith.addi %parallel_loop3A_50, %parallel_loop3A_250 : vector<16xi32>
        %parallel_loop3A_252 = tpu.vector_load_idx %arg5[%parallel_loop3A_251] : memref<8192xf32, #tpu.memory_space<vmem>>[vector<16xi32>], vector<16xf32>,
        %parallel_loop3A_253 = arith.constant 416 : i32
        %parallel_loop3A_254 = vector.broadcast %parallel_loop3A_253 : i32 to vector<16xi32>
        %parallel_loop3A_255 = arith.addi %parallel_loop3A_50, %parallel_loop3A_254 : vector<16xi32>
        %parallel_loop3A_256 = tpu.vector_load_idx %arg5[%parallel_loop3A_255] : memref<8192xf32, #tpu.memory_space<vmem>>[vector<16xi32>], vector<16xf32>,
        %parallel_loop3A_257 = arith.constant 432 : i32
        %parallel_loop3A_258 = vector.broadcast %parallel_loop3A_257 : i32 to vector<16xi32>
        %parallel_loop3A_259 = arith.addi %parallel_loop3A_50, %parallel_loop3A_258 : vector<16xi32>
        %parallel_loop3A_260 = tpu.vector_load_idx %arg5[%parallel_loop3A_259] : memref<8192xf32, #tpu.memory_space<vmem>>[vector<16xi32>], vector<16xf32>,
        %parallel_loop3A_261 = arith.constant 448 : i32
        %parallel_loop3A_262 = vector.broadcast %parallel_loop3A_261 : i32 to vector<16xi32>
        %parallel_loop3A_263 = arith.addi %parallel_loop3A_50, %parallel_loop3A_262 : vector<16xi32>
        %parallel_loop3A_264 = tpu.vector_load_idx %arg5[%parallel_loop3A_263] : memref<8192xf32, #tpu.memory_space<vmem>>[vector<16xi32>], vector<16xf32>,
        %parallel_loop3A_265 = arith.constant 464 : i32
        %parallel_loop3A_266 = vector.broadcast %parallel_loop3A_265 : i32 to vector<16xi32>
        %parallel_loop3A_267 = arith.addi %parallel_loop3A_50, %parallel_loop3A_266 : vector<16xi32>
        %parallel_loop3A_268 = tpu.vector_load_idx %arg5[%parallel_loop3A_267] : memref<8192xf32, #tpu.memory_space<vmem>>[vector<16xi32>], vector<16xf32>,
        %parallel_loop3A_269 = arith.constant 480 : i32
        %parallel_loop3A_270 = vector.broadcast %parallel_loop3A_269 : i32 to vector<16xi32>
        %parallel_loop3A_271 = arith.addi %parallel_loop3A_50, %parallel_loop3A_270 : vector<16xi32>
        %parallel_loop3A_272 = tpu.vector_load_idx %arg5[%parallel_loop3A_271] : memref<8192xf32, #tpu.memory_space<vmem>>[vector<16xi32>], vector<16xf32>,
        %parallel_loop3A_273 = arith.constant 496 : i32
        %parallel_loop3A_274 = vector.broadcast %parallel_loop3A_273 : i32 to vector<16xi32>
        %parallel_loop3A_275 = arith.addi %parallel_loop3A_50, %parallel_loop3A_274 : vector<16xi32>
        %parallel_loop3A_276 = tpu.vector_load_idx %arg5[%parallel_loop3A_275] : memref<8192xf32, #tpu.memory_space<vmem>>[vector<16xi32>], vector<16xf32>,
        %parallel_loop3A_277 = arith.constant 384 : i32
        %parallel_loop3A_278 = arith.addi %parallel_loop3A_52, %parallel_loop3A_277 : i32
        %parallel_loop3A_279 = arith.index_cast %parallel_loop3A_278 : i32 to index
        %parallel_loop3A_280 = tpu.vector_load %arg7[%parallel_loop3A_279] {strides = array<i32>} : memref<32768xf32, #tpu.memory_space<vmem>>, vector<16xf32>,
        tpu.vector_store %arg7[%parallel_loop3A_279], %parallel_loop3A_248 {strides = array<i32>} : memref<32768xf32, #tpu.memory_space<vmem>>, vector<16xf32>,
        %parallel_loop3A_281 = arith.constant 400 : i32
        %parallel_loop3A_282 = arith.addi %parallel_loop3A_52, %parallel_loop3A_281 : i32
        %parallel_loop3A_283 = arith.index_cast %parallel_loop3A_282 : i32 to index
        %parallel_loop3A_284 = tpu.vector_load %arg7[%parallel_loop3A_283] {strides = array<i32>} : memref<32768xf32, #tpu.memory_space<vmem>>, vector<16xf32>,
        tpu.vector_store %arg7[%parallel_loop3A_283], %parallel_loop3A_252 {strides = array<i32>} : memref<32768xf32, #tpu.memory_space<vmem>>, vector<16xf32>,
        %parallel_loop3A_285 = arith.constant 416 : i32
        %parallel_loop3A_286 = arith.addi %parallel_loop3A_52, %parallel_loop3A_285 : i32
        %parallel_loop3A_287 = arith.index_cast %parallel_loop3A_286 : i32 to index
        %parallel_loop3A_288 = tpu.vector_load %arg7[%parallel_loop3A_287] {strides = array<i32>} : memref<32768xf32, #tpu.memory_space<vmem>>, vector<16xf32>,
        tpu.vector_store %arg7[%parallel_loop3A_287], %parallel_loop3A_256 {strides = array<i32>} : memref<32768xf32, #tpu.memory_space<vmem>>, vector<16xf32>,
        %parallel_loop3A_289 = arith.constant 432 : i32
        %parallel_loop3A_290 = arith.addi %parallel_loop3A_52, %parallel_loop3A_289 : i32
        %parallel_loop3A_291 = arith.index_cast %parallel_loop3A_290 : i32 to index
        %parallel_loop3A_292 = tpu.vector_load %arg7[%parallel_loop3A_291] {strides = array<i32>} : memref<32768xf32, #tpu.memory_space<vmem>>, vector<16xf32>,
        tpu.vector_store %arg7[%parallel_loop3A_291], %parallel_loop3A_260 {strides = array<i32>} : memref<32768xf32, #tpu.memory_space<vmem>>, vector<16xf32>,
        %parallel_loop3A_293 = arith.constant 448 : i32
        %parallel_loop3A_294 = arith.addi %parallel_loop3A_52, %parallel_loop3A_293 : i32
        %parallel_loop3A_295 = arith.index_cast %parallel_loop3A_294 : i32 to index
        %parallel_loop3A_296 = tpu.vector_load %arg7[%parallel_loop3A_295] {strides = array<i32>} : memref<32768xf32, #tpu.memory_space<vmem>>, vector<16xf32>,
        tpu.vector_store %arg7[%parallel_loop3A_295], %parallel_loop3A_264 {strides = array<i32>} : memref<32768xf32, #tpu.memory_space<vmem>>, vector<16xf32>,
        %parallel_loop3A_297 = arith.constant 464 : i32
        %parallel_loop3A_298 = arith.addi %parallel_loop3A_52, %parallel_loop3A_297 : i32
        %parallel_loop3A_299 = arith.index_cast %parallel_loop3A_298 : i32 to index
        %parallel_loop3A_300 = tpu.vector_load %arg7[%parallel_loop3A_299] {strides = array<i32>} : memref<32768xf32, #tpu.memory_space<vmem>>, vector<16xf32>,
        tpu.vector_store %arg7[%parallel_loop3A_299], %parallel_loop3A_268 {strides = array<i32>} : memref<32768xf32, #tpu.memory_space<vmem>>, vector<16xf32>,
        %parallel_loop3A_301 = arith.constant 480 : i32
        %parallel_loop3A_302 = arith.addi %parallel_loop3A_52, %parallel_loop3A_301 : i32
        %parallel_loop3A_303 = arith.index_cast %parallel_loop3A_302 : i32 to index
        %parallel_loop3A_304 = tpu.vector_load %arg7[%parallel_loop3A_303] {strides = array<i32>} : memref<32768xf32, #tpu.memory_space<vmem>>, vector<16xf32>,
        tpu.vector_store %arg7[%parallel_loop3A_303], %parallel_loop3A_272 {strides = array<i32>} : memref<32768xf32, #tpu.memory_space<vmem>>, vector<16xf32>,
        %parallel_loop3A_305 = arith.constant 496 : i32
        %parallel_loop3A_306 = arith.addi %parallel_loop3A_52, %parallel_loop3A_305 : i32
        %parallel_loop3A_307 = arith.index_cast %parallel_loop3A_306 : i32 to index
        %parallel_loop3A_308 = tpu.vector_load %arg7[%parallel_loop3A_307] {strides = array<i32>} : memref<32768xf32, #tpu.memory_space<vmem>>, vector<16xf32>,
        tpu.vector_store %arg7[%parallel_loop3A_307], %parallel_loop3A_276 {strides = array<i32>} : memref<32768xf32, #tpu.memory_space<vmem>>, vector<16xf32>,
        %parallel_loop3A_309 = arith.constant 512 : i32
        %parallel_loop3A_310 = vector.broadcast %parallel_loop3A_309 : i32 to vector<16xi32>
        %parallel_loop3A_311 = arith.addi %parallel_loop3A_50, %parallel_loop3A_310 : vector<16xi32>
        %parallel_loop3A_312 = tpu.vector_load_idx %arg5[%parallel_loop3A_311] : memref<8192xf32, #tpu.memory_space<vmem>>[vector<16xi32>], vector<16xf32>,
        %parallel_loop3A_313 = arith.constant 528 : i32
        %parallel_loop3A_314 = vector.broadcast %parallel_loop3A_313 : i32 to vector<16xi32>
        %parallel_loop3A_315 = arith.addi %parallel_loop3A_50, %parallel_loop3A_314 : vector<16xi32>
        %parallel_loop3A_316 = tpu.vector_load_idx %arg5[%parallel_loop3A_315] : memref<8192xf32, #tpu.memory_space<vmem>>[vector<16xi32>], vector<16xf32>,
        %parallel_loop3A_317 = arith.constant 544 : i32
        %parallel_loop3A_318 = vector.broadcast %parallel_loop3A_317 : i32 to vector<16xi32>
        %parallel_loop3A_319 = arith.addi %parallel_loop3A_50, %parallel_loop3A_318 : vector<16xi32>
        %parallel_loop3A_320 = tpu.vector_load_idx %arg5[%parallel_loop3A_319] : memref<8192xf32, #tpu.memory_space<vmem>>[vector<16xi32>], vector<16xf32>,
        %parallel_loop3A_321 = arith.constant 560 : i32
        %parallel_loop3A_322 = vector.broadcast %parallel_loop3A_321 : i32 to vector<16xi32>
        %parallel_loop3A_323 = arith.addi %parallel_loop3A_50, %parallel_loop3A_322 : vector<16xi32>
        %parallel_loop3A_324 = tpu.vector_load_idx %arg5[%parallel_loop3A_323] : memref<8192xf32, #tpu.memory_space<vmem>>[vector<16xi32>], vector<16xf32>,
        %parallel_loop3A_325 = arith.constant 576 : i32
        %parallel_loop3A_326 = vector.broadcast %parallel_loop3A_325 : i32 to vector<16xi32>
        %parallel_loop3A_327 = arith.addi %parallel_loop3A_50, %parallel_loop3A_326 : vector<16xi32>
        %parallel_loop3A_328 = tpu.vector_load_idx %arg5[%parallel_loop3A_327] : memref<8192xf32, #tpu.memory_space<vmem>>[vector<16xi32>], vector<16xf32>,
        %parallel_loop3A_329 = arith.constant 592 : i32
        %parallel_loop3A_330 = vector.broadcast %parallel_loop3A_329 : i32 to vector<16xi32>
        %parallel_loop3A_331 = arith.addi %parallel_loop3A_50, %parallel_loop3A_330 : vector<16xi32>
        %parallel_loop3A_332 = tpu.vector_load_idx %arg5[%parallel_loop3A_331] : memref<8192xf32, #tpu.memory_space<vmem>>[vector<16xi32>], vector<16xf32>,
        %parallel_loop3A_333 = arith.constant 608 : i32
        %parallel_loop3A_334 = vector.broadcast %parallel_loop3A_333 : i32 to vector<16xi32>
        %parallel_loop3A_335 = arith.addi %parallel_loop3A_50, %parallel_loop3A_334 : vector<16xi32>
        %parallel_loop3A_336 = tpu.vector_load_idx %arg5[%parallel_loop3A_335] : memref<8192xf32, #tpu.memory_space<vmem>>[vector<16xi32>], vector<16xf32>,
        %parallel_loop3A_337 = arith.constant 624 : i32
        %parallel_loop3A_338 = vector.broadcast %parallel_loop3A_337 : i32 to vector<16xi32>
        %parallel_loop3A_339 = arith.addi %parallel_loop3A_50, %parallel_loop3A_338 : vector<16xi32>
        %parallel_loop3A_340 = tpu.vector_load_idx %arg5[%parallel_loop3A_339] : memref<8192xf32, #tpu.memory_space<vmem>>[vector<16xi32>], vector<16xf32>,
        %parallel_loop3A_341 = arith.constant 512 : i32
        %parallel_loop3A_342 = arith.addi %parallel_loop3A_52, %parallel_loop3A_341 : i32
        %parallel_loop3A_343 = arith.index_cast %parallel_loop3A_342 : i32 to index
        %parallel_loop3A_344 = tpu.vector_load %arg7[%parallel_loop3A_343] {strides = array<i32>} : memref<32768xf32, #tpu.memory_space<vmem>>, vector<16xf32>,
        tpu.vector_store %arg7[%parallel_loop3A_343], %parallel_loop3A_312 {strides = array<i32>} : memref<32768xf32, #tpu.memory_space<vmem>>, vector<16xf32>,
        %parallel_loop3A_345 = arith.constant 528 : i32
        %parallel_loop3A_346 = arith.addi %parallel_loop3A_52, %parallel_loop3A_345 : i32
        %parallel_loop3A_347 = arith.index_cast %parallel_loop3A_346 : i32 to index
        %parallel_loop3A_348 = tpu.vector_load %arg7[%parallel_loop3A_347] {strides = array<i32>} : memref<32768xf32, #tpu.memory_space<vmem>>, vector<16xf32>,
        tpu.vector_store %arg7[%parallel_loop3A_347], %parallel_loop3A_316 {strides = array<i32>} : memref<32768xf32, #tpu.memory_space<vmem>>, vector<16xf32>,
        %parallel_loop3A_349 = arith.constant 544 : i32
        %parallel_loop3A_350 = arith.addi %parallel_loop3A_52, %parallel_loop3A_349 : i32
        %parallel_loop3A_351 = arith.index_cast %parallel_loop3A_350 : i32 to index
        %parallel_loop3A_352 = tpu.vector_load %arg7[%parallel_loop3A_351] {strides = array<i32>} : memref<32768xf32, #tpu.memory_space<vmem>>, vector<16xf32>,
        tpu.vector_store %arg7[%parallel_loop3A_351], %parallel_loop3A_320 {strides = array<i32>} : memref<32768xf32, #tpu.memory_space<vmem>>, vector<16xf32>,
        %parallel_loop3A_353 = arith.constant 560 : i32
        %parallel_loop3A_354 = arith.addi %parallel_loop3A_52, %parallel_loop3A_353 : i32
        %parallel_loop3A_355 = arith.index_cast %parallel_loop3A_354 : i32 to index
        %parallel_loop3A_356 = tpu.vector_load %arg7[%parallel_loop3A_355] {strides = array<i32>} : memref<32768xf32, #tpu.memory_space<vmem>>, vector<16xf32>,
        tpu.vector_store %arg7[%parallel_loop3A_355], %parallel_loop3A_324 {strides = array<i32>} : memref<32768xf32, #tpu.memory_space<vmem>>, vector<16xf32>,
        %parallel_loop3A_357 = arith.constant 576 : i32
        %parallel_loop3A_358 = arith.addi %parallel_loop3A_52, %parallel_loop3A_357 : i32
        %parallel_loop3A_359 = arith.index_cast %parallel_loop3A_358 : i32 to index
        %parallel_loop3A_360 = tpu.vector_load %arg7[%parallel_loop3A_359] {strides = array<i32>} : memref<32768xf32, #tpu.memory_space<vmem>>, vector<16xf32>,
        tpu.vector_store %arg7[%parallel_loop3A_359], %parallel_loop3A_328 {strides = array<i32>} : memref<32768xf32, #tpu.memory_space<vmem>>, vector<16xf32>,
        %parallel_loop3A_361 = arith.constant 592 : i32
        %parallel_loop3A_362 = arith.addi %parallel_loop3A_52, %parallel_loop3A_361 : i32
        %parallel_loop3A_363 = arith.index_cast %parallel_loop3A_362 : i32 to index
        %parallel_loop3A_364 = tpu.vector_load %arg7[%parallel_loop3A_363] {strides = array<i32>} : memref<32768xf32, #tpu.memory_space<vmem>>, vector<16xf32>,
        tpu.vector_store %arg7[%parallel_loop3A_363], %parallel_loop3A_332 {strides = array<i32>} : memref<32768xf32, #tpu.memory_space<vmem>>, vector<16xf32>,
        %parallel_loop3A_365 = arith.constant 608 : i32
        %parallel_loop3A_366 = arith.addi %parallel_loop3A_52, %parallel_loop3A_365 : i32
        %parallel_loop3A_367 = arith.index_cast %parallel_loop3A_366 : i32 to index
        %parallel_loop3A_368 = tpu.vector_load %arg7[%parallel_loop3A_367] {strides = array<i32>} : memref<32768xf32, #tpu.memory_space<vmem>>, vector<16xf32>,
        tpu.vector_store %arg7[%parallel_loop3A_367], %parallel_loop3A_336 {strides = array<i32>} : memref<32768xf32, #tpu.memory_space<vmem>>, vector<16xf32>,
        %parallel_loop3A_369 = arith.constant 624 : i32
        %parallel_loop3A_370 = arith.addi %parallel_loop3A_52, %parallel_loop3A_369 : i32
        %parallel_loop3A_371 = arith.index_cast %parallel_loop3A_370 : i32 to index
        %parallel_loop3A_372 = tpu.vector_load %arg7[%parallel_loop3A_371] {strides = array<i32>} : memref<32768xf32, #tpu.memory_space<vmem>>, vector<16xf32>,
        tpu.vector_store %arg7[%parallel_loop3A_371], %parallel_loop3A_340 {strides = array<i32>} : memref<32768xf32, #tpu.memory_space<vmem>>, vector<16xf32>,
        %parallel_loop3A_373 = arith.constant 640 : i32
        %parallel_loop3A_374 = vector.broadcast %parallel_loop3A_373 : i32 to vector<16xi32>
        %parallel_loop3A_375 = arith.addi %parallel_loop3A_50, %parallel_loop3A_374 : vector<16xi32>
        %parallel_loop3A_376 = tpu.vector_load_idx %arg5[%parallel_loop3A_375] : memref<8192xf32, #tpu.memory_space<vmem>>[vector<16xi32>], vector<16xf32>,
        %parallel_loop3A_377 = arith.constant 656 : i32
        %parallel_loop3A_378 = vector.broadcast %parallel_loop3A_377 : i32 to vector<16xi32>
        %parallel_loop3A_379 = arith.addi %parallel_loop3A_50, %parallel_loop3A_378 : vector<16xi32>
        %parallel_loop3A_380 = tpu.vector_load_idx %arg5[%parallel_loop3A_379] : memref<8192xf32, #tpu.memory_space<vmem>>[vector<16xi32>], vector<16xf32>,
        %parallel_loop3A_381 = arith.constant 672 : i32
        %parallel_loop3A_382 = vector.broadcast %parallel_loop3A_381 : i32 to vector<16xi32>
        %parallel_loop3A_383 = arith.addi %parallel_loop3A_50, %parallel_loop3A_382 : vector<16xi32>
        %parallel_loop3A_384 = tpu.vector_load_idx %arg5[%parallel_loop3A_383] : memref<8192xf32, #tpu.memory_space<vmem>>[vector<16xi32>], vector<16xf32>,
        %parallel_loop3A_385 = arith.constant 688 : i32
        %parallel_loop3A_386 = vector.broadcast %parallel_loop3A_385 : i32 to vector<16xi32>
        %parallel_loop3A_387 = arith.addi %parallel_loop3A_50, %parallel_loop3A_386 : vector<16xi32>
        %parallel_loop3A_388 = tpu.vector_load_idx %arg5[%parallel_loop3A_387] : memref<8192xf32, #tpu.memory_space<vmem>>[vector<16xi32>], vector<16xf32>,
        %parallel_loop3A_389 = arith.constant 704 : i32
        %parallel_loop3A_390 = vector.broadcast %parallel_loop3A_389 : i32 to vector<16xi32>
        %parallel_loop3A_391 = arith.addi %parallel_loop3A_50, %parallel_loop3A_390 : vector<16xi32>
        %parallel_loop3A_392 = tpu.vector_load_idx %arg5[%parallel_loop3A_391] : memref<8192xf32, #tpu.memory_space<vmem>>[vector<16xi32>], vector<16xf32>,
        %parallel_loop3A_393 = arith.constant 720 : i32
        %parallel_loop3A_394 = vector.broadcast %parallel_loop3A_393 : i32 to vector<16xi32>
        %parallel_loop3A_395 = arith.addi %parallel_loop3A_50, %parallel_loop3A_394 : vector<16xi32>
        %parallel_loop3A_396 = tpu.vector_load_idx %arg5[%parallel_loop3A_395] : memref<8192xf32, #tpu.memory_space<vmem>>[vector<16xi32>], vector<16xf32>,
        %parallel_loop3A_397 = arith.constant 736 : i32
        %parallel_loop3A_398 = vector.broadcast %parallel_loop3A_397 : i32 to vector<16xi32>
        %parallel_loop3A_399 = arith.addi %parallel_loop3A_50, %parallel_loop3A_398 : vector<16xi32>
        %parallel_loop3A_400 = tpu.vector_load_idx %arg5[%parallel_loop3A_399] : memref<8192xf32, #tpu.memory_space<vmem>>[vector<16xi32>], vector<16xf32>,
        %parallel_loop3A_401 = arith.constant 752 : i32
        %parallel_loop3A_402 = vector.broadcast %parallel_loop3A_401 : i32 to vector<16xi32>
        %parallel_loop3A_403 = arith.addi %parallel_loop3A_50, %parallel_loop3A_402 : vector<16xi32>
        %parallel_loop3A_404 = tpu.vector_load_idx %arg5[%parallel_loop3A_403] : memref<8192xf32, #tpu.memory_space<vmem>>[vector<16xi32>], vector<16xf32>,
        %parallel_loop3A_405 = arith.constant 640 : i32
        %parallel_loop3A_406 = arith.addi %parallel_loop3A_52, %parallel_loop3A_405 : i32
        %parallel_loop3A_407 = arith.index_cast %parallel_loop3A_406 : i32 to index
        %parallel_loop3A_408 = tpu.vector_load %arg7[%parallel_loop3A_407] {strides = array<i32>} : memref<32768xf32, #tpu.memory_space<vmem>>, vector<16xf32>,
        tpu.vector_store %arg7[%parallel_loop3A_407], %parallel_loop3A_376 {strides = array<i32>} : memref<32768xf32, #tpu.memory_space<vmem>>, vector<16xf32>,
        %parallel_loop3A_409 = arith.constant 656 : i32
        %parallel_loop3A_410 = arith.addi %parallel_loop3A_52, %parallel_loop3A_409 : i32
        %parallel_loop3A_411 = arith.index_cast %parallel_loop3A_410 : i32 to index
        %parallel_loop3A_412 = tpu.vector_load %arg7[%parallel_loop3A_411] {strides = array<i32>} : memref<32768xf32, #tpu.memory_space<vmem>>, vector<16xf32>,
        tpu.vector_store %arg7[%parallel_loop3A_411], %parallel_loop3A_380 {strides = array<i32>} : memref<32768xf32, #tpu.memory_space<vmem>>, vector<16xf32>,
        %parallel_loop3A_413 = arith.constant 672 : i32
        %parallel_loop3A_414 = arith.addi %parallel_loop3A_52, %parallel_loop3A_413 : i32
        %parallel_loop3A_415 = arith.index_cast %parallel_loop3A_414 : i32 to index
        %parallel_loop3A_416 = tpu.vector_load %arg7[%parallel_loop3A_415] {strides = array<i32>} : memref<32768xf32, #tpu.memory_space<vmem>>, vector<16xf32>,
        tpu.vector_store %arg7[%parallel_loop3A_415], %parallel_loop3A_384 {strides = array<i32>} : memref<32768xf32, #tpu.memory_space<vmem>>, vector<16xf32>,
        %parallel_loop3A_417 = arith.constant 688 : i32
        %parallel_loop3A_418 = arith.addi %parallel_loop3A_52, %parallel_loop3A_417 : i32
        %parallel_loop3A_419 = arith.index_cast %parallel_loop3A_418 : i32 to index
        %parallel_loop3A_420 = tpu.vector_load %arg7[%parallel_loop3A_419] {strides = array<i32>} : memref<32768xf32, #tpu.memory_space<vmem>>, vector<16xf32>,
        tpu.vector_store %arg7[%parallel_loop3A_419], %parallel_loop3A_388 {strides = array<i32>} : memref<32768xf32, #tpu.memory_space<vmem>>, vector<16xf32>,
        %parallel_loop3A_421 = arith.constant 704 : i32
        %parallel_loop3A_422 = arith.addi %parallel_loop3A_52, %parallel_loop3A_421 : i32
        %parallel_loop3A_423 = arith.index_cast %parallel_loop3A_422 : i32 to index
        %parallel_loop3A_424 = tpu.vector_load %arg7[%parallel_loop3A_423] {strides = array<i32>} : memref<32768xf32, #tpu.memory_space<vmem>>, vector<16xf32>,
        tpu.vector_store %arg7[%parallel_loop3A_423], %parallel_loop3A_392 {strides = array<i32>} : memref<32768xf32, #tpu.memory_space<vmem>>, vector<16xf32>,
        %parallel_loop3A_425 = arith.constant 720 : i32
        %parallel_loop3A_426 = arith.addi %parallel_loop3A_52, %parallel_loop3A_425 : i32
        %parallel_loop3A_427 = arith.index_cast %parallel_loop3A_426 : i32 to index
        %parallel_loop3A_428 = tpu.vector_load %arg7[%parallel_loop3A_427] {strides = array<i32>} : memref<32768xf32, #tpu.memory_space<vmem>>, vector<16xf32>,
        tpu.vector_store %arg7[%parallel_loop3A_427], %parallel_loop3A_396 {strides = array<i32>} : memref<32768xf32, #tpu.memory_space<vmem>>, vector<16xf32>,
        %parallel_loop3A_429 = arith.constant 736 : i32
        %parallel_loop3A_430 = arith.addi %parallel_loop3A_52, %parallel_loop3A_429 : i32
        %parallel_loop3A_431 = arith.index_cast %parallel_loop3A_430 : i32 to index
        %parallel_loop3A_432 = tpu.vector_load %arg7[%parallel_loop3A_431] {strides = array<i32>} : memref<32768xf32, #tpu.memory_space<vmem>>, vector<16xf32>,
        tpu.vector_store %arg7[%parallel_loop3A_431], %parallel_loop3A_400 {strides = array<i32>} : memref<32768xf32, #tpu.memory_space<vmem>>, vector<16xf32>,
        %parallel_loop3A_433 = arith.constant 752 : i32
        %parallel_loop3A_434 = arith.addi %parallel_loop3A_52, %parallel_loop3A_433 : i32
        %parallel_loop3A_435 = arith.index_cast %parallel_loop3A_434 : i32 to index
        %parallel_loop3A_436 = tpu.vector_load %arg7[%parallel_loop3A_435] {strides = array<i32>} : memref<32768xf32, #tpu.memory_space<vmem>>, vector<16xf32>,
        tpu.vector_store %arg7[%parallel_loop3A_435], %parallel_loop3A_404 {strides = array<i32>} : memref<32768xf32, #tpu.memory_space<vmem>>, vector<16xf32>,
        %parallel_loop3A_437 = arith.constant 768 : i32
        %parallel_loop3A_438 = vector.broadcast %parallel_loop3A_437 : i32 to vector<16xi32>
        %parallel_loop3A_439 = arith.addi %parallel_loop3A_50, %parallel_loop3A_438 : vector<16xi32>
        %parallel_loop3A_440 = tpu.vector_load_idx %arg5[%parallel_loop3A_439] : memref<8192xf32, #tpu.memory_space<vmem>>[vector<16xi32>], vector<16xf32>,
        %parallel_loop3A_441 = arith.constant 784 : i32
        %parallel_loop3A_442 = vector.broadcast %parallel_loop3A_441 : i32 to vector<16xi32>
        %parallel_loop3A_443 = arith.addi %parallel_loop3A_50, %parallel_loop3A_442 : vector<16xi32>
        %parallel_loop3A_444 = tpu.vector_load_idx %arg5[%parallel_loop3A_443] : memref<8192xf32, #tpu.memory_space<vmem>>[vector<16xi32>], vector<16xf32>,
        %parallel_loop3A_445 = arith.constant 800 : i32
        %parallel_loop3A_446 = vector.broadcast %parallel_loop3A_445 : i32 to vector<16xi32>
        %parallel_loop3A_447 = arith.addi %parallel_loop3A_50, %parallel_loop3A_446 : vector<16xi32>
        %parallel_loop3A_448 = tpu.vector_load_idx %arg5[%parallel_loop3A_447] : memref<8192xf32, #tpu.memory_space<vmem>>[vector<16xi32>], vector<16xf32>,
        %parallel_loop3A_449 = arith.constant 816 : i32
        %parallel_loop3A_450 = vector.broadcast %parallel_loop3A_449 : i32 to vector<16xi32>
        %parallel_loop3A_451 = arith.addi %parallel_loop3A_50, %parallel_loop3A_450 : vector<16xi32>
        %parallel_loop3A_452 = tpu.vector_load_idx %arg5[%parallel_loop3A_451] : memref<8192xf32, #tpu.memory_space<vmem>>[vector<16xi32>], vector<16xf32>,
        %parallel_loop3A_453 = arith.constant 832 : i32
        %parallel_loop3A_454 = vector.broadcast %parallel_loop3A_453 : i32 to vector<16xi32>
        %parallel_loop3A_455 = arith.addi %parallel_loop3A_50, %parallel_loop3A_454 : vector<16xi32>
        %parallel_loop3A_456 = tpu.vector_load_idx %arg5[%parallel_loop3A_455] : memref<8192xf32, #tpu.memory_space<vmem>>[vector<16xi32>], vector<16xf32>,
        %parallel_loop3A_457 = arith.constant 848 : i32
        %parallel_loop3A_458 = vector.broadcast %parallel_loop3A_457 : i32 to vector<16xi32>
        %parallel_loop3A_459 = arith.addi %parallel_loop3A_50, %parallel_loop3A_458 : vector<16xi32>
        %parallel_loop3A_460 = tpu.vector_load_idx %arg5[%parallel_loop3A_459] : memref<8192xf32, #tpu.memory_space<vmem>>[vector<16xi32>], vector<16xf32>,
        %parallel_loop3A_461 = arith.constant 864 : i32
        %parallel_loop3A_462 = vector.broadcast %parallel_loop3A_461 : i32 to vector<16xi32>
        %parallel_loop3A_463 = arith.addi %parallel_loop3A_50, %parallel_loop3A_462 : vector<16xi32>
        %parallel_loop3A_464 = tpu.vector_load_idx %arg5[%parallel_loop3A_463] : memref<8192xf32, #tpu.memory_space<vmem>>[vector<16xi32>], vector<16xf32>,
        %parallel_loop3A_465 = arith.constant 880 : i32
        %parallel_loop3A_466 = vector.broadcast %parallel_loop3A_465 : i32 to vector<16xi32>
        %parallel_loop3A_467 = arith.addi %parallel_loop3A_50, %parallel_loop3A_466 : vector<16xi32>
        %parallel_loop3A_468 = tpu.vector_load_idx %arg5[%parallel_loop3A_467] : memref<8192xf32, #tpu.memory_space<vmem>>[vector<16xi32>], vector<16xf32>,
        %parallel_loop3A_469 = arith.constant 768 : i32
        %parallel_loop3A_470 = arith.addi %parallel_loop3A_52, %parallel_loop3A_469 : i32
        %parallel_loop3A_471 = arith.index_cast %parallel_loop3A_470 : i32 to index
        %parallel_loop3A_472 = tpu.vector_load %arg7[%parallel_loop3A_471] {strides = array<i32>} : memref<32768xf32, #tpu.memory_space<vmem>>, vector<16xf32>,
        tpu.vector_store %arg7[%parallel_loop3A_471], %parallel_loop3A_440 {strides = array<i32>} : memref<32768xf32, #tpu.memory_space<vmem>>, vector<16xf32>,
        %parallel_loop3A_473 = arith.constant 784 : i32
        %parallel_loop3A_474 = arith.addi %parallel_loop3A_52, %parallel_loop3A_473 : i32
        %parallel_loop3A_475 = arith.index_cast %parallel_loop3A_474 : i32 to index
        %parallel_loop3A_476 = tpu.vector_load %arg7[%parallel_loop3A_475] {strides = array<i32>} : memref<32768xf32, #tpu.memory_space<vmem>>, vector<16xf32>,
        tpu.vector_store %arg7[%parallel_loop3A_475], %parallel_loop3A_444 {strides = array<i32>} : memref<32768xf32, #tpu.memory_space<vmem>>, vector<16xf32>,
        %parallel_loop3A_477 = arith.constant 800 : i32
        %parallel_loop3A_478 = arith.addi %parallel_loop3A_52, %parallel_loop3A_477 : i32
        %parallel_loop3A_479 = arith.index_cast %parallel_loop3A_478 : i32 to index
        %parallel_loop3A_480 = tpu.vector_load %arg7[%parallel_loop3A_479] {strides = array<i32>} : memref<32768xf32, #tpu.memory_space<vmem>>, vector<16xf32>,
        tpu.vector_store %arg7[%parallel_loop3A_479], %parallel_loop3A_448 {strides = array<i32>} : memref<32768xf32, #tpu.memory_space<vmem>>, vector<16xf32>,
        %parallel_loop3A_481 = arith.constant 816 : i32
        %parallel_loop3A_482 = arith.addi %parallel_loop3A_52, %parallel_loop3A_481 : i32
        %parallel_loop3A_483 = arith.index_cast %parallel_loop3A_482 : i32 to index
        %parallel_loop3A_484 = tpu.vector_load %arg7[%parallel_loop3A_483] {strides = array<i32>} : memref<32768xf32, #tpu.memory_space<vmem>>, vector<16xf32>,
        tpu.vector_store %arg7[%parallel_loop3A_483], %parallel_loop3A_452 {strides = array<i32>} : memref<32768xf32, #tpu.memory_space<vmem>>, vector<16xf32>,
        %parallel_loop3A_485 = arith.constant 832 : i32
        %parallel_loop3A_486 = arith.addi %parallel_loop3A_52, %parallel_loop3A_485 : i32
        %parallel_loop3A_487 = arith.index_cast %parallel_loop3A_486 : i32 to index
        %parallel_loop3A_488 = tpu.vector_load %arg7[%parallel_loop3A_487] {strides = array<i32>} : memref<32768xf32, #tpu.memory_space<vmem>>, vector<16xf32>,
        tpu.vector_store %arg7[%parallel_loop3A_487], %parallel_loop3A_456 {strides = array<i32>} : memref<32768xf32, #tpu.memory_space<vmem>>, vector<16xf32>,
        %parallel_loop3A_489 = arith.constant 848 : i32
        %parallel_loop3A_490 = arith.addi %parallel_loop3A_52, %parallel_loop3A_489 : i32
        %parallel_loop3A_491 = arith.index_cast %parallel_loop3A_490 : i32 to index
        %parallel_loop3A_492 = tpu.vector_load %arg7[%parallel_loop3A_491] {strides = array<i32>} : memref<32768xf32, #tpu.memory_space<vmem>>, vector<16xf32>,
        tpu.vector_store %arg7[%parallel_loop3A_491], %parallel_loop3A_460 {strides = array<i32>} : memref<32768xf32, #tpu.memory_space<vmem>>, vector<16xf32>,
        %parallel_loop3A_493 = arith.constant 864 : i32
        %parallel_loop3A_494 = arith.addi %parallel_loop3A_52, %parallel_loop3A_493 : i32
        %parallel_loop3A_495 = arith.index_cast %parallel_loop3A_494 : i32 to index
        %parallel_loop3A_496 = tpu.vector_load %arg7[%parallel_loop3A_495] {strides = array<i32>} : memref<32768xf32, #tpu.memory_space<vmem>>, vector<16xf32>,
        tpu.vector_store %arg7[%parallel_loop3A_495], %parallel_loop3A_464 {strides = array<i32>} : memref<32768xf32, #tpu.memory_space<vmem>>, vector<16xf32>,
        %parallel_loop3A_497 = arith.constant 880 : i32
        %parallel_loop3A_498 = arith.addi %parallel_loop3A_52, %parallel_loop3A_497 : i32
        %parallel_loop3A_499 = arith.index_cast %parallel_loop3A_498 : i32 to index
        %parallel_loop3A_500 = tpu.vector_load %arg7[%parallel_loop3A_499] {strides = array<i32>} : memref<32768xf32, #tpu.memory_space<vmem>>, vector<16xf32>,
        tpu.vector_store %arg7[%parallel_loop3A_499], %parallel_loop3A_468 {strides = array<i32>} : memref<32768xf32, #tpu.memory_space<vmem>>, vector<16xf32>,
        %parallel_loop3A_501 = arith.constant 896 : i32
        %parallel_loop3A_502 = vector.broadcast %parallel_loop3A_501 : i32 to vector<16xi32>
        %parallel_loop3A_503 = arith.addi %parallel_loop3A_50, %parallel_loop3A_502 : vector<16xi32>
        %parallel_loop3A_504 = tpu.vector_load_idx %arg5[%parallel_loop3A_503] : memref<8192xf32, #tpu.memory_space<vmem>>[vector<16xi32>], vector<16xf32>,
        %parallel_loop3A_505 = arith.constant 912 : i32
        %parallel_loop3A_506 = vector.broadcast %parallel_loop3A_505 : i32 to vector<16xi32>
        %parallel_loop3A_507 = arith.addi %parallel_loop3A_50, %parallel_loop3A_506 : vector<16xi32>
        %parallel_loop3A_508 = tpu.vector_load_idx %arg5[%parallel_loop3A_507] : memref<8192xf32, #tpu.memory_space<vmem>>[vector<16xi32>], vector<16xf32>,
        %parallel_loop3A_509 = arith.constant 928 : i32
        %parallel_loop3A_510 = vector.broadcast %parallel_loop3A_509 : i32 to vector<16xi32>
        %parallel_loop3A_511 = arith.addi %parallel_loop3A_50, %parallel_loop3A_510 : vector<16xi32>
        %parallel_loop3A_512 = tpu.vector_load_idx %arg5[%parallel_loop3A_511] : memref<8192xf32, #tpu.memory_space<vmem>>[vector<16xi32>], vector<16xf32>,
        %parallel_loop3A_513 = arith.constant 944 : i32
        %parallel_loop3A_514 = vector.broadcast %parallel_loop3A_513 : i32 to vector<16xi32>
        %parallel_loop3A_515 = arith.addi %parallel_loop3A_50, %parallel_loop3A_514 : vector<16xi32>
        %parallel_loop3A_516 = tpu.vector_load_idx %arg5[%parallel_loop3A_515] : memref<8192xf32, #tpu.memory_space<vmem>>[vector<16xi32>], vector<16xf32>,
        %parallel_loop3A_517 = arith.constant 960 : i32
        %parallel_loop3A_518 = vector.broadcast %parallel_loop3A_517 : i32 to vector<16xi32>
        %parallel_loop3A_519 = arith.addi %parallel_loop3A_50, %parallel_loop3A_518 : vector<16xi32>
        %parallel_loop3A_520 = tpu.vector_load_idx %arg5[%parallel_loop3A_519] : memref<8192xf32, #tpu.memory_space<vmem>>[vector<16xi32>], vector<16xf32>,
        %parallel_loop3A_521 = arith.constant 976 : i32
        %parallel_loop3A_522 = vector.broadcast %parallel_loop3A_521 : i32 to vector<16xi32>
        %parallel_loop3A_523 = arith.addi %parallel_loop3A_50, %parallel_loop3A_522 : vector<16xi32>
        %parallel_loop3A_524 = tpu.vector_load_idx %arg5[%parallel_loop3A_523] : memref<8192xf32, #tpu.memory_space<vmem>>[vector<16xi32>], vector<16xf32>,
        %parallel_loop3A_525 = arith.constant 992 : i32
        %parallel_loop3A_526 = vector.broadcast %parallel_loop3A_525 : i32 to vector<16xi32>
        %parallel_loop3A_527 = arith.addi %parallel_loop3A_50, %parallel_loop3A_526 : vector<16xi32>
        %parallel_loop3A_528 = tpu.vector_load_idx %arg5[%parallel_loop3A_527] : memref<8192xf32, #tpu.memory_space<vmem>>[vector<16xi32>], vector<16xf32>,
        %parallel_loop3A_529 = arith.constant 1008 : i32
        %parallel_loop3A_530 = vector.broadcast %parallel_loop3A_529 : i32 to vector<16xi32>
        %parallel_loop3A_531 = arith.addi %parallel_loop3A_50, %parallel_loop3A_530 : vector<16xi32>
        %parallel_loop3A_532 = tpu.vector_load_idx %arg5[%parallel_loop3A_531] : memref<8192xf32, #tpu.memory_space<vmem>>[vector<16xi32>], vector<16xf32>,
        %parallel_loop3A_533 = arith.constant 896 : i32
        %parallel_loop3A_534 = arith.addi %parallel_loop3A_52, %parallel_loop3A_533 : i32
        %parallel_loop3A_535 = arith.index_cast %parallel_loop3A_534 : i32 to index
        %parallel_loop3A_536 = tpu.vector_load %arg7[%parallel_loop3A_535] {strides = array<i32>} : memref<32768xf32, #tpu.memory_space<vmem>>, vector<16xf32>,
        tpu.vector_store %arg7[%parallel_loop3A_535], %parallel_loop3A_504 {strides = array<i32>} : memref<32768xf32, #tpu.memory_space<vmem>>, vector<16xf32>,
        %parallel_loop3A_537 = arith.constant 912 : i32
        %parallel_loop3A_538 = arith.addi %parallel_loop3A_52, %parallel_loop3A_537 : i32
        %parallel_loop3A_539 = arith.index_cast %parallel_loop3A_538 : i32 to index
        %parallel_loop3A_540 = tpu.vector_load %arg7[%parallel_loop3A_539] {strides = array<i32>} : memref<32768xf32, #tpu.memory_space<vmem>>, vector<16xf32>,
        tpu.vector_store %arg7[%parallel_loop3A_539], %parallel_loop3A_508 {strides = array<i32>} : memref<32768xf32, #tpu.memory_space<vmem>>, vector<16xf32>,
        %parallel_loop3A_541 = arith.constant 928 : i32
        %parallel_loop3A_542 = arith.addi %parallel_loop3A_52, %parallel_loop3A_541 : i32
        %parallel_loop3A_543 = arith.index_cast %parallel_loop3A_542 : i32 to index
        %parallel_loop3A_544 = tpu.vector_load %arg7[%parallel_loop3A_543] {strides = array<i32>} : memref<32768xf32, #tpu.memory_space<vmem>>, vector<16xf32>,
        tpu.vector_store %arg7[%parallel_loop3A_543], %parallel_loop3A_512 {strides = array<i32>} : memref<32768xf32, #tpu.memory_space<vmem>>, vector<16xf32>,
        %parallel_loop3A_545 = arith.constant 944 : i32
        %parallel_loop3A_546 = arith.addi %parallel_loop3A_52, %parallel_loop3A_545 : i32
        %parallel_loop3A_547 = arith.index_cast %parallel_loop3A_546 : i32 to index
        %parallel_loop3A_548 = tpu.vector_load %arg7[%parallel_loop3A_547] {strides = array<i32>} : memref<32768xf32, #tpu.memory_space<vmem>>, vector<16xf32>,
        tpu.vector_store %arg7[%parallel_loop3A_547], %parallel_loop3A_516 {strides = array<i32>} : memref<32768xf32, #tpu.memory_space<vmem>>, vector<16xf32>,
        %parallel_loop3A_549 = arith.constant 960 : i32
        %parallel_loop3A_550 = arith.addi %parallel_loop3A_52, %parallel_loop3A_549 : i32
        %parallel_loop3A_551 = arith.index_cast %parallel_loop3A_550 : i32 to index
        %parallel_loop3A_552 = tpu.vector_load %arg7[%parallel_loop3A_551] {strides = array<i32>} : memref<32768xf32, #tpu.memory_space<vmem>>, vector<16xf32>,
        tpu.vector_store %arg7[%parallel_loop3A_551], %parallel_loop3A_520 {strides = array<i32>} : memref<32768xf32, #tpu.memory_space<vmem>>, vector<16xf32>,
        %parallel_loop3A_553 = arith.constant 976 : i32
        %parallel_loop3A_554 = arith.addi %parallel_loop3A_52, %parallel_loop3A_553 : i32
        %parallel_loop3A_555 = arith.index_cast %parallel_loop3A_554 : i32 to index
        %parallel_loop3A_556 = tpu.vector_load %arg7[%parallel_loop3A_555] {strides = array<i32>} : memref<32768xf32, #tpu.memory_space<vmem>>, vector<16xf32>,
        tpu.vector_store %arg7[%parallel_loop3A_555], %parallel_loop3A_524 {strides = array<i32>} : memref<32768xf32, #tpu.memory_space<vmem>>, vector<16xf32>,
        %parallel_loop3A_557 = arith.constant 992 : i32
        %parallel_loop3A_558 = arith.addi %parallel_loop3A_52, %parallel_loop3A_557 : i32
        %parallel_loop3A_559 = arith.index_cast %parallel_loop3A_558 : i32 to index
        %parallel_loop3A_560 = tpu.vector_load %arg7[%parallel_loop3A_559] {strides = array<i32>} : memref<32768xf32, #tpu.memory_space<vmem>>, vector<16xf32>,
        tpu.vector_store %arg7[%parallel_loop3A_559], %parallel_loop3A_528 {strides = array<i32>} : memref<32768xf32, #tpu.memory_space<vmem>>, vector<16xf32>,
        %parallel_loop3A_561 = arith.constant 1008 : i32
        %parallel_loop3A_562 = arith.addi %parallel_loop3A_52, %parallel_loop3A_561 : i32
        %parallel_loop3A_563 = arith.index_cast %parallel_loop3A_562 : i32 to index
        %parallel_loop3A_564 = tpu.vector_load %arg7[%parallel_loop3A_563] {strides = array<i32>} : memref<32768xf32, #tpu.memory_space<vmem>>, vector<16xf32>,
        tpu.vector_store %arg7[%parallel_loop3A_563], %parallel_loop3A_532 {strides = array<i32>} : memref<32768xf32, #tpu.memory_space<vmem>>, vector<16xf32>,
      } {sc.loop_unroll_factor = 2 : i64, sc.parallel_access}
      %mul3A_24 = arith.constant 1024 : i32
      %mul3A_25 = arith.muli %mul3A_19, %mul3A_24 : i32
      %add3A_26 = arith.addi %mul3A_4, %mul3A_25 : i32
      %dma_start3A = tpu.memref_slice %arg4[%add3A_26] : memref<16777216xf32, #tpu.memory_space<hbm>> -> memref<32768xf32, #tpu.memory_space<hbm>>
      %dma_start3A_27 = tpu.memref_slice %arg4[%add3A_26] : memref<16777216xf32, #tpu.memory_space<hbm>> -> memref<32768xf32, #tpu.memory_space<hbm>>
      tpu.enqueue_dma source(%arg7 : memref<32768xf32, #tpu.memory_space<vmem>>) target(%dma_start3A_27 : memref<32768xf32, #tpu.memory_space<hbm>>) target_semaphore(%arg9 : memref<!tpu.dma_semaphore, #tpu.memory_space<semaphore_mem>>)
      %mul3A_28 = arith.constant 64 : i32
      %mul3A_29 = arith.muli %scan3A_17, %mul3A_28 : i32
      %add3A_30 = arith.constant 32 : i32
      %add3A_31 = arith.addi %mul3A_29, %add3A_30 : i32
      %gt3A_32 = arith.constant 0 : i32
      %gt3A_33 = arith.cmpi sgt, %scan3A_17, %gt3A_32 : i32
      %convert_element_type3A_34 = arith.extui %gt3A_33 : i1 to i32
      %cond3A_35 = arith.constant 0 : i32
      %cond3A_36 = arith.cmpi ne, %convert_element_type3A_34, %cond3A_35 : i32
      scf.if %cond3A_36 {
        %dma_wait3A_45 = tpu.memref_slice %arg4[%mul3A_4] : memref<16777216xf32, #tpu.memory_space<hbm>> -> memref<32768xf32, #tpu.memory_space<hbm>>
        %dma_wait3A_46 = tpu.memref_slice %arg4[%mul3A_4] : memref<16777216xf32, #tpu.memory_space<hbm>> -> memref<32768xf32, #tpu.memory_space<hbm>>
        tpu.wait_dma2 semaphore(%arg10 : memref<!tpu.dma_semaphore, #tpu.memory_space<semaphore_mem>>) src(%arg8 : memref<32768xf32, #tpu.memory_space<vmem>>) dst(%dma_wait3A_46 : memref<32768xf32, #tpu.memory_space<hbm>>)
      } else {
      }
      %parallel_loop3A_37 = arith.constant 0 : i32
      %parallel_loop3A_38 = arith.constant 32 : i32
      %parallel_loop3A_39 = arith.constant 1 : i32
      scf.for %parallel_loop3A_45 = %parallel_loop3A_37 to %parallel_loop3A_38 step %parallel_loop3A_39  : i32 {
        %parallel_loop3A_46 = arith.addi %add3A_31, %parallel_loop3A_45 : i32
        %parallel_loop3A_47 = arith.constant 16 : i32
        %parallel_loop3A_48 = arith.muli %parallel_loop3A_46, %parallel_loop3A_47 : i32
        %parallel_loop3A_49 = arith.index_cast %parallel_loop3A_48 : i32 to index
        %parallel_loop3A_50 = tpu.vector_load %arg6[%parallel_loop3A_49] {strides = array<i32>} : memref<8192xi32, #tpu.memory_space<vmem>>, vector<16xi32>,
        %parallel_loop3A_51 = arith.constant 1024 : i32
        %parallel_loop3A_52 = arith.muli %parallel_loop3A_45, %parallel_loop3A_51 : i32
        %parallel_loop3A_53 = arith.constant 0 : i32
        %parallel_loop3A_54 = vector.broadcast %parallel_loop3A_53 : i32 to vector<16xi32>
        %parallel_loop3A_55 = arith.addi %parallel_loop3A_50, %parallel_loop3A_54 : vector<16xi32>
        %parallel_loop3A_56 = tpu.vector_load_idx %arg5[%parallel_loop3A_55] : memref<8192xf32, #tpu.memory_space<vmem>>[vector<16xi32>], vector<16xf32>,
        %parallel_loop3A_57 = arith.constant 16 : i32
        %parallel_loop3A_58 = vector.broadcast %parallel_loop3A_57 : i32 to vector<16xi32>
        %parallel_loop3A_59 = arith.addi %parallel_loop3A_50, %parallel_loop3A_58 : vector<16xi32>
        %parallel_loop3A_60 = tpu.vector_load_idx %arg5[%parallel_loop3A_59] : memref<8192xf32, #tpu.memory_space<vmem>>[vector<16xi32>], vector<16xf32>,
        %parallel_loop3A_61 = arith.constant 32 : i32
        %parallel_loop3A_62 = vector.broadcast %parallel_loop3A_61 : i32 to vector<16xi32>
        %parallel_loop3A_63 = arith.addi %parallel_loop3A_50, %parallel_loop3A_62 : vector<16xi32>
        %parallel_loop3A_64 = tpu.vector_load_idx %arg5[%parallel_loop3A_63] : memref<8192xf32, #tpu.memory_space<vmem>>[vector<16xi32>], vector<16xf32>,
        %parallel_loop3A_65 = arith.constant 48 : i32
        %parallel_loop3A_66 = vector.broadcast %parallel_loop3A_65 : i32 to vector<16xi32>
        %parallel_loop3A_67 = arith.addi %parallel_loop3A_50, %parallel_loop3A_66 : vector<16xi32>
        %parallel_loop3A_68 = tpu.vector_load_idx %arg5[%parallel_loop3A_67] : memref<8192xf32, #tpu.memory_space<vmem>>[vector<16xi32>], vector<16xf32>,
        %parallel_loop3A_69 = arith.constant 64 : i32
        %parallel_loop3A_70 = vector.broadcast %parallel_loop3A_69 : i32 to vector<16xi32>
        %parallel_loop3A_71 = arith.addi %parallel_loop3A_50, %parallel_loop3A_70 : vector<16xi32>
        %parallel_loop3A_72 = tpu.vector_load_idx %arg5[%parallel_loop3A_71] : memref<8192xf32, #tpu.memory_space<vmem>>[vector<16xi32>], vector<16xf32>,
        %parallel_loop3A_73 = arith.constant 80 : i32
        %parallel_loop3A_74 = vector.broadcast %parallel_loop3A_73 : i32 to vector<16xi32>
        %parallel_loop3A_75 = arith.addi %parallel_loop3A_50, %parallel_loop3A_74 : vector<16xi32>
        %parallel_loop3A_76 = tpu.vector_load_idx %arg5[%parallel_loop3A_75] : memref<8192xf32, #tpu.memory_space<vmem>>[vector<16xi32>], vector<16xf32>,
        %parallel_loop3A_77 = arith.constant 96 : i32
        %parallel_loop3A_78 = vector.broadcast %parallel_loop3A_77 : i32 to vector<16xi32>
        %parallel_loop3A_79 = arith.addi %parallel_loop3A_50, %parallel_loop3A_78 : vector<16xi32>
        %parallel_loop3A_80 = tpu.vector_load_idx %arg5[%parallel_loop3A_79] : memref<8192xf32, #tpu.memory_space<vmem>>[vector<16xi32>], vector<16xf32>,
        %parallel_loop3A_81 = arith.constant 112 : i32
        %parallel_loop3A_82 = vector.broadcast %parallel_loop3A_81 : i32 to vector<16xi32>
        %parallel_loop3A_83 = arith.addi %parallel_loop3A_50, %parallel_loop3A_82 : vector<16xi32>
        %parallel_loop3A_84 = tpu.vector_load_idx %arg5[%parallel_loop3A_83] : memref<8192xf32, #tpu.memory_space<vmem>>[vector<16xi32>], vector<16xf32>,
        %parallel_loop3A_85 = arith.constant 0 : i32
        %parallel_loop3A_86 = arith.addi %parallel_loop3A_52, %parallel_loop3A_85 : i32
        %parallel_loop3A_87 = arith.index_cast %parallel_loop3A_86 : i32 to index
        %parallel_loop3A_88 = tpu.vector_load %arg8[%parallel_loop3A_87] {strides = array<i32>} : memref<32768xf32, #tpu.memory_space<vmem>>, vector<16xf32>,
        tpu.vector_store %arg8[%parallel_loop3A_87], %parallel_loop3A_56 {strides = array<i32>} : memref<32768xf32, #tpu.memory_space<vmem>>, vector<16xf32>,
        %parallel_loop3A_89 = arith.constant 16 : i32
        %parallel_loop3A_90 = arith.addi %parallel_loop3A_52, %parallel_loop3A_89 : i32
        %parallel_loop3A_91 = arith.index_cast %parallel_loop3A_90 : i32 to index
        %parallel_loop3A_92 = tpu.vector_load %arg8[%parallel_loop3A_91] {strides = array<i32>} : memref<32768xf32, #tpu.memory_space<vmem>>, vector<16xf32>,
        tpu.vector_store %arg8[%parallel_loop3A_91], %parallel_loop3A_60 {strides = array<i32>} : memref<32768xf32, #tpu.memory_space<vmem>>, vector<16xf32>,
        %parallel_loop3A_93 = arith.constant 32 : i32
        %parallel_loop3A_94 = arith.addi %parallel_loop3A_52, %parallel_loop3A_93 : i32
        %parallel_loop3A_95 = arith.index_cast %parallel_loop3A_94 : i32 to index
        %parallel_loop3A_96 = tpu.vector_load %arg8[%parallel_loop3A_95] {strides = array<i32>} : memref<32768xf32, #tpu.memory_space<vmem>>, vector<16xf32>,
        tpu.vector_store %arg8[%parallel_loop3A_95], %parallel_loop3A_64 {strides = array<i32>} : memref<32768xf32, #tpu.memory_space<vmem>>, vector<16xf32>,
        %parallel_loop3A_97 = arith.constant 48 : i32
        %parallel_loop3A_98 = arith.addi %parallel_loop3A_52, %parallel_loop3A_97 : i32
        %parallel_loop3A_99 = arith.index_cast %parallel_loop3A_98 : i32 to index
        %parallel_loop3A_100 = tpu.vector_load %arg8[%parallel_loop3A_99] {strides = array<i32>} : memref<32768xf32, #tpu.memory_space<vmem>>, vector<16xf32>,
        tpu.vector_store %arg8[%parallel_loop3A_99], %parallel_loop3A_68 {strides = array<i32>} : memref<32768xf32, #tpu.memory_space<vmem>>, vector<16xf32>,
        %parallel_loop3A_101 = arith.constant 64 : i32
        %parallel_loop3A_102 = arith.addi %parallel_loop3A_52, %parallel_loop3A_101 : i32
        %parallel_loop3A_103 = arith.index_cast %parallel_loop3A_102 : i32 to index
        %parallel_loop3A_104 = tpu.vector_load %arg8[%parallel_loop3A_103] {strides = array<i32>} : memref<32768xf32, #tpu.memory_space<vmem>>, vector<16xf32>,
        tpu.vector_store %arg8[%parallel_loop3A_103], %parallel_loop3A_72 {strides = array<i32>} : memref<32768xf32, #tpu.memory_space<vmem>>, vector<16xf32>,
        %parallel_loop3A_105 = arith.constant 80 : i32
        %parallel_loop3A_106 = arith.addi %parallel_loop3A_52, %parallel_loop3A_105 : i32
        %parallel_loop3A_107 = arith.index_cast %parallel_loop3A_106 : i32 to index
        %parallel_loop3A_108 = tpu.vector_load %arg8[%parallel_loop3A_107] {strides = array<i32>} : memref<32768xf32, #tpu.memory_space<vmem>>, vector<16xf32>,
        tpu.vector_store %arg8[%parallel_loop3A_107], %parallel_loop3A_76 {strides = array<i32>} : memref<32768xf32, #tpu.memory_space<vmem>>, vector<16xf32>,
        %parallel_loop3A_109 = arith.constant 96 : i32
        %parallel_loop3A_110 = arith.addi %parallel_loop3A_52, %parallel_loop3A_109 : i32
        %parallel_loop3A_111 = arith.index_cast %parallel_loop3A_110 : i32 to index
        %parallel_loop3A_112 = tpu.vector_load %arg8[%parallel_loop3A_111] {strides = array<i32>} : memref<32768xf32, #tpu.memory_space<vmem>>, vector<16xf32>,
        tpu.vector_store %arg8[%parallel_loop3A_111], %parallel_loop3A_80 {strides = array<i32>} : memref<32768xf32, #tpu.memory_space<vmem>>, vector<16xf32>,
        %parallel_loop3A_113 = arith.constant 112 : i32
        %parallel_loop3A_114 = arith.addi %parallel_loop3A_52, %parallel_loop3A_113 : i32
        %parallel_loop3A_115 = arith.index_cast %parallel_loop3A_114 : i32 to index
        %parallel_loop3A_116 = tpu.vector_load %arg8[%parallel_loop3A_115] {strides = array<i32>} : memref<32768xf32, #tpu.memory_space<vmem>>, vector<16xf32>,
        tpu.vector_store %arg8[%parallel_loop3A_115], %parallel_loop3A_84 {strides = array<i32>} : memref<32768xf32, #tpu.memory_space<vmem>>, vector<16xf32>,
        %parallel_loop3A_117 = arith.constant 128 : i32
        %parallel_loop3A_118 = vector.broadcast %parallel_loop3A_117 : i32 to vector<16xi32>
        %parallel_loop3A_119 = arith.addi %parallel_loop3A_50, %parallel_loop3A_118 : vector<16xi32>
        %parallel_loop3A_120 = tpu.vector_load_idx %arg5[%parallel_loop3A_119] : memref<8192xf32, #tpu.memory_space<vmem>>[vector<16xi32>], vector<16xf32>,
        %parallel_loop3A_121 = arith.constant 144 : i32
        %parallel_loop3A_122 = vector.broadcast %parallel_loop3A_121 : i32 to vector<16xi32>
        %parallel_loop3A_123 = arith.addi %parallel_loop3A_50, %parallel_loop3A_122 : vector<16xi32>
        %parallel_loop3A_124 = tpu.vector_load_idx %arg5[%parallel_loop3A_123] : memref<8192xf32, #tpu.memory_space<vmem>>[vector<16xi32>], vector<16xf32>,
        %parallel_loop3A_125 = arith.constant 160 : i32
        %parallel_loop3A_126 = vector.broadcast %parallel_loop3A_125 : i32 to vector<16xi32>
        %parallel_loop3A_127 = arith.addi %parallel_loop3A_50, %parallel_loop3A_126 : vector<16xi32>
        %parallel_loop3A_128 = tpu.vector_load_idx %arg5[%parallel_loop3A_127] : memref<8192xf32, #tpu.memory_space<vmem>>[vector<16xi32>], vector<16xf32>,
        %parallel_loop3A_129 = arith.constant 176 : i32
        %parallel_loop3A_130 = vector.broadcast %parallel_loop3A_129 : i32 to vector<16xi32>
        %parallel_loop3A_131 = arith.addi %parallel_loop3A_50, %parallel_loop3A_130 : vector<16xi32>
        %parallel_loop3A_132 = tpu.vector_load_idx %arg5[%parallel_loop3A_131] : memref<8192xf32, #tpu.memory_space<vmem>>[vector<16xi32>], vector<16xf32>,
        %parallel_loop3A_133 = arith.constant 192 : i32
        %parallel_loop3A_134 = vector.broadcast %parallel_loop3A_133 : i32 to vector<16xi32>
        %parallel_loop3A_135 = arith.addi %parallel_loop3A_50, %parallel_loop3A_134 : vector<16xi32>
        %parallel_loop3A_136 = tpu.vector_load_idx %arg5[%parallel_loop3A_135] : memref<8192xf32, #tpu.memory_space<vmem>>[vector<16xi32>], vector<16xf32>,
        %parallel_loop3A_137 = arith.constant 208 : i32
        %parallel_loop3A_138 = vector.broadcast %parallel_loop3A_137 : i32 to vector<16xi32>
        %parallel_loop3A_139 = arith.addi %parallel_loop3A_50, %parallel_loop3A_138 : vector<16xi32>
        %parallel_loop3A_140 = tpu.vector_load_idx %arg5[%parallel_loop3A_139] : memref<8192xf32, #tpu.memory_space<vmem>>[vector<16xi32>], vector<16xf32>,
        %parallel_loop3A_141 = arith.constant 224 : i32
        %parallel_loop3A_142 = vector.broadcast %parallel_loop3A_141 : i32 to vector<16xi32>
        %parallel_loop3A_143 = arith.addi %parallel_loop3A_50, %parallel_loop3A_142 : vector<16xi32>
        %parallel_loop3A_144 = tpu.vector_load_idx %arg5[%parallel_loop3A_143] : memref<8192xf32, #tpu.memory_space<vmem>>[vector<16xi32>], vector<16xf32>,
        %parallel_loop3A_145 = arith.constant 240 : i32
        %parallel_loop3A_146 = vector.broadcast %parallel_loop3A_145 : i32 to vector<16xi32>
        %parallel_loop3A_147 = arith.addi %parallel_loop3A_50, %parallel_loop3A_146 : vector<16xi32>
        %parallel_loop3A_148 = tpu.vector_load_idx %arg5[%parallel_loop3A_147] : memref<8192xf32, #tpu.memory_space<vmem>>[vector<16xi32>], vector<16xf32>,
        %parallel_loop3A_149 = arith.constant 128 : i32
        %parallel_loop3A_150 = arith.addi %parallel_loop3A_52, %parallel_loop3A_149 : i32
        %parallel_loop3A_151 = arith.index_cast %parallel_loop3A_150 : i32 to index
        %parallel_loop3A_152 = tpu.vector_load %arg8[%parallel_loop3A_151] {strides = array<i32>} : memref<32768xf32, #tpu.memory_space<vmem>>, vector<16xf32>,
        tpu.vector_store %arg8[%parallel_loop3A_151], %parallel_loop3A_120 {strides = array<i32>} : memref<32768xf32, #tpu.memory_space<vmem>>, vector<16xf32>,
        %parallel_loop3A_153 = arith.constant 144 : i32
        %parallel_loop3A_154 = arith.addi %parallel_loop3A_52, %parallel_loop3A_153 : i32
        %parallel_loop3A_155 = arith.index_cast %parallel_loop3A_154 : i32 to index
        %parallel_loop3A_156 = tpu.vector_load %arg8[%parallel_loop3A_155] {strides = array<i32>} : memref<32768xf32, #tpu.memory_space<vmem>>, vector<16xf32>,
        tpu.vector_store %arg8[%parallel_loop3A_155], %parallel_loop3A_124 {strides = array<i32>} : memref<32768xf32, #tpu.memory_space<vmem>>, vector<16xf32>,
        %parallel_loop3A_157 = arith.constant 160 : i32
        %parallel_loop3A_158 = arith.addi %parallel_loop3A_52, %parallel_loop3A_157 : i32
        %parallel_loop3A_159 = arith.index_cast %parallel_loop3A_158 : i32 to index
        %parallel_loop3A_160 = tpu.vector_load %arg8[%parallel_loop3A_159] {strides = array<i32>} : memref<32768xf32, #tpu.memory_space<vmem>>, vector<16xf32>,
        tpu.vector_store %arg8[%parallel_loop3A_159], %parallel_loop3A_128 {strides = array<i32>} : memref<32768xf32, #tpu.memory_space<vmem>>, vector<16xf32>,
        %parallel_loop3A_161 = arith.constant 176 : i32
        %parallel_loop3A_162 = arith.addi %parallel_loop3A_52, %parallel_loop3A_161 : i32
        %parallel_loop3A_163 = arith.index_cast %parallel_loop3A_162 : i32 to index
        %parallel_loop3A_164 = tpu.vector_load %arg8[%parallel_loop3A_163] {strides = array<i32>} : memref<32768xf32, #tpu.memory_space<vmem>>, vector<16xf32>,
        tpu.vector_store %arg8[%parallel_loop3A_163], %parallel_loop3A_132 {strides = array<i32>} : memref<32768xf32, #tpu.memory_space<vmem>>, vector<16xf32>,
        %parallel_loop3A_165 = arith.constant 192 : i32
        %parallel_loop3A_166 = arith.addi %parallel_loop3A_52, %parallel_loop3A_165 : i32
        %parallel_loop3A_167 = arith.index_cast %parallel_loop3A_166 : i32 to index
        %parallel_loop3A_168 = tpu.vector_load %arg8[%parallel_loop3A_167] {strides = array<i32>} : memref<32768xf32, #tpu.memory_space<vmem>>, vector<16xf32>,
        tpu.vector_store %arg8[%parallel_loop3A_167], %parallel_loop3A_136 {strides = array<i32>} : memref<32768xf32, #tpu.memory_space<vmem>>, vector<16xf32>,
        %parallel_loop3A_169 = arith.constant 208 : i32
        %parallel_loop3A_170 = arith.addi %parallel_loop3A_52, %parallel_loop3A_169 : i32
        %parallel_loop3A_171 = arith.index_cast %parallel_loop3A_170 : i32 to index
        %parallel_loop3A_172 = tpu.vector_load %arg8[%parallel_loop3A_171] {strides = array<i32>} : memref<32768xf32, #tpu.memory_space<vmem>>, vector<16xf32>,
        tpu.vector_store %arg8[%parallel_loop3A_171], %parallel_loop3A_140 {strides = array<i32>} : memref<32768xf32, #tpu.memory_space<vmem>>, vector<16xf32>,
        %parallel_loop3A_173 = arith.constant 224 : i32
        %parallel_loop3A_174 = arith.addi %parallel_loop3A_52, %parallel_loop3A_173 : i32
        %parallel_loop3A_175 = arith.index_cast %parallel_loop3A_174 : i32 to index
        %parallel_loop3A_176 = tpu.vector_load %arg8[%parallel_loop3A_175] {strides = array<i32>} : memref<32768xf32, #tpu.memory_space<vmem>>, vector<16xf32>,
        tpu.vector_store %arg8[%parallel_loop3A_175], %parallel_loop3A_144 {strides = array<i32>} : memref<32768xf32, #tpu.memory_space<vmem>>, vector<16xf32>,
        %parallel_loop3A_177 = arith.constant 240 : i32
        %parallel_loop3A_178 = arith.addi %parallel_loop3A_52, %parallel_loop3A_177 : i32
        %parallel_loop3A_179 = arith.index_cast %parallel_loop3A_178 : i32 to index
        %parallel_loop3A_180 = tpu.vector_load %arg8[%parallel_loop3A_179] {strides = array<i32>} : memref<32768xf32, #tpu.memory_space<vmem>>, vector<16xf32>,
        tpu.vector_store %arg8[%parallel_loop3A_179], %parallel_loop3A_148 {strides = array<i32>} : memref<32768xf32, #tpu.memory_space<vmem>>, vector<16xf32>,
        %parallel_loop3A_181 = arith.constant 256 : i32
        %parallel_loop3A_182 = vector.broadcast %parallel_loop3A_181 : i32 to vector<16xi32>
        %parallel_loop3A_183 = arith.addi %parallel_loop3A_50, %parallel_loop3A_182 : vector<16xi32>
        %parallel_loop3A_184 = tpu.vector_load_idx %arg5[%parallel_loop3A_183] : memref<8192xf32, #tpu.memory_space<vmem>>[vector<16xi32>], vector<16xf32>,
        %parallel_loop3A_185 = arith.constant 272 : i32
        %parallel_loop3A_186 = vector.broadcast %parallel_loop3A_185 : i32 to vector<16xi32>
        %parallel_loop3A_187 = arith.addi %parallel_loop3A_50, %parallel_loop3A_186 : vector<16xi32>
        %parallel_loop3A_188 = tpu.vector_load_idx %arg5[%parallel_loop3A_187] : memref<8192xf32, #tpu.memory_space<vmem>>[vector<16xi32>], vector<16xf32>,
        %parallel_loop3A_189 = arith.constant 288 : i32
        %parallel_loop3A_190 = vector.broadcast %parallel_loop3A_189 : i32 to vector<16xi32>
        %parallel_loop3A_191 = arith.addi %parallel_loop3A_50, %parallel_loop3A_190 : vector<16xi32>
        %parallel_loop3A_192 = tpu.vector_load_idx %arg5[%parallel_loop3A_191] : memref<8192xf32, #tpu.memory_space<vmem>>[vector<16xi32>], vector<16xf32>,
        %parallel_loop3A_193 = arith.constant 304 : i32
        %parallel_loop3A_194 = vector.broadcast %parallel_loop3A_193 : i32 to vector<16xi32>
        %parallel_loop3A_195 = arith.addi %parallel_loop3A_50, %parallel_loop3A_194 : vector<16xi32>
        %parallel_loop3A_196 = tpu.vector_load_idx %arg5[%parallel_loop3A_195] : memref<8192xf32, #tpu.memory_space<vmem>>[vector<16xi32>], vector<16xf32>,
        %parallel_loop3A_197 = arith.constant 320 : i32
        %parallel_loop3A_198 = vector.broadcast %parallel_loop3A_197 : i32 to vector<16xi32>
        %parallel_loop3A_199 = arith.addi %parallel_loop3A_50, %parallel_loop3A_198 : vector<16xi32>
        %parallel_loop3A_200 = tpu.vector_load_idx %arg5[%parallel_loop3A_199] : memref<8192xf32, #tpu.memory_space<vmem>>[vector<16xi32>], vector<16xf32>,
        %parallel_loop3A_201 = arith.constant 336 : i32
        %parallel_loop3A_202 = vector.broadcast %parallel_loop3A_201 : i32 to vector<16xi32>
        %parallel_loop3A_203 = arith.addi %parallel_loop3A_50, %parallel_loop3A_202 : vector<16xi32>
        %parallel_loop3A_204 = tpu.vector_load_idx %arg5[%parallel_loop3A_203] : memref<8192xf32, #tpu.memory_space<vmem>>[vector<16xi32>], vector<16xf32>,
        %parallel_loop3A_205 = arith.constant 352 : i32
        %parallel_loop3A_206 = vector.broadcast %parallel_loop3A_205 : i32 to vector<16xi32>
        %parallel_loop3A_207 = arith.addi %parallel_loop3A_50, %parallel_loop3A_206 : vector<16xi32>
        %parallel_loop3A_208 = tpu.vector_load_idx %arg5[%parallel_loop3A_207] : memref<8192xf32, #tpu.memory_space<vmem>>[vector<16xi32>], vector<16xf32>,
        %parallel_loop3A_209 = arith.constant 368 : i32
        %parallel_loop3A_210 = vector.broadcast %parallel_loop3A_209 : i32 to vector<16xi32>
        %parallel_loop3A_211 = arith.addi %parallel_loop3A_50, %parallel_loop3A_210 : vector<16xi32>
        %parallel_loop3A_212 = tpu.vector_load_idx %arg5[%parallel_loop3A_211] : memref<8192xf32, #tpu.memory_space<vmem>>[vector<16xi32>], vector<16xf32>,
        %parallel_loop3A_213 = arith.constant 256 : i32
        %parallel_loop3A_214 = arith.addi %parallel_loop3A_52, %parallel_loop3A_213 : i32
        %parallel_loop3A_215 = arith.index_cast %parallel_loop3A_214 : i32 to index
        %parallel_loop3A_216 = tpu.vector_load %arg8[%parallel_loop3A_215] {strides = array<i32>} : memref<32768xf32, #tpu.memory_space<vmem>>, vector<16xf32>,
        tpu.vector_store %arg8[%parallel_loop3A_215], %parallel_loop3A_184 {strides = array<i32>} : memref<32768xf32, #tpu.memory_space<vmem>>, vector<16xf32>,
        %parallel_loop3A_217 = arith.constant 272 : i32
        %parallel_loop3A_218 = arith.addi %parallel_loop3A_52, %parallel_loop3A_217 : i32
        %parallel_loop3A_219 = arith.index_cast %parallel_loop3A_218 : i32 to index
        %parallel_loop3A_220 = tpu.vector_load %arg8[%parallel_loop3A_219] {strides = array<i32>} : memref<32768xf32, #tpu.memory_space<vmem>>, vector<16xf32>,
        tpu.vector_store %arg8[%parallel_loop3A_219], %parallel_loop3A_188 {strides = array<i32>} : memref<32768xf32, #tpu.memory_space<vmem>>, vector<16xf32>,
        %parallel_loop3A_221 = arith.constant 288 : i32
        %parallel_loop3A_222 = arith.addi %parallel_loop3A_52, %parallel_loop3A_221 : i32
        %parallel_loop3A_223 = arith.index_cast %parallel_loop3A_222 : i32 to index
        %parallel_loop3A_224 = tpu.vector_load %arg8[%parallel_loop3A_223] {strides = array<i32>} : memref<32768xf32, #tpu.memory_space<vmem>>, vector<16xf32>,
        tpu.vector_store %arg8[%parallel_loop3A_223], %parallel_loop3A_192 {strides = array<i32>} : memref<32768xf32, #tpu.memory_space<vmem>>, vector<16xf32>,
        %parallel_loop3A_225 = arith.constant 304 : i32
        %parallel_loop3A_226 = arith.addi %parallel_loop3A_52, %parallel_loop3A_225 : i32
        %parallel_loop3A_227 = arith.index_cast %parallel_loop3A_226 : i32 to index
        %parallel_loop3A_228 = tpu.vector_load %arg8[%parallel_loop3A_227] {strides = array<i32>} : memref<32768xf32, #tpu.memory_space<vmem>>, vector<16xf32>,
        tpu.vector_store %arg8[%parallel_loop3A_227], %parallel_loop3A_196 {strides = array<i32>} : memref<32768xf32, #tpu.memory_space<vmem>>, vector<16xf32>,
        %parallel_loop3A_229 = arith.constant 320 : i32
        %parallel_loop3A_230 = arith.addi %parallel_loop3A_52, %parallel_loop3A_229 : i32
        %parallel_loop3A_231 = arith.index_cast %parallel_loop3A_230 : i32 to index
        %parallel_loop3A_232 = tpu.vector_load %arg8[%parallel_loop3A_231] {strides = array<i32>} : memref<32768xf32, #tpu.memory_space<vmem>>, vector<16xf32>,
        tpu.vector_store %arg8[%parallel_loop3A_231], %parallel_loop3A_200 {strides = array<i32>} : memref<32768xf32, #tpu.memory_space<vmem>>, vector<16xf32>,
        %parallel_loop3A_233 = arith.constant 336 : i32
        %parallel_loop3A_234 = arith.addi %parallel_loop3A_52, %parallel_loop3A_233 : i32
        %parallel_loop3A_235 = arith.index_cast %parallel_loop3A_234 : i32 to index
        %parallel_loop3A_236 = tpu.vector_load %arg8[%parallel_loop3A_235] {strides = array<i32>} : memref<32768xf32, #tpu.memory_space<vmem>>, vector<16xf32>,
        tpu.vector_store %arg8[%parallel_loop3A_235], %parallel_loop3A_204 {strides = array<i32>} : memref<32768xf32, #tpu.memory_space<vmem>>, vector<16xf32>,
        %parallel_loop3A_237 = arith.constant 352 : i32
        %parallel_loop3A_238 = arith.addi %parallel_loop3A_52, %parallel_loop3A_237 : i32
        %parallel_loop3A_239 = arith.index_cast %parallel_loop3A_238 : i32 to index
        %parallel_loop3A_240 = tpu.vector_load %arg8[%parallel_loop3A_239] {strides = array<i32>} : memref<32768xf32, #tpu.memory_space<vmem>>, vector<16xf32>,
        tpu.vector_store %arg8[%parallel_loop3A_239], %parallel_loop3A_208 {strides = array<i32>} : memref<32768xf32, #tpu.memory_space<vmem>>, vector<16xf32>,
        %parallel_loop3A_241 = arith.constant 368 : i32
        %parallel_loop3A_242 = arith.addi %parallel_loop3A_52, %parallel_loop3A_241 : i32
        %parallel_loop3A_243 = arith.index_cast %parallel_loop3A_242 : i32 to index
        %parallel_loop3A_244 = tpu.vector_load %arg8[%parallel_loop3A_243] {strides = array<i32>} : memref<32768xf32, #tpu.memory_space<vmem>>, vector<16xf32>,
        tpu.vector_store %arg8[%parallel_loop3A_243], %parallel_loop3A_212 {strides = array<i32>} : memref<32768xf32, #tpu.memory_space<vmem>>, vector<16xf32>,
        %parallel_loop3A_245 = arith.constant 384 : i32
        %parallel_loop3A_246 = vector.broadcast %parallel_loop3A_245 : i32 to vector<16xi32>
        %parallel_loop3A_247 = arith.addi %parallel_loop3A_50, %parallel_loop3A_246 : vector<16xi32>
        %parallel_loop3A_248 = tpu.vector_load_idx %arg5[%parallel_loop3A_247] : memref<8192xf32, #tpu.memory_space<vmem>>[vector<16xi32>], vector<16xf32>,
        %parallel_loop3A_249 = arith.constant 400 : i32
        %parallel_loop3A_250 = vector.broadcast %parallel_loop3A_249 : i32 to vector<16xi32>
        %parallel_loop3A_251 = arith.addi %parallel_loop3A_50, %parallel_loop3A_250 : vector<16xi32>
        %parallel_loop3A_252 = tpu.vector_load_idx %arg5[%parallel_loop3A_251] : memref<8192xf32, #tpu.memory_space<vmem>>[vector<16xi32>], vector<16xf32>,
        %parallel_loop3A_253 = arith.constant 416 : i32
        %parallel_loop3A_254 = vector.broadcast %parallel_loop3A_253 : i32 to vector<16xi32>
        %parallel_loop3A_255 = arith.addi %parallel_loop3A_50, %parallel_loop3A_254 : vector<16xi32>
        %parallel_loop3A_256 = tpu.vector_load_idx %arg5[%parallel_loop3A_255] : memref<8192xf32, #tpu.memory_space<vmem>>[vector<16xi32>], vector<16xf32>,
        %parallel_loop3A_257 = arith.constant 432 : i32
        %parallel_loop3A_258 = vector.broadcast %parallel_loop3A_257 : i32 to vector<16xi32>
        %parallel_loop3A_259 = arith.addi %parallel_loop3A_50, %parallel_loop3A_258 : vector<16xi32>
        %parallel_loop3A_260 = tpu.vector_load_idx %arg5[%parallel_loop3A_259] : memref<8192xf32, #tpu.memory_space<vmem>>[vector<16xi32>], vector<16xf32>,
        %parallel_loop3A_261 = arith.constant 448 : i32
        %parallel_loop3A_262 = vector.broadcast %parallel_loop3A_261 : i32 to vector<16xi32>
        %parallel_loop3A_263 = arith.addi %parallel_loop3A_50, %parallel_loop3A_262 : vector<16xi32>
        %parallel_loop3A_264 = tpu.vector_load_idx %arg5[%parallel_loop3A_263] : memref<8192xf32, #tpu.memory_space<vmem>>[vector<16xi32>], vector<16xf32>,
        %parallel_loop3A_265 = arith.constant 464 : i32
        %parallel_loop3A_266 = vector.broadcast %parallel_loop3A_265 : i32 to vector<16xi32>
        %parallel_loop3A_267 = arith.addi %parallel_loop3A_50, %parallel_loop3A_266 : vector<16xi32>
        %parallel_loop3A_268 = tpu.vector_load_idx %arg5[%parallel_loop3A_267] : memref<8192xf32, #tpu.memory_space<vmem>>[vector<16xi32>], vector<16xf32>,
        %parallel_loop3A_269 = arith.constant 480 : i32
        %parallel_loop3A_270 = vector.broadcast %parallel_loop3A_269 : i32 to vector<16xi32>
        %parallel_loop3A_271 = arith.addi %parallel_loop3A_50, %parallel_loop3A_270 : vector<16xi32>
        %parallel_loop3A_272 = tpu.vector_load_idx %arg5[%parallel_loop3A_271] : memref<8192xf32, #tpu.memory_space<vmem>>[vector<16xi32>], vector<16xf32>,
        %parallel_loop3A_273 = arith.constant 496 : i32
        %parallel_loop3A_274 = vector.broadcast %parallel_loop3A_273 : i32 to vector<16xi32>
        %parallel_loop3A_275 = arith.addi %parallel_loop3A_50, %parallel_loop3A_274 : vector<16xi32>
        %parallel_loop3A_276 = tpu.vector_load_idx %arg5[%parallel_loop3A_275] : memref<8192xf32, #tpu.memory_space<vmem>>[vector<16xi32>], vector<16xf32>,
        %parallel_loop3A_277 = arith.constant 384 : i32
        %parallel_loop3A_278 = arith.addi %parallel_loop3A_52, %parallel_loop3A_277 : i32
        %parallel_loop3A_279 = arith.index_cast %parallel_loop3A_278 : i32 to index
        %parallel_loop3A_280 = tpu.vector_load %arg8[%parallel_loop3A_279] {strides = array<i32>} : memref<32768xf32, #tpu.memory_space<vmem>>, vector<16xf32>,
        tpu.vector_store %arg8[%parallel_loop3A_279], %parallel_loop3A_248 {strides = array<i32>} : memref<32768xf32, #tpu.memory_space<vmem>>, vector<16xf32>,
        %parallel_loop3A_281 = arith.constant 400 : i32
        %parallel_loop3A_282 = arith.addi %parallel_loop3A_52, %parallel_loop3A_281 : i32
        %parallel_loop3A_283 = arith.index_cast %parallel_loop3A_282 : i32 to index
        %parallel_loop3A_284 = tpu.vector_load %arg8[%parallel_loop3A_283] {strides = array<i32>} : memref<32768xf32, #tpu.memory_space<vmem>>, vector<16xf32>,
        tpu.vector_store %arg8[%parallel_loop3A_283], %parallel_loop3A_252 {strides = array<i32>} : memref<32768xf32, #tpu.memory_space<vmem>>, vector<16xf32>,
        %parallel_loop3A_285 = arith.constant 416 : i32
        %parallel_loop3A_286 = arith.addi %parallel_loop3A_52, %parallel_loop3A_285 : i32
        %parallel_loop3A_287 = arith.index_cast %parallel_loop3A_286 : i32 to index
        %parallel_loop3A_288 = tpu.vector_load %arg8[%parallel_loop3A_287] {strides = array<i32>} : memref<32768xf32, #tpu.memory_space<vmem>>, vector<16xf32>,
        tpu.vector_store %arg8[%parallel_loop3A_287], %parallel_loop3A_256 {strides = array<i32>} : memref<32768xf32, #tpu.memory_space<vmem>>, vector<16xf32>,
        %parallel_loop3A_289 = arith.constant 432 : i32
        %parallel_loop3A_290 = arith.addi %parallel_loop3A_52, %parallel_loop3A_289 : i32
        %parallel_loop3A_291 = arith.index_cast %parallel_loop3A_290 : i32 to index
        %parallel_loop3A_292 = tpu.vector_load %arg8[%parallel_loop3A_291] {strides = array<i32>} : memref<32768xf32, #tpu.memory_space<vmem>>, vector<16xf32>,
        tpu.vector_store %arg8[%parallel_loop3A_291], %parallel_loop3A_260 {strides = array<i32>} : memref<32768xf32, #tpu.memory_space<vmem>>, vector<16xf32>,
        %parallel_loop3A_293 = arith.constant 448 : i32
        %parallel_loop3A_294 = arith.addi %parallel_loop3A_52, %parallel_loop3A_293 : i32
        %parallel_loop3A_295 = arith.index_cast %parallel_loop3A_294 : i32 to index
        %parallel_loop3A_296 = tpu.vector_load %arg8[%parallel_loop3A_295] {strides = array<i32>} : memref<32768xf32, #tpu.memory_space<vmem>>, vector<16xf32>,
        tpu.vector_store %arg8[%parallel_loop3A_295], %parallel_loop3A_264 {strides = array<i32>} : memref<32768xf32, #tpu.memory_space<vmem>>, vector<16xf32>,
        %parallel_loop3A_297 = arith.constant 464 : i32
        %parallel_loop3A_298 = arith.addi %parallel_loop3A_52, %parallel_loop3A_297 : i32
        %parallel_loop3A_299 = arith.index_cast %parallel_loop3A_298 : i32 to index
        %parallel_loop3A_300 = tpu.vector_load %arg8[%parallel_loop3A_299] {strides = array<i32>} : memref<32768xf32, #tpu.memory_space<vmem>>, vector<16xf32>,
        tpu.vector_store %arg8[%parallel_loop3A_299], %parallel_loop3A_268 {strides = array<i32>} : memref<32768xf32, #tpu.memory_space<vmem>>, vector<16xf32>,
        %parallel_loop3A_301 = arith.constant 480 : i32
        %parallel_loop3A_302 = arith.addi %parallel_loop3A_52, %parallel_loop3A_301 : i32
        %parallel_loop3A_303 = arith.index_cast %parallel_loop3A_302 : i32 to index
        %parallel_loop3A_304 = tpu.vector_load %arg8[%parallel_loop3A_303] {strides = array<i32>} : memref<32768xf32, #tpu.memory_space<vmem>>, vector<16xf32>,
        tpu.vector_store %arg8[%parallel_loop3A_303], %parallel_loop3A_272 {strides = array<i32>} : memref<32768xf32, #tpu.memory_space<vmem>>, vector<16xf32>,
        %parallel_loop3A_305 = arith.constant 496 : i32
        %parallel_loop3A_306 = arith.addi %parallel_loop3A_52, %parallel_loop3A_305 : i32
        %parallel_loop3A_307 = arith.index_cast %parallel_loop3A_306 : i32 to index
        %parallel_loop3A_308 = tpu.vector_load %arg8[%parallel_loop3A_307] {strides = array<i32>} : memref<32768xf32, #tpu.memory_space<vmem>>, vector<16xf32>,
        tpu.vector_store %arg8[%parallel_loop3A_307], %parallel_loop3A_276 {strides = array<i32>} : memref<32768xf32, #tpu.memory_space<vmem>>, vector<16xf32>,
        %parallel_loop3A_309 = arith.constant 512 : i32
        %parallel_loop3A_310 = vector.broadcast %parallel_loop3A_309 : i32 to vector<16xi32>
        %parallel_loop3A_311 = arith.addi %parallel_loop3A_50, %parallel_loop3A_310 : vector<16xi32>
        %parallel_loop3A_312 = tpu.vector_load_idx %arg5[%parallel_loop3A_311] : memref<8192xf32, #tpu.memory_space<vmem>>[vector<16xi32>], vector<16xf32>,
        %parallel_loop3A_313 = arith.constant 528 : i32
        %parallel_loop3A_314 = vector.broadcast %parallel_loop3A_313 : i32 to vector<16xi32>
        %parallel_loop3A_315 = arith.addi %parallel_loop3A_50, %parallel_loop3A_314 : vector<16xi32>
        %parallel_loop3A_316 = tpu.vector_load_idx %arg5[%parallel_loop3A_315] : memref<8192xf32, #tpu.memory_space<vmem>>[vector<16xi32>], vector<16xf32>,
        %parallel_loop3A_317 = arith.constant 544 : i32
        %parallel_loop3A_318 = vector.broadcast %parallel_loop3A_317 : i32 to vector<16xi32>
        %parallel_loop3A_319 = arith.addi %parallel_loop3A_50, %parallel_loop3A_318 : vector<16xi32>
        %parallel_loop3A_320 = tpu.vector_load_idx %arg5[%parallel_loop3A_319] : memref<8192xf32, #tpu.memory_space<vmem>>[vector<16xi32>], vector<16xf32>,
        %parallel_loop3A_321 = arith.constant 560 : i32
        %parallel_loop3A_322 = vector.broadcast %parallel_loop3A_321 : i32 to vector<16xi32>
        %parallel_loop3A_323 = arith.addi %parallel_loop3A_50, %parallel_loop3A_322 : vector<16xi32>
        %parallel_loop3A_324 = tpu.vector_load_idx %arg5[%parallel_loop3A_323] : memref<8192xf32, #tpu.memory_space<vmem>>[vector<16xi32>], vector<16xf32>,
        %parallel_loop3A_325 = arith.constant 576 : i32
        %parallel_loop3A_326 = vector.broadcast %parallel_loop3A_325 : i32 to vector<16xi32>
        %parallel_loop3A_327 = arith.addi %parallel_loop3A_50, %parallel_loop3A_326 : vector<16xi32>
        %parallel_loop3A_328 = tpu.vector_load_idx %arg5[%parallel_loop3A_327] : memref<8192xf32, #tpu.memory_space<vmem>>[vector<16xi32>], vector<16xf32>,
        %parallel_loop3A_329 = arith.constant 592 : i32
        %parallel_loop3A_330 = vector.broadcast %parallel_loop3A_329 : i32 to vector<16xi32>
        %parallel_loop3A_331 = arith.addi %parallel_loop3A_50, %parallel_loop3A_330 : vector<16xi32>
        %parallel_loop3A_332 = tpu.vector_load_idx %arg5[%parallel_loop3A_331] : memref<8192xf32, #tpu.memory_space<vmem>>[vector<16xi32>], vector<16xf32>,
        %parallel_loop3A_333 = arith.constant 608 : i32
        %parallel_loop3A_334 = vector.broadcast %parallel_loop3A_333 : i32 to vector<16xi32>
        %parallel_loop3A_335 = arith.addi %parallel_loop3A_50, %parallel_loop3A_334 : vector<16xi32>
        %parallel_loop3A_336 = tpu.vector_load_idx %arg5[%parallel_loop3A_335] : memref<8192xf32, #tpu.memory_space<vmem>>[vector<16xi32>], vector<16xf32>,
        %parallel_loop3A_337 = arith.constant 624 : i32
        %parallel_loop3A_338 = vector.broadcast %parallel_loop3A_337 : i32 to vector<16xi32>
        %parallel_loop3A_339 = arith.addi %parallel_loop3A_50, %parallel_loop3A_338 : vector<16xi32>
        %parallel_loop3A_340 = tpu.vector_load_idx %arg5[%parallel_loop3A_339] : memref<8192xf32, #tpu.memory_space<vmem>>[vector<16xi32>], vector<16xf32>,
        %parallel_loop3A_341 = arith.constant 512 : i32
        %parallel_loop3A_342 = arith.addi %parallel_loop3A_52, %parallel_loop3A_341 : i32
        %parallel_loop3A_343 = arith.index_cast %parallel_loop3A_342 : i32 to index
        %parallel_loop3A_344 = tpu.vector_load %arg8[%parallel_loop3A_343] {strides = array<i32>} : memref<32768xf32, #tpu.memory_space<vmem>>, vector<16xf32>,
        tpu.vector_store %arg8[%parallel_loop3A_343], %parallel_loop3A_312 {strides = array<i32>} : memref<32768xf32, #tpu.memory_space<vmem>>, vector<16xf32>,
        %parallel_loop3A_345 = arith.constant 528 : i32
        %parallel_loop3A_346 = arith.addi %parallel_loop3A_52, %parallel_loop3A_345 : i32
        %parallel_loop3A_347 = arith.index_cast %parallel_loop3A_346 : i32 to index
        %parallel_loop3A_348 = tpu.vector_load %arg8[%parallel_loop3A_347] {strides = array<i32>} : memref<32768xf32, #tpu.memory_space<vmem>>, vector<16xf32>,
        tpu.vector_store %arg8[%parallel_loop3A_347], %parallel_loop3A_316 {strides = array<i32>} : memref<32768xf32, #tpu.memory_space<vmem>>, vector<16xf32>,
        %parallel_loop3A_349 = arith.constant 544 : i32
        %parallel_loop3A_350 = arith.addi %parallel_loop3A_52, %parallel_loop3A_349 : i32
        %parallel_loop3A_351 = arith.index_cast %parallel_loop3A_350 : i32 to index
        %parallel_loop3A_352 = tpu.vector_load %arg8[%parallel_loop3A_351] {strides = array<i32>} : memref<32768xf32, #tpu.memory_space<vmem>>, vector<16xf32>,
        tpu.vector_store %arg8[%parallel_loop3A_351], %parallel_loop3A_320 {strides = array<i32>} : memref<32768xf32, #tpu.memory_space<vmem>>, vector<16xf32>,
        %parallel_loop3A_353 = arith.constant 560 : i32
        %parallel_loop3A_354 = arith.addi %parallel_loop3A_52, %parallel_loop3A_353 : i32
        %parallel_loop3A_355 = arith.index_cast %parallel_loop3A_354 : i32 to index
        %parallel_loop3A_356 = tpu.vector_load %arg8[%parallel_loop3A_355] {strides = array<i32>} : memref<32768xf32, #tpu.memory_space<vmem>>, vector<16xf32>,
        tpu.vector_store %arg8[%parallel_loop3A_355], %parallel_loop3A_324 {strides = array<i32>} : memref<32768xf32, #tpu.memory_space<vmem>>, vector<16xf32>,
        %parallel_loop3A_357 = arith.constant 576 : i32
        %parallel_loop3A_358 = arith.addi %parallel_loop3A_52, %parallel_loop3A_357 : i32
        %parallel_loop3A_359 = arith.index_cast %parallel_loop3A_358 : i32 to index
        %parallel_loop3A_360 = tpu.vector_load %arg8[%parallel_loop3A_359] {strides = array<i32>} : memref<32768xf32, #tpu.memory_space<vmem>>, vector<16xf32>,
        tpu.vector_store %arg8[%parallel_loop3A_359], %parallel_loop3A_328 {strides = array<i32>} : memref<32768xf32, #tpu.memory_space<vmem>>, vector<16xf32>,
        %parallel_loop3A_361 = arith.constant 592 : i32
        %parallel_loop3A_362 = arith.addi %parallel_loop3A_52, %parallel_loop3A_361 : i32
        %parallel_loop3A_363 = arith.index_cast %parallel_loop3A_362 : i32 to index
        %parallel_loop3A_364 = tpu.vector_load %arg8[%parallel_loop3A_363] {strides = array<i32>} : memref<32768xf32, #tpu.memory_space<vmem>>, vector<16xf32>,
        tpu.vector_store %arg8[%parallel_loop3A_363], %parallel_loop3A_332 {strides = array<i32>} : memref<32768xf32, #tpu.memory_space<vmem>>, vector<16xf32>,
        %parallel_loop3A_365 = arith.constant 608 : i32
        %parallel_loop3A_366 = arith.addi %parallel_loop3A_52, %parallel_loop3A_365 : i32
        %parallel_loop3A_367 = arith.index_cast %parallel_loop3A_366 : i32 to index
        %parallel_loop3A_368 = tpu.vector_load %arg8[%parallel_loop3A_367] {strides = array<i32>} : memref<32768xf32, #tpu.memory_space<vmem>>, vector<16xf32>,
        tpu.vector_store %arg8[%parallel_loop3A_367], %parallel_loop3A_336 {strides = array<i32>} : memref<32768xf32, #tpu.memory_space<vmem>>, vector<16xf32>,
        %parallel_loop3A_369 = arith.constant 624 : i32
        %parallel_loop3A_370 = arith.addi %parallel_loop3A_52, %parallel_loop3A_369 : i32
        %parallel_loop3A_371 = arith.index_cast %parallel_loop3A_370 : i32 to index
        %parallel_loop3A_372 = tpu.vector_load %arg8[%parallel_loop3A_371] {strides = array<i32>} : memref<32768xf32, #tpu.memory_space<vmem>>, vector<16xf32>,
        tpu.vector_store %arg8[%parallel_loop3A_371], %parallel_loop3A_340 {strides = array<i32>} : memref<32768xf32, #tpu.memory_space<vmem>>, vector<16xf32>,
        %parallel_loop3A_373 = arith.constant 640 : i32
        %parallel_loop3A_374 = vector.broadcast %parallel_loop3A_373 : i32 to vector<16xi32>
        %parallel_loop3A_375 = arith.addi %parallel_loop3A_50, %parallel_loop3A_374 : vector<16xi32>
        %parallel_loop3A_376 = tpu.vector_load_idx %arg5[%parallel_loop3A_375] : memref<8192xf32, #tpu.memory_space<vmem>>[vector<16xi32>], vector<16xf32>,
        %parallel_loop3A_377 = arith.constant 656 : i32
        %parallel_loop3A_378 = vector.broadcast %parallel_loop3A_377 : i32 to vector<16xi32>
        %parallel_loop3A_379 = arith.addi %parallel_loop3A_50, %parallel_loop3A_378 : vector<16xi32>
        %parallel_loop3A_380 = tpu.vector_load_idx %arg5[%parallel_loop3A_379] : memref<8192xf32, #tpu.memory_space<vmem>>[vector<16xi32>], vector<16xf32>,
        %parallel_loop3A_381 = arith.constant 672 : i32
        %parallel_loop3A_382 = vector.broadcast %parallel_loop3A_381 : i32 to vector<16xi32>
        %parallel_loop3A_383 = arith.addi %parallel_loop3A_50, %parallel_loop3A_382 : vector<16xi32>
        %parallel_loop3A_384 = tpu.vector_load_idx %arg5[%parallel_loop3A_383] : memref<8192xf32, #tpu.memory_space<vmem>>[vector<16xi32>], vector<16xf32>,
        %parallel_loop3A_385 = arith.constant 688 : i32
        %parallel_loop3A_386 = vector.broadcast %parallel_loop3A_385 : i32 to vector<16xi32>
        %parallel_loop3A_387 = arith.addi %parallel_loop3A_50, %parallel_loop3A_386 : vector<16xi32>
        %parallel_loop3A_388 = tpu.vector_load_idx %arg5[%parallel_loop3A_387] : memref<8192xf32, #tpu.memory_space<vmem>>[vector<16xi32>], vector<16xf32>,
        %parallel_loop3A_389 = arith.constant 704 : i32
        %parallel_loop3A_390 = vector.broadcast %parallel_loop3A_389 : i32 to vector<16xi32>
        %parallel_loop3A_391 = arith.addi %parallel_loop3A_50, %parallel_loop3A_390 : vector<16xi32>
        %parallel_loop3A_392 = tpu.vector_load_idx %arg5[%parallel_loop3A_391] : memref<8192xf32, #tpu.memory_space<vmem>>[vector<16xi32>], vector<16xf32>,
        %parallel_loop3A_393 = arith.constant 720 : i32
        %parallel_loop3A_394 = vector.broadcast %parallel_loop3A_393 : i32 to vector<16xi32>
        %parallel_loop3A_395 = arith.addi %parallel_loop3A_50, %parallel_loop3A_394 : vector<16xi32>
        %parallel_loop3A_396 = tpu.vector_load_idx %arg5[%parallel_loop3A_395] : memref<8192xf32, #tpu.memory_space<vmem>>[vector<16xi32>], vector<16xf32>,
        %parallel_loop3A_397 = arith.constant 736 : i32
        %parallel_loop3A_398 = vector.broadcast %parallel_loop3A_397 : i32 to vector<16xi32>
        %parallel_loop3A_399 = arith.addi %parallel_loop3A_50, %parallel_loop3A_398 : vector<16xi32>
        %parallel_loop3A_400 = tpu.vector_load_idx %arg5[%parallel_loop3A_399] : memref<8192xf32, #tpu.memory_space<vmem>>[vector<16xi32>], vector<16xf32>,
        %parallel_loop3A_401 = arith.constant 752 : i32
        %parallel_loop3A_402 = vector.broadcast %parallel_loop3A_401 : i32 to vector<16xi32>
        %parallel_loop3A_403 = arith.addi %parallel_loop3A_50, %parallel_loop3A_402 : vector<16xi32>
        %parallel_loop3A_404 = tpu.vector_load_idx %arg5[%parallel_loop3A_403] : memref<8192xf32, #tpu.memory_space<vmem>>[vector<16xi32>], vector<16xf32>,
        %parallel_loop3A_405 = arith.constant 640 : i32
        %parallel_loop3A_406 = arith.addi %parallel_loop3A_52, %parallel_loop3A_405 : i32
        %parallel_loop3A_407 = arith.index_cast %parallel_loop3A_406 : i32 to index
        %parallel_loop3A_408 = tpu.vector_load %arg8[%parallel_loop3A_407] {strides = array<i32>} : memref<32768xf32, #tpu.memory_space<vmem>>, vector<16xf32>,
        tpu.vector_store %arg8[%parallel_loop3A_407], %parallel_loop3A_376 {strides = array<i32>} : memref<32768xf32, #tpu.memory_space<vmem>>, vector<16xf32>,
        %parallel_loop3A_409 = arith.constant 656 : i32
        %parallel_loop3A_410 = arith.addi %parallel_loop3A_52, %parallel_loop3A_409 : i32
        %parallel_loop3A_411 = arith.index_cast %parallel_loop3A_410 : i32 to index
        %parallel_loop3A_412 = tpu.vector_load %arg8[%parallel_loop3A_411] {strides = array<i32>} : memref<32768xf32, #tpu.memory_space<vmem>>, vector<16xf32>,
        tpu.vector_store %arg8[%parallel_loop3A_411], %parallel_loop3A_380 {strides = array<i32>} : memref<32768xf32, #tpu.memory_space<vmem>>, vector<16xf32>,
        %parallel_loop3A_413 = arith.constant 672 : i32
        %parallel_loop3A_414 = arith.addi %parallel_loop3A_52, %parallel_loop3A_413 : i32
        %parallel_loop3A_415 = arith.index_cast %parallel_loop3A_414 : i32 to index
        %parallel_loop3A_416 = tpu.vector_load %arg8[%parallel_loop3A_415] {strides = array<i32>} : memref<32768xf32, #tpu.memory_space<vmem>>, vector<16xf32>,
        tpu.vector_store %arg8[%parallel_loop3A_415], %parallel_loop3A_384 {strides = array<i32>} : memref<32768xf32, #tpu.memory_space<vmem>>, vector<16xf32>,
        %parallel_loop3A_417 = arith.constant 688 : i32
        %parallel_loop3A_418 = arith.addi %parallel_loop3A_52, %parallel_loop3A_417 : i32
        %parallel_loop3A_419 = arith.index_cast %parallel_loop3A_418 : i32 to index
        %parallel_loop3A_420 = tpu.vector_load %arg8[%parallel_loop3A_419] {strides = array<i32>} : memref<32768xf32, #tpu.memory_space<vmem>>, vector<16xf32>,
        tpu.vector_store %arg8[%parallel_loop3A_419], %parallel_loop3A_388 {strides = array<i32>} : memref<32768xf32, #tpu.memory_space<vmem>>, vector<16xf32>,
        %parallel_loop3A_421 = arith.constant 704 : i32
        %parallel_loop3A_422 = arith.addi %parallel_loop3A_52, %parallel_loop3A_421 : i32
        %parallel_loop3A_423 = arith.index_cast %parallel_loop3A_422 : i32 to index
        %parallel_loop3A_424 = tpu.vector_load %arg8[%parallel_loop3A_423] {strides = array<i32>} : memref<32768xf32, #tpu.memory_space<vmem>>, vector<16xf32>,
        tpu.vector_store %arg8[%parallel_loop3A_423], %parallel_loop3A_392 {strides = array<i32>} : memref<32768xf32, #tpu.memory_space<vmem>>, vector<16xf32>,
        %parallel_loop3A_425 = arith.constant 720 : i32
        %parallel_loop3A_426 = arith.addi %parallel_loop3A_52, %parallel_loop3A_425 : i32
        %parallel_loop3A_427 = arith.index_cast %parallel_loop3A_426 : i32 to index
        %parallel_loop3A_428 = tpu.vector_load %arg8[%parallel_loop3A_427] {strides = array<i32>} : memref<32768xf32, #tpu.memory_space<vmem>>, vector<16xf32>,
        tpu.vector_store %arg8[%parallel_loop3A_427], %parallel_loop3A_396 {strides = array<i32>} : memref<32768xf32, #tpu.memory_space<vmem>>, vector<16xf32>,
        %parallel_loop3A_429 = arith.constant 736 : i32
        %parallel_loop3A_430 = arith.addi %parallel_loop3A_52, %parallel_loop3A_429 : i32
        %parallel_loop3A_431 = arith.index_cast %parallel_loop3A_430 : i32 to index
        %parallel_loop3A_432 = tpu.vector_load %arg8[%parallel_loop3A_431] {strides = array<i32>} : memref<32768xf32, #tpu.memory_space<vmem>>, vector<16xf32>,
        tpu.vector_store %arg8[%parallel_loop3A_431], %parallel_loop3A_400 {strides = array<i32>} : memref<32768xf32, #tpu.memory_space<vmem>>, vector<16xf32>,
        %parallel_loop3A_433 = arith.constant 752 : i32
        %parallel_loop3A_434 = arith.addi %parallel_loop3A_52, %parallel_loop3A_433 : i32
        %parallel_loop3A_435 = arith.index_cast %parallel_loop3A_434 : i32 to index
        %parallel_loop3A_436 = tpu.vector_load %arg8[%parallel_loop3A_435] {strides = array<i32>} : memref<32768xf32, #tpu.memory_space<vmem>>, vector<16xf32>,
        tpu.vector_store %arg8[%parallel_loop3A_435], %parallel_loop3A_404 {strides = array<i32>} : memref<32768xf32, #tpu.memory_space<vmem>>, vector<16xf32>,
        %parallel_loop3A_437 = arith.constant 768 : i32
        %parallel_loop3A_438 = vector.broadcast %parallel_loop3A_437 : i32 to vector<16xi32>
        %parallel_loop3A_439 = arith.addi %parallel_loop3A_50, %parallel_loop3A_438 : vector<16xi32>
        %parallel_loop3A_440 = tpu.vector_load_idx %arg5[%parallel_loop3A_439] : memref<8192xf32, #tpu.memory_space<vmem>>[vector<16xi32>], vector<16xf32>,
        %parallel_loop3A_441 = arith.constant 784 : i32
        %parallel_loop3A_442 = vector.broadcast %parallel_loop3A_441 : i32 to vector<16xi32>
        %parallel_loop3A_443 = arith.addi %parallel_loop3A_50, %parallel_loop3A_442 : vector<16xi32>
        %parallel_loop3A_444 = tpu.vector_load_idx %arg5[%parallel_loop3A_443] : memref<8192xf32, #tpu.memory_space<vmem>>[vector<16xi32>], vector<16xf32>,
        %parallel_loop3A_445 = arith.constant 800 : i32
        %parallel_loop3A_446 = vector.broadcast %parallel_loop3A_445 : i32 to vector<16xi32>
        %parallel_loop3A_447 = arith.addi %parallel_loop3A_50, %parallel_loop3A_446 : vector<16xi32>
        %parallel_loop3A_448 = tpu.vector_load_idx %arg5[%parallel_loop3A_447] : memref<8192xf32, #tpu.memory_space<vmem>>[vector<16xi32>], vector<16xf32>,
        %parallel_loop3A_449 = arith.constant 816 : i32
        %parallel_loop3A_450 = vector.broadcast %parallel_loop3A_449 : i32 to vector<16xi32>
        %parallel_loop3A_451 = arith.addi %parallel_loop3A_50, %parallel_loop3A_450 : vector<16xi32>
        %parallel_loop3A_452 = tpu.vector_load_idx %arg5[%parallel_loop3A_451] : memref<8192xf32, #tpu.memory_space<vmem>>[vector<16xi32>], vector<16xf32>,
        %parallel_loop3A_453 = arith.constant 832 : i32
        %parallel_loop3A_454 = vector.broadcast %parallel_loop3A_453 : i32 to vector<16xi32>
        %parallel_loop3A_455 = arith.addi %parallel_loop3A_50, %parallel_loop3A_454 : vector<16xi32>
        %parallel_loop3A_456 = tpu.vector_load_idx %arg5[%parallel_loop3A_455] : memref<8192xf32, #tpu.memory_space<vmem>>[vector<16xi32>], vector<16xf32>,
        %parallel_loop3A_457 = arith.constant 848 : i32
        %parallel_loop3A_458 = vector.broadcast %parallel_loop3A_457 : i32 to vector<16xi32>
        %parallel_loop3A_459 = arith.addi %parallel_loop3A_50, %parallel_loop3A_458 : vector<16xi32>
        %parallel_loop3A_460 = tpu.vector_load_idx %arg5[%parallel_loop3A_459] : memref<8192xf32, #tpu.memory_space<vmem>>[vector<16xi32>], vector<16xf32>,
        %parallel_loop3A_461 = arith.constant 864 : i32
        %parallel_loop3A_462 = vector.broadcast %parallel_loop3A_461 : i32 to vector<16xi32>
        %parallel_loop3A_463 = arith.addi %parallel_loop3A_50, %parallel_loop3A_462 : vector<16xi32>
        %parallel_loop3A_464 = tpu.vector_load_idx %arg5[%parallel_loop3A_463] : memref<8192xf32, #tpu.memory_space<vmem>>[vector<16xi32>], vector<16xf32>,
        %parallel_loop3A_465 = arith.constant 880 : i32
        %parallel_loop3A_466 = vector.broadcast %parallel_loop3A_465 : i32 to vector<16xi32>
        %parallel_loop3A_467 = arith.addi %parallel_loop3A_50, %parallel_loop3A_466 : vector<16xi32>
        %parallel_loop3A_468 = tpu.vector_load_idx %arg5[%parallel_loop3A_467] : memref<8192xf32, #tpu.memory_space<vmem>>[vector<16xi32>], vector<16xf32>,
        %parallel_loop3A_469 = arith.constant 768 : i32
        %parallel_loop3A_470 = arith.addi %parallel_loop3A_52, %parallel_loop3A_469 : i32
        %parallel_loop3A_471 = arith.index_cast %parallel_loop3A_470 : i32 to index
        %parallel_loop3A_472 = tpu.vector_load %arg8[%parallel_loop3A_471] {strides = array<i32>} : memref<32768xf32, #tpu.memory_space<vmem>>, vector<16xf32>,
        tpu.vector_store %arg8[%parallel_loop3A_471], %parallel_loop3A_440 {strides = array<i32>} : memref<32768xf32, #tpu.memory_space<vmem>>, vector<16xf32>,
        %parallel_loop3A_473 = arith.constant 784 : i32
        %parallel_loop3A_474 = arith.addi %parallel_loop3A_52, %parallel_loop3A_473 : i32
        %parallel_loop3A_475 = arith.index_cast %parallel_loop3A_474 : i32 to index
        %parallel_loop3A_476 = tpu.vector_load %arg8[%parallel_loop3A_475] {strides = array<i32>} : memref<32768xf32, #tpu.memory_space<vmem>>, vector<16xf32>,
        tpu.vector_store %arg8[%parallel_loop3A_475], %parallel_loop3A_444 {strides = array<i32>} : memref<32768xf32, #tpu.memory_space<vmem>>, vector<16xf32>,
        %parallel_loop3A_477 = arith.constant 800 : i32
        %parallel_loop3A_478 = arith.addi %parallel_loop3A_52, %parallel_loop3A_477 : i32
        %parallel_loop3A_479 = arith.index_cast %parallel_loop3A_478 : i32 to index
        %parallel_loop3A_480 = tpu.vector_load %arg8[%parallel_loop3A_479] {strides = array<i32>} : memref<32768xf32, #tpu.memory_space<vmem>>, vector<16xf32>,
        tpu.vector_store %arg8[%parallel_loop3A_479], %parallel_loop3A_448 {strides = array<i32>} : memref<32768xf32, #tpu.memory_space<vmem>>, vector<16xf32>,
        %parallel_loop3A_481 = arith.constant 816 : i32
        %parallel_loop3A_482 = arith.addi %parallel_loop3A_52, %parallel_loop3A_481 : i32
        %parallel_loop3A_483 = arith.index_cast %parallel_loop3A_482 : i32 to index
        %parallel_loop3A_484 = tpu.vector_load %arg8[%parallel_loop3A_483] {strides = array<i32>} : memref<32768xf32, #tpu.memory_space<vmem>>, vector<16xf32>,
        tpu.vector_store %arg8[%parallel_loop3A_483], %parallel_loop3A_452 {strides = array<i32>} : memref<32768xf32, #tpu.memory_space<vmem>>, vector<16xf32>,
        %parallel_loop3A_485 = arith.constant 832 : i32
        %parallel_loop3A_486 = arith.addi %parallel_loop3A_52, %parallel_loop3A_485 : i32
        %parallel_loop3A_487 = arith.index_cast %parallel_loop3A_486 : i32 to index
        %parallel_loop3A_488 = tpu.vector_load %arg8[%parallel_loop3A_487] {strides = array<i32>} : memref<32768xf32, #tpu.memory_space<vmem>>, vector<16xf32>,
        tpu.vector_store %arg8[%parallel_loop3A_487], %parallel_loop3A_456 {strides = array<i32>} : memref<32768xf32, #tpu.memory_space<vmem>>, vector<16xf32>,
        %parallel_loop3A_489 = arith.constant 848 : i32
        %parallel_loop3A_490 = arith.addi %parallel_loop3A_52, %parallel_loop3A_489 : i32
        %parallel_loop3A_491 = arith.index_cast %parallel_loop3A_490 : i32 to index
        %parallel_loop3A_492 = tpu.vector_load %arg8[%parallel_loop3A_491] {strides = array<i32>} : memref<32768xf32, #tpu.memory_space<vmem>>, vector<16xf32>,
        tpu.vector_store %arg8[%parallel_loop3A_491], %parallel_loop3A_460 {strides = array<i32>} : memref<32768xf32, #tpu.memory_space<vmem>>, vector<16xf32>,
        %parallel_loop3A_493 = arith.constant 864 : i32
        %parallel_loop3A_494 = arith.addi %parallel_loop3A_52, %parallel_loop3A_493 : i32
        %parallel_loop3A_495 = arith.index_cast %parallel_loop3A_494 : i32 to index
        %parallel_loop3A_496 = tpu.vector_load %arg8[%parallel_loop3A_495] {strides = array<i32>} : memref<32768xf32, #tpu.memory_space<vmem>>, vector<16xf32>,
        tpu.vector_store %arg8[%parallel_loop3A_495], %parallel_loop3A_464 {strides = array<i32>} : memref<32768xf32, #tpu.memory_space<vmem>>, vector<16xf32>,
        %parallel_loop3A_497 = arith.constant 880 : i32
        %parallel_loop3A_498 = arith.addi %parallel_loop3A_52, %parallel_loop3A_497 : i32
        %parallel_loop3A_499 = arith.index_cast %parallel_loop3A_498 : i32 to index
        %parallel_loop3A_500 = tpu.vector_load %arg8[%parallel_loop3A_499] {strides = array<i32>} : memref<32768xf32, #tpu.memory_space<vmem>>, vector<16xf32>,
        tpu.vector_store %arg8[%parallel_loop3A_499], %parallel_loop3A_468 {strides = array<i32>} : memref<32768xf32, #tpu.memory_space<vmem>>, vector<16xf32>,
        %parallel_loop3A_501 = arith.constant 896 : i32
        %parallel_loop3A_502 = vector.broadcast %parallel_loop3A_501 : i32 to vector<16xi32>
        %parallel_loop3A_503 = arith.addi %parallel_loop3A_50, %parallel_loop3A_502 : vector<16xi32>
        %parallel_loop3A_504 = tpu.vector_load_idx %arg5[%parallel_loop3A_503] : memref<8192xf32, #tpu.memory_space<vmem>>[vector<16xi32>], vector<16xf32>,
        %parallel_loop3A_505 = arith.constant 912 : i32
        %parallel_loop3A_506 = vector.broadcast %parallel_loop3A_505 : i32 to vector<16xi32>
        %parallel_loop3A_507 = arith.addi %parallel_loop3A_50, %parallel_loop3A_506 : vector<16xi32>
        %parallel_loop3A_508 = tpu.vector_load_idx %arg5[%parallel_loop3A_507] : memref<8192xf32, #tpu.memory_space<vmem>>[vector<16xi32>], vector<16xf32>,
        %parallel_loop3A_509 = arith.constant 928 : i32
        %parallel_loop3A_510 = vector.broadcast %parallel_loop3A_509 : i32 to vector<16xi32>
        %parallel_loop3A_511 = arith.addi %parallel_loop3A_50, %parallel_loop3A_510 : vector<16xi32>
        %parallel_loop3A_512 = tpu.vector_load_idx %arg5[%parallel_loop3A_511] : memref<8192xf32, #tpu.memory_space<vmem>>[vector<16xi32>], vector<16xf32>,
        %parallel_loop3A_513 = arith.constant 944 : i32
        %parallel_loop3A_514 = vector.broadcast %parallel_loop3A_513 : i32 to vector<16xi32>
        %parallel_loop3A_515 = arith.addi %parallel_loop3A_50, %parallel_loop3A_514 : vector<16xi32>
        %parallel_loop3A_516 = tpu.vector_load_idx %arg5[%parallel_loop3A_515] : memref<8192xf32, #tpu.memory_space<vmem>>[vector<16xi32>], vector<16xf32>,
        %parallel_loop3A_517 = arith.constant 960 : i32
        %parallel_loop3A_518 = vector.broadcast %parallel_loop3A_517 : i32 to vector<16xi32>
        %parallel_loop3A_519 = arith.addi %parallel_loop3A_50, %parallel_loop3A_518 : vector<16xi32>
        %parallel_loop3A_520 = tpu.vector_load_idx %arg5[%parallel_loop3A_519] : memref<8192xf32, #tpu.memory_space<vmem>>[vector<16xi32>], vector<16xf32>,
        %parallel_loop3A_521 = arith.constant 976 : i32
        %parallel_loop3A_522 = vector.broadcast %parallel_loop3A_521 : i32 to vector<16xi32>
        %parallel_loop3A_523 = arith.addi %parallel_loop3A_50, %parallel_loop3A_522 : vector<16xi32>
        %parallel_loop3A_524 = tpu.vector_load_idx %arg5[%parallel_loop3A_523] : memref<8192xf32, #tpu.memory_space<vmem>>[vector<16xi32>], vector<16xf32>,
        %parallel_loop3A_525 = arith.constant 992 : i32
        %parallel_loop3A_526 = vector.broadcast %parallel_loop3A_525 : i32 to vector<16xi32>
        %parallel_loop3A_527 = arith.addi %parallel_loop3A_50, %parallel_loop3A_526 : vector<16xi32>
        %parallel_loop3A_528 = tpu.vector_load_idx %arg5[%parallel_loop3A_527] : memref<8192xf32, #tpu.memory_space<vmem>>[vector<16xi32>], vector<16xf32>,
        %parallel_loop3A_529 = arith.constant 1008 : i32
        %parallel_loop3A_530 = vector.broadcast %parallel_loop3A_529 : i32 to vector<16xi32>
        %parallel_loop3A_531 = arith.addi %parallel_loop3A_50, %parallel_loop3A_530 : vector<16xi32>
        %parallel_loop3A_532 = tpu.vector_load_idx %arg5[%parallel_loop3A_531] : memref<8192xf32, #tpu.memory_space<vmem>>[vector<16xi32>], vector<16xf32>,
        %parallel_loop3A_533 = arith.constant 896 : i32
        %parallel_loop3A_534 = arith.addi %parallel_loop3A_52, %parallel_loop3A_533 : i32
        %parallel_loop3A_535 = arith.index_cast %parallel_loop3A_534 : i32 to index
        %parallel_loop3A_536 = tpu.vector_load %arg8[%parallel_loop3A_535] {strides = array<i32>} : memref<32768xf32, #tpu.memory_space<vmem>>, vector<16xf32>,
        tpu.vector_store %arg8[%parallel_loop3A_535], %parallel_loop3A_504 {strides = array<i32>} : memref<32768xf32, #tpu.memory_space<vmem>>, vector<16xf32>,
        %parallel_loop3A_537 = arith.constant 912 : i32
        %parallel_loop3A_538 = arith.addi %parallel_loop3A_52, %parallel_loop3A_537 : i32
        %parallel_loop3A_539 = arith.index_cast %parallel_loop3A_538 : i32 to index
        %parallel_loop3A_540 = tpu.vector_load %arg8[%parallel_loop3A_539] {strides = array<i32>} : memref<32768xf32, #tpu.memory_space<vmem>>, vector<16xf32>,
        tpu.vector_store %arg8[%parallel_loop3A_539], %parallel_loop3A_508 {strides = array<i32>} : memref<32768xf32, #tpu.memory_space<vmem>>, vector<16xf32>,
        %parallel_loop3A_541 = arith.constant 928 : i32
        %parallel_loop3A_542 = arith.addi %parallel_loop3A_52, %parallel_loop3A_541 : i32
        %parallel_loop3A_543 = arith.index_cast %parallel_loop3A_542 : i32 to index
        %parallel_loop3A_544 = tpu.vector_load %arg8[%parallel_loop3A_543] {strides = array<i32>} : memref<32768xf32, #tpu.memory_space<vmem>>, vector<16xf32>,
        tpu.vector_store %arg8[%parallel_loop3A_543], %parallel_loop3A_512 {strides = array<i32>} : memref<32768xf32, #tpu.memory_space<vmem>>, vector<16xf32>,
        %parallel_loop3A_545 = arith.constant 944 : i32
        %parallel_loop3A_546 = arith.addi %parallel_loop3A_52, %parallel_loop3A_545 : i32
        %parallel_loop3A_547 = arith.index_cast %parallel_loop3A_546 : i32 to index
        %parallel_loop3A_548 = tpu.vector_load %arg8[%parallel_loop3A_547] {strides = array<i32>} : memref<32768xf32, #tpu.memory_space<vmem>>, vector<16xf32>,
        tpu.vector_store %arg8[%parallel_loop3A_547], %parallel_loop3A_516 {strides = array<i32>} : memref<32768xf32, #tpu.memory_space<vmem>>, vector<16xf32>,
        %parallel_loop3A_549 = arith.constant 960 : i32
        %parallel_loop3A_550 = arith.addi %parallel_loop3A_52, %parallel_loop3A_549 : i32
        %parallel_loop3A_551 = arith.index_cast %parallel_loop3A_550 : i32 to index
        %parallel_loop3A_552 = tpu.vector_load %arg8[%parallel_loop3A_551] {strides = array<i32>} : memref<32768xf32, #tpu.memory_space<vmem>>, vector<16xf32>,
        tpu.vector_store %arg8[%parallel_loop3A_551], %parallel_loop3A_520 {strides = array<i32>} : memref<32768xf32, #tpu.memory_space<vmem>>, vector<16xf32>,
        %parallel_loop3A_553 = arith.constant 976 : i32
        %parallel_loop3A_554 = arith.addi %parallel_loop3A_52, %parallel_loop3A_553 : i32
        %parallel_loop3A_555 = arith.index_cast %parallel_loop3A_554 : i32 to index
        %parallel_loop3A_556 = tpu.vector_load %arg8[%parallel_loop3A_555] {strides = array<i32>} : memref<32768xf32, #tpu.memory_space<vmem>>, vector<16xf32>,
        tpu.vector_store %arg8[%parallel_loop3A_555], %parallel_loop3A_524 {strides = array<i32>} : memref<32768xf32, #tpu.memory_space<vmem>>, vector<16xf32>,
        %parallel_loop3A_557 = arith.constant 992 : i32
        %parallel_loop3A_558 = arith.addi %parallel_loop3A_52, %parallel_loop3A_557 : i32
        %parallel_loop3A_559 = arith.index_cast %parallel_loop3A_558 : i32 to index
        %parallel_loop3A_560 = tpu.vector_load %arg8[%parallel_loop3A_559] {strides = array<i32>} : memref<32768xf32, #tpu.memory_space<vmem>>, vector<16xf32>,
        tpu.vector_store %arg8[%parallel_loop3A_559], %parallel_loop3A_528 {strides = array<i32>} : memref<32768xf32, #tpu.memory_space<vmem>>, vector<16xf32>,
        %parallel_loop3A_561 = arith.constant 1008 : i32
        %parallel_loop3A_562 = arith.addi %parallel_loop3A_52, %parallel_loop3A_561 : i32
        %parallel_loop3A_563 = arith.index_cast %parallel_loop3A_562 : i32 to index
        %parallel_loop3A_564 = tpu.vector_load %arg8[%parallel_loop3A_563] {strides = array<i32>} : memref<32768xf32, #tpu.memory_space<vmem>>, vector<16xf32>,
        tpu.vector_store %arg8[%parallel_loop3A_563], %parallel_loop3A_532 {strides = array<i32>} : memref<32768xf32, #tpu.memory_space<vmem>>, vector<16xf32>,
      } {sc.loop_unroll_factor = 2 : i64, sc.parallel_access}
      %mul3A_40 = arith.constant 1024 : i32
      %mul3A_41 = arith.muli %add3A_31, %mul3A_40 : i32
      %add3A_42 = arith.addi %mul3A_4, %mul3A_41 : i32
      %dma_start3A_43 = tpu.memref_slice %arg4[%add3A_42] : memref<16777216xf32, #tpu.memory_space<hbm>> -> memref<32768xf32, #tpu.memory_space<hbm>>
      %dma_start3A_44 = tpu.memref_slice %arg4[%add3A_42] : memref<16777216xf32, #tpu.memory_space<hbm>> -> memref<32768xf32, #tpu.memory_space<hbm>>
      tpu.enqueue_dma source(%arg8 : memref<32768xf32, #tpu.memory_space<vmem>>) target(%dma_start3A_44 : memref<32768xf32, #tpu.memory_space<hbm>>) target_semaphore(%arg10 : memref<!tpu.dma_semaphore, #tpu.memory_space<semaphore_mem>>)
    }
    %scan3A_13 = arith.constant 8 : i32
    %dma_wait3A = tpu.memref_slice %arg4[%mul3A_4] : memref<16777216xf32, #tpu.memory_space<hbm>> -> memref<32768xf32, #tpu.memory_space<hbm>>
    %dma_wait3A_14 = tpu.memref_slice %arg4[%mul3A_4] : memref<16777216xf32, #tpu.memory_space<hbm>> -> memref<32768xf32, #tpu.memory_space<hbm>>
    tpu.wait_dma2 semaphore(%arg9 : memref<!tpu.dma_semaphore, #tpu.memory_space<semaphore_mem>>) src(%arg7 : memref<32768xf32, #tpu.memory_space<vmem>>) dst(%dma_wait3A_14 : memref<32768xf32, #tpu.memory_space<hbm>>)
    %dma_wait3A_15 = tpu.memref_slice %arg4[%mul3A_4] : memref<16777216xf32, #tpu.memory_space<hbm>> -> memref<32768xf32, #tpu.memory_space<hbm>>
    %dma_wait3A_16 = tpu.memref_slice %arg4[%mul3A_4] : memref<16777216xf32, #tpu.memory_space<hbm>> -> memref<32768xf32, #tpu.memory_space<hbm>>
    tpu.wait_dma2 semaphore(%arg10 : memref<!tpu.dma_semaphore, #tpu.memory_space<semaphore_mem>>) src(%arg8 : memref<32768xf32, #tpu.memory_space<vmem>>) dst(%dma_wait3A_16 : memref<32768xf32, #tpu.memory_space<hbm>>)
    return
  }
}

module attributes {stable_mosaic.version = 14 : i64} {
  func.func @_p_kernel(%arg0: memref<8x128xf32, #tpu.memory_space<vmem>>, %arg1: memref<1024x128xf32, #tpu.memory_space<vmem>>, %arg2: memref<8x1024xf32, #tpu.memory_space<vmem>>) attributes {dimension_semantics = [], scalar_prefetch = 0 : i64, scratch_operands = 0 : i64, tpu.core_type = #tpu.core_type<tc>} {
    %get3A = arith.constant 0 : index
    %get3A_0 = arith.constant 0 : index
    %get3A_1 = vector.load %arg0[%get3A, %get3A_0] : memref<8x128xf32, #tpu.memory_space<vmem>>, vector<8x128xf32>
    %get3A_2 = arith.constant 0 : index
    %get3A_3 = arith.constant 0 : index
    %get3A_4 = vector.load %arg1[%get3A_2, %get3A_3] : memref<1024x128xf32, #tpu.memory_space<vmem>>, vector<1024x128xf32>
    %dot_general3A = arith.constant dense<0.000000e+00> : vector<8x1024xf32>
    %dot_general3A_5 = tpu.matmul %get3A_1, %get3A_4, %dot_general3A {dimension_numbers = #tpu.dot_dimension_numbers<[1], [1], [0], [0], [0, 0, 1, 0], [], []>, transpose_lhs_hint = false} : vector<8x128xf32>, vector<1024x128xf32>, vector<8x1024xf32> -> vector<8x1024xf32>
    %swap3A = arith.constant 0 : index
    %swap3A_6 = arith.constant 0 : index
    %swap3A_7 = vector.load %arg2[%swap3A, %swap3A_6] : memref<8x1024xf32, #tpu.memory_space<vmem>>, vector<8x1024xf32>
    tpu.vector_store %arg2[%swap3A, %swap3A_6], %dot_general3A_5 {strides = array<i32>} : memref<8x1024xf32, #tpu.memory_space<vmem>>, vector<8x1024xf32>,
    return
  }
}

</mosaic_0001>

<sc_bundles>
// kernel: kernel.4.cloned.1.call-start
scs
__scs_entry_jumppad:
0x0: {  	(pc) =	sbr.rel $0x88, $3  }
0x1: {  	(tag) =	ssettag $0x0;
	lr =	simm.s32 $0x1  }
0x2: {  	[smem:$0x3F9E] =	sst lr;
	_ =	strace $0xD0000000  }
0x3: {  	_ = 	snop  }
0x4: {  	_ = 	snop  }
0x5: {  	_ = 	snop  }
0x6: {  	_ = 	snop  }
0x7: {  	_ = 	snop  }
__scs_overlays_trampoline_lowered:
0x8: {  	[smem:$0x3FAD] =	sst s0  }
0x9: {  	[smem:$0x3FAE] =	sst s1  }
0xa: {  	[smem:$0x3FAF] =	sst s2  }
0xb: {  	[smem:$0x3FB0] =	sst s3  }
0xc: {  	[smem:$0x3FB1] =	sst s4  }
0xd: {  	[smem:$0x3FB2] =	sst s5  }
0xe: {  	[smem:$0x3FB3] =	sst s6  }
0xf: {  	[smem:$0x3FB4] =	sst s7  }
0x10: {  	[smem:$0x3FB5] =	sst s8  }
0x11: {  	[smem:$0x3FB6] =	sst s9;
	s0 =	simm.s32 @!p0 $0x0  }
0x12: {  	s1 =	sld [smem:$0x3F9C];
	s0 =	simm.s32 @p0 $0x1  }
0x13: {  	[smem:$0x3FB7] =	sst s0;
	s0 =	simm.s32 @!p1 $0x0  }
0x14: {  	s2 =	sld [smem:$0x3F9B];
	s0 =	simm.s32 @p1 $0x1  }
0x15: {  	[smem:$0x3FB8] =	sst s0;
	s0 =	simm.s32 @!p2 $0x0  }
0x16: {  	s3 =	sld [smem:$0x3FDB];
	s0 =	simm.s32 @p2 $0x1  }
0x17: {  	s4 =	simm.s32 $0x1BF5;
	[smem:$0x3FBA] =	sst s0  }
0x18: {  	s0 =	sld [smem:$0x3F9D];
	_ =	swait.ge [sflag:s4], $0x0  }
0x19: {  	s7 =	sld [smem:$0x3F9E]  }
0x1a: {  	s8 =	sadd.s32 $0xFFFFE003, lr  }
0x1b: {  	s9 =	sadd.s32 $0xFFFFFEF7, lr;
	s5 =	simm.s32 $0xFFFFFFFF;
	p2 =	slt.u32 s8, $0xFFFFF086  }
0x1c: {  	p1 =	slt.u32 s9, $0xF7A;
	s5 =	simm.s32 @!p2 $0x0  }
0x1d: {  	s5 =	simm.s32 @p1 $0x1;
	p0 =	seq.s32 s7, s2  }
0x1e: {  	s7 =	smul.u32 @!p0 $0xF7A, s2;
	p2 =	seq.s32 @!p0 s5, $0x0  }
0x1f: {  	s9 =	smul.u32 $0xF7A, s1;
	s8 =	simm.s32 @!p0 $0x1BF5;
	p2 =	por !p2, p0  }
0x20: {  	[sflag:s8] =	ssyncset.s32 @!p0 $0xFFFFF086;
	s6 =	sadd.s32 @!p0 s3, s7;
	s7 =	simm.s32 @!p0 $0x108  }
0x21: {  	s3 =	sadd.s32 s3, s9;
	s6 =	sadd.s32 @!p0 $0x88, s6;
	s7 =	simm.s32 @p2 $0x1082  }
0x22: {  	[simem:s7], [sflag:s8] =	dma.local @!p0 [hbm:s6], $0xF7A  }
0x23: {  	s9 =	sor.u32 $0xD0000000, s2;
	s6 =	simm.s32 $0x108;
	_ =	swait.ge @!p0 [sflag:s8], $0x0  }
0x24: {  	s3 =	sadd.s32 $0x88, s3;
	s6 =	simm.s32 @!p1 $0x1082;
	[sflag:s4] =	ssyncset.s32 $0xFFFFF086  }
0x25: {  	[simem:s6], [sflag:s4] =	dma.local [hbm:s3], $0xF7A  }
0x26: {  	[smem:$0x3F9E] =	sst s1;
	(tag) =	ssettag s2;
	_ =	strace s9  }
0x27: {  	s1 =	sld [smem:$0x3FAE]  }
0x28: {  	s2 =	sld [smem:$0x3FAF]  }
0x29: {  	s4 =	sld [smem:$0x3FB1]  }
0x2a: {  	p0 =	seq.s32 s5, $0x0;
	s5 =	sld [smem:$0x3FB2]  }
0x2b: {  	s6 =	sld [smem:$0x3FB3]  }
0x2c: {  	s7 =	sld [smem:$0x3FB4]  }
0x2d: {  	s3 =	simm.s32 $0x108;
	s8 =	sld [smem:$0x3FB5]  }
0x2e: {  	s3 =	simm.s32 @!p0 $0x1082;
	s9 =	sld [smem:$0x3FB6]  }
0x2f: {  	lr =	sadd.s32 s0, s3;
	s0 =	sld [smem:$0x3FAD]  }
0x30: {  	s3 =	sld [smem:$0x3FB0]  }
0x31: {  	[smem:$0x3FB9] =	sst s10  }
0x32: {  	s10 =	sld [smem:$0x3FB7];
	_ =	sdelay $0x3  }
0x33: {  	p0 =	seq.s32 s10, $0x1;
	s10 =	sld [smem:$0x3FB9];
	_ =	sdelay $0x3  }
0x34: {  	[smem:$0x3FB9] =	sst s10  }
0x35: {  	s10 =	sld [smem:$0x3FB8];
	_ =	sdelay $0x3  }
0x36: {  	p1 =	seq.s32 s10, $0x1;
	s10 =	sld [smem:$0x3FB9];
	_ =	sdelay $0x3  }
0x37: {  	[smem:$0x3FB9] =	sst s10  }
0x38: {  	s10 =	sld [smem:$0x3FBA]  }
0x39: {  	_ = 	snop;
	(pc) =	sbr.ind lr, $3  }
0x3a: {  	_ = 	snop  }
0x3b: {  	_ = 	snop  }
0x3c: {  	p2 =	seq.s32 s10, $0x1;
	s10 =	sld [smem:$0x3FB9]  }
0x3d: {  	_ =	shalt  }
0x3e: {  	_ =	shalt  }
0x3f: {  	_ =	shalt  }
0x40: {  	_ =	shalt  }
0x41: {  	_ =	shalt  }
0x42: {  	_ =	shalt  }
0x43: {  	_ =	shalt  }
0x44: {  	_ =	shalt  }
0x45: {  	_ =	shalt  }
0x46: {  	_ =	shalt  }
0x47: {  	_ =	shalt  }
0x48: {  	_ =	shalt  }
0x49: {  	_ =	shalt  }
0x4a: {  	_ =	shalt  }
0x4b: {  	_ =	shalt  }
0x4c: {  	_ =	shalt  }
0x4d: {  	_ =	shalt  }
0x4e: {  	_ =	shalt  }
0x4f: {  	_ =	shalt  }
0x50: {  	_ =	shalt  }
0x51: {  	_ =	shalt  }
0x52: {  	_ =	shalt  }
0x53: {  	_ =	shalt  }
0x54: {  	_ =	shalt  }
0x55: {  	_ =	shalt  }
0x56: {  	_ =	shalt  }
0x57: {  	_ =	shalt  }
0x58: {  	_ =	shalt  }
0x59: {  	_ =	shalt  }
0x5a: {  	_ =	shalt  }
0x5b: {  	_ =	shalt  }
0x5c: {  	_ =	shalt  }
0x5d: {  	_ =	shalt  }
0x5e: {  	_ =	shalt  }
0x5f: {  	_ =	shalt  }
0x60: {  	_ =	shalt  }
0x61: {  	_ =	shalt  }
0x62: {  	_ =	shalt  }
0x63: {  	_ =	shalt  }
0x64: {  	_ =	shalt  }
0x65: {  	_ =	shalt  }
0x66: {  	_ =	shalt  }
0x67: {  	_ =	shalt  }
0x68: {  	_ =	shalt  }
0x69: {  	_ =	shalt  }
0x6a: {  	_ =	shalt  }
0x6b: {  	_ =	shalt  }
0x6c: {  	_ =	shalt  }
0x6d: {  	_ =	shalt  }
0x6e: {  	_ =	shalt  }
0x6f: {  	_ =	shalt  }
0x70: {  	_ =	shalt  }
0x71: {  	_ =	shalt  }
0x72: {  	_ =	shalt  }
0x73: {  	_ =	shalt  }
0x74: {  	_ =	shalt  }
0x75: {  	_ =	shalt  }
0x76: {  	_ =	shalt  }
0x77: {  	_ =	shalt  }
0x78: {  	_ =	shalt  }
0x79: {  	_ =	shalt  }
0x7a: {  	_ =	shalt  }
0x7b: {  	_ =	shalt  }
0x7c: {  	_ =	shalt  }
0x7d: {  	_ =	shalt  }
0x7e: {  	_ =	shalt  }
0x7f: {  	_ =	shalt  }
0x80: {  	_ =	shalt  }
0x81: {  	_ =	shalt  }
0x82: {  	_ =	shalt  }
0x83: {  	_ =	shalt  }
0x84: {  	_ =	shalt  }
0x85: {  	_ =	shalt  }
0x86: {  	_ =	shalt  }
0x87: {  	_ =	shalt  }
.Lfunc_end0:
.L_simem_size_0:
called_computation_lowered:
.L_overlay_start_0:
0x88: {  	s2 =	sld [smem:$0x3FD9]  }
0x89: {  	s3 =	sld [smem:$0x3FFE];
	_ =	sdelay $0x1  }
0x8a: {  	s1 =	srdreg.scid  }
0x8b: {  	s0 =	sand.u32 $0x1, s1  }
0x8c: {  	s17 =	sshll.u32 s0, $0xA;
	s2 =	sadd.s32 s3, s2  }
0x8d: {  	s2 =	sadd.s32 s2, s17  }
0x8e: {  	[smem:$0x3FC5] =	sst s2  }
0x8f: {  	_ = 	snop  }
0x90: {  	s2 =	sld [smem:$0x3FD0];
	(tm) =	ssettm $0x1  }
0x91: {  	s18 =	sld [smem:$0x3FFB];
	_ =	sdelay $0x3  }
0x92: {  	_ =	strace s18  }
0x93: {  	s3 =	sld [smem:$0x3FFC];
	_ =	sdelay $0x3  }
0x94: {  	_ =	strace s3  }
0x95: {  	s3 =	sld [smem:$0x3FFD];
	_ =	sdelay $0x3  }
0x96: {  	_ =	strace s3  }
0x97: {  	_ =	strace $0x8FFFFFFF  }
0x98: {  	s19 =	sld [smem:$0x3FDB];
	_ =	sdelay $0x1  }
0x99: {  	s4 =	simm.s32 $_scs_section_size  }
0x9a: {  	s5 =	simm.s32 $_size__tile_overlayer_lowered;
	s6 =	simm.s32 $_tile_overlayer_lowered  }
0x9b: {  	s22 =	simm.s32 $0x1BFF;
	s21 =	sshll.u32 s6, $0x1;
	s3 =	sadd.s32 s4, s19  }
0x9c: {  	s7 =	simm.s32 $0x0;
	s20 =	sshll.u32 s5, $0x1;
	s5 =	sadd.s32 s21, s3  }
0x9d: {  	[timem:s7], [sflag:s22] =	dma.local [hbm:s5], s20  }
0x9e: {  	_ =	swait.ge [sflag:s22], s20  }
0x9f: {  	s4 =	ssub.s32 $0x0, s20;
	[sflag:s22] =	ssyncset.done $0x0  }
0xa0: {  	[sflag:s22] =	ssyncadd.s32 s4;
	_ =	sdelay $0x1  }
0xa1: {  	s23 =	simm.s32 $0x1B8B  }
0xa2: {  	_ =	swait.ge [sflag:s23], $0x1  }
0xa3: {  	[sflag:s23] =	ssyncset.done $0x0  }
0xa4: {  	s25 =	simm.s32 $0x1B8E;
	s24 =	sld [smem:$0x3FFE];
	[sflag:s23] =	ssyncadd.s32 $0xFFFFFFFF  }
0xa5: {  	s26 =	simm.s32 $execute0_lowered;
	[smem:$0x3FD2] =	sst s25  }
0xa6: {  	s5 =	sshll.u32 s26, $0x1;
	_ =	strace $0x80000046;
	[dreg:$0x1] =	wrdreg $0xFFFFFFFF  }
0xa7: {  	s28 =	simm.s32 $_size_execute0_lowered;
	s3 =	sadd.s32 s3, s5;
	[dreg:$0x0] =	wrdreg $0x0  }
0xa8: {  	s5 =	sshll.u32 s28, $0x1;
	[dreg:$0x2] =	wrdreg s3  }
0xa9: {  	[dreg:$0x3] =	wrdreg s5  }
0xaa: {  	[dreg:$0x4] =	wrdreg $0xC0  }
0xab: {  	_ =	task [dreg:s7], $0x5FFFF  }
0xac: {  	[dreg:$0x1] =	wrdreg $0xFFFFFFFF  }
0xad: {  	[dreg:$0x0] =	wrdreg $0x60  }
0xae: {  	[dreg:$0x2] =	wrdreg s24  }
0xaf: {  	[dreg:$0x3] =	wrdreg s2  }
0xb0: {  	[dreg:$0x4] =	wrdreg $0x9  }
0xb1: {  	_ =	task.clear_ibuf [dreg:s7], $0x5FFFF;
	_ =	strace $0x90000046  }
0xb2: {  	s29 =	simm.s32 $0x9;
	_ =	strace $0x80000048  }
0xb3: {  	_ =	swait.ge [sflag:s29], $0x1  }
0xb4: {  	[sflag:s29] =	ssyncadd.s32 $0xFFFFFFFF  }
0xb5: {  	_ =	strace $0x90000048  }
0xb6: {  	_ =	sfence  }
0xb7: {  	s30 =	sld [smem:$0x0];
	_ =	sdelay $0x2  }
0xb8: {  	s31 =	sshll.u32 s1, $0xD;
	s1 =	sshrl.u32 s1, $0x2  }
0xb9: {  	s3 =	sand.u32 $0x4000, s31;
	s1 =	sadd.s32 s1, s30  }
0xba: {  	s0 =	sor.u32 s3, s0;
	s1 =	sshll.u32 s1, $0x11  }
0xbb: {  	s0 =	sor.u32 s1, s0  }
0xbc: {  	s0 =	sadd.s32 $0x8F2B, s0  }
0xbd: {  	[sflag:s0] =	ssyncadd.remote.s32 $0x1  }
0xbe: {  	_ =	sfence.sel $0xFFFF  }
0xbf: {  	[dreg:$0x0] =	wrdreg $0xFFFFFFFF;
	(pc) =	sbr.abs _section_cstart, $3  }
0xc0: {  	[dreg:$0x1] =	wrdreg $0xFFFFFFFF  }
0xc1: {  	_ =	task.clear_ibuf [dreg:s7], $0x2FFFF;
	_ =	strace $0x9FFFFFFF  }
0xc2: {  	(tm) =	ssettm $0x7FFFFFFF  }
0xc3: {  	_ =	shalt  }
tec
execute0_lowered:
.L_overlay_start_1:
0x0: {  	(tag) =	ssettag $0x1  }
0x1: {  	s4 =	rddreg [dreg:$0x0]  }
0x2: {  	s6 =	rddreg [dreg:$0x1]  }
0x3: {  	s0 =	rddreg [dreg:$0x2]  }
0x4: {  	s2 =	simm.s32 $0x0;
	s3 =	srdreg.scid;
	s1 =	stileid.u32  }
0x5: {  	s10 =	simm.s32 $0x4000;
	s11 =	simm.s32 $0xC000;
	s12 =	simm.s32 $0x1  }
0x6: {  	s13 =	simm.s32 $0x2;
	s14 =	simm.s32 $0x0;
	[smem:$0x7FF] =	sst s2  }
0x7: {  	s5 =	sand.u32 $0x1, s3;
	s3 =	sadd.s32 $0x800, s4;
	s8 =	sshll.u32 s1, $0x1  }
0x8: {  	s4 =	sadd.s32 $0xC00, s4;
	s7 =	ssub.s32 $0x2, s5;
	s8 =	sor.u32 s5, s8  }
0x9: {  	s9 =	sshrl.u32 s7, $0x1;
	s5 =	sshll.u32 s8, $0x13;
	s8 =	sshll.u32 s8, $0xA  }
0xa: {  	_ =	strace $0x80000047;
	s7 =	ssub.s32 s7, s9;
	s6 =	sadd.s32 s6, s8  }
0xb: {  	s8 =	simm.s32 $0x3;
	s9 =	simm.s32 $0x2000;
	s7 =	smax.u32 s7, $0x1  }
.LBB2_1:
0xc: {  	[tilespmem:s2], [sflag:$0x3] =	stream.linear.gather [hbm4b:s3+s2], $0x2000, $0x38;
	[tilespmem:$0x14000] =	vst v63  }
0xd: {  	_ =	swait.ge [sflag:s8], $0x2000  }
0xe: {  	[sflag:s8] =	ssyncset.done $0x0  }
0xf: {  	[sflag:s8] =	ssyncadd.s32 $0xFFFFE000  }
0x10: {  	[tilespmem:s9], [sflag:$0x3] =	stream.linear.gather [hbm4b:s6+s2], $0x2000, $0x38;
	[tilespmem:$0x14000] =	vst v63  }
0x11: {  	_ =	swait.ge [sflag:s8], $0x2000  }
0x12: {  	s15 =	simm.s32 $0x2010;
	[sflag:s8] =	ssyncset.done $0x0  }
0x13: {  	s16 =	simm.s32 $0x2210;
	s17 =	simm.s32 $0x0;
	[sflag:s8] =	ssyncadd.s32 $0xFFFFE000  }
.LBB2_2:
0x14: {  	p0 =	seq.s32 s17, $0x0  }
0x15: {  	s18 =	simm.s32 @!p0 $0x1  }
0x16: {  	_ =	swait.ge @!p0 [sflag:s18], $0x8000  }
0x17: {  	[sflag:s18] =	ssyncset.done @!p0 $0x0  }
0x18: {  	[sflag:s18] =	ssyncadd.s32 @!p0 $0xFFFF8000  }
0x19: {  	v1 =	vld [tilespmem:s15+$0x0];
	_ =	sdelay $0x4  }
0x1a: {  	v0 =	vadd.s32 $0x10, v1  }
0x1b: {  	v2 =	vadd.s32 $0x20, v1  }
0x1c: {  	v3 =	vadd.s32 $0x30, v1  }
0x1d: {  	v4 =	vadd.s32 $0x40, v1  }
0x1e: {  	v6 =	vadd.s32 $0x50, v1;
	v5 =	vld.idx.msk [tilespmem:v1+s2+$0x0], $0xffff  }
0x1f: {  	v7 =	vadd.s32 $0x60, v1;
	v0 =	vld.idx.msk [tilespmem:v0+s2+$0x0], $0xffff  }
0x20: {  	v8 =	vadd.s32 $0x70, v1;
	v2 =	vld.idx.msk [tilespmem:v2+s2+$0x0], $0xffff  }
0x21: {  	v3 =	vld.idx.msk [tilespmem:v3+s2+$0x0], $0xffff  }
0x22: {  	v4 =	vld.idx.msk [tilespmem:v4+s2+$0x0], $0xffff  }
0x23: {  	v6 =	vld.idx.msk [tilespmem:v6+s2+$0x0], $0xffff  }
0x24: {  	s19 =	simm.s32 $0x4400;
	v7 =	vld.idx.msk [tilespmem:v7+s2+$0x0], $0xffff  }
0x25: {  	v8 =	vld.idx.msk [tilespmem:v8+s2+$0x0], $0xffff;
	[tilespmem:s19+$0x0] =	vst v5  }
0x26: {  	[tilespmem:s19+$0x10] =	vst v0  }
0x27: {  	[tilespmem:s19+$0x20] =	vst v2  }
0x28: {  	v5 =	vadd.s32 $0xC0, v1;
	[tilespmem:s19+$0x30] =	vst v3  }
0x29: {  	v0 =	vadd.s32 $0x80, v1;
	[tilespmem:s19+$0x40] =	vst v4  }
0x2a: {  	v2 =	vadd.s32 $0x90, v1;
	[tilespmem:s19+$0x50] =	vst v6  }
0x2b: {  	v3 =	vadd.s32 $0xA0, v1;
	[tilespmem:s19+$0x60] =	vst v7  }
0x2c: {  	v4 =	vadd.s32 $0xB0, v1;
	[tilespmem:s19+$0x70] =	vst v8  }
0x2d: {  	v6 =	vadd.s32 $0xD0, v1;
	v5 =	vld.idx.msk [tilespmem:v5+s2+$0x0], $0xffff  }
0x2e: {  	v7 =	vadd.s32 $0xE0, v1;
	v0 =	vld.idx.msk [tilespmem:v0+s2+$0x0], $0xffff  }
0x2f: {  	v8 =	vadd.s32 $0xF0, v1;
	v2 =	vld.idx.msk [tilespmem:v2+s2+$0x0], $0xffff  }
0x30: {  	v3 =	vld.idx.msk [tilespmem:v3+s2+$0x0], $0xffff  }
0x31: {  	v4 =	vld.idx.msk [tilespmem:v4+s2+$0x0], $0xffff  }
0x32: {  	v6 =	vld.idx.msk [tilespmem:v6+s2+$0x0], $0xffff  }
0x33: {  	v7 =	vld.idx.msk [tilespmem:v7+s2+$0x0], $0xffff  }
0x34: {  	v8 =	vld.idx.msk [tilespmem:v8+s2+$0x0], $0xffff;
	[tilespmem:s19+$0xC0] =	vst v5  }
0x35: {  	[tilespmem:s19+$0x80] =	vst v0  }
0x36: {  	[tilespmem:s19+$0x90] =	vst v2  }
0x37: {  	v9 =	vadd.s32 $0x170, v1;
	[tilespmem:s19+$0xA0] =	vst v3  }
0x38: {  	v5 =	vadd.s32 $0x130, v1;
	[tilespmem:s19+$0xB0] =	vst v4  }
0x39: {  	v2 =	vadd.s32 $0x100, v1;
	[tilespmem:s19+$0xD0] =	vst v6  }
0x3a: {  	v3 =	vadd.s32 $0x110, v1;
	v0 =	vld [tilespmem:s15+$0xFFFFFFF0];
	[tilespmem:s19+$0xE0] =	vst v7  }
0x3b: {  	v4 =	vadd.s32 $0x120, v1;
	[tilespmem:s19+$0xF0] =	vst v8  }
0x3c: {  	v6 =	vadd.s32 $0x140, v1;
	v9 =	vld.idx.msk [tilespmem:v9+s2+$0x0], $0xffff  }
0x3d: {  	v7 =	vadd.s32 $0x150, v1;
	v5 =	vld.idx.msk [tilespmem:v5+s2+$0x0], $0xffff  }
0x3e: {  	v8 =	vadd.s32 $0x160, v1;
	v2 =	vld.idx.msk [tilespmem:v2+s2+$0x0], $0xffff  }
0x3f: {  	v3 =	vld.idx.msk [tilespmem:v3+s2+$0x0], $0xffff;
	v10 =	vadd.s32 $0x10, v0  }
0x40: {  	v4 =	vld.idx.msk [tilespmem:v4+s2+$0x0], $0xffff;
	v11 =	vadd.s32 $0x20, v0  }
0x41: {  	v6 =	vld.idx.msk [tilespmem:v6+s2+$0x0], $0xffff;
	v12 =	vadd.s32 $0x30, v0  }
0x42: {  	v7 =	vld.idx.msk [tilespmem:v7+s2+$0x0], $0xffff;
	v13 =	vadd.s32 $0x40, v0  }
0x43: {  	v8 =	vld.idx.msk [tilespmem:v8+s2+$0x0], $0xffff;
	v14 =	vadd.s32 $0x50, v0;
	[tilespmem:s19+$0x170] =	vst v9  }
0x44: {  	v15 =	vadd.s32 $0x60, v0;
	[tilespmem:s19+$0x130] =	vst v5;
	v10 =	vld.idx.msk [tilespmem:v10+s2+$0x0], $0xffff  }
0x45: {  	[tilespmem:s19+$0x100] =	vst v2;
	v11 =	vld.idx.msk [tilespmem:v11+s2+$0x0], $0xffff  }
0x46: {  	v2 =	vadd.s32 $0x70, v0;
	[tilespmem:s19+$0x110] =	vst v3;
	v3 =	vld.idx.msk [tilespmem:v12+s2+$0x0], $0xffff  }
0x47: {  	v5 =	vadd.s32 $0x180, v1;
	[tilespmem:s19+$0x120] =	vst v4;
	v4 =	vld.idx.msk [tilespmem:v13+s2+$0x0], $0xffff  }
0x48: {  	v12 =	vld.idx.msk [tilespmem:v14+s2+$0x0], $0xffff;
	[tilespmem:s19+$0x140] =	vst v6;
	v6 =	vadd.s32 $0x190, v1  }
0x49: {  	v13 =	vld.idx.msk [tilespmem:v15+s2+$0x0], $0xffff;
	[tilespmem:s19+$0x150] =	vst v7;
	v7 =	vadd.s32 $0x1A0, v1  }
0x4a: {  	[tilespmem:s19+$0x160] =	vst v8;
	v8 =	vadd.s32 $0x1B0, v1;
	v14 =	vld.idx.msk [tilespmem:v0+s2+$0x0], $0xffff  }
0x4b: {  	v9 =	vadd.s32 $0x1C0, v1;
	v2 =	vld.idx.msk [tilespmem:v2+s2+$0x0], $0xffff;
	[tilespmem:s19+$0xFFFFFC10] =	vst v10  }
0x4c: {  	v5 =	vld.idx.msk [tilespmem:v5+s2+$0x0], $0xffff;
	v10 =	vadd.s32 $0x1D0, v1;
	[tilespmem:s19+$0xFFFFFC20] =	vst v11  }
0x4d: {  	v6 =	vld.idx.msk [tilespmem:v6+s2+$0x0], $0xffff;
	v11 =	vadd.s32 $0x1E0, v1;
	[tilespmem:s19+$0xFFFFFC30] =	vst v3  }
0x4e: {  	v3 =	vld.idx.msk [tilespmem:v7+s2+$0x0], $0xffff;
	v7 =	vadd.s32 $0x1F0, v1;
	[tilespmem:s19+$0xFFFFFC40] =	vst v4  }
0x4f: {  	v4 =	vld.idx.msk [tilespmem:v8+s2+$0x0], $0xffff;
	[tilespmem:s19+$0xFFFFFC50] =	vst v12  }
0x50: {  	v8 =	vld.idx.msk [tilespmem:v9+s2+$0x0], $0xffff;
	[tilespmem:s19+$0xFFFFFC60] =	vst v13  }
0x51: {  	[tilespmem:s19+$0xFFFFFC00] =	vst v14;
	v10 =	vld.idx.msk [tilespmem:v10+s2+$0x0], $0xffff  }
0x52: {  	v12 =	vadd.s32 $0x90, v0;
	[tilespmem:s19+$0xFFFFFC70] =	vst v2;
	v2 =	vld.idx.msk [tilespmem:v11+s2+$0x0], $0xffff  }
0x53: {  	v13 =	vadd.s32 $0xB0, v0;
	v7 =	vld.idx.msk [tilespmem:v7+s2+$0x0], $0xffff;
	[tilespmem:s19+$0x180] =	vst v5  }
0x54: {  	[tilespmem:s19+$0x190] =	vst v6  }
0x55: {  	[tilespmem:s19+$0x1A0] =	vst v3  }
0x56: {  	[tilespmem:s19+$0x1B0] =	vst v4;
	v4 =	vadd.s32 $0x200, v1  }
0x57: {  	[tilespmem:s19+$0x1C0] =	vst v8;
	v8 =	vadd.s32 $0x210, v1;
	v3 =	vld.idx.msk [tilespmem:v12+s2+$0x0], $0xffff  }
0x58: {  	v12 =	vld.idx.msk [tilespmem:v13+s2+$0x0], $0xffff;
	v13 =	vadd.s32 $0x250, v1;
	[tilespmem:s19+$0x1D0] =	vst v10  }
0x59: {  	v14 =	vadd.s32 $0x260, v1;
	[tilespmem:s19+$0x1E0] =	vst v2  }
0x5a: {  	v15 =	vadd.s32 $0x270, v1;
	[tilespmem:s19+$0x1F0] =	vst v7  }
0x5b: {  	v10 =	vadd.s32 $0x220, v1;
	v4 =	vld.idx.msk [tilespmem:v4+s2+$0x0], $0xffff  }
0x5c: {  	v2 =	vadd.s32 $0x230, v1;
	v8 =	vld.idx.msk [tilespmem:v8+s2+$0x0], $0xffff  }
0x5d: {  	v7 =	vadd.s32 $0x240, v1;
	v13 =	vld.idx.msk [tilespmem:v13+s2+$0x0], $0xffff  }
0x5e: {  	v14 =	vld.idx.msk [tilespmem:v14+s2+$0x0], $0xffff  }
0x5f: {  	v9 =	vadd.s32 $0x80, v0;
	v15 =	vld.idx.msk [tilespmem:v15+s2+$0x0], $0xffff  }
0x60: {  	v16 =	vadd.s32 $0xE0, v0;
	v10 =	vld.idx.msk [tilespmem:v10+s2+$0x0], $0xffff  }
0x61: {  	v11 =	vadd.s32 $0xA0, v0;
	v2 =	vld.idx.msk [tilespmem:v2+s2+$0x0], $0xffff  }
0x62: {  	v5 =	vadd.s32 $0xC0, v0;
	v7 =	vld.idx.msk [tilespmem:v7+s2+$0x0], $0xffff;
	[tilespmem:s19+$0x200] =	vst v4  }
0x63: {  	v6 =	vadd.s32 $0xD0, v0;
	[tilespmem:s19+$0x210] =	vst v8  }
0x64: {  	v17 =	vadd.s32 $0xF0, v0;
	v9 =	vld.idx.msk [tilespmem:v9+s2+$0x0], $0xffff;
	[tilespmem:s19+$0x250] =	vst v13  }
0x65: {  	v16 =	vld.idx.msk [tilespmem:v16+s2+$0x0], $0xffff;
	v8 =	vadd.s32 $0x2A0, v1;
	[tilespmem:s19+$0x260] =	vst v14  }
0x66: {  	v11 =	vld.idx.msk [tilespmem:v11+s2+$0x0], $0xffff;
	[tilespmem:s19+$0x270] =	vst v15;
	v13 =	vadd.s32 $0x2C0, v1  }
0x67: {  	v5 =	vld.idx.msk [tilespmem:v5+s2+$0x0], $0xffff;
	v14 =	vadd.s32 $0x2D0, v1;
	[tilespmem:s19+$0x220] =	vst v10  }
0x68: {  	v6 =	vld.idx.msk [tilespmem:v6+s2+$0x0], $0xffff;
	v15 =	vadd.s32 $0x2E0, v1;
	[tilespmem:s19+$0x230] =	vst v2  }
0x69: {  	v4 =	vld.idx.msk [tilespmem:v17+s2+$0x0], $0xffff;
	v17 =	vadd.s32 $0x2F0, v1;
	[tilespmem:s19+$0x240] =	vst v7  }
0x6a: {  	v2 =	vadd.s32 $0x280, v1;
	v8 =	vld.idx.msk [tilespmem:v8+s2+$0x0], $0xffff  }
0x6b: {  	v7 =	vadd.s32 $0x290, v1;
	v13 =	vld.idx.msk [tilespmem:v13+s2+$0x0], $0xffff  }
0x6c: {  	v10 =	vadd.s32 $0x2B0, v1;
	v14 =	vld.idx.msk [tilespmem:v14+s2+$0x0], $0xffff  }
0x6d: {  	v15 =	vld.idx.msk [tilespmem:v15+s2+$0x0], $0xffff  }
0x6e: {  	v17 =	vld.idx.msk [tilespmem:v17+s2+$0x0], $0xffff  }
0x6f: {  	v2 =	vld.idx.msk [tilespmem:v2+s2+$0x0], $0xffff  }
0x70: {  	[tilespmem:s19+$0xFFFFFC80] =	vst v9;
	v7 =	vld.idx.msk [tilespmem:v7+s2+$0x0], $0xffff  }
0x71: {  	v10 =	vld.idx.msk [tilespmem:v10+s2+$0x0], $0xffff;
	[tilespmem:s19+$0x2A0] =	vst v8  }
0x72: {  	[tilespmem:s19+$0x2C0] =	vst v13  }
0x73: {  	[tilespmem:s19+$0x2D0] =	vst v14  }
0x74: {  	v8 =	vadd.s32 $0x320, v1;
	[tilespmem:s19+$0x2E0] =	vst v15  }
0x75: {  	[tilespmem:s19+$0x280] =	vst v2;
	v2 =	vadd.s32 $0x300, v1  }
0x76: {  	[tilespmem:s19+$0x2F0] =	vst v17  }
0x77: {  	v13 =	vadd.s32 $0x340, v1;
	[tilespmem:s19+$0x290] =	vst v7  }
0x78: {  	v9 =	vadd.s32 $0x350, v1;
	[tilespmem:s19+$0x2B0] =	vst v10  }
0x79: {  	[tilespmem:s19+$0xFFFFFC90] =	vst v3;
	v7 =	vadd.s32 $0x310, v1;
	v8 =	vld.idx.msk [tilespmem:v8+s2+$0x0], $0xffff  }
0x7a: {  	s31 =	sadd.s32 $0x20, s15;
	[tilespmem:s19+$0xFFFFFCA0] =	vst v11;
	v11 =	vadd.s32 $0x370, v1;
	v14 =	vld.idx.msk [tilespmem:v2+s2+$0x0], $0xffff  }
0x7b: {  	[tilespmem:s19+$0xFFFFFCB0] =	vst v12;
	v15 =	vadd.s32 $0x100, v0;
	v2 =	vld [tilespmem:s31+$0x0]  }
0x7c: {  	[tilespmem:s19+$0xFFFFFCC0] =	vst v5;
	v10 =	vadd.s32 $0x330, v1;
	v5 =	vld.idx.msk [tilespmem:v13+s2+$0x0], $0xffff  }
0x7d: {  	[tilespmem:s19+$0xFFFFFCD0] =	vst v6;
	v17 =	vadd.s32 $0x110, v0;
	v6 =	vld.idx.msk [tilespmem:v9+s2+$0x0], $0xffff  }
0x7e: {  	[tilespmem:s19+$0xFFFFFCE0] =	vst v16;
	v3 =	vld.idx.msk [tilespmem:v7+s2+$0x0], $0xffff;
	v7 =	vadd.s32 $0x360, v1  }
0x7f: {  	[tilespmem:s19+$0xFFFFFCF0] =	vst v4;
	v4 =	vld.idx.msk [tilespmem:v11+s2+$0x0], $0xffff  }
0x80: {  	v13 =	vld.idx.msk [tilespmem:v15+s2+$0x0], $0xffff;
	v9 =	vadd.s32 $0x10, v2  }
0x81: {  	v10 =	vld.idx.msk [tilespmem:v10+s2+$0x0], $0xffff;
	v12 =	vadd.s32 $0x20, v2  }
0x82: {  	v17 =	vld.idx.msk [tilespmem:v17+s2+$0x0], $0xffff;
	v11 =	vadd.s32 $0x30, v2  }
0x83: {  	v7 =	vld.idx.msk [tilespmem:v7+s2+$0x0], $0xffff;
	v15 =	vadd.s32 $0x40, v2;
	[tilespmem:s19+$0x300] =	vst v14  }
0x84: {  	v16 =	vadd.s32 $0x50, v2;
	[tilespmem:s19+$0x310] =	vst v3;
	v14 =	vld.idx.msk [tilespmem:v2+s2+$0x0], $0xffff  }
0x85: {  	[tilespmem:s19+$0x320] =	vst v8;
	v3 =	vld.idx.msk [tilespmem:v9+s2+$0x0], $0xffff;
	v9 =	vadd.s32 $0x60, v2  }
0x86: {  	[tilespmem:s19+$0x330] =	vst v10;
	v8 =	vld.idx.msk [tilespmem:v12+s2+$0x0], $0xffff;
	v12 =	vadd.s32 $0x70, v2  }
0x87: {  	[tilespmem:s19+$0x340] =	vst v5;
	v10 =	vld.idx.msk [tilespmem:v11+s2+$0x0], $0xffff  }
0x88: {  	[tilespmem:s19+$0x350] =	vst v6;
	v5 =	vld.idx.msk [tilespmem:v15+s2+$0x0], $0xffff  }
0x89: {  	[tilespmem:s19+$0x370] =	vst v4;
	v6 =	vld.idx.msk [tilespmem:v16+s2+$0x0], $0xffff  }
0x8a: {  	s20 =	simm.s32 $0x4C00;
	[tilespmem:s19+$0x360] =	vst v7;
	v7 =	vld.idx.msk [tilespmem:v9+s2+$0x0], $0xffff  }
0x8b: {  	v11 =	vadd.s32 $0x120, v0;
	v4 =	vld.idx.msk [tilespmem:v12+s2+$0x0], $0xffff;
	[tilespmem:s20+$0x0] =	vst v14  }
0x8c: {  	v16 =	vadd.s32 $0x140, v0;
	[tilespmem:s20+$0x10] =	vst v3  }
0x8d: {  	v15 =	vadd.s32 $0x130, v0;
	[tilespmem:s20+$0x20] =	vst v8  }
0x8e: {  	[tilespmem:s20+$0x30] =	vst v10;
	v10 =	vadd.s32 $0x80, v2  }
0x8f: {  	[tilespmem:s20+$0x40] =	vst v5;
	v5 =	vadd.s32 $0x90, v2  }
0x90: {  	[tilespmem:s20+$0x50] =	vst v6;
	v6 =	vadd.s32 $0xA0, v2;
	v11 =	vld.idx.msk [tilespmem:v11+s2+$0x0], $0xffff  }
0x91: {  	v8 =	vld.idx.msk [tilespmem:v16+s2+$0x0], $0xffff;
	v16 =	vadd.s32 $0xD0, v2;
	[tilespmem:s20+$0x60] =	vst v7  }
0x92: {  	v18 =	vadd.s32 $0xE0, v2;
	v3 =	vld.idx.msk [tilespmem:v15+s2+$0x0], $0xffff;
	[tilespmem:s20+$0x70] =	vst v4  }
0x93: {  	v19 =	vadd.s32 $0xF0, v2;
	v10 =	vld.idx.msk [tilespmem:v10+s2+$0x0], $0xffff  }
0x94: {  	v7 =	vadd.s32 $0xB0, v2;
	v5 =	vld.idx.msk [tilespmem:v5+s2+$0x0], $0xffff  }
0x95: {  	v4 =	vadd.s32 $0xC0, v2;
	v6 =	vld.idx.msk [tilespmem:v6+s2+$0x0], $0xffff  }
0x96: {  	v20 =	vadd.s32 $0x390, v1;
	v16 =	vld.idx.msk [tilespmem:v16+s2+$0x0], $0xffff  }
0x97: {  	v21 =	vadd.s32 $0x3A0, v1;
	v18 =	vld.idx.msk [tilespmem:v18+s2+$0x0], $0xffff  }
0x98: {  	v9 =	vadd.s32 $0x150, v0;
	v19 =	vld.idx.msk [tilespmem:v19+s2+$0x0], $0xffff  }
0x99: {  	v12 =	vadd.s32 $0x160, v0;
	v7 =	vld.idx.msk [tilespmem:v7+s2+$0x0], $0xffff  }
0x9a: {  	v14 =	vadd.s32 $0x380, v1;
	v22 =	vld.idx.msk [tilespmem:v4+s2+$0x0], $0xffff;
	[tilespmem:s20+$0x80] =	vst v10  }
0x9b: {  	v15 =	vadd.s32 $0x3F0, v1;
	v20 =	vld.idx.msk [tilespmem:v20+s2+$0x0], $0xffff;
	[tilespmem:s20+$0x90] =	vst v5  }
0x9c: {  	v23 =	vadd.s32 $0x3C0, v1;
	v21 =	vld.idx.msk [tilespmem:v21+s2+$0x0], $0xffff;
	[tilespmem:s20+$0xA0] =	vst v6  }
0x9d: {  	v9 =	vld.idx.msk [tilespmem:v9+s2+$0x0], $0xffff;
	v10 =	vadd.s32 $0x170, v0;
	[tilespmem:s20+$0xD0] =	vst v16  }
0x9e: {  	v12 =	vld.idx.msk [tilespmem:v12+s2+$0x0], $0xffff;
	v16 =	vadd.s32 $0x120, v2;
	[tilespmem:s20+$0xE0] =	vst v18  }
0x9f: {  	v14 =	vld.idx.msk [tilespmem:v14+s2+$0x0], $0xffff;
	[tilespmem:s20+$0xB0] =	vst v7;
	v7 =	vadd.s32 $0x100, v2  }
0xa0: {  	v15 =	vld.idx.msk [tilespmem:v15+s2+$0x0], $0xffff;
	[tilespmem:s20+$0xC0] =	vst v22;
	v22 =	vadd.s32 $0x110, v2  }
0xa1: {  	v6 =	vld.idx.msk [tilespmem:v23+s2+$0x0], $0xffff;
	v18 =	vadd.s32 $0x130, v2;
	[tilespmem:s20+$0xF0] =	vst v19  }
0xa2: {  	v19 =	vadd.s32 $0x140, v2;
	v10 =	vld.idx.msk [tilespmem:v10+s2+$0x0], $0xffff;
	[tilespmem:s19+$0xFFFFFD00] =	vst v13  }
0xa3: {  	v13 =	vadd.s32 $0x150, v2;
	[tilespmem:s19+$0xFFFFFD20] =	vst v11;
	v11 =	vld.idx.msk [tilespmem:v16+s2+$0x0], $0xffff  }
0xa4: {  	[tilespmem:s19+$0xFFFFFD10] =	vst v17;
	v16 =	vadd.s32 $0x170, v2;
	v7 =	vld.idx.msk [tilespmem:v7+s2+$0x0], $0xffff  }
0xa5: {  	[tilespmem:s19+$0xFFFFFD30] =	vst v3;
	v17 =	vld.idx.msk [tilespmem:v22+s2+$0x0], $0xffff;
	v22 =	vadd.s32 $0x160, v2  }
0xa6: {  	v4 =	vadd.s32 $0x3B0, v1;
	v3 =	vld.idx.msk [tilespmem:v18+s2+$0x0], $0xffff;
	[tilespmem:s19+$0xFFFFFD40] =	vst v8  }
0xa7: {  	v24 =	vadd.s32 $0x3D0, v1;
	v8 =	vld.idx.msk [tilespmem:v19+s2+$0x0], $0xffff;
	[tilespmem:s19+$0xFFFFFD50] =	vst v9  }
0xa8: {  	v1 =	vadd.s32 $0x3E0, v1;
	[tilespmem:s19+$0xFFFFFD60] =	vst v12;
	v9 =	vld.idx.msk [tilespmem:v13+s2+$0x0], $0xffff  }
0xa9: {  	[tilespmem:s19+$0xFFFFFD70] =	vst v10;
	v10 =	vld.idx.msk [tilespmem:v16+s2+$0x0], $0xffff  }
0xaa: {  	v19 =	vadd.s32 $0x1A0, v0;
	v12 =	vld.idx.msk [tilespmem:v22+s2+$0x0], $0xffff;
	[tilespmem:s20+$0x100] =	vst v7  }
0xab: {  	v25 =	vld.idx.msk [tilespmem:v4+s2+$0x0], $0xffff;
	v13 =	vadd.s32 $0x1B0, v0;
	[tilespmem:s20+$0x110] =	vst v17  }
0xac: {  	v4 =	vld.idx.msk [tilespmem:v24+s2+$0x0], $0xffff;
	v22 =	vadd.s32 $0x1C0, v0;
	[tilespmem:s20+$0x120] =	vst v11  }
0xad: {  	v5 =	vld.idx.msk [tilespmem:v1+s2+$0x0], $0xffff;
	[tilespmem:s20+$0x130] =	vst v3;
	v3 =	vadd.s32 $0x180, v2  }
0xae: {  	v1 =	vld [tilespmem:s31+$0xFFFFFFF0];
	[tilespmem:s20+$0x140] =	vst v8;
	v8 =	vadd.s32 $0x190, v2  }
0xaf: {  	v17 =	vld.idx.msk [tilespmem:v19+s2+$0x0], $0xffff;
	[tilespmem:s20+$0x150] =	vst v9;
	v9 =	vadd.s32 $0x1A0, v2  }
0xb0: {  	v11 =	vld.idx.msk [tilespmem:v13+s2+$0x0], $0xffff;
	[tilespmem:s20+$0x170] =	vst v10;
	v10 =	vadd.s32 $0x1C0, v2  }
0xb1: {  	v24 =	vadd.s32 $0x1E0, v2;
	v13 =	vld.idx.msk [tilespmem:v22+s2+$0x0], $0xffff;
	[tilespmem:s20+$0x160] =	vst v12  }
0xb2: {  	[tilespmem:s19+$0x3F0] =	vst v15;
	v15 =	vadd.s32 $0x1F0, v2;
	v3 =	vld.idx.msk [tilespmem:v3+s2+$0x0], $0xffff  }
0xb3: {  	v12 =	vadd.s32 $0x1B0, v2;
	v8 =	vld.idx.msk [tilespmem:v8+s2+$0x0], $0xffff  }
0xb4: {  	[tilespmem:s19+$0x380] =	vst v14;
	v22 =	vadd.s32 $0x1D0, v2;
	v9 =	vld.idx.msk [tilespmem:v9+s2+$0x0], $0xffff  }
0xb5: {  	[tilespmem:s19+$0x390] =	vst v20;
	v26 =	vadd.s32 $0x20, v1;
	v10 =	vld.idx.msk [tilespmem:v10+s2+$0x0], $0xffff  }
0xb6: {  	[tilespmem:s19+$0x3A0] =	vst v21;
	v19 =	vadd.s32 $0x10, v1;
	v24 =	vld.idx.msk [tilespmem:v24+s2+$0x0], $0xffff  }
0xb7: {  	[tilespmem:s19+$0x3C0] =	vst v6;
	v14 =	vadd.s32 $0x30, v1;
	v6 =	vld.idx.msk [tilespmem:v15+s2+$0x0], $0xffff  }
0xb8: {  	v20 =	vadd.s32 $0x40, v1;
	[tilespmem:s19+$0x3B0] =	vst v25;
	v12 =	vld.idx.msk [tilespmem:v12+s2+$0x0], $0xffff  }
0xb9: {  	v25 =	vadd.s32 $0x60, v1;
	v21 =	vld.idx.msk [tilespmem:v22+s2+$0x0], $0xffff;
	[tilespmem:s20+$0x180] =	vst v3  }
0xba: {  	v26 =	vld.idx.msk [tilespmem:v26+s2+$0x0], $0xffff;
	v15 =	vadd.s32 $0x70, v1;
	[tilespmem:s20+$0x190] =	vst v8  }
0xbb: {  	v19 =	vld.idx.msk [tilespmem:v19+s2+$0x0], $0xffff;
	v22 =	vadd.s32 $0x50, v1;
	[tilespmem:s20+$0x1A0] =	vst v9  }
0xbc: {  	v3 =	vld.idx.msk [tilespmem:v14+s2+$0x0], $0xffff;
	[tilespmem:s20+$0x1C0] =	vst v10  }
0xbd: {  	v23 =	vadd.s32 $0x180, v0;
	v14 =	vld.idx.msk [tilespmem:v20+s2+$0x0], $0xffff;
	[tilespmem:s20+$0x1E0] =	vst v24  }
0xbe: {  	v18 =	vadd.s32 $0x190, v0;
	v20 =	vld.idx.msk [tilespmem:v25+s2+$0x0], $0xffff;
	[tilespmem:s20+$0x1F0] =	vst v6  }
0xbf: {  	v15 =	vld.idx.msk [tilespmem:v15+s2+$0x0], $0xffff;
	[tilespmem:s20+$0x1B0] =	vst v12  }
0xc0: {  	v16 =	vadd.s32 $0x1D0, v0;
	v9 =	vld.idx.msk [tilespmem:v22+s2+$0x0], $0xffff;
	[tilespmem:s20+$0x1D0] =	vst v21  }
0xc1: {  	v7 =	vadd.s32 $0x1E0, v0;
	v22 =	vld.idx.msk [tilespmem:v1+s2+$0x0], $0xffff;
	[tilespmem:s20+$0xFFFFFC10] =	vst v19  }
0xc2: {  	v23 =	vld.idx.msk [tilespmem:v23+s2+$0x0], $0xffff;
	v8 =	vadd.s32 $0x1F0, v0;
	[tilespmem:s20+$0xFFFFFC20] =	vst v26  }
0xc3: {  	v18 =	vld.idx.msk [tilespmem:v18+s2+$0x0], $0xffff;
	v10 =	vadd.s32 $0x210, v2;
	[tilespmem:s20+$0xFFFFFC30] =	vst v3  }
0xc4: {  	v24 =	vadd.s32 $0x230, v2;
	[tilespmem:s20+$0xFFFFFC40] =	vst v14  }
0xc5: {  	v16 =	vld.idx.msk [tilespmem:v16+s2+$0x0], $0xffff;
	v12 =	vadd.s32 $0x200, v2;
	[tilespmem:s20+$0xFFFFFC60] =	vst v20  }
0xc6: {  	v7 =	vld.idx.msk [tilespmem:v7+s2+$0x0], $0xffff;
	v21 =	vadd.s32 $0x220, v2;
	[tilespmem:s20+$0xFFFFFC70] =	vst v15  }
0xc7: {  	v6 =	vadd.s32 $0x240, v2;
	v8 =	vld.idx.msk [tilespmem:v8+s2+$0x0], $0xffff;
	[tilespmem:s19+$0xFFFFFD80] =	vst v23  }
0xc8: {  	v25 =	vadd.s32 $0x260, v2;
	v10 =	vld.idx.msk [tilespmem:v10+s2+$0x0], $0xffff;
	[tilespmem:s19+$0xFFFFFD90] =	vst v18  }
0xc9: {  	v19 =	vadd.s32 $0x250, v2;
	v14 =	vld.idx.msk [tilespmem:v24+s2+$0x0], $0xffff;
	[tilespmem:s19+$0xFFFFFDA0] =	vst v17  }
0xca: {  	v26 =	vadd.s32 $0x80, v1;
	[tilespmem:s19+$0xFFFFFDB0] =	vst v11;
	v12 =	vld.idx.msk [tilespmem:v12+s2+$0x0], $0xffff  }
0xcb: {  	[tilespmem:s19+$0xFFFFFDC0] =	vst v13;
	v3 =	vld.idx.msk [tilespmem:v21+s2+$0x0], $0xffff;
	v21 =	vadd.s32 $0x270, v2  }
0xcc: {  	v24 =	vadd.s32 $0x90, v1;
	v6 =	vld.idx.msk [tilespmem:v6+s2+$0x0], $0xffff;
	[tilespmem:s19+$0xFFFFFDD0] =	vst v16  }
0xcd: {  	v20 =	vadd.s32 $0xB0, v1;
	v15 =	vld.idx.msk [tilespmem:v25+s2+$0x0], $0xffff;
	[tilespmem:s20+$0xFFFFFC50] =	vst v9  }
0xce: {  	v25 =	vadd.s32 $0xC0, v1;
	v19 =	vld.idx.msk [tilespmem:v19+s2+$0x0], $0xffff;
	[tilespmem:s20+$0xFFFFFC00] =	vst v22  }
0xcf: {  	[tilespmem:s19+$0xFFFFFDE0] =	vst v7;
	v9 =	vadd.s32 $0xA0, v1;
	v26 =	vld.idx.msk [tilespmem:v26+s2+$0x0], $0xffff  }
0xd0: {  	v22 =	vadd.s32 $0xD0, v1;
	v21 =	vld.idx.msk [tilespmem:v21+s2+$0x0], $0xffff;
	[tilespmem:s20+$0x200] =	vst v12  }
0xd1: {  	v24 =	vld.idx.msk [tilespmem:v24+s2+$0x0], $0xffff;
	v12 =	vadd.s32 $0xE0, v1;
	[tilespmem:s20+$0x210] =	vst v10  }
0xd2: {  	v10 =	vadd.s32 $0xF0, v1;
	[tilespmem:s20+$0x220] =	vst v3;
	v3 =	vld.idx.msk [tilespmem:v20+s2+$0x0], $0xffff  }
0xd3: {  	[tilespmem:s19+$0xFFFFFDF0] =	vst v8;
	v20 =	vld.idx.msk [tilespmem:v25+s2+$0x0], $0xffff;
	v25 =	vadd.s32 $0x200, v0  }
0xd4: {  	v9 =	vld.idx.msk [tilespmem:v9+s2+$0x0], $0xffff;
	[tilespmem:s20+$0x230] =	vst v14  }
0xd5: {  	v14 =	vadd.s32 $0x280, v2;
	[tilespmem:s20+$0x240] =	vst v6;
	v22 =	vld.idx.msk [tilespmem:v22+s2+$0x0], $0xffff  }
0xd6: {  	v6 =	vadd.s32 $0x290, v2;
	[tilespmem:s20+$0x250] =	vst v19;
	v12 =	vld.idx.msk [tilespmem:v12+s2+$0x0], $0xffff  }
0xd7: {  	v19 =	vadd.s32 $0x2A0, v2;
	[tilespmem:s20+$0x260] =	vst v15;
	v10 =	vld.idx.msk [tilespmem:v10+s2+$0x0], $0xffff  }
0xd8: {  	s18 =	sadd.s32 $0x20, s31;
	v15 =	vadd.s32 $0x2B0, v2;
	[tilespmem:s20+$0x270] =	vst v21;
	v25 =	vld.idx.msk [tilespmem:v25+s2+$0x0], $0xffff  }
0xd9: {  	v23 =	vadd.s32 $0x2D0, v2;
	[tilespmem:s20+$0xFFFFFCB0] =	vst v3;
	v3 =	vld [tilespmem:s18+$0x0]  }
0xda: {  	v18 =	vadd.s32 $0x2E0, v2;
	v14 =	vld.idx.msk [tilespmem:v14+s2+$0x0], $0xffff  }
0xdb: {  	v21 =	vadd.s32 $0x2C0, v2;
	[tilespmem:s20+$0xFFFFFC80] =	vst v26;
	v6 =	vld.idx.msk [tilespmem:v6+s2+$0x0], $0xffff  }
0xdc: {  	[tilespmem:s20+$0xFFFFFC90] =	vst v24;
	v17 =	vld.idx.msk [tilespmem:v19+s2+$0x0], $0xffff;
	v19 =	vadd.s32 $0x2F0, v2  }
0xdd: {  	[tilespmem:s20+$0xFFFFFCA0] =	vst v9;
	v11 =	vld.idx.msk [tilespmem:v15+s2+$0x0], $0xffff;
	v15 =	vadd.s32 $0x210, v0  }
0xde: {  	[tilespmem:s20+$0xFFFFFCC0] =	vst v20;
	v16 =	vld.idx.msk [tilespmem:v23+s2+$0x0], $0xffff;
	v23 =	vadd.s32 $0x230, v0  }
0xdf: {  	[tilespmem:s20+$0xFFFFFCD0] =	vst v22;
	v7 =	vld.idx.msk [tilespmem:v18+s2+$0x0], $0xffff;
	v18 =	vadd.s32 $0x240, v0  }
0xe0: {  	v20 =	vadd.s32 $0x110, v1;
	v13 =	vld.idx.msk [tilespmem:v21+s2+$0x0], $0xffff;
	[tilespmem:s20+$0xFFFFFCE0] =	vst v12  }
0xe1: {  	v21 =	vadd.s32 $0x220, v0;
	[tilespmem:s20+$0xFFFFFCF0] =	vst v10;
	v8 =	vld.idx.msk [tilespmem:v19+s2+$0x0], $0xffff  }
0xe2: {  	v19 =	vadd.s32 $0x250, v0;
	[tilespmem:s20+$0x280] =	vst v14;
	v15 =	vld.idx.msk [tilespmem:v15+s2+$0x0], $0xffff  }
0xe3: {  	v14 =	vadd.s32 $0x260, v0;
	[tilespmem:s20+$0x2A0] =	vst v17;
	v17 =	vld.idx.msk [tilespmem:v23+s2+$0x0], $0xffff  }
0xe4: {  	[tilespmem:s20+$0x290] =	vst v6;
	v6 =	vadd.s32 $0x270, v0;
	v18 =	vld.idx.msk [tilespmem:v18+s2+$0x0], $0xffff  }
0xe5: {  	[tilespmem:s20+$0x2B0] =	vst v11;
	v11 =	vadd.s32 $0x300, v2;
	v20 =	vld.idx.msk [tilespmem:v20+s2+$0x0], $0xffff  }
0xe6: {  	[tilespmem:s20+$0x2D0] =	vst v16;
	v16 =	vadd.s32 $0x320, v2;
	v21 =	vld.idx.msk [tilespmem:v21+s2+$0x0], $0xffff  }
0xe7: {  	[tilespmem:s20+$0x2E0] =	vst v7;
	v7 =	vadd.s32 $0x330, v2;
	v19 =	vld.idx.msk [tilespmem:v19+s2+$0x0], $0xffff  }
0xe8: {  	v23 =	vadd.s32 $0x350, v2;
	[tilespmem:s20+$0x2C0] =	vst v13;
	v14 =	vld.idx.msk [tilespmem:v14+s2+$0x0], $0xffff  }
0xe9: {  	v24 =	vadd.s32 $0x360, v2;
	v6 =	vld.idx.msk [tilespmem:v6+s2+$0x0], $0xffff;
	[tilespmem:s20+$0x2F0] =	vst v8  }
0xea: {  	v13 =	vadd.s32 $0x310, v2;
	v11 =	vld.idx.msk [tilespmem:v11+s2+$0x0], $0xffff  }
0xeb: {  	v8 =	vadd.s32 $0x340, v2;
	v9 =	vld.idx.msk [tilespmem:v16+s2+$0x0], $0xffff  }
0xec: {  	[tilespmem:s19+$0x3D0] =	vst v4;
	v16 =	vadd.s32 $0x370, v2;
	v7 =	vld.idx.msk [tilespmem:v7+s2+$0x0], $0xffff  }
0xed: {  	[tilespmem:s19+$0x3E0] =	vst v5;
	v4 =	vadd.s32 $0x30, v3;
	v22 =	vld.idx.msk [tilespmem:v23+s2+$0x0], $0xffff  }
0xee: {  	v26 =	vadd.s32 $0x100, v1;
	[tilespmem:s19+$0xFFFFFE10] =	vst v15;
	v12 =	vld.idx.msk [tilespmem:v24+s2+$0x0], $0xffff  }
0xef: {  	v5 =	vadd.s32 $0x40, v3;
	v13 =	vld.idx.msk [tilespmem:v13+s2+$0x0], $0xffff;
	[tilespmem:s19+$0xFFFFFE20] =	vst v21  }
0xf0: {  	v15 =	vadd.s32 $0x60, v3;
	v8 =	vld.idx.msk [tilespmem:v8+s2+$0x0], $0xffff;
	[tilespmem:s19+$0xFFFFFE60] =	vst v14  }
0xf1: {  	v23 =	vadd.s32 $0x120, v1;
	v10 =	vld.idx.msk [tilespmem:v16+s2+$0x0], $0xffff;
	[tilespmem:s20+$0x300] =	vst v11  }
0xf2: {  	v4 =	vld.idx.msk [tilespmem:v4+s2+$0x0], $0xffff;
	v24 =	vadd.s32 $0x130, v1;
	[tilespmem:s20+$0x320] =	vst v9  }
0xf3: {  	v11 =	vld.idx.msk [tilespmem:v26+s2+$0x0], $0xffff;
	v26 =	vadd.s32 $0x150, v1;
	[tilespmem:s20+$0x330] =	vst v7  }
0xf4: {  	v5 =	vld.idx.msk [tilespmem:v5+s2+$0x0], $0xffff;
	v7 =	vadd.s32 $0x380, v2;
	[tilespmem:s20+$0x350] =	vst v22  }
0xf5: {  	v14 =	vld.idx.msk [tilespmem:v15+s2+$0x0], $0xffff;
	[tilespmem:s20+$0x360] =	vst v12  }
0xf6: {  	v9 =	vld.idx.msk [tilespmem:v23+s2+$0x0], $0xffff;
	[tilespmem:s20+$0x340] =	vst v8;
	v8 =	vadd.s32 $0x3F0, v2  }
0xf7: {  	v23 =	vld.idx.msk [tilespmem:v24+s2+$0x0], $0xffff;
	v12 =	vadd.s32 $0x10, v3;
	[tilespmem:s20+$0x310] =	vst v13  }
0xf8: {  	v21 =	vadd.s32 $0x70, v3;
	v22 =	vld.idx.msk [tilespmem:v26+s2+$0x0], $0xffff;
	[tilespmem:s20+$0x370] =	vst v10  }
0xf9: {  	v16 =	vadd.s32 $0x140, v1;
	v24 =	vld.idx.msk [tilespmem:v7+s2+$0x0], $0xffff  }
0xfa: {  	v10 =	vadd.s32 $0x20, v3;
	v7 =	vld.idx.msk [tilespmem:v3+s2+$0x0], $0xffff  }
0xfb: {  	[tilespmem:s19+$0xFFFFFE00] =	vst v25;
	v26 =	vld.idx.msk [tilespmem:v8+s2+$0x0], $0xffff;
	v8 =	vadd.s32 $0x50, v3  }
0xfc: {  	[tilespmem:s19+$0xFFFFFE30] =	vst v17;
	v17 =	vadd.s32 $0x390, v2;
	v12 =	vld.idx.msk [tilespmem:v12+s2+$0x0], $0xffff  }
0xfd: {  	[tilespmem:s19+$0xFFFFFE40] =	vst v18;
	v18 =	vadd.s32 $0x3A0, v2;
	v21 =	vld.idx.msk [tilespmem:v21+s2+$0x0], $0xffff  }
0xfe: {  	[tilespmem:s19+$0xFFFFFE50] =	vst v19;
	v15 =	vadd.s32 $0x3D0, v2;
	v16 =	vld.idx.msk [tilespmem:v16+s2+$0x0], $0xffff  }
0xff: {  	s21 =	simm.s32 $0x5400;
	v19 =	vadd.s32 $0x3B0, v2;
	[tilespmem:s19+$0xFFFFFE70] =	vst v6;
	v10 =	vld.idx.msk [tilespmem:v10+s2+$0x0], $0xffff  }
0x100: {  	v25 =	vadd.s32 $0x3C0, v2;
	v8 =	vld.idx.msk [tilespmem:v8+s2+$0x0], $0xffff;
	[tilespmem:s21+$0x0] =	vst v7  }
0x101: {  	v2 =	vadd.s32 $0x3E0, v2;
	v17 =	vld.idx.msk [tilespmem:v17+s2+$0x0], $0xffff;
	[tilespmem:s21+$0x10] =	vst v12  }
0x102: {  	v13 =	vadd.s32 $0x160, v1;
	v18 =	vld.idx.msk [tilespmem:v18+s2+$0x0], $0xffff;
	[tilespmem:s21+$0x30] =	vst v4  }
0x103: {  	v6 =	vadd.s32 $0x170, v1;
	v15 =	vld.idx.msk [tilespmem:v15+s2+$0x0], $0xffff;
	[tilespmem:s21+$0x40] =	vst v5  }
0x104: {  	v7 =	vadd.s32 $0x280, v0;
	v12 =	vld.idx.msk [tilespmem:v19+s2+$0x0], $0xffff;
	[tilespmem:s21+$0x60] =	vst v14  }
0x105: {  	v19 =	vld.idx.msk [tilespmem:v25+s2+$0x0], $0xffff;
	v4 =	vadd.s32 $0x80, v3;
	[tilespmem:s21+$0x70] =	vst v21  }
0x106: {  	v5 =	vadd.s32 $0x90, v3;
	v25 =	vld.idx.msk [tilespmem:v2+s2+$0x0], $0xffff;
	[tilespmem:s20+$0x3F0] =	vst v26  }
0x107: {  	v13 =	vld.idx.msk [tilespmem:v13+s2+$0x0], $0xffff;
	v2 =	vadd.s32 $0xA0, v3;
	[tilespmem:s21+$0x20] =	vst v10  }
0x108: {  	v10 =	vadd.s32 $0xB0, v3;
	[tilespmem:s21+$0x50] =	vst v8;
	v8 =	vld.idx.msk [tilespmem:v6+s2+$0x0], $0xffff  }
0x109: {  	v14 =	vadd.s32 $0xE0, v3;
	v6 =	vld.idx.msk [tilespmem:v7+s2+$0x0], $0xffff;
	[tilespmem:s20+$0xFFFFFD00] =	vst v11  }
0x10a: {  	v7 =	vadd.s32 $0xC0, v3;
	[tilespmem:s20+$0xFFFFFD10] =	vst v20;
	v4 =	vld.idx.msk [tilespmem:v4+s2+$0x0], $0xffff  }
0x10b: {  	v11 =	vadd.s32 $0xD0, v3;
	[tilespmem:s20+$0xFFFFFD20] =	vst v9;
	v5 =	vld.idx.msk [tilespmem:v5+s2+$0x0], $0xffff  }
0x10c: {  	v9 =	vadd.s32 $0xF0, v3;
	[tilespmem:s20+$0xFFFFFD30] =	vst v23;
	v2 =	vld.idx.msk [tilespmem:v2+s2+$0x0], $0xffff  }
0x10d: {  	v20 =	vadd.s32 $0x290, v0;
	[tilespmem:s20+$0xFFFFFD40] =	vst v16;
	v21 =	vld.idx.msk [tilespmem:v10+s2+$0x0], $0xffff  }
0x10e: {  	v23 =	vadd.s32 $0x2A0, v0;
	[tilespmem:s20+$0xFFFFFD60] =	vst v13;
	v13 =	vld.idx.msk [tilespmem:v14+s2+$0x0], $0xffff  }
0x10f: {  	[tilespmem:s20+$0xFFFFFD50] =	vst v22;
	v14 =	vadd.s32 $0x2D0, v0;
	v16 =	vld.idx.msk [tilespmem:v7+s2+$0x0], $0xffff  }
0x110: {  	v11 =	vld.idx.msk [tilespmem:v11+s2+$0x0], $0xffff;
	[tilespmem:s20+$0xFFFFFD70] =	vst v8  }
0x111: {  	v7 =	vadd.s32 $0x2B0, v0;
	v27 =	vld.idx.msk [tilespmem:v9+s2+$0x0], $0xffff;
	[tilespmem:s21+$0x80] =	vst v4  }
0x112: {  	v22 =	vadd.s32 $0x2C0, v0;
	v10 =	vld.idx.msk [tilespmem:v20+s2+$0x0], $0xffff;
	[tilespmem:s21+$0x90] =	vst v5  }
0x113: {  	v9 =	vld.idx.msk [tilespmem:v23+s2+$0x0], $0xffff;
	v20 =	vadd.s32 $0x180, v1;
	[tilespmem:s21+$0xA0] =	vst v2  }
0x114: {  	[tilespmem:s21+$0xB0] =	vst v21;
	v21 =	vadd.s32 $0x100, v3;
	v4 =	vld.idx.msk [tilespmem:v14+s2+$0x0], $0xffff  }
0x115: {  	v14 =	vadd.s32 $0x110, v3;
	v2 =	vld [tilespmem:s18+$0xFFFFFFF0];
	[tilespmem:s21+$0xE0] =	vst v13  }
0x116: {  	v13 =	vadd.s32 $0x130, v3;
	v8 =	vld.idx.msk [tilespmem:v7+s2+$0x0], $0xffff;
	[tilespmem:s21+$0xC0] =	vst v16  }
0x117: {  	v23 =	vadd.s32 $0x160, v3;
	v7 =	vld.idx.msk [tilespmem:v22+s2+$0x0], $0xffff;
	[tilespmem:s21+$0xD0] =	vst v11  }
0x118: {  	v11 =	vadd.s32 $0x120, v3;
	v16 =	vld.idx.msk [tilespmem:v20+s2+$0x0], $0xffff;
	[tilespmem:s21+$0xF0] =	vst v27  }
0x119: {  	[tilespmem:s20+$0x380] =	vst v24;
	v20 =	vadd.s32 $0x140, v3;
	v21 =	vld.idx.msk [tilespmem:v21+s2+$0x0], $0xffff  }
0x11a: {  	[tilespmem:s20+$0x390] =	vst v17;
	v22 =	vadd.s32 $0x150, v3;
	v14 =	vld.idx.msk [tilespmem:v14+s2+$0x0], $0xffff  }
0x11b: {  	v17 =	vadd.s32 $0x170, v3;
	[tilespmem:s20+$0x3A0] =	vst v18;
	v13 =	vld.idx.msk [tilespmem:v13+s2+$0x0], $0xffff  }
0x11c: {  	[tilespmem:s20+$0x3D0] =	vst v15;
	v24 =	vadd.s32 $0x10, v2;
	v15 =	vld.idx.msk [tilespmem:v23+s2+$0x0], $0xffff  }
0x11d: {  	[tilespmem:s20+$0x3B0] =	vst v12;
	v18 =	vadd.s32 $0x20, v2;
	v11 =	vld.idx.msk [tilespmem:v11+s2+$0x0], $0xffff  }
0x11e: {  	[tilespmem:s20+$0x3C0] =	vst v19;
	v12 =	vld.idx.msk [tilespmem:v20+s2+$0x0], $0xffff;
	v20 =	vadd.s32 $0x30, v2  }
0x11f: {  	[tilespmem:s20+$0x3E0] =	vst v25;
	v19 =	vld.idx.msk [tilespmem:v22+s2+$0x0], $0xffff;
	v22 =	vadd.s32 $0x40, v2  }
0x120: {  	v23 =	vadd.s32 $0x50, v2;
	v17 =	vld.idx.msk [tilespmem:v17+s2+$0x0], $0xffff;
	[tilespmem:s21+$0x100] =	vst v21  }
0x121: {  	v25 =	vadd.s32 $0x60, v2;
	v24 =	vld.idx.msk [tilespmem:v24+s2+$0x0], $0xffff;
	[tilespmem:s21+$0x110] =	vst v14  }
0x122: {  	v18 =	vld.idx.msk [tilespmem:v18+s2+$0x0], $0xffff;
	[tilespmem:s21+$0x130] =	vst v13  }
0x123: {  	v21 =	vadd.s32 $0x70, v2;
	[tilespmem:s21+$0x160] =	vst v15;
	v14 =	vld.idx.msk [tilespmem:v20+s2+$0x0], $0xffff  }
0x124: {  	v13 =	vadd.s32 $0x180, v3;
	[tilespmem:s21+$0x120] =	vst v11;
	v11 =	vld.idx.msk [tilespmem:v22+s2+$0x0], $0xffff  }
0x125: {  	[tilespmem:s21+$0x170] =	vst v17;
	v17 =	vadd.s32 $0x1C0, v3;
	v20 =	vld.idx.msk [tilespmem:v23+s2+$0x0], $0xffff  }
0x126: {  	v22 =	vld.idx.msk [tilespmem:v25+s2+$0x0], $0xffff;
	[tilespmem:s21+$0x150] =	vst v19;
	v19 =	vadd.s32 $0x1A0, v3  }
0x127: {  	[tilespmem:s21+$0x140] =	vst v12;
	v12 =	vadd.s32 $0x190, v3;
	v23 =	vld.idx.msk [tilespmem:v2+s2+$0x0], $0xffff  }
0x128: {  	v15 =	vadd.s32 $0x1B0, v3;
	v21 =	vld.idx.msk [tilespmem:v21+s2+$0x0], $0xffff;
	[tilespmem:s21+$0xFFFFFC10] =	vst v24  }
0x129: {  	v13 =	vld.idx.msk [tilespmem:v13+s2+$0x0], $0xffff;
	v24 =	vadd.s32 $0x1D0, v3;
	[tilespmem:s21+$0xFFFFFC20] =	vst v18  }
0x12a: {  	v18 =	vadd.s32 $0x1E0, v3;
	v17 =	vld.idx.msk [tilespmem:v17+s2+$0x0], $0xffff;
	[tilespmem:s21+$0xFFFFFC30] =	vst v14  }
0x12b: {  	v14 =	vld.idx.msk [tilespmem:v19+s2+$0x0], $0xffff;
	v19 =	vadd.s32 $0x1F0, v3;
	[tilespmem:s21+$0xFFFFFC40] =	vst v11  }
0x12c: {  	v12 =	vld.idx.msk [tilespmem:v12+s2+$0x0], $0xffff;
	[tilespmem:s21+$0xFFFFFC50] =	vst v20  }
0x12d: {  	v25 =	vadd.s32 $0x190, v1;
	v11 =	vld.idx.msk [tilespmem:v15+s2+$0x0], $0xffff;
	[tilespmem:s21+$0xFFFFFC60] =	vst v22  }
0x12e: {  	v15 =	vadd.s32 $0x1A0, v1;
	[tilespmem:s21+$0xFFFFFC00] =	vst v23;
	v22 =	vld.idx.msk [tilespmem:v24+s2+$0x0], $0xffff  }
0x12f: {  	v20 =	vadd.s32 $0x1B0, v1;
	[tilespmem:s21+$0xFFFFFC70] =	vst v21;
	v18 =	vld.idx.msk [tilespmem:v18+s2+$0x0], $0xffff  }
0x130: {  	v23 =	vadd.s32 $0x1E0, v1;
	v19 =	vld.idx.msk [tilespmem:v19+s2+$0x0], $0xffff;
	[tilespmem:s21+$0x180] =	vst v13  }
0x131: {  	v24 =	vadd.s32 $0x1C0, v1;
	[tilespmem:s21+$0x190] =	vst v12  }
0x132: {  	v25 =	vld.idx.msk [tilespmem:v25+s2+$0x0], $0xffff;
	v21 =	vadd.s32 $0x1D0, v1;
	[tilespmem:s21+$0x1A0] =	vst v14  }
0x133: {  	v13 =	vadd.s32 $0x1F0, v1;
	v15 =	vld.idx.msk [tilespmem:v15+s2+$0x0], $0xffff;
	[tilespmem:s21+$0x1B0] =	vst v11  }
0x134: {  	v20 =	vld.idx.msk [tilespmem:v20+s2+$0x0], $0xffff;
	[tilespmem:s21+$0x1C0] =	vst v17  }
0x135: {  	v28 =	vadd.s32 $0x2E0, v0;
	v23 =	vld.idx.msk [tilespmem:v23+s2+$0x0], $0xffff;
	[tilespmem:s21+$0x1D0] =	vst v22  }
0x136: {  	v12 =	vadd.s32 $0x2F0, v0;
	v14 =	vld.idx.msk [tilespmem:v24+s2+$0x0], $0xffff;
	[tilespmem:s21+$0x1E0] =	vst v18  }
0x137: {  	v24 =	vadd.s32 $0x200, v3;
	v21 =	vld.idx.msk [tilespmem:v21+s2+$0x0], $0xffff;
	[tilespmem:s21+$0x1F0] =	vst v19  }
0x138: {  	v17 =	vadd.s32 $0x210, v3;
	v13 =	vld.idx.msk [tilespmem:v13+s2+$0x0], $0xffff;
	[tilespmem:s20+$0xFFFFFD80] =	vst v16  }
0x139: {  	v22 =	vadd.s32 $0x220, v3;
	[tilespmem:s20+$0xFFFFFD90] =	vst v25  }
0x13a: {  	v5 =	vld.idx.msk [tilespmem:v28+s2+$0x0], $0xffff;
	v18 =	vadd.s32 $0x230, v3;
	[tilespmem:s20+$0xFFFFFDA0] =	vst v15  }
0x13b: {  	v11 =	vld.idx.msk [tilespmem:v12+s2+$0x0], $0xffff;
	v12 =	vadd.s32 $0x240, v3;
	[tilespmem:s20+$0xFFFFFDB0] =	vst v20  }
0x13c: {  	v19 =	vadd.s32 $0x250, v3;
	[tilespmem:s20+$0xFFFFFDE0] =	vst v23;
	v16 =	vld.idx.msk [tilespmem:v24+s2+$0x0], $0xffff  }
0x13d: {  	v25 =	vadd.s32 $0x80, v2;
	[tilespmem:s19+$0xFFFFFE80] =	vst v6;
	v17 =	vld.idx.msk [tilespmem:v17+s2+$0x0], $0xffff  }
0x13e: {  	[tilespmem:s19+$0xFFFFFE90] =	vst v10;
	v24 =	vadd.s32 $0x260, v3;
	v15 =	vld.idx.msk [tilespmem:v22+s2+$0x0], $0xffff  }
0x13f: {  	[tilespmem:s19+$0xFFFFFEA0] =	vst v9;
	v22 =	vadd.s32 $0x270, v3;
	v18 =	vld.idx.msk [tilespmem:v18+s2+$0x0], $0xffff  }
0x140: {  	v20 =	vadd.s32 $0x90, v2;
	[tilespmem:s19+$0xFFFFFEB0] =	vst v8;
	v12 =	vld.idx.msk [tilespmem:v12+s2+$0x0], $0xffff  }
0x141: {  	[tilespmem:s20+$0xFFFFFDC0] =	vst v14;
	v14 =	vadd.s32 $0xA0, v2;
	v19 =	vld.idx.msk [tilespmem:v19+s2+$0x0], $0xffff  }
0x142: {  	[tilespmem:s20+$0xFFFFFDD0] =	vst v21;
	v21 =	vadd.s32 $0xB0, v2;
	v25 =	vld.idx.msk [tilespmem:v25+s2+$0x0], $0xffff  }
0x143: {  	[tilespmem:s20+$0xFFFFFDF0] =	vst v13;
	v23 =	vld.idx.msk [tilespmem:v24+s2+$0x0], $0xffff;
	v24 =	vadd.s32 $0xC0, v2  }
0x144: {  	v13 =	vld.idx.msk [tilespmem:v22+s2+$0x0], $0xffff;
	v22 =	vadd.s32 $0xD0, v2;
	[tilespmem:s21+$0x200] =	vst v16  }
0x145: {  	v20 =	vld.idx.msk [tilespmem:v20+s2+$0x0], $0xffff;
	v16 =	vadd.s32 $0xE0, v2;
	[tilespmem:s21+$0x210] =	vst v17  }
0x146: {  	v17 =	vadd.s32 $0xF0, v2;
	v14 =	vld.idx.msk [tilespmem:v14+s2+$0x0], $0xffff;
	[tilespmem:s21+$0x220] =	vst v15  }
0x147: {  	v15 =	vld.idx.msk [tilespmem:v21+s2+$0x0], $0xffff;
	[tilespmem:s21+$0x230] =	vst v18;
	v18 =	vadd.s32 $0x280, v3  }
0x148: {  	[tilespmem:s21+$0x240] =	vst v12;
	v12 =	vadd.s32 $0x290, v3;
	v21 =	vld.idx.msk [tilespmem:v24+s2+$0x0], $0xffff  }
0x149: {  	[tilespmem:s21+$0x250] =	vst v19;
	v19 =	vadd.s32 $0x2A0, v3;
	v22 =	vld.idx.msk [tilespmem:v22+s2+$0x0], $0xffff  }
0x14a: {  	v16 =	vld.idx.msk [tilespmem:v16+s2+$0x0], $0xffff;
	[tilespmem:s21+$0x260] =	vst v23;
	v23 =	vadd.s32 $0x2B0, v3  }
0x14b: {  	v17 =	vld.idx.msk [tilespmem:v17+s2+$0x0], $0xffff;
	[tilespmem:s21+$0x270] =	vst v13;
	v13 =	vadd.s32 $0x2C0, v3  }
0x14c: {  	[tilespmem:s19+$0xFFFFFEC0] =	vst v7;
	v24 =	vadd.s32 $0x200, v1;
	v6 =	vld.idx.msk [tilespmem:v18+s2+$0x0], $0xffff  }
0x14d: {  	[tilespmem:s19+$0xFFFFFED0] =	vst v4;
	v18 =	vadd.s32 $0x2D0, v3;
	v10 =	vld.idx.msk [tilespmem:v12+s2+$0x0], $0xffff  }
0x14e: {  	[tilespmem:s21+$0xFFFFFC80] =	vst v25;
	v12 =	vadd.s32 $0x2E0, v3;
	v9 =	vld.idx.msk [tilespmem:v19+s2+$0x0], $0xffff  }
0x14f: {  	[tilespmem:s21+$0xFFFFFC90] =	vst v20;
	v19 =	vadd.s32 $0x2F0, v3;
	v8 =	vld.idx.msk [tilespmem:v23+s2+$0x0], $0xffff  }
0x150: {  	v20 =	vadd.s32 $0x240, v1;
	[tilespmem:s21+$0xFFFFFCA0] =	vst v14;
	v7 =	vld.idx.msk [tilespmem:v13+s2+$0x0], $0xffff  }
0x151: {  	v25 =	vadd.s32 $0x230, v1;
	[tilespmem:s21+$0xFFFFFCB0] =	vst v15;
	v24 =	vld.idx.msk [tilespmem:v24+s2+$0x0], $0xffff  }
0x152: {  	v23 =	vadd.s32 $0x210, v1;
	[tilespmem:s21+$0xFFFFFCC0] =	vst v21;
	v18 =	vld.idx.msk [tilespmem:v18+s2+$0x0], $0xffff  }
0x153: {  	v13 =	vadd.s32 $0x220, v1;
	[tilespmem:s21+$0xFFFFFCD0] =	vst v22;
	v12 =	vld.idx.msk [tilespmem:v12+s2+$0x0], $0xffff  }
0x154: {  	v14 =	vld.idx.msk [tilespmem:v19+s2+$0x0], $0xffff;
	v19 =	vadd.s32 $0x250, v1;
	[tilespmem:s21+$0x280] =	vst v6  }
0x155: {  	v20 =	vld.idx.msk [tilespmem:v20+s2+$0x0], $0xffff;
	v6 =	vadd.s32 $0x260, v1;
	[tilespmem:s21+$0x290] =	vst v10  }
0x156: {  	v10 =	vadd.s32 $0x270, v1;
	[tilespmem:s21+$0x2A0] =	vst v9;
	v9 =	vld.idx.msk [tilespmem:v25+s2+$0x0], $0xffff  }
0x157: {  	v23 =	vld.idx.msk [tilespmem:v23+s2+$0x0], $0xffff;
	[tilespmem:s21+$0x2B0] =	vst v8;
	v8 =	vadd.s32 $0x300, v3  }
0x158: {  	v13 =	vld.idx.msk [tilespmem:v13+s2+$0x0], $0xffff;
	[tilespmem:s21+$0x2C0] =	vst v7;
	v7 =	vadd.s32 $0x310, v3  }
0x159: {  	v15 =	vadd.s32 $0x350, v3;
	[tilespmem:s21+$0x2D0] =	vst v18;
	v19 =	vld.idx.msk [tilespmem:v19+s2+$0x0], $0xffff  }
0x15a: {  	v21 =	vadd.s32 $0x360, v3;
	v6 =	vld.idx.msk [tilespmem:v6+s2+$0x0], $0xffff;
	[tilespmem:s21+$0x2E0] =	vst v12  }
0x15b: {  	v22 =	vadd.s32 $0x370, v3;
	v10 =	vld.idx.msk [tilespmem:v10+s2+$0x0], $0xffff;
	[tilespmem:s21+$0x2F0] =	vst v14  }
0x15c: {  	[tilespmem:s21+$0xFFFFFCE0] =	vst v16;
	v18 =	vadd.s32 $0x320, v3;
	v8 =	vld.idx.msk [tilespmem:v8+s2+$0x0], $0xffff  }
0x15d: {  	[tilespmem:s21+$0xFFFFFCF0] =	vst v17;
	v12 =	vadd.s32 $0x330, v3;
	v7 =	vld.idx.msk [tilespmem:v7+s2+$0x0], $0xffff  }
0x15e: {  	v14 =	vadd.s32 $0x340, v3;
	[tilespmem:s20+$0xFFFFFE00] =	vst v24;
	v15 =	vld.idx.msk [tilespmem:v15+s2+$0x0], $0xffff  }
0x15f: {  	[tilespmem:s20+$0xFFFFFE30] =	vst v9;
	v21 =	vld.idx.msk [tilespmem:v21+s2+$0x0], $0xffff  }
0x160: {  	v16 =	vadd.s32 $0x100, v2;
	[tilespmem:s20+$0xFFFFFE20] =	vst v13;
	v13 =	vld.idx.msk [tilespmem:v22+s2+$0x0], $0xffff  }
0x161: {  	v17 =	vadd.s32 $0x110, v2;
	[tilespmem:s20+$0xFFFFFE10] =	vst v23;
	v18 =	vld.idx.msk [tilespmem:v18+s2+$0x0], $0xffff  }
0x162: {  	v24 =	vadd.s32 $0x120, v2;
	v12 =	vld.idx.msk [tilespmem:v12+s2+$0x0], $0xffff;
	[tilespmem:s20+$0xFFFFFE50] =	vst v19  }
0x163: {  	v14 =	vld.idx.msk [tilespmem:v14+s2+$0x0], $0xffff;
	[tilespmem:s21+$0x300] =	vst v8;
	v8 =	vadd.s32 $0x150, v2  }
0x164: {  	[tilespmem:s21+$0x310] =	vst v7;
	v7 =	vadd.s32 $0x160, v2  }
0x165: {  	v25 =	vld.idx.msk [tilespmem:v16+s2+$0x0], $0xffff;
	v23 =	vadd.s32 $0x130, v2;
	[tilespmem:s21+$0x350] =	vst v15  }
0x166: {  	v17 =	vld.idx.msk [tilespmem:v17+s2+$0x0], $0xffff;
	v22 =	vadd.s32 $0x140, v2;
	[tilespmem:s21+$0x370] =	vst v13  }
0x167: {  	v9 =	vadd.s32 $0x3C0, v3;
	v24 =	vld.idx.msk [tilespmem:v24+s2+$0x0], $0xffff;
	v19 =	vadd.s32 $0x170, v2;
	v15 =	vadd.s32 $0x390, v3;
	[tilespmem:s21+$0x330] =	vst v12  }
0x168: {  	v13 =	vadd.s32 $0x3D0, v3;
	v12 =	vadd.s32 $0x380, v3;
	[tilespmem:s21+$0x340] =	vst v14;
	v14 =	vadd.s32 $0x3F0, v3;
	v26 =	vld.idx.msk [tilespmem:v8+s2+$0x0], $0xffff  }
0x169: {  	[tilespmem:s21+$0x360] =	vst v21;
	v8 =	vadd.s32 $0x3A0, v3;
	v21 =	vld.idx.msk [tilespmem:v7+s2+$0x0], $0xffff;
	v7 =	vadd.s32 $0x3B0, v3;
	v3 =	vadd.s32 $0x3E0, v3  }
0x16a: {  	[tilespmem:s19+$0xFFFFFEE0] =	vst v5;
	v23 =	vld.idx.msk [tilespmem:v23+s2+$0x0], $0xffff  }
0x16b: {  	[tilespmem:s19+$0xFFFFFEF0] =	vst v11;
	v22 =	vld.idx.msk [tilespmem:v22+s2+$0x0], $0xffff  }
0x16c: {  	[tilespmem:s21+$0x320] =	vst v18;
	v19 =	vld.idx.msk [tilespmem:v19+s2+$0x0], $0xffff  }
0x16d: {  	[tilespmem:s20+$0xFFFFFE40] =	vst v20;
	v16 =	vld.idx.msk [tilespmem:v15+s2+$0x0], $0xffff  }
0x16e: {  	s18 =	sadd.s32 $0x20, s18;
	[tilespmem:s21+$0xFFFFFD00] =	vst v25;
	v11 =	vld.idx.msk [tilespmem:v3+s2+$0x0], $0xffff  }
0x16f: {  	[tilespmem:s21+$0xFFFFFD10] =	vst v17;
	v3 =	vld [tilespmem:s18+$0x0]  }
0x170: {  	v13 =	vld.idx.msk [tilespmem:v13+s2+$0x0], $0xffff;
	[tilespmem:s21+$0xFFFFFD20] =	vst v24  }
0x171: {  	[tilespmem:s21+$0xFFFFFD30] =	vst v23;
	v23 =	vadd.s32 $0x190, v2;
	v12 =	vld.idx.msk [tilespmem:v12+s2+$0x0], $0xffff  }
0x172: {  	v20 =	vld.idx.msk [tilespmem:v14+s2+$0x0], $0xffff;
	[tilespmem:s21+$0xFFFFFD60] =	vst v21;
	v21 =	vadd.s32 $0x1C0, v2  }
0x173: {  	[tilespmem:s21+$0xFFFFFD40] =	vst v22;
	v14 =	vld.idx.msk [tilespmem:v9+s2+$0x0], $0xffff  }
0x174: {  	[tilespmem:s21+$0xFFFFFD70] =	vst v19;
	v18 =	vld.idx.msk [tilespmem:v8+s2+$0x0], $0xffff;
	v4 =	vadd.s32 $0x10, v3  }
0x175: {  	v15 =	vld.idx.msk [tilespmem:v7+s2+$0x0], $0xffff;
	[tilespmem:s21+$0xFFFFFD50] =	vst v26;
	v5 =	vadd.s32 $0x20, v3  }
0x176: {  	[tilespmem:s20+$0xFFFFFE60] =	vst v6;
	v26 =	vld.idx.msk [tilespmem:v23+s2+$0x0], $0xffff;
	v6 =	vadd.s32 $0x30, v3  }
0x177: {  	v7 =	vadd.s32 $0x40, v3;
	v19 =	vld.idx.msk [tilespmem:v21+s2+$0x0], $0xffff  }
0x178: {  	v9 =	vadd.s32 $0x50, v3;
	v8 =	vld.idx.msk [tilespmem:v3+s2+$0x0], $0xffff  }
0x179: {  	[tilespmem:s20+$0xFFFFFE70] =	vst v10;
	v10 =	vadd.s32 $0x60, v3;
	v4 =	vld.idx.msk [tilespmem:v4+s2+$0x0], $0xffff  }
0x17a: {  	v17 =	vadd.s32 $0x70, v3;
	v5 =	vld.idx.msk [tilespmem:v5+s2+$0x0], $0xffff  }
0x17b: {  	[tilespmem:s21+$0x3F0] =	vst v20;
	v20 =	vadd.s32 $0x280, v1;
	v6 =	vld.idx.msk [tilespmem:v6+s2+$0x0], $0xffff  }
0x17c: {  	v35 =	vadd.s32 $0x1D0, v2;
	v27 =	vld.idx.msk [tilespmem:v7+s2+$0x0], $0xffff  }
0x17d: {  	v25 =	vadd.s32 $0x290, v1;
	v9 =	vld.idx.msk [tilespmem:v9+s2+$0x0], $0xffff  }
0x17e: {  	s22 =	simm.s32 $0x5C00;
	v28 =	vadd.s32 $0x2B0, v1;
	v29 =	vld.idx.msk [tilespmem:v10+s2+$0x0], $0xffff  }
0x17f: {  	v30 =	vadd.s32 $0x2C0, v1;
	v31 =	vld.idx.msk [tilespmem:v17+s2+$0x0], $0xffff;
	[tilespmem:s22+$0x0] =	vst v8  }
0x180: {  	v17 =	vld.idx.msk [tilespmem:v20+s2+$0x0], $0xffff;
	v20 =	vadd.s32 $0x2E0, v1;
	[tilespmem:s22+$0x10] =	vst v4  }
0x181: {  	v21 =	vld.idx.msk [tilespmem:v35+s2+$0x0], $0xffff;
	[tilespmem:s22+$0x20] =	vst v5  }
0x182: {  	v10 =	vld.idx.msk [tilespmem:v25+s2+$0x0], $0xffff;
	v25 =	vadd.s32 $0x80, v3;
	[tilespmem:s22+$0x30] =	vst v6  }
0x183: {  	v5 =	vld.idx.msk [tilespmem:v28+s2+$0x0], $0xffff;
	[tilespmem:s22+$0x40] =	vst v27;
	v27 =	vadd.s32 $0x90, v3  }
0x184: {  	v6 =	vld.idx.msk [tilespmem:v30+s2+$0x0], $0xffff;
	[tilespmem:s22+$0x50] =	vst v9;
	v28 =	vadd.s32 $0xA0, v3  }
0x185: {  	v9 =	vld.idx.msk [tilespmem:v20+s2+$0x0], $0xffff;
	[tilespmem:s22+$0x60] =	vst v29;
	v20 =	vadd.s32 $0xB0, v3  }
0x186: {  	v4 =	vld [tilespmem:s18+$0xFFFFFFF0];
	[tilespmem:s22+$0x70] =	vst v31;
	v29 =	vadd.s32 $0xC0, v3  }
0x187: {  	v30 =	vadd.s32 $0xD0, v3;
	v25 =	vld.idx.msk [tilespmem:v25+s2+$0x0], $0xffff  }
0x188: {  	v31 =	vld.idx.msk [tilespmem:v27+s2+$0x0], $0xffff;
	v27 =	vadd.s32 $0xE0, v3  }
0x189: {  	v24 =	vld.idx.msk [tilespmem:v28+s2+$0x0], $0xffff;
	v28 =	vadd.s32 $0xF0, v3  }
0x18a: {  	v32 =	vadd.s32 $0x2D0, v1;
	v20 =	vld.idx.msk [tilespmem:v20+s2+$0x0], $0xffff  }
0x18b: {  	v22 =	vld.idx.msk [tilespmem:v29+s2+$0x0], $0xffff;
	v29 =	vadd.s32 $0x1A0, v2  }
0x18c: {  	v7 =	vadd.s32 $0x2A0, v1;
	v30 =	vld.idx.msk [tilespmem:v30+s2+$0x0], $0xffff  }
0x18d: {  	v46 =	vadd.s32 $0x180, v2;
	v34 =	vld.idx.msk [tilespmem:v27+s2+$0x0], $0xffff  }
0x18e: {  	v33 =	vadd.s32 $0x1B0, v2;
	v28 =	vld.idx.msk [tilespmem:v28+s2+$0x0], $0xffff;
	[tilespmem:s22+$0x80] =	vst v25  }
0x18f: {  	v8 =	vld.idx.msk [tilespmem:v32+s2+$0x0], $0xffff;
	v25 =	vadd.s32 $0x1E0, v2;
	[tilespmem:s22+$0x90] =	vst v31  }
0x190: {  	v23 =	vld.idx.msk [tilespmem:v29+s2+$0x0], $0xffff;
	v29 =	vadd.s32 $0x10, v4;
	[tilespmem:s22+$0xA0] =	vst v24  }
0x191: {  	v7 =	vld.idx.msk [tilespmem:v7+s2+$0x0], $0xffff;
	[tilespmem:s22+$0xB0] =	vst v20;
	v20 =	vadd.s32 $0x100, v3  }
0x192: {  	v27 =	vld.idx.msk [tilespmem:v46+s2+$0x0], $0xffff;
	[tilespmem:s22+$0xC0] =	vst v22;
	v31 =	vadd.s32 $0x110, v3  }
0x193: {  	v24 =	vld.idx.msk [tilespmem:v33+s2+$0x0], $0xffff;
	[tilespmem:s22+$0xD0] =	vst v30;
	v30 =	vadd.s32 $0x120, v3  }
0x194: {  	v47 =	vadd.s32 $0x150, v3;
	v22 =	vld.idx.msk [tilespmem:v25+s2+$0x0], $0xffff;
	[tilespmem:s22+$0xE0] =	vst v34  }
0x195: {  	v48 =	vadd.s32 $0x160, v3;
	v29 =	vld.idx.msk [tilespmem:v29+s2+$0x0], $0xffff;
	[tilespmem:s22+$0xF0] =	vst v28  }
0x196: {  	v49 =	vadd.s32 $0x170, v3;
	v20 =	vld.idx.msk [tilespmem:v20+s2+$0x0], $0xffff  }
0x197: {  	v50 =	vadd.s32 $0x20, v4;
	v31 =	vld.idx.msk [tilespmem:v31+s2+$0x0], $0xffff  }
0x198: {  	v36 =	vadd.s32 $0x30, v4;
	v30 =	vld.idx.msk [tilespmem:v30+s2+$0x0], $0xffff;
	[tilespmem:s21+$0x380] =	vst v12  }
0x199: {  	v25 =	vadd.s32 $0x130, v3;
	v32 =	vld.idx.msk [tilespmem:v47+s2+$0x0], $0xffff;
	[tilespmem:s21+$0x390] =	vst v16  }
0x19a: {  	v28 =	vadd.s32 $0x140, v3;
	v33 =	vld.idx.msk [tilespmem:v48+s2+$0x0], $0xffff;
	[tilespmem:s21+$0x3A0] =	vst v18  }
0x19b: {  	v39 =	vadd.s32 $0x60, v4;
	v34 =	vld.idx.msk [tilespmem:v49+s2+$0x0], $0xffff;
	[tilespmem:s21+$0x3B0] =	vst v15  }
0x19c: {  	v40 =	vadd.s32 $0x70, v4;
	v35 =	vld.idx.msk [tilespmem:v50+s2+$0x0], $0xffff;
	[tilespmem:s21+$0x3C0] =	vst v14  }
0x19d: {  	v36 =	vld.idx.msk [tilespmem:v36+s2+$0x0], $0xffff;
	[tilespmem:s21+$0x3D0] =	vst v13  }
0x19e: {  	v37 =	vadd.s32 $0x40, v4;
	[tilespmem:s21+$0x3E0] =	vst v11;
	v25 =	vld.idx.msk [tilespmem:v25+s2+$0x0], $0xffff  }
0x19f: {  	v38 =	vadd.s32 $0x50, v4;
	v28 =	vld.idx.msk [tilespmem:v28+s2+$0x0], $0xffff;
	[tilespmem:s22+$0x100] =	vst v20  }
0x1a0: {  	v51 =	vld.idx.msk [tilespmem:v39+s2+$0x0], $0xffff;
	v13 =	vadd.s32 $0x320, v0;
	[tilespmem:s22+$0x110] =	vst v31  }
0x1a1: {  	v44 =	vadd.s32 $0x340, v0;
	v52 =	vld.idx.msk [tilespmem:v40+s2+$0x0], $0xffff;
	[tilespmem:s22+$0x120] =	vst v30  }
0x1a2: {  	v54 =	vld.idx.msk [tilespmem:v4+s2+$0x0], $0xffff;
	v20 =	vadd.s32 $0x1F0, v2;
	[tilespmem:s22+$0x150] =	vst v32  }
0x1a3: {  	v53 =	vadd.s32 $0x1A0, v3;
	v31 =	vld.idx.msk [tilespmem:v37+s2+$0x0], $0xffff;
	[tilespmem:s22+$0x160] =	vst v33  }
0x1a4: {  	v30 =	vld.idx.msk [tilespmem:v38+s2+$0x0], $0xffff;
	[tilespmem:s22+$0x130] =	vst v25;
	v25 =	vadd.s32 $0x180, v3  }
0x1a5: {  	v11 =	vld.idx.msk [tilespmem:v13+s2+$0x0], $0xffff;
	[tilespmem:s22+$0x140] =	vst v28;
	v28 =	vadd.s32 $0x190, v3  }
0x1a6: {  	v55 =	vadd.s32 $0x1B0, v3;
	[tilespmem:s22+$0x170] =	vst v34;
	v13 =	vld.idx.msk [tilespmem:v44+s2+$0x0], $0xffff  }
0x1a7: {  	v18 =	vadd.s32 $0x1F0, v3;
	[tilespmem:s22+$0xFFFFFC10] =	vst v29;
	v40 =	vld.idx.msk [tilespmem:v20+s2+$0x0], $0xffff  }
0x1a8: {  	[tilespmem:s22+$0xFFFFFC20] =	vst v35;
	v20 =	vadd.s32 $0x1C0, v3;
	v32 =	vld.idx.msk [tilespmem:v53+s2+$0x0], $0xffff  }
0x1a9: {  	[tilespmem:s22+$0xFFFFFC30] =	vst v36;
	v12 =	vld.idx.msk [tilespmem:v25+s2+$0x0], $0xffff;
	v25 =	vadd.s32 $0x1D0, v3  }
0x1aa: {  	[tilespmem:s22+$0xFFFFFC60] =	vst v51;
	v16 =	vld.idx.msk [tilespmem:v28+s2+$0x0], $0xffff;
	v28 =	vadd.s32 $0x1E0, v3  }
0x1ab: {  	v56 =	vadd.s32 $0x2F0, v1;
	[tilespmem:s22+$0xFFFFFC70] =	vst v52;
	v15 =	vld.idx.msk [tilespmem:v55+s2+$0x0], $0xffff  }
0x1ac: {  	v47 =	vadd.s32 $0x90, v4;
	[tilespmem:s22+$0xFFFFFC00] =	vst v54;
	v29 =	vld.idx.msk [tilespmem:v18+s2+$0x0], $0xffff  }
0x1ad: {  	v49 =	vadd.s32 $0xB0, v4;
	[tilespmem:s22+$0xFFFFFC40] =	vst v31;
	v14 =	vld.idx.msk [tilespmem:v20+s2+$0x0], $0xffff  }
0x1ae: {  	v50 =	vadd.s32 $0xC0, v4;
	[tilespmem:s22+$0xFFFFFC50] =	vst v30;
	v42 =	vld.idx.msk [tilespmem:v25+s2+$0x0], $0xffff  }
0x1af: {  	v57 =	vadd.s32 $0x300, v0;
	v28 =	vld.idx.msk [tilespmem:v28+s2+$0x0], $0xffff;
	[tilespmem:s22+$0x180] =	vst v12  }
0x1b0: {  	v18 =	vld.idx.msk [tilespmem:v56+s2+$0x0], $0xffff;
	v30 =	vadd.s32 $0x80, v4;
	[tilespmem:s22+$0x190] =	vst v16  }
0x1b1: {  	v52 =	vld.idx.msk [tilespmem:v47+s2+$0x0], $0xffff;
	v16 =	vadd.s32 $0x360, v0;
	[tilespmem:s22+$0x1A0] =	vst v32  }
0x1b2: {  	v59 =	vadd.s32 $0x200, v3;
	v53 =	vld.idx.msk [tilespmem:v49+s2+$0x0], $0xffff;
	[tilespmem:s22+$0x1B0] =	vst v15  }
0x1b3: {  	v60 =	vadd.s32 $0x210, v3;
	v35 =	vld.idx.msk [tilespmem:v50+s2+$0x0], $0xffff;
	[tilespmem:s22+$0x1F0] =	vst v29  }
0x1b4: {  	v61 =	vadd.s32 $0x220, v3;
	v20 =	vld.idx.msk [tilespmem:v57+s2+$0x0], $0xffff;
	[tilespmem:s22+$0x1C0] =	vst v14  }
0x1b5: {  	v62 =	vadd.s32 $0x250, v3;
	v30 =	vld.idx.msk [tilespmem:v30+s2+$0x0], $0xffff;
	[tilespmem:s22+$0x1D0] =	vst v42  }
0x1b6: {  	v63 =	vadd.s32 $0x260, v3;
	[tilespmem:s22+$0x1E0] =	vst v28;
	v15 =	vld.idx.msk [tilespmem:v16+s2+$0x0], $0xffff  }
0x1b7: {  	v44 =	vadd.s32 $0x270, v3;
	[tilespmem:s21+$0xFFFFFD80] =	vst v27;
	v29 =	vld.idx.msk [tilespmem:v59+s2+$0x0], $0xffff  }
0x1b8: {  	[tilespmem:s21+$0xFFFFFD90] =	vst v26;
	v28 =	vadd.s32 $0x230, v3;
	v33 =	vld.idx.msk [tilespmem:v60+s2+$0x0], $0xffff  }
0x1b9: {  	[tilespmem:s21+$0xFFFFFDA0] =	vst v23;
	v16 =	vadd.s32 $0x240, v3;
	v31 =	vld.idx.msk [tilespmem:v61+s2+$0x0], $0xffff  }
0x1ba: {  	v43 =	vadd.s32 $0x330, v0;
	[tilespmem:s21+$0xFFFFFDB0] =	vst v24;
	v32 =	vld.idx.msk [tilespmem:v62+s2+$0x0], $0xffff  }
0x1bb: {  	v58 =	vadd.s32 $0x350, v0;
	[tilespmem:s21+$0xFFFFFDC0] =	vst v19;
	v34 =	vld.idx.msk [tilespmem:v63+s2+$0x0], $0xffff  }
0x1bc: {  	v45 =	vadd.s32 $0x370, v0;
	[tilespmem:s21+$0xFFFFFDD0] =	vst v21;
	v27 =	vld.idx.msk [tilespmem:v44+s2+$0x0], $0xffff  }
0x1bd: {  	v48 =	vadd.s32 $0xA0, v4;
	[tilespmem:s21+$0xFFFFFDE0] =	vst v22;
	v28 =	vld.idx.msk [tilespmem:v28+s2+$0x0], $0xffff  }
0x1be: {  	v51 =	vadd.s32 $0xE0, v4;
	v46 =	vld.idx.msk [tilespmem:v16+s2+$0x0], $0xffff;
	[tilespmem:s22+$0x200] =	vst v29  }
0x1bf: {  	v12 =	vld.idx.msk [tilespmem:v43+s2+$0x0], $0xffff;
	v59 =	vadd.s32 $0xF0, v4;
	[tilespmem:s22+$0x210] =	vst v33  }
0x1c0: {  	v14 =	vld.idx.msk [tilespmem:v58+s2+$0x0], $0xffff;
	v29 =	vadd.s32 $0xD0, v4;
	[tilespmem:s22+$0x220] =	vst v31  }
0x1c1: {  	v54 =	vadd.s32 $0x290, v3;
	v16 =	vld.idx.msk [tilespmem:v45+s2+$0x0], $0xffff;
	[tilespmem:s22+$0x250] =	vst v32  }
0x1c2: {  	v55 =	vadd.s32 $0x2A0, v3;
	v31 =	vld.idx.msk [tilespmem:v48+s2+$0x0], $0xffff;
	[tilespmem:s22+$0x260] =	vst v34  }
0x1c3: {  	v33 =	vld.idx.msk [tilespmem:v51+s2+$0x0], $0xffff;
	[tilespmem:s22+$0x230] =	vst v28;
	v28 =	vadd.s32 $0x280, v3  }
0x1c4: {  	v56 =	vadd.s32 $0x2B0, v3;
	[tilespmem:s22+$0x270] =	vst v27;
	v39 =	vld.idx.msk [tilespmem:v59+s2+$0x0], $0xffff  }
0x1c5: {  	v27 =	vadd.s32 $0x2C0, v3;
	[tilespmem:s22+$0x240] =	vst v46;
	v29 =	vld.idx.msk [tilespmem:v29+s2+$0x0], $0xffff  }
0x1c6: {  	[tilespmem:s20+$0xFFFFFE80] =	vst v17;
	v57 =	vadd.s32 $0x2E0, v3;
	v23 =	vld.idx.msk [tilespmem:v54+s2+$0x0], $0xffff  }
0x1c7: {  	[tilespmem:s20+$0xFFFFFE90] =	vst v10;
	v58 =	vadd.s32 $0x2F0, v3;
	v24 =	vld.idx.msk [tilespmem:v55+s2+$0x0], $0xffff  }
0x1c8: {  	[tilespmem:s20+$0xFFFFFEA0] =	vst v7;
	v26 =	vld.idx.msk [tilespmem:v28+s2+$0x0], $0xffff;
	v28 =	vadd.s32 $0x2D0, v3  }
0x1c9: {  	[tilespmem:s21+$0xFFFFFDF0] =	vst v40;
	v60 =	vadd.s32 $0x200, v2;
	v19 =	vld.idx.msk [tilespmem:v56+s2+$0x0], $0xffff  }
0x1ca: {  	v62 =	vadd.s32 $0x240, v2;
	v21 =	vld.idx.msk [tilespmem:v27+s2+$0x0], $0xffff;
	[tilespmem:s22+$0xFFFFFC80] =	vst v30  }
0x1cb: {  	v27 =	vadd.s32 $0x210, v2;
	v37 =	vld.idx.msk [tilespmem:v57+s2+$0x0], $0xffff;
	[tilespmem:s22+$0xFFFFFC90] =	vst v52  }
0x1cc: {  	v45 =	vadd.s32 $0x270, v2;
	v17 =	vld.idx.msk [tilespmem:v58+s2+$0x0], $0xffff;
	[tilespmem:s22+$0xFFFFFCA0] =	vst v31  }
0x1cd: {  	v22 =	vld.idx.msk [tilespmem:v28+s2+$0x0], $0xffff;
	v28 =	vadd.s32 $0x220, v2;
	[tilespmem:s22+$0x280] =	vst v26  }
0x1ce: {  	v61 =	vadd.s32 $0x230, v2;
	v34 =	vld.idx.msk [tilespmem:v60+s2+$0x0], $0xffff;
	[tilespmem:s22+$0x290] =	vst v23  }
0x1cf: {  	v63 =	vld.idx.msk [tilespmem:v62+s2+$0x0], $0xffff;
	v26 =	vadd.s32 $0x250, v2;
	[tilespmem:s22+$0x2A0] =	vst v24  }
0x1d0: {  	v27 =	vld.idx.msk [tilespmem:v27+s2+$0x0], $0xffff;
	v23 =	vadd.s32 $0x260, v2;
	[tilespmem:s22+$0x2B0] =	vst v19  }
0x1d1: {  	v19 =	vadd.s32 $0x300, v3;
	[tilespmem:s22+$0x2E0] =	vst v37;
	v37 =	vld.idx.msk [tilespmem:v45+s2+$0x0], $0xffff  }
0x1d2: {  	[tilespmem:s22+$0x2C0] =	vst v21;
	v21 =	vadd.s32 $0x310, v3;
	v24 =	vld.idx.msk [tilespmem:v28+s2+$0x0], $0xffff  }
0x1d3: {  	v43 =	vadd.s32 $0x330, v3;
	[tilespmem:s22+$0xFFFFFCB0] =	vst v53;
	v28 =	vld.idx.msk [tilespmem:v61+s2+$0x0], $0xffff  }
0x1d4: {  	[tilespmem:s22+$0x2F0] =	vst v17;
	v17 =	vadd.s32 $0x340, v3;
	v26 =	vld.idx.msk [tilespmem:v26+s2+$0x0], $0xffff  }
0x1d5: {  	v30 =	vadd.s32 $0x350, v3;
	[tilespmem:s22+$0x2D0] =	vst v22;
	v23 =	vld.idx.msk [tilespmem:v23+s2+$0x0], $0xffff  }
0x1d6: {  	v44 =	vadd.s32 $0x360, v3;
	[tilespmem:s22+$0xFFFFFCC0] =	vst v35;
	v19 =	vld.idx.msk [tilespmem:v19+s2+$0x0], $0xffff  }
0x1d7: {  	v31 =	vadd.s32 $0x370, v3;
	[tilespmem:s22+$0xFFFFFCE0] =	vst v33;
	v21 =	vld.idx.msk [tilespmem:v21+s2+$0x0], $0xffff  }
0x1d8: {  	[tilespmem:s22+$0xFFFFFCF0] =	vst v39;
	v22 =	vadd.s32 $0x320, v3;
	v32 =	vld.idx.msk [tilespmem:v43+s2+$0x0], $0xffff  }
0x1d9: {  	v41 =	vadd.s32 $0x310, v0;
	[tilespmem:s22+$0xFFFFFCD0] =	vst v29;
	v17 =	vld.idx.msk [tilespmem:v17+s2+$0x0], $0xffff  }
0x1da: {  	v46 =	vadd.s32 $0x100, v4;
	[tilespmem:s21+$0xFFFFFE00] =	vst v34;
	v29 =	vld.idx.msk [tilespmem:v30+s2+$0x0], $0xffff  }
0x1db: {  	v47 =	vadd.s32 $0x110, v4;
	[tilespmem:s21+$0xFFFFFE10] =	vst v27;
	v48 =	vld.idx.msk [tilespmem:v44+s2+$0x0], $0xffff  }
0x1dc: {  	v49 =	vadd.s32 $0x130, v4;
	[tilespmem:s21+$0xFFFFFE40] =	vst v63;
	v31 =	vld.idx.msk [tilespmem:v31+s2+$0x0], $0xffff  }
0x1dd: {  	v50 =	vadd.s32 $0x140, v4;
	v22 =	vld.idx.msk [tilespmem:v22+s2+$0x0], $0xffff;
	[tilespmem:s22+$0x300] =	vst v19  }
0x1de: {  	v25 =	vld.idx.msk [tilespmem:v41+s2+$0x0], $0xffff;
	v19 =	vadd.s32 $0x150, v4;
	[tilespmem:s22+$0x310] =	vst v21  }
0x1df: {  	v38 =	vld.idx.msk [tilespmem:v46+s2+$0x0], $0xffff;
	v21 =	vadd.s32 $0x160, v4;
	[tilespmem:s22+$0x330] =	vst v32  }
0x1e0: {  	v35 =	vld.idx.msk [tilespmem:v47+s2+$0x0], $0xffff;
	[tilespmem:s22+$0x340] =	vst v17;
	v17 =	vadd.s32 $0x3F0, v3  }
0x1e1: {  	v10 =	vadd.s32 $0x3C0, v3;
	v36 =	vld.idx.msk [tilespmem:v49+s2+$0x0], $0xffff;
	[tilespmem:s22+$0x350] =	vst v29  }
0x1e2: {  	v7 =	vadd.s32 $0x3D0, v3;
	v39 =	vld.idx.msk [tilespmem:v50+s2+$0x0], $0xffff;
	[tilespmem:s22+$0x360] =	vst v48  }
0x1e3: {  	[tilespmem:s22+$0x370] =	vst v31;
	v52 =	vld.idx.msk [tilespmem:v19+s2+$0x0], $0xffff  }
0x1e4: {  	v30 =	vadd.s32 $0x120, v4;
	[tilespmem:s22+$0x320] =	vst v22;
	v53 =	vld.idx.msk [tilespmem:v21+s2+$0x0], $0xffff  }
0x1e5: {  	v56 =	vadd.s32 $0x2D0, v2;
	[tilespmem:s21+$0xFFFFFE70] =	vst v37;
	v29 =	vadd.s32 $0x390, v3;
	v22 =	vadd.s32 $0x380, v3;
	v55 =	vld.idx.msk [tilespmem:v17+s2+$0x0], $0xffff  }
0x1e6: {  	[tilespmem:s21+$0xFFFFFE20] =	vst v24;
	v19 =	vadd.s32 $0x3A0, v3;
	v21 =	vadd.s32 $0x3B0, v3;
	v17 =	vadd.s32 $0x3E0, v3;
	v3 =	vld.idx.msk [tilespmem:v10+s2+$0x0], $0xffff  }
0x1e7: {  	s25 =	sadd.s32 $0x20, s18;
	[tilespmem:s21+$0xFFFFFE30] =	vst v28;
	v10 =	vld.idx.msk [tilespmem:v7+s2+$0x0], $0xffff  }
0x1e8: {  	[tilespmem:s21+$0xFFFFFE50] =	vst v26;
	v7 =	vld [tilespmem:s25+$0x0]  }
0x1e9: {  	[tilespmem:s21+$0xFFFFFE60] =	vst v23;
	v51 =	vld.idx.msk [tilespmem:v30+s2+$0x0], $0xffff  }
0x1ea: {  	[tilespmem:s20+$0xFFFFFEC0] =	vst v6;
	v6 =	vld.idx.msk [tilespmem:v56+s2+$0x0], $0xffff  }
0x1eb: {  	v30 =	vld.idx.msk [tilespmem:v29+s2+$0x0], $0xffff  }
0x1ec: {  	v54 =	vld.idx.msk [tilespmem:v22+s2+$0x0], $0xffff;
	v22 =	vadd.s32 $0x290, v2  }
0x1ed: {  	[tilespmem:s20+$0xFFFFFEB0] =	vst v5;
	v27 =	vadd.s32 $0x2A0, v2;
	v31 =	vld.idx.msk [tilespmem:v19+s2+$0x0], $0xffff  }
0x1ee: {  	[tilespmem:s20+$0xFFFFFED0] =	vst v8;
	v19 =	vadd.s32 $0x170, v4;
	v32 =	vld.idx.msk [tilespmem:v21+s2+$0x0], $0xffff  }
0x1ef: {  	[tilespmem:s20+$0xFFFFFEE0] =	vst v9;
	v21 =	vadd.s32 $0x280, v2;
	v17 =	vld.idx.msk [tilespmem:v17+s2+$0x0], $0xffff  }
0x1f0: {  	[tilespmem:s19+$0xFFFFFF10] =	vst v25;
	v26 =	vadd.s32 $0x2B0, v2;
	v25 =	vld.idx.msk [tilespmem:v7+s2+$0x0], $0xffff  }
0x1f1: {  	[tilespmem:s20+$0xFFFFFEF0] =	vst v18;
	v28 =	vadd.s32 $0x2C0, v2;
	v24 =	vld.idx.msk [tilespmem:v22+s2+$0x0], $0xffff  }
0x1f2: {  	[tilespmem:s19+$0xFFFFFF00] =	vst v20;
	v8 =	vadd.s32 $0x10, v7;
	v22 =	vld.idx.msk [tilespmem:v27+s2+$0x0], $0xffff  }
0x1f3: {  	[tilespmem:s19+$0xFFFFFF20] =	vst v11;
	v9 =	vadd.s32 $0x20, v7;
	v29 =	vld.idx.msk [tilespmem:v19+s2+$0x0], $0xffff  }
0x1f4: {  	v18 =	vadd.s32 $0x30, v7;
	[tilespmem:s22+$0x3F0] =	vst v55;
	v23 =	vld.idx.msk [tilespmem:v21+s2+$0x0], $0xffff  }
0x1f5: {  	v20 =	vadd.s32 $0x40, v7;
	[tilespmem:s22+$0x3D0] =	vst v10;
	v19 =	vld.idx.msk [tilespmem:v26+s2+$0x0], $0xffff  }
0x1f6: {  	v21 =	vld.idx.msk [tilespmem:v28+s2+$0x0], $0xffff;
	[tilespmem:s22+$0xFFFFFD00] =	vst v38  }
0x1f7: {  	v27 =	vadd.s32 $0x60, v7;
	[tilespmem:s22+$0xFFFFFD10] =	vst v35;
	v8 =	vld.idx.msk [tilespmem:v8+s2+$0x0], $0xffff  }
0x1f8: {  	v26 =	vadd.s32 $0x50, v7;
	[tilespmem:s22+$0xFFFFFD20] =	vst v51;
	v9 =	vld.idx.msk [tilespmem:v9+s2+$0x0], $0xffff  }
0x1f9: {  	v28 =	vadd.s32 $0x70, v7;
	[tilespmem:s22+$0xFFFFFD30] =	vst v36;
	v57 =	vld.idx.msk [tilespmem:v18+s2+$0x0], $0xffff  }
0x1fa: {  	v5 =	vadd.s32 $0x2E0, v2;
	[tilespmem:s22+$0xFFFFFD40] =	vst v39;
	v58 =	vld.idx.msk [tilespmem:v20+s2+$0x0], $0xffff  }
0x1fb: {  	v10 =	vadd.s32 $0x300, v1;
	[tilespmem:s22+$0xFFFFFD50] =	vst v52;
	v20 =	vld [tilespmem:s25+$0xFFFFFFF0]  }
0x1fc: {  	v18 =	vadd.s32 $0x180, v4;
	[tilespmem:s22+$0xFFFFFD60] =	vst v53;
	v61 =	vld.idx.msk [tilespmem:v27+s2+$0x0], $0xffff  }
0x1fd: {  	s23 =	simm.s32 $0x6400;
	v59 =	vadd.s32 $0x190, v4;
	v26 =	vld.idx.msk [tilespmem:v26+s2+$0x0], $0xffff;
	[tilespmem:s22+$0xFFFFFD70] =	vst v29  }
0x1fe: {  	v60 =	vadd.s32 $0x1A0, v4;
	v63 =	vld.idx.msk [tilespmem:v28+s2+$0x0], $0xffff;
	[tilespmem:s23+$0x0] =	vst v25  }
0x1ff: {  	v5 =	vld.idx.msk [tilespmem:v5+s2+$0x0], $0xffff;
	[tilespmem:s23+$0x10] =	vst v8  }
0x200: {  	v10 =	vld.idx.msk [tilespmem:v10+s2+$0x0], $0xffff;
	v8 =	vadd.s32 $0x1E0, v4;
	[tilespmem:s23+$0x20] =	vst v9  }
0x201: {  	[tilespmem:s23+$0x30] =	vst v57;
	v9 =	vadd.s32 $0x80, v7;
	v18 =	vld.idx.msk [tilespmem:v18+s2+$0x0], $0xffff  }
0x202: {  	v42 =	vadd.s32 $0x90, v7;
	[tilespmem:s23+$0x40] =	vst v58;
	v33 =	vld.idx.msk [tilespmem:v59+s2+$0x0], $0xffff  }
0x203: {  	v45 =	vadd.s32 $0xA0, v7;
	v27 =	vld.idx.msk [tilespmem:v60+s2+$0x0], $0xffff;
	[tilespmem:s23+$0x60] =	vst v61  }
0x204: {  	v46 =	vadd.s32 $0xB0, v7;
	v55 =	vld.idx.msk [tilespmem:v20+s2+$0x0], $0xffff;
	[tilespmem:s23+$0x50] =	vst v26  }
0x205: {  	v47 =	vadd.s32 $0xD0, v7;
	v26 =	vld.idx.msk [tilespmem:v8+s2+$0x0], $0xffff;
	[tilespmem:s23+$0x70] =	vst v63  }
0x206: {  	[tilespmem:s19+$0xFFFFFF30] =	vst v12;
	v48 =	vadd.s32 $0xE0, v7;
	v9 =	vld.idx.msk [tilespmem:v9+s2+$0x0], $0xffff  }
0x207: {  	[tilespmem:s19+$0xFFFFFF40] =	vst v13;
	v49 =	vadd.s32 $0xF0, v7;
	v11 =	vld.idx.msk [tilespmem:v42+s2+$0x0], $0xffff  }
0x208: {  	[tilespmem:s19+$0xFFFFFF50] =	vst v14;
	v8 =	vadd.s32 $0xC0, v7;
	v12 =	vld.idx.msk [tilespmem:v45+s2+$0x0], $0xffff  }
0x209: {  	[tilespmem:s19+$0xFFFFFF60] =	vst v15;
	v13 =	vadd.s32 $0x10, v20;
	v36 =	vld.idx.msk [tilespmem:v46+s2+$0x0], $0xffff  }
0x20a: {  	[tilespmem:s19+$0xFFFFFF70] =	vst v16;
	v14 =	vadd.s32 $0x20, v20;
	v37 =	vld.idx.msk [tilespmem:v47+s2+$0x0], $0xffff  }
0x20b: {  	[tilespmem:s22+$0x380] =	vst v54;
	v15 =	vadd.s32 $0x30, v20;
	v34 =	vld.idx.msk [tilespmem:v48+s2+$0x0], $0xffff  }
0x20c: {  	[tilespmem:s22+$0x3A0] =	vst v31;
	v16 =	vadd.s32 $0x40, v20;
	v35 =	vld.idx.msk [tilespmem:v49+s2+$0x0], $0xffff  }
0x20d: {  	v50 =	vadd.s32 $0x50, v20;
	v8 =	vld.idx.msk [tilespmem:v8+s2+$0x0], $0xffff;
	[tilespmem:s23+$0x80] =	vst v9  }
0x20e: {  	v13 =	vld.idx.msk [tilespmem:v13+s2+$0x0], $0xffff;
	v9 =	vadd.s32 $0x70, v20;
	[tilespmem:s23+$0x90] =	vst v11  }
0x20f: {  	v51 =	vadd.s32 $0x60, v20;
	v14 =	vld.idx.msk [tilespmem:v14+s2+$0x0], $0xffff;
	[tilespmem:s23+$0xA0] =	vst v12  }
0x210: {  	v15 =	vld.idx.msk [tilespmem:v15+s2+$0x0], $0xffff;
	[tilespmem:s23+$0xB0] =	vst v36;
	v11 =	vadd.s32 $0x100, v7  }
0x211: {  	v16 =	vld.idx.msk [tilespmem:v16+s2+$0x0], $0xffff;
	[tilespmem:s23+$0xD0] =	vst v37;
	v12 =	vadd.s32 $0x120, v7  }
0x212: {  	v56 =	vadd.s32 $0x140, v7;
	v52 =	vld.idx.msk [tilespmem:v50+s2+$0x0], $0xffff;
	[tilespmem:s23+$0xE0] =	vst v34  }
0x213: {  	[tilespmem:s23+$0xF0] =	vst v35;
	v54 =	vld.idx.msk [tilespmem:v9+s2+$0x0], $0xffff;
	v9 =	vadd.s32 $0x130, v7  }
0x214: {  	v31 =	vadd.s32 $0x160, v7;
	v53 =	vld.idx.msk [tilespmem:v51+s2+$0x0], $0xffff;
	[tilespmem:s23+$0xC0] =	vst v8  }
0x215: {  	[tilespmem:s22+$0x390] =	vst v30;
	v30 =	vadd.s32 $0x150, v7;
	v11 =	vld.idx.msk [tilespmem:v11+s2+$0x0], $0xffff  }
0x216: {  	v57 =	vadd.s32 $0x170, v7;
	v12 =	vld.idx.msk [tilespmem:v12+s2+$0x0], $0xffff  }
0x217: {  	v8 =	vadd.s32 $0x110, v7;
	v35 =	vld.idx.msk [tilespmem:v56+s2+$0x0], $0xffff  }
0x218: {  	[tilespmem:s22+$0x3C0] =	vst v3;
	v3 =	vld.idx.msk [tilespmem:v9+s2+$0x0], $0xffff;
	v9 =	vadd.s32 $0x2F0, v2  }
0x219: {  	[tilespmem:s23+$0xFFFFFC10] =	vst v13;
	v13 =	vld.idx.msk [tilespmem:v31+s2+$0x0], $0xffff;
	v31 =	vadd.s32 $0x320, v1  }
0x21a: {  	v62 =	vadd.s32 $0x1B0, v4;
	[tilespmem:s22+$0x3E0] =	vst v17;
	v17 =	vld.idx.msk [tilespmem:v30+s2+$0x0], $0xffff  }
0x21b: {  	v29 =	vadd.s32 $0x1C0, v4;
	[tilespmem:s23+$0xFFFFFC20] =	vst v14;
	v14 =	vld.idx.msk [tilespmem:v57+s2+$0x0], $0xffff  }
0x21c: {  	v25 =	vadd.s32 $0x1D0, v4;
	v8 =	vld.idx.msk [tilespmem:v8+s2+$0x0], $0xffff  }
0x21d: {  	v58 =	vadd.s32 $0x1F0, v4;
	[tilespmem:s23+$0x100] =	vst v11;
	v11 =	vld.idx.msk [tilespmem:v9+s2+$0x0], $0xffff  }
0x21e: {  	v30 =	vadd.s32 $0x310, v1;
	v9 =	vld.idx.msk [tilespmem:v31+s2+$0x0], $0xffff  }
0x21f: {  	[tilespmem:s22+$0x3B0] =	vst v32;
	v28 =	vld.idx.msk [tilespmem:v62+s2+$0x0], $0xffff;
	v59 =	vadd.s32 $0x330, v1  }
0x220: {  	v29 =	vld.idx.msk [tilespmem:v29+s2+$0x0], $0xffff;
	[tilespmem:s23+$0x120] =	vst v12  }
0x221: {  	v25 =	vld.idx.msk [tilespmem:v25+s2+$0x0], $0xffff;
	[tilespmem:s23+$0x110] =	vst v8  }
0x222: {  	v39 =	vld.idx.msk [tilespmem:v58+s2+$0x0], $0xffff;
	[tilespmem:s23+$0x130] =	vst v3  }
0x223: {  	v8 =	vld.idx.msk [tilespmem:v30+s2+$0x0], $0xffff;
	[tilespmem:$0x1FC70] =	vst v9  }
0x224: {  	v9 =	vld.idx.msk [tilespmem:v59+s2+$0x0], $0xffff;
	_ =	sdelay $0x3  }
0x225: {  	[tilespmem:s23+$0x140] =	vst v35  }
0x226: {  	[tilespmem:$0x1FC80] =	vst v9  }
0x227: {  	[tilespmem:s23+$0x150] =	vst v17  }
0x228: {  	[tilespmem:s23+$0x160] =	vst v13  }
0x229: {  	v60 =	vadd.s32 $0x340, v1;
	[tilespmem:s23+$0x170] =	vst v14  }
0x22a: {  	v61 =	vadd.s32 $0x350, v1;
	[tilespmem:s23+$0xFFFFFC30] =	vst v15  }
0x22b: {  	v3 =	vadd.s32 $0x180, v7;
	[tilespmem:s23+$0xFFFFFC40] =	vst v16  }
0x22c: {  	v30 =	vadd.s32 $0x190, v7;
	[tilespmem:s23+$0xFFFFFC50] =	vst v52  }
0x22d: {  	v31 =	vadd.s32 $0x1F0, v7;
	[tilespmem:s23+$0xFFFFFC60] =	vst v53  }
0x22e: {  	v44 =	vadd.s32 $0x80, v20;
	v9 =	vld.idx.msk [tilespmem:v60+s2+$0x0], $0xffff;
	[tilespmem:s23+$0xFFFFFC70] =	vst v54  }
0x22f: {  	v17 =	vadd.s32 $0x1A0, v7;
	v12 =	vld.idx.msk [tilespmem:v61+s2+$0x0], $0xffff;
	[tilespmem:s23+$0xFFFFFC00] =	vst v55  }
0x230: {  	v13 =	vadd.s32 $0x1B0, v7;
	[tilespmem:s22+$0xFFFFFD80] =	vst v18;
	v3 =	vld.idx.msk [tilespmem:v3+s2+$0x0], $0xffff  }
0x231: {  	v14 =	vadd.s32 $0x1C0, v7;
	[tilespmem:s22+$0xFFFFFD90] =	vst v33;
	v16 =	vld.idx.msk [tilespmem:v30+s2+$0x0], $0xffff  }
0x232: {  	v15 =	vadd.s32 $0x1D0, v7;
	[tilespmem:s22+$0xFFFFFDA0] =	vst v27;
	v31 =	vld.idx.msk [tilespmem:v31+s2+$0x0], $0xffff  }
0x233: {  	[tilespmem:s22+$0xFFFFFDB0] =	vst v28;
	v30 =	vadd.s32 $0x1E0, v7;
	v33 =	vld.idx.msk [tilespmem:v44+s2+$0x0], $0xffff  }
0x234: {  	v45 =	vadd.s32 $0xA0, v20;
	[tilespmem:s22+$0xFFFFFDC0] =	vst v29;
	v17 =	vld.idx.msk [tilespmem:v17+s2+$0x0], $0xffff  }
0x235: {  	v50 =	vadd.s32 $0xB0, v20;
	[tilespmem:s22+$0xFFFFFDD0] =	vst v25;
	v13 =	vld.idx.msk [tilespmem:v13+s2+$0x0], $0xffff  }
0x236: {  	v56 =	vadd.s32 $0x230, v4;
	[tilespmem:s22+$0xFFFFFDE0] =	vst v26;
	v40 =	vld.idx.msk [tilespmem:v14+s2+$0x0], $0xffff  }
0x237: {  	v62 =	vadd.s32 $0x360, v1;
	[tilespmem:s22+$0xFFFFFDF0] =	vst v39;
	v42 =	vld.idx.msk [tilespmem:v15+s2+$0x0], $0xffff  }
0x238: {  	v63 =	vadd.s32 $0x370, v1;
	v30 =	vld.idx.msk [tilespmem:v30+s2+$0x0], $0xffff;
	[tilespmem:s23+$0x180] =	vst v3  }
0x239: {  	v18 =	vadd.s32 $0x3A0, v0;
	v32 =	vld.idx.msk [tilespmem:v45+s2+$0x0], $0xffff;
	[tilespmem:s23+$0x190] =	vst v16  }
0x23a: {  	v52 =	vadd.s32 $0xF0, v20;
	v36 =	vld.idx.msk [tilespmem:v50+s2+$0x0], $0xffff;
	[tilespmem:s23+$0x1F0] =	vst v31  }
0x23b: {  	v46 =	vadd.s32 $0x210, v7;
	v39 =	vld.idx.msk [tilespmem:v56+s2+$0x0], $0xffff;
	[tilespmem:s23+$0x1A0] =	vst v17  }
0x23c: {  	v47 =	vadd.s32 $0x220, v7;
	v14 =	vld.idx.msk [tilespmem:v62+s2+$0x0], $0xffff;
	[tilespmem:s23+$0x1B0] =	vst v13  }
0x23d: {  	v15 =	vld.idx.msk [tilespmem:v63+s2+$0x0], $0xffff;
	v31 =	vadd.s32 $0x240, v7;
	[tilespmem:s23+$0x1C0] =	vst v40  }
0x23e: {  	v27 =	vadd.s32 $0x250, v7;
	v18 =	vld.idx.msk [tilespmem:v18+s2+$0x0], $0xffff;
	[tilespmem:s23+$0x1D0] =	vst v42  }
0x23f: {  	v48 =	vadd.s32 $0x260, v7;
	v54 =	vld.idx.msk [tilespmem:v52+s2+$0x0], $0xffff;
	[tilespmem:s23+$0x1E0] =	vst v30  }
0x240: {  	v49 =	vadd.s32 $0x270, v7;
	v28 =	vld.idx.msk [tilespmem:v46+s2+$0x0], $0xffff  }
0x241: {  	v13 =	vadd.s32 $0x200, v7;
	v29 =	vld.idx.msk [tilespmem:v47+s2+$0x0], $0xffff  }
0x242: {  	v30 =	vadd.s32 $0x230, v7;
	v26 =	vld.idx.msk [tilespmem:v31+s2+$0x0], $0xffff  }
0x243: {  	v53 =	vadd.s32 $0x200, v4;
	v27 =	vld.idx.msk [tilespmem:v27+s2+$0x0], $0xffff  }
0x244: {  	v41 =	vadd.s32 $0x380, v0;
	[tilespmem:s21+$0xFFFFFE80] =	vst v23;
	v23 =	vld.idx.msk [tilespmem:v48+s2+$0x0], $0xffff  }
0x245: {  	v43 =	vadd.s32 $0x390, v0;
	[tilespmem:s21+$0xFFFFFE90] =	vst v24;
	v24 =	vld.idx.msk [tilespmem:v49+s2+$0x0], $0xffff  }
0x246: {  	v3 =	vadd.s32 $0x90, v20;
	v13 =	vld.idx.msk [tilespmem:v13+s2+$0x0], $0xffff  }
0x247: {  	v31 =	vadd.s32 $0xD0, v20;
	v25 =	vld.idx.msk [tilespmem:v30+s2+$0x0], $0xffff;
	[tilespmem:s23+$0x210] =	vst v28  }
0x248: {  	v51 =	vadd.s32 $0xE0, v20;
	v55 =	vld.idx.msk [tilespmem:v53+s2+$0x0], $0xffff;
	[tilespmem:s23+$0x220] =	vst v29  }
0x249: {  	v16 =	vld.idx.msk [tilespmem:v41+s2+$0x0], $0xffff;
	v30 =	vadd.s32 $0xC0, v20;
	[tilespmem:s23+$0x240] =	vst v26  }
0x24a: {  	v57 =	vadd.s32 $0x240, v4;
	v17 =	vld.idx.msk [tilespmem:v43+s2+$0x0], $0xffff;
	[tilespmem:s23+$0x250] =	vst v27  }
0x24b: {  	v3 =	vld.idx.msk [tilespmem:v3+s2+$0x0], $0xffff;
	v26 =	vadd.s32 $0x290, v7;
	[tilespmem:s23+$0x260] =	vst v23  }
0x24c: {  	v31 =	vld.idx.msk [tilespmem:v31+s2+$0x0], $0xffff;
	v27 =	vadd.s32 $0x2A0, v7;
	[tilespmem:s23+$0x270] =	vst v24  }
0x24d: {  	v29 =	vld.idx.msk [tilespmem:v51+s2+$0x0], $0xffff;
	[tilespmem:s23+$0x230] =	vst v25;
	v25 =	vadd.s32 $0x280, v7  }
0x24e: {  	v23 =	vadd.s32 $0x2B0, v7;
	[tilespmem:s23+$0x200] =	vst v13;
	v30 =	vld.idx.msk [tilespmem:v30+s2+$0x0], $0xffff  }
0x24f: {  	v24 =	vadd.s32 $0x2C0, v7;
	[tilespmem:s23+$0xFFFFFC80] =	vst v33;
	v33 =	vld.idx.msk [tilespmem:v57+s2+$0x0], $0xffff  }
0x250: {  	[tilespmem:s21+$0xFFFFFEB0] =	vst v19;
	v19 =	vld.idx.msk [tilespmem:v26+s2+$0x0], $0xffff;
	v26 =	vadd.s32 $0x2E0, v7  }
0x251: {  	[tilespmem:s21+$0xFFFFFEC0] =	vst v21;
	v21 =	vld.idx.msk [tilespmem:v27+s2+$0x0], $0xffff;
	v27 =	vadd.s32 $0x2F0, v7  }
0x252: {  	[tilespmem:s21+$0xFFFFFEA0] =	vst v22;
	v22 =	vld.idx.msk [tilespmem:v25+s2+$0x0], $0xffff;
	v25 =	vadd.s32 $0x2D0, v7  }
0x253: {  	v58 =	vadd.s32 $0x260, v4;
	[tilespmem:s23+$0xFFFFFC90] =	vst v3;
	v23 =	vld.idx.msk [tilespmem:v23+s2+$0x0], $0xffff  }
0x254: {  	v28 =	vadd.s32 $0x220, v4;
	[tilespmem:s23+$0xFFFFFCA0] =	vst v32;
	v3 =	vld.idx.msk [tilespmem:v24+s2+$0x0], $0xffff  }
0x255: {  	v13 =	vadd.s32 $0x210, v4;
	[tilespmem:s23+$0xFFFFFCB0] =	vst v36;
	v26 =	vld.idx.msk [tilespmem:v26+s2+$0x0], $0xffff  }
0x256: {  	v24 =	vadd.s32 $0x250, v4;
	[tilespmem:s23+$0xFFFFFCC0] =	vst v30;
	v27 =	vld.idx.msk [tilespmem:v27+s2+$0x0], $0xffff  }
0x257: {  	v25 =	vld.idx.msk [tilespmem:v25+s2+$0x0], $0xffff;
	[tilespmem:s23+$0x280] =	vst v22  }
0x258: {  	v32 =	vld.idx.msk [tilespmem:v58+s2+$0x0], $0xffff;
	[tilespmem:s23+$0x290] =	vst v19  }
0x259: {  	v59 =	vadd.s32 $0x270, v4;
	v28 =	vld.idx.msk [tilespmem:v28+s2+$0x0], $0xffff;
	[tilespmem:s23+$0x2A0] =	vst v21  }
0x25a: {  	v60 =	vadd.s32 $0x380, v1;
	v13 =	vld.idx.msk [tilespmem:v13+s2+$0x0], $0xffff;
	[tilespmem:s23+$0x2B0] =	vst v23  }
0x25b: {  	v61 =	vadd.s32 $0x390, v1;
	v30 =	vadd.s32 $0x3B0, v0;
	v24 =	vld.idx.msk [tilespmem:v24+s2+$0x0], $0xffff;
	[tilespmem:$0x1FC90] =	vst v60  }
0x25c: {  	[tilespmem:$0x1FCA0] =	vst v61  }
0x25d: {  	v62 =	vadd.s32 $0x3A0, v1;
	[tilespmem:s23+$0x2C0] =	vst v3  }
0x25e: {  	v63 =	vadd.s32 $0x3B0, v1;
	v41 =	vld.idx.msk [tilespmem:v59+s2+$0x0], $0xffff;
	[tilespmem:$0x1FCB0] =	vst v62  }
0x25f: {  	v22 =	vadd.s32 $0x3C0, v0;
	[tilespmem:$0x1FCC0] =	vst v63  }
0x260: {  	v34 =	vld.idx.msk [tilespmem:v30+s2+$0x0], $0xffff;
	v30 =	vadd.s32 $0x3C0, v1;
	[tilespmem:s23+$0x2D0] =	vst v25  }
0x261: {  	v19 =	vadd.s32 $0x3D0, v0;
	[tilespmem:$0x1FCD0] =	vst v30;
	v30 =	vadd.s32 $0x3D0, v1  }
0x262: {  	[tilespmem:$0x1FCE0] =	vst v30  }
0x263: {  	[tilespmem:s23+$0x2E0] =	vst v26;
	v26 =	vadd.s32 $0x3E0, v1  }
0x264: {  	v35 =	vld.idx.msk [tilespmem:v22+s2+$0x0], $0xffff;
	v1 =	vadd.s32 $0x3F0, v1;
	[tilespmem:$0x1FCF0] =	vst v26  }
0x265: {  	v23 =	vadd.s32 $0x300, v7;
	[tilespmem:$0x1FD00] =	vst v1  }
0x266: {  	v36 =	vld.idx.msk [tilespmem:v19+s2+$0x0], $0xffff;
	[tilespmem:s23+$0x2F0] =	vst v27;
	v19 =	vadd.s32 $0x300, v2  }
0x267: {  	[tilespmem:$0x1FD10] =	vst v19;
	v19 =	vadd.s32 $0x310, v2  }
0x268: {  	v3 =	vadd.s32 $0x310, v7;
	[tilespmem:$0x1FD20] =	vst v19  }
0x269: {  	v26 =	vadd.s32 $0x320, v2;
	[tilespmem:s23+$0xFFFFFCD0] =	vst v31  }
0x26a: {  	v19 =	vld.idx.msk [tilespmem:v23+s2+$0x0], $0xffff;
	[tilespmem:$0x1FD30] =	vst v26;
	v26 =	vadd.s32 $0x330, v2  }
0x26b: {  	v25 =	vadd.s32 $0x320, v7;
	[tilespmem:$0x1FD40] =	vst v26  }
0x26c: {  	v27 =	vadd.s32 $0x340, v2;
	[tilespmem:s23+$0xFFFFFCE0] =	vst v29  }
0x26d: {  	v3 =	vld.idx.msk [tilespmem:v3+s2+$0x0], $0xffff;
	[tilespmem:$0x1FD50] =	vst v27;
	v27 =	vadd.s32 $0x350, v2  }
0x26e: {  	v22 =	vadd.s32 $0x330, v7;
	[tilespmem:$0x1FD60] =	vst v27  }
0x26f: {  	v29 =	vadd.s32 $0x360, v2;
	[tilespmem:s23+$0xFFFFFCF0] =	vst v54  }
0x270: {  	v1 =	vadd.s32 $0x340, v7;
	v25 =	vld.idx.msk [tilespmem:v25+s2+$0x0], $0xffff;
	[tilespmem:$0x1FD70] =	vst v29;
	v29 =	vadd.s32 $0x370, v2  }
0x271: {  	v23 =	vadd.s32 $0x350, v7;
	[tilespmem:$0x1FD80] =	vst v29  }
0x272: {  	v26 =	vadd.s32 $0x360, v7;
	v29 =	vadd.s32 $0x390, v2;
	[tilespmem:s22+$0xFFFFFE00] =	vst v55  }
0x273: {  	v27 =	vadd.s32 $0x370, v7;
	v22 =	vld.idx.msk [tilespmem:v22+s2+$0x0], $0xffff;
	[tilespmem:$0x1FD90] =	vst v29  }
0x274: {  	v21 =	vadd.s32 $0x3E0, v0;
	[tilespmem:s22+$0xFFFFFE10] =	vst v13  }
0x275: {  	v30 =	vadd.s32 $0x140, v20;
	v1 =	vld.idx.msk [tilespmem:v1+s2+$0x0], $0xffff;
	[tilespmem:s22+$0xFFFFFE20] =	vst v28  }
0x276: {  	v45 =	vadd.s32 $0x380, v2;
	v29 =	vadd.s32 $0x100, v20;
	v23 =	vld.idx.msk [tilespmem:v23+s2+$0x0], $0xffff;
	[tilespmem:s22+$0xFFFFFE30] =	vst v39  }
0x277: {  	v46 =	vadd.s32 $0x3A0, v2;
	v60 =	vadd.s32 $0x3B0, v2;
	v13 =	vadd.s32 $0x110, v20;
	v26 =	vld.idx.msk [tilespmem:v26+s2+$0x0], $0xffff;
	[tilespmem:s22+$0xFFFFFE40] =	vst v33  }
0x278: {  	v61 =	vadd.s32 $0x3E0, v2;
	v59 =	vadd.s32 $0x3C0, v2;
	v28 =	vadd.s32 $0x120, v20;
	v27 =	vld.idx.msk [tilespmem:v27+s2+$0x0], $0xffff;
	[tilespmem:s23+$0x300] =	vst v19  }
0x279: {  	v62 =	vadd.s32 $0x3D0, v2;
	v63 =	vadd.s32 $0x3F0, v2;
	v2 =	vadd.s32 $0x130, v20;
	v40 =	vld.idx.msk [tilespmem:v21+s2+$0x0], $0xffff;
	[tilespmem:s23+$0x310] =	vst v3  }
0x27a: {  	[tilespmem:s23+$0x320] =	vst v25;
	v53 =	vld.idx.msk [tilespmem:v30+s2+$0x0], $0xffff  }
0x27b: {  	v31 =	vadd.s32 $0x150, v20;
	[tilespmem:s23+$0x330] =	vst v22;
	v29 =	vld.idx.msk [tilespmem:v29+s2+$0x0], $0xffff  }
0x27c: {  	v58 =	vld.idx.msk [tilespmem:v13+s2+$0x0], $0xffff;
	[tilespmem:s23+$0x340] =	vst v1  }
0x27d: {  	v28 =	vld.idx.msk [tilespmem:v28+s2+$0x0], $0xffff;
	[tilespmem:s23+$0x350] =	vst v23;
	v23 =	vadd.s32 $0x2F0, v4  }
0x27e: {  	v1 =	vld.idx.msk [tilespmem:v2+s2+$0x0], $0xffff;
	[tilespmem:$0x1FDA0] =	vst v23  }
0x27f: {  	v33 =	vadd.s32 $0x160, v20;
	v23 =	vadd.s32 $0x300, v4;
	[tilespmem:s23+$0x360] =	vst v26  }
0x280: {  	v56 =	vld.idx.msk [tilespmem:v31+s2+$0x0], $0xffff;
	[tilespmem:$0x1FDB0] =	vst v23;
	v23 =	vadd.s32 $0x310, v4  }
0x281: {  	[tilespmem:$0x1FDC0] =	vst v23;
	v23 =	vadd.s32 $0x320, v4  }
0x282: {  	v19 =	vadd.s32 $0x380, v7;
	[tilespmem:$0x1FDD0] =	vst v23  }
0x283: {  	v23 =	vadd.s32 $0x330, v4;
	[tilespmem:s23+$0x370] =	vst v27  }
0x284: {  	v57 =	vld.idx.msk [tilespmem:v33+s2+$0x0], $0xffff;
	[tilespmem:$0x1FDE0] =	vst v23;
	v23 =	vadd.s32 $0x340, v4  }
0x285: {  	[tilespmem:$0x1FDF0] =	vst v23;
	v23 =	vadd.s32 $0x350, v4  }
0x286: {  	[tilespmem:$0x1FE00] =	vst v23  }
0x287: {  	v3 =	vadd.s32 $0x3F0, v7;
	[tilespmem:s22+$0xFFFFFE50] =	vst v24;
	v47 =	vld.idx.msk [tilespmem:v19+s2+$0x0], $0xffff;
	v19 =	vadd.s32 $0x360, v4  }
0x288: {  	[tilespmem:$0x1FE10] =	vst v19;
	v19 =	vadd.s32 $0x370, v4  }
0x289: {  	[tilespmem:$0x1FE20] =	vst v19;
	v19 =	vadd.s32 $0x380, v4  }
0x28a: {  	[tilespmem:$0x1FE30] =	vst v19  }
0x28b: {  	v21 =	vadd.s32 $0x390, v7;
	v19 =	vadd.s32 $0x390, v4;
	[tilespmem:s22+$0xFFFFFE60] =	vst v32  }
0x28c: {  	v3 =	vld.idx.msk [tilespmem:v3+s2+$0x0], $0xffff;
	[tilespmem:$0x1FE40] =	vst v19;
	v19 =	vadd.s32 $0x3A0, v4  }
0x28d: {  	[tilespmem:$0x1FE50] =	vst v19;
	v19 =	vadd.s32 $0x3B0, v4  }
0x28e: {  	v37 =	vadd.s32 $0x3A0, v7;
	[tilespmem:$0x1FE60] =	vst v19  }
0x28f: {  	v13 =	vadd.s32 $0x3B0, v7;
	v19 =	vadd.s32 $0x3C0, v4;
	[tilespmem:s22+$0xFFFFFE70] =	vst v41  }
0x290: {  	v38 =	vadd.s32 $0x3C0, v7;
	v50 =	vld.idx.msk [tilespmem:v21+s2+$0x0], $0xffff;
	[tilespmem:$0x1FE70] =	vst v19;
	v19 =	vadd.s32 $0x3D0, v4  }
0x291: {  	v39 =	vadd.s32 $0x3D0, v7;
	[tilespmem:$0x1FE80] =	vst v19  }
0x292: {  	[tilespmem:s21+$0xFFFFFED0] =	vst v6  }
0x293: {  	v43 =	vld.idx.msk [tilespmem:v37+s2+$0x0], $0xffff;
	[tilespmem:s21+$0xFFFFFEE0] =	vst v5  }
0x294: {  	v44 =	vadd.s32 $0x290, v4;
	v52 =	vadd.s32 $0x2C0, v4;
	v42 =	vld.idx.msk [tilespmem:v13+s2+$0x0], $0xffff;
	[tilespmem:s21+$0xFFFFFEF0] =	vst v11  }
0x295: {  	v51 =	vadd.s32 $0x2B0, v4;
	v7 =	vadd.s32 $0x3E0, v7;
	v37 =	vld.idx.msk [tilespmem:v38+s2+$0x0], $0xffff;
	[tilespmem:s20+$0xFFFFFF00] =	vst v10;
	v5 =	vadd.s32 $0x1F0, v20  }
0x296: {  	v54 =	vadd.s32 $0x2D0, v4;
	v55 =	vadd.s32 $0x2E0, v4;
	v38 =	vld.idx.msk [tilespmem:v39+s2+$0x0], $0xffff;
	[tilespmem:$0x1FE90] =	vst v5;
	v5 =	vadd.s32 $0x200, v20  }
0x297: {  	v22 =	vadd.s32 $0x280, v4;
	v2 =	vadd.s32 $0x2A0, v4;
	[tilespmem:$0x1FEA0] =	vst v5;
	v5 =	vadd.s32 $0x210, v20  }
0x298: {  	v23 =	vadd.s32 $0x3F0, v4;
	v24 =	vadd.s32 $0x3E0, v4;
	v4 =	vadd.s32 $0x170, v20;
	[tilespmem:$0x1FEB0] =	vst v5  }
0x299: {  	v5 =	vadd.s32 $0x220, v20;
	[tilespmem:s20+$0xFFFFFF10] =	vst v8  }
0x29a: {  	v39 =	vld.idx.msk [tilespmem:v7+s2+$0x0], $0xffff;
	[tilespmem:$0x1FEC0] =	vst v5;
	v5 =	vadd.s32 $0x230, v20  }
0x29b: {  	[tilespmem:$0x1FED0] =	vst v5;
	v5 =	vadd.s32 $0x240, v20  }
0x29c: {  	[tilespmem:$0x1FEE0] =	vst v5  }
0x29d: {  	v0 =	vadd.s32 $0x3F0, v0;
	[tilespmem:s23+$0x3F0] =	vst v3;
	v3 =	vld.idx.msk [tilespmem:v4+s2+$0x0], $0xffff;
	v4 =	vadd.s32 $0x250, v20  }
0x29e: {  	[tilespmem:$0x1FEF0] =	vst v4;
	v4 =	vadd.s32 $0x260, v20  }
0x29f: {  	[tilespmem:$0x1FF00] =	vst v4;
	v4 =	vadd.s32 $0x270, v20  }
0x2a0: {  	[tilespmem:$0x1FF10] =	vst v4  }
0x2a1: {  	v4 =	vadd.s32 $0x280, v20;
	[tilespmem:s23+$0xFFFFFD00] =	vst v29  }
0x2a2: {  	v0 =	vld.idx.msk [tilespmem:v0+s2+$0x0], $0xffff;
	[tilespmem:$0x1FF20] =	vst v4;
	v4 =	vadd.s32 $0x290, v20  }
0x2a3: {  	[tilespmem:$0x1FF30] =	vst v4  }
0x2a4: {  	[tilespmem:s23+$0xFFFFFD10] =	vst v58  }
0x2a5: {  	v4 =	vadd.s32 $0x2F0, v20;
	v29 =	vld.idx.msk [tilespmem:v22+s2+$0x0], $0xffff;
	[tilespmem:s23+$0xFFFFFD20] =	vst v28  }
0x2a6: {  	v30 =	vld.idx.msk [tilespmem:v44+s2+$0x0], $0xffff;
	[tilespmem:$0x1FF40] =	vst v4;
	v4 =	vadd.s32 $0x300, v20  }
0x2a7: {  	[tilespmem:$0x1FF50] =	vst v4  }
0x2a8: {  	[tilespmem:s23+$0xFFFFFD30] =	vst v1;
	v1 =	vadd.s32 $0x310, v20  }
0x2a9: {  	v31 =	vld.idx.msk [tilespmem:v2+s2+$0x0], $0xffff;
	[tilespmem:$0x1FF60] =	vst v1;
	v1 =	vadd.s32 $0x320, v20  }
0x2aa: {  	[tilespmem:$0x1FF70] =	vst v1;
	v1 =	vadd.s32 $0x330, v20  }
0x2ab: {  	[tilespmem:$0x1FF80] =	vst v1  }
0x2ac: {  	v1 =	vadd.s32 $0x340, v20;
	[tilespmem:s23+$0xFFFFFD40] =	vst v53  }
0x2ad: {  	v32 =	vld.idx.msk [tilespmem:v51+s2+$0x0], $0xffff;
	[tilespmem:$0x1FF90] =	vst v1;
	v1 =	vadd.s32 $0x350, v20  }
0x2ae: {  	[tilespmem:$0x1FFA0] =	vst v1;
	v1 =	vadd.s32 $0x360, v20  }
0x2af: {  	[tilespmem:$0x1FFB0] =	vst v1  }
0x2b0: {  	v48 =	vadd.s32 $0x1B0, v20;
	v49 =	vadd.s32 $0x1C0, v20;
	v1 =	vadd.s32 $0x370, v20;
	[tilespmem:s23+$0xFFFFFD50] =	vst v56  }
0x2b1: {  	v25 =	vadd.s32 $0x180, v20;
	v26 =	vadd.s32 $0x1A0, v20;
	v33 =	vld.idx.msk [tilespmem:v52+s2+$0x0], $0xffff;
	[tilespmem:$0x1FFC0] =	vst v1;
	v1 =	vadd.s32 $0x380, v20  }
0x2b2: {  	v27 =	vadd.s32 $0x190, v20;
	v41 =	vadd.s32 $0x1D0, v20;
	[tilespmem:$0x1FFD0] =	vst v1;
	v1 =	vadd.s32 $0x390, v20  }
0x2b3: {  	v21 =	vadd.s32 $0x2B0, v20;
	v19 =	vadd.s32 $0x2E0, v20;
	v6 =	vadd.s32 $0x1E0, v20;
	[tilespmem:$0x1FFE0] =	vst v1  }
0x2b4: {  	v11 =	vadd.s32 $0x2A0, v20;
	v13 =	vadd.s32 $0x2C0, v20;
	v1 =	vadd.s32 $0x3A0, v20;
	[tilespmem:s23+$0xFFFFFD60] =	vst v57  }
0x2b5: {  	v10 =	vadd.s32 $0x2D0, v20;
	v44 =	vadd.s32 $0x3F0, v20;
	v53 =	vadd.s32 $0x3B0, v20;
	v22 =	vld.idx.msk [tilespmem:v54+s2+$0x0], $0xffff;
	[tilespmem:$0x1FFF0] =	vst v1  }
0x2b6: {  	v51 =	vadd.s32 $0x3C0, v20;
	v52 =	vadd.s32 $0x3E0, v20;
	v54 =	vadd.s32 $0x3D0, v20;
	v20 =	vld.idx.msk [tilespmem:v55+s2+$0x0], $0xffff;
	_ =	sdelay $0x1  }
0x2b7: {  	s24 =	simm.s32 $0x8;
	s18 =	sshll.u32 s17, $0x6;
	s25 =	sadd.s32 $0x20, s25;
	[tilespmem:s23+$0xFFFFFD70] =	vst v3  }
.LBB2_3:
0x2b8: {  	[tilespmem:$0x1FAE0] =	vst v44  }
0x2b9: {  	[tilespmem:$0x1FA60] =	vst v51  }
0x2ba: {  	[tilespmem:$0x1FB70] =	vst v20  }
0x2bb: {  	[tilespmem:$0x1FA40] =	vst v53  }
0x2bc: {  	[tilespmem:$0x1FA30] =	vst v60  }
0x2bd: {  	[tilespmem:$0x1FAC0] =	vst v63  }
0x2be: {  	[tilespmem:$0x1FA50] =	vst v59;
	v1 =	vld [tilespmem:$0x1FC70]  }
0x2bf: {  	[tilespmem:$0x1FA70] =	vst v62;
	v2 =	vld [tilespmem:$0x1FC80]  }
0x2c0: {  	[tilespmem:$0x1FA90] =	vst v61  }
0x2c1: {  	[tilespmem:$0x1FBC0] =	vst v11  }
0x2c2: {  	[tilespmem:$0x1FAA0] =	vst v24  }
0x2c3: {  	[tilespmem:s20+$0xFFFFFF20] =	vst v1  }
0x2c4: {  	v1 =	vld [tilespmem:s25+$0xFFFFFFF0];
	[tilespmem:s20+$0xFFFFFF30] =	vst v2  }
0x2c5: {  	[tilespmem:$0x1FA80] =	vst v54;
	v2 =	vld.idx.msk [tilespmem:v25+s2+$0x0], $0xffff  }
0x2c6: {  	[tilespmem:$0x1FC00] =	vst v13  }
0x2c7: {  	[tilespmem:$0x1FC50] =	vst v19  }
0x2c8: {  	[tilespmem:$0x1FC30] =	vst v10  }
0x2c9: {  	[tilespmem:s20+$0xFFFFFF40] =	vst v9  }
0x2ca: {  	[tilespmem:$0x1F9D0] =	vst v2;
	v2 =	vld.idx.msk [tilespmem:v27+s2+$0x0], $0xffff  }
0x2cb: {  	[tilespmem:$0x1FAB0] =	vst v52  }
0x2cc: {  	[tilespmem:$0x1FAD0] =	vst v23  }
0x2cd: {  	[tilespmem:$0x1FB60] =	vst v22;
	v28 =	vld [tilespmem:s25+$0x0]  }
0x2ce: {  	[tilespmem:s20+$0xFFFFFF50] =	vst v12  }
0x2cf: {  	[tilespmem:$0x1F9E0] =	vst v2;
	v2 =	vld.idx.msk [tilespmem:v26+s2+$0x0], $0xffff  }
0x2d0: {  	[tilespmem:$0x1FBE0] =	vst v21;
	v7 =	vadd.s32 $0x280, v1  }
0x2d1: {  	[tilespmem:$0x1FBA0] =	vst v7;
	v7 =	vadd.s32 $0x290, v1  }
0x2d2: {  	v3 =	vadd.s32 $0x10, v28;
	[tilespmem:$0x1FBB0] =	vst v7  }
0x2d3: {  	v22 =	vadd.s32 $0x40, v28;
	[tilespmem:s20+$0xFFFFFF60] =	vst v14  }
0x2d4: {  	v7 =	vadd.s32 $0x2A0, v1;
	[tilespmem:$0x1F9F0] =	vst v2;
	v2 =	vld.idx.msk [tilespmem:v48+s2+$0x0], $0xffff  }
0x2d5: {  	v24 =	vadd.s32 $0x50, v28;
	[tilespmem:$0x1FBD0] =	vst v7;
	v7 =	vadd.s32 $0x2B0, v1  }
0x2d6: {  	v21 =	vld.idx.msk [tilespmem:v28+s2+$0x0], $0xffff;
	[tilespmem:$0x1FBF0] =	vst v7;
	v7 =	vadd.s32 $0x2C0, v1;
	v14 =	vadd.s32 $0x20, v28  }
0x2d7: {  	v3 =	vld.idx.msk [tilespmem:v3+s2+$0x0], $0xffff;
	[tilespmem:$0x1FC10] =	vst v7  }
0x2d8: {  	v23 =	vadd.s32 $0x30, v28;
	v63 =	vld.idx.msk [tilespmem:v22+s2+$0x0], $0xffff;
	[tilespmem:s20+$0xFFFFFF70] =	vst v15  }
0x2d9: {  	v7 =	vadd.s32 $0x2D0, v1;
	[tilespmem:$0x1FA00] =	vst v2;
	v2 =	vld.idx.msk [tilespmem:v49+s2+$0x0], $0xffff  }
0x2da: {  	v4 =	vld.idx.msk [tilespmem:v24+s2+$0x0], $0xffff;
	[tilespmem:$0x1FC40] =	vst v7  }
0x2db: {  	v14 =	vld.idx.msk [tilespmem:v14+s2+$0x0], $0xffff;
	[tilespmem:s19+$0xFFFFFF80] =	vst v16  }
0x2dc: {  	v52 =	vld.idx.msk [tilespmem:v41+s2+$0x0], $0xffff;
	[tilespmem:s19+$0xFFFFFF90] =	vst v17  }
0x2dd: {  	v41 =	vld.idx.msk [tilespmem:v23+s2+$0x0], $0xffff;
	[tilespmem:s23+$0x380] =	vst v47  }
0x2de: {  	[tilespmem:$0x1FA10] =	vst v2  }
0x2df: {  	v2 =	vld.idx.msk [tilespmem:v6+s2+$0x0], $0xffff;
	[tilespmem:s19+$0xFFFFFFA0] =	vst v18  }
0x2e0: {  	[tilespmem:s19+$0xFFFFFFB0] =	vst v34  }
0x2e1: {  	v26 =	vadd.s32 $0x60, v28;
	[tilespmem:s19+$0xFFFFFFC0] =	vst v35  }
0x2e2: {  	[tilespmem:s19+$0xFFFFFFD0] =	vst v36  }
0x2e3: {  	[tilespmem:s19+$0xFFFFFFE0] =	vst v40  }
0x2e4: {  	[tilespmem:s19+$0xFFFFFFF0] =	vst v0;
	s19 =	smov.u32 s20;
	v0 =	vadd.s32 $0x130, v1  }
0x2e5: {  	s20 =	smov.u32 s21;
	s21 =	smov.u32 s22;
	s22 =	smov.u32 s23;
	[tilespmem:$0x1FB20] =	vst v0  }
0x2e6: {  	v47 =	vld.idx.msk [tilespmem:v26+s2+$0x0], $0xffff;
	v0 =	vadd.s32 $0x140, v1;
	[tilespmem:s22+$0x390] =	vst v50  }
0x2e7: {  	v34 =	vadd.s32 $0x70, v28;
	[tilespmem:$0x1FB30] =	vst v0;
	v0 =	vadd.s32 $0x150, v1  }
0x2e8: {  	[tilespmem:$0x1FB40] =	vst v0;
	v0 =	vadd.s32 $0x160, v1  }
0x2e9: {  	[tilespmem:$0x1FB50] =	vst v0  }
0x2ea: {  	v0 =	vadd.s32 $0x170, v1;
	[tilespmem:$0x1FA20] =	vst v2  }
0x2eb: {  	v15 =	vadd.s32 $0x30, v1;
	s23 =	sadd.s32 $0x800, s23;
	[tilespmem:$0x1FB90] =	vst v0  }
0x2ec: {  	v16 =	vadd.s32 $0x40, v1;
	v5 =	vld.idx.msk [tilespmem:v34+s2+$0x0], $0xffff;
	[tilespmem:s23+$0x0] =	vst v21  }
0x2ed: {  	[tilespmem:s23+$0x10] =	vst v3  }
0x2ee: {  	v13 =	vadd.s32 $0xF0, v28;
	[tilespmem:s23+$0x20] =	vst v14  }
0x2ef: {  	v9 =	vadd.s32 $0x10, v1;
	v54 =	vadd.s32 $0x60, v1;
	v59 =	vadd.s32 $0x80, v1;
	[tilespmem:s23+$0x30] =	vst v41  }
0x2f0: {  	v62 =	vadd.s32 $0x90, v1;
	v60 =	vadd.s32 $0xA0, v1;
	v14 =	vld.idx.msk [tilespmem:v15+s2+$0x0], $0xffff;
	v3 =	vadd.s32 $0x80, v28;
	[tilespmem:s23+$0x40] =	vst v63  }
0x2f1: {  	v61 =	vadd.s32 $0xB0, v1;
	v56 =	vadd.s32 $0xC0, v1;
	v15 =	vld.idx.msk [tilespmem:v16+s2+$0x0], $0xffff;
	v16 =	vadd.s32 $0x90, v28;
	[tilespmem:s23+$0x50] =	vst v4  }
0x2f2: {  	v58 =	vadd.s32 $0xD0, v1;
	v2 =	vadd.s32 $0x100, v1;
	v4 =	vadd.s32 $0xA0, v28;
	[tilespmem:s23+$0x60] =	vst v47  }
0x2f3: {  	v53 =	vadd.s32 $0xE0, v1;
	v25 =	vadd.s32 $0x180, v1;
	v47 =	vadd.s32 $0xB0, v28;
	[tilespmem:$0x1FAF0] =	vst v2  }
0x2f4: {  	v57 =	vadd.s32 $0x210, v1;
	v55 =	vadd.s32 $0x220, v1;
	[tilespmem:s23+$0x70] =	vst v5;
	v5 =	vadd.s32 $0xC0, v28  }
0x2f5: {  	v51 =	vadd.s32 $0x240, v1;
	v8 =	vadd.s32 $0x2F0, v1;
	v63 =	vadd.s32 $0xD0, v28;
	v7 =	vld.idx.msk [tilespmem:v3+s2+$0x0], $0xffff;
	[tilespmem:s22+$0x3A0] =	vst v43  }
0x2f6: {  	v10 =	vadd.s32 $0x300, v1;
	v11 =	vadd.s32 $0x310, v1;
	v43 =	vadd.s32 $0xE0, v28;
	v16 =	vld.idx.msk [tilespmem:v16+s2+$0x0], $0xffff;
	[tilespmem:s22+$0x3B0] =	vst v42  }
0x2f7: {  	v19 =	vadd.s32 $0x340, v1;
	v20 =	vadd.s32 $0x360, v1;
	v44 =	vadd.s32 $0x390, v1;
	v4 =	vld.idx.msk [tilespmem:v4+s2+$0x0], $0xffff;
	[tilespmem:s22+$0x3C0] =	vst v37  }
0x2f8: {  	v12 =	vadd.s32 $0x20, v1;
	v27 =	vadd.s32 $0x190, v1;
	v48 =	vadd.s32 $0x1B0, v1;
	v41 =	vld.idx.msk [tilespmem:v47+s2+$0x0], $0xffff;
	[tilespmem:s22+$0x3D0] =	vst v38  }
0x2f9: {  	v49 =	vadd.s32 $0x1C0, v1;
	v17 =	vadd.s32 $0x50, v1;
	v0 =	vadd.s32 $0x1D0, v1;
	v22 =	vld.idx.msk [tilespmem:v5+s2+$0x0], $0xffff;
	[tilespmem:s22+$0x3E0] =	vst v39  }
0x2fa: {  	v23 =	vmovc v45;
	v26 =	vadd.s32 $0x1A0, v1;
	v18 =	vadd.s32 $0x70, v1;
	v2 =	vadd.s32 $0x110, v1;
	[tilespmem:$0x1FC20] =	vst v0;
	v45 =	vld.idx.msk [tilespmem:v63+s2+$0x0], $0xffff  }
0x2fb: {  	v24 =	vmovc v46;
	v36 =	vadd.s32 $0xF0, v1;
	v6 =	vadd.s32 $0x1F0, v1;
	v0 =	vadd.s32 $0x1E0, v1;
	[tilespmem:$0x1FB00] =	vst v2;
	v46 =	vld.idx.msk [tilespmem:v43+s2+$0x0], $0xffff  }
0x2fc: {  	v40 =	vadd.s32 $0x250, v1;
	v35 =	vadd.s32 $0x260, v1;
	v50 =	vadd.s32 $0x230, v1;
	[tilespmem:$0x1FB80] =	vst v0;
	v13 =	vld.idx.msk [tilespmem:v13+s2+$0x0], $0xffff  }
0x2fd: {  	v34 =	vadd.s32 $0x270, v1;
	v21 =	vadd.s32 $0x370, v1;
	v2 =	vadd.s32 $0x120, v1;
	[tilespmem:s23+$0xB0] =	vst v41;
	v41 =	vld [tilespmem:$0x1FF40]  }
0x2fe: {  	v0 =	vadd.s32 $0x200, v1;
	[tilespmem:$0x1FB10] =	vst v2;
	v2 =	vld.idx.msk [tilespmem:v54+s2+$0x0], $0xffff;
	v54 =	vadd.s32 $0x3C0, v1;
	v3 =	vadd.s32 $0x2E0, v1  }
0x2ff: {  	[tilespmem:$0x1FC60] =	vst v3;
	v42 =	vadd.s32 $0x330, v1;
	v3 =	vadd.s32 $0x3A0, v1;
	v37 =	vadd.s32 $0x320, v1  }
0x300: {  	v38 =	vadd.s32 $0x350, v1;
	v47 =	vadd.s32 $0x3D0, v1;
	v39 =	vadd.s32 $0x380, v1;
	[tilespmem:s23+$0x80] =	vst v7;
	v7 =	vld.idx.msk [tilespmem:v1+s2+$0x0], $0xffff  }
0x301: {  	v5 =	vadd.s32 $0x3F0, v1;
	v63 =	vadd.s32 $0x3B0, v1;
	v43 =	vadd.s32 $0x3E0, v1;
	v1 =	vld [tilespmem:$0x1FE90];
	[tilespmem:s23+$0xA0] =	vst v4;
	v4 =	vmovc v6  }
0x302: {  	[tilespmem:$0x1FE90] =	vst v4;
	v4 =	vld [tilespmem:$0x1FDA0];
	v41 =	vmov v41  }
0x303: {  	[tilespmem:$0x1FDA0] =	vst v41;
	v41 =	vld [tilespmem:$0x1FDB0];
	_ =	sdelay $0x4  }
0x304: {  	v6 =	vmov v8;
	v8 =	vmov v41;
	v41 =	vld [tilespmem:$0x1FF50];
	_ =	sdelay $0x2  }
0x305: {  	[tilespmem:s23+$0xD0] =	vst v45;
	v45 =	vld [tilespmem:$0x1FDC0]  }
0x306: {  	[tilespmem:$0x1FF40] =	vst v6  }
0x307: {  	[tilespmem:s23+$0xE0] =	vst v46;
	v41 =	vmov v41  }
0x308: {  	v6 =	vld [tilespmem:$0x1FD10];
	[tilespmem:$0x1FD10] =	vst v8;
	v8 =	vmov v10  }
0x309: {  	v46 =	vld [tilespmem:$0x1FD30];
	[tilespmem:$0x1FF50] =	vst v8  }
0x30a: {  	v8 =	vld [tilespmem:$0x1FD20];
	[tilespmem:$0x1FDB0] =	vst v41;
	v41 =	vmov v45  }
0x30b: {  	[tilespmem:$0x1FD20] =	vst v41;
	v41 =	vld [tilespmem:$0x1FF60];
	_ =	sdelay $0x4  }
0x30c: {  	v45 =	vmov v41;
	_ =	sdelay $0x2  }
0x30d: {  	v41 =	vld.idx.msk [tilespmem:v46+s2+$0x0], $0xffff;
	[tilespmem:$0x1FDC0] =	vst v45;
	v45 =	vmov v11  }
0x30e: {  	[tilespmem:$0x1FF60] =	vst v45;
	v45 =	vld [tilespmem:$0x1FDD0];
	_ =	sdelay $0x4  }
0x30f: {  	[tilespmem:$0x1FC70] =	vst v41;
	v41 =	vmov v45  }
0x310: {  	[tilespmem:$0x1FD30] =	vst v41;
	v41 =	vld [tilespmem:$0x1FF70];
	_ =	sdelay $0x4  }
0x311: {  	v9 =	vld.idx.msk [tilespmem:v9+s2+$0x0], $0xffff;
	v45 =	vmov v41  }
0x312: {  	[tilespmem:$0x1FDD0] =	vst v45;
	v45 =	vld [tilespmem:$0x1FD40]  }
0x313: {  	v12 =	vld.idx.msk [tilespmem:v12+s2+$0x0], $0xffff  }
0x314: {  	v17 =	vld.idx.msk [tilespmem:v17+s2+$0x0], $0xffff  }
0x315: {  	v18 =	vld.idx.msk [tilespmem:v18+s2+$0x0], $0xffff  }
0x316: {  	v1 =	vld.idx.msk [tilespmem:v1+s2+$0x0], $0xffff  }
0x317: {  	v4 =	vld.idx.msk [tilespmem:v4+s2+$0x0], $0xffff  }
0x318: {  	v6 =	vld.idx.msk [tilespmem:v6+s2+$0x0], $0xffff  }
0x319: {  	[tilespmem:s23+$0xC0] =	vst v22;
	v22 =	vadd.s32 $0x110, v28;
	v8 =	vld.idx.msk [tilespmem:v8+s2+$0x0], $0xffff  }
0x31a: {  	v46 =	vmov v37;
	v37 =	vld.idx.msk [tilespmem:v45+s2+$0x0], $0xffff;
	[tilespmem:s23+$0xFFFFFC30] =	vst v14;
	v14 =	vadd.s32 $0x170, v28;
	_ =	sdelay $0x1  }
0x31b: {  	[tilespmem:s23+$0x90] =	vst v16  }
0x31c: {  	[tilespmem:s23+$0xF0] =	vst v13  }
0x31d: {  	[tilespmem:s23+$0xFFFFFC20] =	vst v12;
	v12 =	vld.idx.msk [tilespmem:v22+s2+$0x0], $0xffff  }
0x31e: {  	v22 =	vadd.s32 $0x160, v28;
	[tilespmem:s23+$0xFFFFFC70] =	vst v18;
	v18 =	vld.idx.msk [tilespmem:v14+s2+$0x0], $0xffff  }
0x31f: {  	v14 =	vld [tilespmem:$0x1FDF0];
	_ =	sdelay $0x3  }
0x320: {  	v10 =	vadd.s32 $0x120, v28;
	[tilespmem:s23+$0xFFFFFC50] =	vst v17;
	v17 =	vld.idx.msk [tilespmem:v22+s2+$0x0], $0xffff  }
0x321: {  	v16 =	vadd.s32 $0x100, v28;
	v22 =	vmov v14;
	v14 =	vld [tilespmem:$0x1FF90];
	_ =	sdelay $0x2  }
0x322: {  	v13 =	vadd.s32 $0x140, v28  }
0x323: {  	v10 =	vld.idx.msk [tilespmem:v10+s2+$0x0], $0xffff;
	v11 =	vadd.s32 $0x130, v28  }
0x324: {  	[tilespmem:s23+$0xFFFFFC10] =	vst v9;
	v9 =	vld.idx.msk [tilespmem:v16+s2+$0x0], $0xffff;
	v16 =	vadd.s32 $0x150, v28;
	v14 =	vmov v14  }
0x325: {  	[tilespmem:$0x1FDF0] =	vst v14;
	v14 =	vld [tilespmem:$0x1FE00];
	_ =	sdelay $0x1  }
0x326: {  	v13 =	vld.idx.msk [tilespmem:v13+s2+$0x0], $0xffff  }
0x327: {  	v11 =	vld.idx.msk [tilespmem:v11+s2+$0x0], $0xffff;
	[tilespmem:s23+$0xFFFFFC40] =	vst v15  }
0x328: {  	[tilespmem:s23+$0xFFFFFC60] =	vst v2;
	v2 =	vld.idx.msk [tilespmem:v16+s2+$0x0], $0xffff  }
0x329: {  	[tilespmem:s23+$0x120] =	vst v10;
	v10 =	vld [tilespmem:$0x1FD60];
	v15 =	vmov v14  }
0x32a: {  	[tilespmem:$0x1FD60] =	vst v15;
	v15 =	vld [tilespmem:$0x1FE10];
	_ =	sdelay $0x2  }
0x32b: {  	[tilespmem:s23+$0x140] =	vst v13;
	v13 =	vld [tilespmem:$0x1FD80];
	_ =	sdelay $0x1  }
0x32c: {  	v16 =	vmov v15;
	v15 =	vld [tilespmem:$0x1FFB0]  }
0x32d: {  	[tilespmem:s23+$0x130] =	vst v11;
	v11 =	vld [tilespmem:$0x1FD70]  }
0x32e: {  	[tilespmem:$0x1FD70] =	vst v16;
	v16 =	vld [tilespmem:$0x1FE20];
	_ =	sdelay $0x2  }
0x32f: {  	v15 =	vmov v15  }
0x330: {  	[tilespmem:$0x1FE10] =	vst v15;
	v15 =	vld.idx.msk [tilespmem:v13+s2+$0x0], $0xffff  }
0x331: {  	[tilespmem:s23+$0x110] =	vst v12;
	v12 =	vmov v19;
	v19 =	vmov v16;
	v16 =	vld [tilespmem:$0x1FFC0];
	v13 =	vmov v21  }
0x332: {  	[tilespmem:$0x1FFC0] =	vst v13;
	v13 =	vld [tilespmem:$0x1FC90];
	_ =	sdelay $0x3  }
0x333: {  	[tilespmem:$0x1FD80] =	vst v19;
	v19 =	vld [tilespmem:$0x1FFD0];
	_ =	sdelay $0x2  }
0x334: {  	v14 =	vld [tilespmem:$0x1FFA0];
	v16 =	vmov v16  }
0x335: {  	[tilespmem:$0x1FE20] =	vst v16;
	v16 =	vld.idx.msk [tilespmem:v13+s2+$0x0], $0xffff;
	v13 =	vmov v23  }
0x336: {  	v19 =	vmov v19;
	[tilespmem:$0x1FC90] =	vst v13;
	v13 =	vld [tilespmem:$0x1FE30]  }
0x337: {  	[tilespmem:$0x1FE30] =	vst v19;
	v19 =	vld [tilespmem:$0x1FD90];
	_ =	sdelay $0x3  }
0x338: {  	[tilespmem:s23+$0x160] =	vst v17;
	v17 =	vld [tilespmem:$0x1FCA0];
	v14 =	vmov v14  }
0x339: {  	[tilespmem:$0x1FE00] =	vst v14;
	v14 =	vld.idx.msk [tilespmem:v11+s2+$0x0], $0xffff;
	v11 =	vmov v20;
	v20 =	vmov v19  }
0x33a: {  	[tilespmem:$0x1FCA0] =	vst v20;
	v20 =	vld [tilespmem:$0x1FE40];
	_ =	sdelay $0x3  }
0x33b: {  	[tilespmem:s23+$0x100] =	vst v9;
	v9 =	vld [tilespmem:$0x1FD50]  }
0x33c: {  	[tilespmem:$0x1FD50] =	vst v22;
	v22 =	vmov v20;
	v20 =	vld [tilespmem:$0x1FFE0];
	_ =	sdelay $0x1  }
0x33d: {  	[tilespmem:$0x1FF70] =	vst v46  }
0x33e: {  	[tilespmem:s23+$0x170] =	vst v18;
	v18 =	vld [tilespmem:$0x1FCB0]  }
0x33f: {  	[tilespmem:$0x1FC80] =	vst v37  }
0x340: {  	v46 =	vld [tilespmem:$0x1FDE0];
	[tilespmem:$0x1FF90] =	vst v12;
	v21 =	vmov v20  }
0x341: {  	v20 =	vmov v24;
	[tilespmem:$0x1FE40] =	vst v21;
	v21 =	vld [tilespmem:$0x1FFF0]  }
0x342: {  	[tilespmem:$0x1FCB0] =	vst v20;
	v20 =	vld [tilespmem:$0x1FE50]  }
0x343: {  	[tilespmem:s23+$0x150] =	vst v2;
	v12 =	vld.idx.msk [tilespmem:v10+s2+$0x0], $0xffff;
	v10 =	vmov v38  }
0x344: {  	v2 =	vadd.s32 $0x1A0, v28;
	v9 =	vld.idx.msk [tilespmem:v9+s2+$0x0], $0xffff;
	[tilespmem:$0x1FFA0] =	vst v10  }
0x345: {  	v17 =	vld.idx.msk [tilespmem:v17+s2+$0x0], $0xffff;
	v10 =	vadd.s32 $0x180, v28;
	[tilespmem:$0x1FFB0] =	vst v11  }
0x346: {  	v18 =	vld.idx.msk [tilespmem:v18+s2+$0x0], $0xffff;
	v11 =	vadd.s32 $0x190, v28;
	[tilespmem:s23+$0xFFFFFC00] =	vst v7;
	v21 =	vmov v21  }
0x347: {  	v37 =	vmov v46;
	v46 =	vmov v20;
	v20 =	vmov v3;
	[tilespmem:$0x1FE50] =	vst v21;
	v21 =	vld [tilespmem:$0x1F9E0]  }
0x348: {  	v7 =	vadd.s32 $0x1D0, v28;
	v45 =	vmov v13;
	v13 =	vmov v39;
	[tilespmem:$0x1FFF0] =	vst v20;
	v20 =	vld [tilespmem:$0x1F9D0]  }
0x349: {  	v2 =	vld.idx.msk [tilespmem:v2+s2+$0x0], $0xffff;
	v19 =	vmov v44;
	[tilespmem:$0x1FFD0] =	vst v13;
	v13 =	vadd.s32 $0x1B0, v28  }
0x34a: {  	[tilespmem:$0x1FFE0] =	vst v19;
	v19 =	vadd.s32 $0x1C0, v28;
	v3 =	vld.idx.msk [tilespmem:v10+s2+$0x0], $0xffff  }
0x34b: {  	v10 =	vld.idx.msk [tilespmem:v11+s2+$0x0], $0xffff;
	v11 =	vadd.s32 $0x1E0, v28  }
0x34c: {  	[tilespmem:s22+$0xFFFFFD90] =	vst v21;
	v21 =	vld [tilespmem:$0x1F9F0]  }
0x34d: {  	v7 =	vld.idx.msk [tilespmem:v7+s2+$0x0], $0xffff;
	[tilespmem:s22+$0xFFFFFD80] =	vst v20;
	v20 =	vadd.s32 $0x1F0, v28  }
0x34e: {  	v13 =	vld.idx.msk [tilespmem:v13+s2+$0x0], $0xffff  }
0x34f: {  	v19 =	vld.idx.msk [tilespmem:v19+s2+$0x0], $0xffff  }
0x350: {  	v11 =	vld.idx.msk [tilespmem:v11+s2+$0x0], $0xffff  }
0x351: {  	[tilespmem:s22+$0xFFFFFDA0] =	vst v21;
	v21 =	vld [tilespmem:$0x1FA00]  }
0x352: {  	v20 =	vld.idx.msk [tilespmem:v20+s2+$0x0], $0xffff;
	[tilespmem:s23+$0x180] =	vst v3  }
0x353: {  	[tilespmem:s23+$0x190] =	vst v10  }
0x354: {  	[tilespmem:s23+$0x1A0] =	vst v2  }
0x355: {  	[tilespmem:s23+$0x1B0] =	vst v13  }
0x356: {  	v13 =	vadd.s32 $0x200, v28;
	[tilespmem:s23+$0x1C0] =	vst v19  }
0x357: {  	v19 =	vadd.s32 $0x210, v28;
	[tilespmem:s22+$0xFFFFFDB0] =	vst v21;
	v21 =	vld [tilespmem:$0x1FA10]  }
0x358: {  	[tilespmem:s23+$0x1D0] =	vst v7  }
0x359: {  	[tilespmem:s23+$0x1E0] =	vst v11  }
0x35a: {  	v23 =	vld [tilespmem:$0x1FA20];
	[tilespmem:s23+$0x1F0] =	vst v20  }
0x35b: {  	[tilespmem:s22+$0xFFFFFDD0] =	vst v52;
	v13 =	vld.idx.msk [tilespmem:v13+s2+$0x0], $0xffff  }
0x35c: {  	v19 =	vld.idx.msk [tilespmem:v19+s2+$0x0], $0xffff;
	[tilespmem:s22+$0xFFFFFDC0] =	vst v21  }
0x35d: {  	v3 =	vld.idx.msk [tilespmem:v59+s2+$0x0], $0xffff  }
0x35e: {  	v10 =	vld.idx.msk [tilespmem:v62+s2+$0x0], $0xffff  }
0x35f: {  	v7 =	vadd.s32 $0x220, v28;
	v2 =	vld.idx.msk [tilespmem:v60+s2+$0x0], $0xffff  }
0x360: {  	v20 =	vadd.s32 $0x240, v28;
	v21 =	vld.idx.msk [tilespmem:v61+s2+$0x0], $0xffff  }
0x361: {  	[tilespmem:$0x1FD90] =	vst v22;
	v11 =	vadd.s32 $0x230, v28;
	v22 =	vld.idx.msk [tilespmem:v56+s2+$0x0], $0xffff  }
0x362: {  	v52 =	vld.idx.msk [tilespmem:v53+s2+$0x0], $0xffff;
	v53 =	vadd.s32 $0x250, v28  }
0x363: {  	v44 =	vld.idx.msk [tilespmem:v58+s2+$0x0], $0xffff;
	v56 =	vadd.s32 $0x260, v28  }
0x364: {  	[tilespmem:s22+$0xFFFFFDF0] =	vst v1;
	v1 =	vld.idx.msk [tilespmem:v7+s2+$0x0], $0xffff;
	v7 =	vadd.s32 $0x270, v28  }
0x365: {  	v20 =	vld.idx.msk [tilespmem:v20+s2+$0x0], $0xffff  }
0x366: {  	v11 =	vld.idx.msk [tilespmem:v11+s2+$0x0], $0xffff  }
0x367: {  	[tilespmem:s21+$0xFFFFFE80] =	vst v29;
	v29 =	vld.idx.msk [tilespmem:v53+s2+$0x0], $0xffff  }
0x368: {  	[tilespmem:s21+$0xFFFFFE90] =	vst v30;
	v30 =	vld.idx.msk [tilespmem:v56+s2+$0x0], $0xffff  }
0x369: {  	[tilespmem:s22+$0xFFFFFDE0] =	vst v23;
	v7 =	vld.idx.msk [tilespmem:v7+s2+$0x0], $0xffff  }
0x36a: {  	v23 =	vmov v55;
	[tilespmem:s23+$0x240] =	vst v20;
	v20 =	vld [tilespmem:$0x1FEC0]  }
0x36b: {  	[tilespmem:$0x1FEC0] =	vst v23;
	v23 =	vld [tilespmem:$0x1FED0];
	_ =	sdelay $0x4  }
0x36c: {  	[tilespmem:s21+$0xFFFFFEA0] =	vst v31  }
0x36d: {  	[tilespmem:s21+$0xFFFFFEB0] =	vst v32  }
0x36e: {  	[tilespmem:s21+$0xFFFFFEC0] =	vst v33  }
0x36f: {  	v31 =	vld.idx.msk [tilespmem:v23+s2+$0x0], $0xffff;
	v23 =	vmov v50  }
0x370: {  	[tilespmem:$0x1FED0] =	vst v23;
	v23 =	vld [tilespmem:$0x1FEE0];
	_ =	sdelay $0x4  }
0x371: {  	[tilespmem:s23+$0x200] =	vst v13  }
0x372: {  	[tilespmem:s23+$0x220] =	vst v1;
	v1 =	vld [tilespmem:$0x1FEA0]  }
0x373: {  	[tilespmem:s23+$0x230] =	vst v11;
	v11 =	vld [tilespmem:$0x1FEB0]  }
0x374: {  	v24 =	vmov v0;
	v0 =	vadd.s32 $0x280, v28;
	[tilespmem:s23+$0x210] =	vst v19;
	v32 =	vld.idx.msk [tilespmem:v23+s2+$0x0], $0xffff;
	v23 =	vmov v51  }
0x375: {  	[tilespmem:$0x1FEE0] =	vst v23;
	v23 =	vld [tilespmem:$0x1FEF0]  }
0x376: {  	[tilespmem:s23+$0x250] =	vst v29  }
0x377: {  	[tilespmem:s23+$0x260] =	vst v30  }
0x378: {  	v13 =	vld.idx.msk [tilespmem:v36+s2+$0x0], $0xffff;
	v19 =	vmov v57;
	[tilespmem:s23+$0x270] =	vst v7  }
0x379: {  	[tilespmem:$0x1FEB0] =	vst v19;
	v19 =	vadd.s32 $0x290, v28;
	v0 =	vld.idx.msk [tilespmem:v0+s2+$0x0], $0xffff  }
0x37a: {  	v29 =	vadd.s32 $0x2A0, v28;
	v1 =	vld.idx.msk [tilespmem:v1+s2+$0x0], $0xffff  }
0x37b: {  	v7 =	vadd.s32 $0x2C0, v28;
	v11 =	vld.idx.msk [tilespmem:v11+s2+$0x0], $0xffff  }
0x37c: {  	v30 =	vadd.s32 $0x2B0, v28;
	v20 =	vld.idx.msk [tilespmem:v20+s2+$0x0], $0xffff  }
0x37d: {  	v33 =	vld.idx.msk [tilespmem:v23+s2+$0x0], $0xffff;
	[tilespmem:s23+$0xFFFFFC80] =	vst v3;
	v3 =	vadd.s32 $0x2D0, v28  }
0x37e: {  	[tilespmem:s23+$0xFFFFFC90] =	vst v10;
	v10 =	vld.idx.msk [tilespmem:v19+s2+$0x0], $0xffff;
	v19 =	vadd.s32 $0x2E0, v28  }
0x37f: {  	[tilespmem:s23+$0xFFFFFCA0] =	vst v2;
	v2 =	vld.idx.msk [tilespmem:v29+s2+$0x0], $0xffff;
	v29 =	vadd.s32 $0x2F0, v28  }
0x380: {  	v7 =	vld.idx.msk [tilespmem:v7+s2+$0x0], $0xffff  }
0x381: {  	[tilespmem:s23+$0xFFFFFCB0] =	vst v21;
	v21 =	vld.idx.msk [tilespmem:v30+s2+$0x0], $0xffff  }
0x382: {  	v3 =	vld.idx.msk [tilespmem:v3+s2+$0x0], $0xffff  }
0x383: {  	v19 =	vld.idx.msk [tilespmem:v19+s2+$0x0], $0xffff  }
0x384: {  	[tilespmem:s23+$0xFFFFFCC0] =	vst v22;
	v22 =	vld.idx.msk [tilespmem:v29+s2+$0x0], $0xffff  }
0x385: {  	[tilespmem:s23+$0x280] =	vst v0;
	v0 =	vld [tilespmem:$0x1FF00];
	_ =	sdelay $0x5  }
0x386: {  	[tilespmem:s23+$0xFFFFFCD0] =	vst v44  }
0x387: {  	[tilespmem:s23+$0xFFFFFCE0] =	vst v52  }
0x388: {  	[tilespmem:s23+$0x290] =	vst v10;
	v10 =	vld.idx.msk [tilespmem:v0+s2+$0x0], $0xffff;
	v0 =	vmov v35  }
0x389: {  	[tilespmem:$0x1FF00] =	vst v0;
	v0 =	vld [tilespmem:$0x1FF10];
	_ =	sdelay $0x7  }
0x38a: {  	[tilespmem:s23+$0x2A0] =	vst v2;
	v2 =	vld.idx.msk [tilespmem:v0+s2+$0x0], $0xffff;
	v0 =	vmov v34  }
0x38b: {  	[tilespmem:$0x1FF10] =	vst v0;
	v0 =	vld [tilespmem:$0x1FCC0];
	_ =	sdelay $0x2  }
0x38c: {  	v23 =	vmov v40  }
0x38d: {  	[tilespmem:$0x1FEF0] =	vst v23;
	v23 =	vld [tilespmem:$0x1FA30];
	_ =	sdelay $0x3  }
0x38e: {  	v34 =	vld.idx.msk [tilespmem:v0+s2+$0x0], $0xffff  }
0x38f: {  	v0 =	vmov v23;
	v23 =	vld [tilespmem:$0x1FA40]  }
0x390: {  	[tilespmem:$0x1FCC0] =	vst v0;
	v0 =	vld [tilespmem:$0x1FE60];
	_ =	sdelay $0x4  }
0x391: {  	v60 =	vmov v0;
	v0 =	vmov v23  }
0x392: {  	[tilespmem:$0x1FE60] =	vst v0;
	v0 =	vld [tilespmem:$0x1FCD0];
	_ =	sdelay $0x3  }
0x393: {  	v23 =	vld [tilespmem:$0x1FA50];
	_ =	sdelay $0x3  }
0x394: {  	v35 =	vld.idx.msk [tilespmem:v0+s2+$0x0], $0xffff  }
0x395: {  	v0 =	vmov v23;
	v23 =	vld [tilespmem:$0x1FA60]  }
0x396: {  	[tilespmem:$0x1FCD0] =	vst v0;
	v0 =	vld [tilespmem:$0x1FE70];
	_ =	sdelay $0x4  }
0x397: {  	v59 =	vmov v0;
	v0 =	vmov v23  }
0x398: {  	[tilespmem:$0x1FE70] =	vst v0;
	v0 =	vld [tilespmem:$0x1FCE0];
	_ =	sdelay $0x3  }
0x399: {  	v23 =	vld [tilespmem:$0x1FA70];
	_ =	sdelay $0x3  }
0x39a: {  	v36 =	vld.idx.msk [tilespmem:v0+s2+$0x0], $0xffff  }
0x39b: {  	v0 =	vmov v23;
	v23 =	vld [tilespmem:$0x1FA80]  }
0x39c: {  	[tilespmem:$0x1FCE0] =	vst v0;
	v0 =	vld [tilespmem:$0x1FE80];
	_ =	sdelay $0x4  }
0x39d: {  	v62 =	vmov v0;
	v0 =	vmov v23  }
0x39e: {  	[tilespmem:$0x1FE80] =	vst v0;
	v0 =	vld [tilespmem:$0x1FCF0];
	_ =	sdelay $0x2  }
0x39f: {  	v23 =	vld [tilespmem:$0x1FA90];
	_ =	sdelay $0x4  }
0x3a0: {  	v40 =	vld.idx.msk [tilespmem:v0+s2+$0x0], $0xffff;
	v0 =	vmov v23  }
0x3a1: {  	[tilespmem:$0x1FCF0] =	vst v0;
	v0 =	vld [tilespmem:$0x1FAA0];
	_ =	sdelay $0x4  }
0x3a2: {  	v61 =	vmov v0;
	v0 =	vld [tilespmem:$0x1FAB0]  }
0x3a3: {  	v29 =	vld [tilespmem:$0x1FAC0];
	_ =	sdelay $0x1  }
0x3a4: {  	[tilespmem:$0x1FEA0] =	vst v24  }
0x3a5: {  	[tilespmem:s23+$0x2B0] =	vst v21  }
0x3a6: {  	v21 =	vadd.s32 $0x300, v28;
	[tilespmem:s23+$0x2C0] =	vst v7;
	v24 =	vmov v0;
	v0 =	vld [tilespmem:$0x1FD00]  }
0x3a7: {  	v7 =	vadd.s32 $0x310, v28;
	[tilespmem:s23+$0x2D0] =	vst v3;
	v23 =	vmov v29;
	v29 =	vld [tilespmem:$0x1FAE0]  }
0x3a8: {  	[tilespmem:$0x1FD00] =	vst v23;
	v23 =	vld [tilespmem:$0x1FAD0]  }
0x3a9: {  	[tilespmem:s23+$0x2E0] =	vst v19  }
0x3aa: {  	v3 =	vadd.s32 $0x320, v28;
	[tilespmem:s23+$0x2F0] =	vst v22  }
0x3ab: {  	v44 =	vmov v5;
	v19 =	vadd.s32 $0x330, v28;
	v5 =	vld.idx.msk [tilespmem:v21+s2+$0x0], $0xffff  }
0x3ac: {  	v22 =	vadd.s32 $0x340, v28;
	v7 =	vld.idx.msk [tilespmem:v7+s2+$0x0], $0xffff  }
0x3ad: {  	v53 =	vmovc v63;
	v21 =	vadd.s32 $0x360, v28;
	v63 =	vmov v23;
	v23 =	vmov v29;
	v29 =	vld [tilespmem:$0x1FB40]  }
0x3ae: {  	v0 =	vld.idx.msk [tilespmem:v0+s2+$0x0], $0xffff;
	[tilespmem:s23+$0xFFFFFCF0] =	vst v13  }
0x3af: {  	[tilespmem:s22+$0xFFFFFE00] =	vst v1;
	v1 =	vld.idx.msk [tilespmem:v3+s2+$0x0], $0xffff  }
0x3b0: {  	v13 =	vadd.s32 $0x350, v28;
	[tilespmem:s22+$0xFFFFFE10] =	vst v11;
	v11 =	vld.idx.msk [tilespmem:v19+s2+$0x0], $0xffff  }
0x3b1: {  	v3 =	vadd.s32 $0x370, v28;
	v19 =	vld.idx.msk [tilespmem:v22+s2+$0x0], $0xffff  }
0x3b2: {  	[tilespmem:s22+$0xFFFFFE20] =	vst v20;
	v20 =	vld.idx.msk [tilespmem:v21+s2+$0x0], $0xffff  }
0x3b3: {  	v21 =	vld [tilespmem:$0x1FB20]  }
0x3b4: {  	[tilespmem:s22+$0xFFFFFE30] =	vst v31;
	v22 =	vld [tilespmem:$0x1FB30]  }
0x3b5: {  	[tilespmem:s22+$0xFFFFFE40] =	vst v32;
	v13 =	vld.idx.msk [tilespmem:v13+s2+$0x0], $0xffff  }
0x3b6: {  	[tilespmem:s22+$0xFFFFFE50] =	vst v33;
	v3 =	vld.idx.msk [tilespmem:v3+s2+$0x0], $0xffff  }
0x3b7: {  	[tilespmem:s23+$0x300] =	vst v5;
	v5 =	vld [tilespmem:$0x1FAF0]  }
0x3b8: {  	[tilespmem:s23+$0x310] =	vst v7;
	v7 =	vld [tilespmem:$0x1FB00]  }
0x3b9: {  	[tilespmem:s23+$0x320] =	vst v1;
	v1 =	vld [tilespmem:$0x1FB10]  }
0x3ba: {  	v33 =	vld.idx.msk [tilespmem:v29+s2+$0x0], $0xffff  }
0x3bb: {  	v29 =	vld [tilespmem:$0x1FB50];
	_ =	sdelay $0x1  }
0x3bc: {  	[tilespmem:$0x1FD40] =	vst v37;
	v37 =	vld [tilespmem:$0x1FF80]  }
0x3bd: {  	[tilespmem:s23+$0x330] =	vst v11;
	v21 =	vld.idx.msk [tilespmem:v21+s2+$0x0], $0xffff  }
0x3be: {  	v22 =	vld.idx.msk [tilespmem:v22+s2+$0x0], $0xffff;
	[tilespmem:s23+$0x350] =	vst v13;
	v13 =	vadd.s32 $0x390, v28  }
0x3bf: {  	[tilespmem:s23+$0x340] =	vst v19;
	v5 =	vld.idx.msk [tilespmem:v5+s2+$0x0], $0xffff  }
0x3c0: {  	[tilespmem:s23+$0x360] =	vst v20;
	v7 =	vld.idx.msk [tilespmem:v7+s2+$0x0], $0xffff  }
0x3c1: {  	[tilespmem:s23+$0x370] =	vst v3;
	v1 =	vld.idx.msk [tilespmem:v1+s2+$0x0], $0xffff  }
0x3c2: {  	v58 =	vld.idx.msk [tilespmem:v29+s2+$0x0], $0xffff;
	[tilespmem:s22+$0xFFFFFE70] =	vst v2;
	v2 =	vadd.s32 $0x3E0, v28  }
0x3c3: {  	v50 =	vld.idx.msk [tilespmem:v13+s2+$0x0], $0xffff  }
0x3c4: {  	v13 =	vld [tilespmem:$0x1FB60]  }
0x3c5: {  	v3 =	vadd.s32 $0x3B0, v28;
	_ =	sdelay $0x1  }
0x3c6: {  	v41 =	vmov v37;
	v39 =	vld.idx.msk [tilespmem:v2+s2+$0x0], $0xffff  }
0x3c7: {  	v2 =	vld [tilespmem:$0x1FB90]  }
0x3c8: {  	[tilespmem:s21+$0xFFFFFED0] =	vst v13;
	v13 =	vld [tilespmem:$0x1FB70]  }
0x3c9: {  	[tilespmem:$0x1FDE0] =	vst v41;
	v41 =	vmov v42;
	v42 =	vld.idx.msk [tilespmem:v3+s2+$0x0], $0xffff  }
0x3ca: {  	v3 =	vld [tilespmem:$0x1FF20]  }
0x3cb: {  	[tilespmem:s22+$0xFFFFFE60] =	vst v10  }
0x3cc: {  	[tilespmem:s21+$0xFFFFFEF0] =	vst v4  }
0x3cd: {  	[tilespmem:s21+$0xFFFFFEE0] =	vst v13  }
0x3ce: {  	[tilespmem:s20+$0xFFFFFF00] =	vst v6  }
0x3cf: {  	v4 =	vld [tilespmem:$0x1FBA0];
	[tilespmem:s20+$0xFFFFFF10] =	vst v8  }
0x3d0: {  	v2 =	vld.idx.msk [tilespmem:v2+s2+$0x0], $0xffff;
	[tilespmem:s23+$0xFFFFFD00] =	vst v5  }
0x3d1: {  	[tilespmem:s23+$0xFFFFFD10] =	vst v7  }
0x3d2: {  	v29 =	vld.idx.msk [tilespmem:v3+s2+$0x0], $0xffff  }
0x3d3: {  	[tilespmem:s23+$0xFFFFFD20] =	vst v1;
	v1 =	vld [tilespmem:$0x1FF30];
	_ =	sdelay $0x1  }
0x3d4: {  	v3 =	vmov v4  }
0x3d5: {  	[tilespmem:$0x1FF20] =	vst v3;
	v3 =	vld [tilespmem:$0x1FBB0];
	_ =	sdelay $0x4  }
0x3d6: {  	v30 =	vld.idx.msk [tilespmem:v1+s2+$0x0], $0xffff;
	v1 =	vmov v3  }
0x3d7: {  	[tilespmem:$0x1FF30] =	vst v1;
	v1 =	vld [tilespmem:$0x1FBC0];
	_ =	sdelay $0x1  }
0x3d8: {  	v11 =	vadd.s32 $0x380, v28;
	_ =	sdelay $0x4  }
0x3d9: {  	v51 =	vmov v54;
	v54 =	vmov v47;
	v47 =	vld.idx.msk [tilespmem:v11+s2+$0x0], $0xffff;
	[tilespmem:s23+$0xFFFFFD30] =	vst v21  }
0x3da: {  	v11 =	vadd.s32 $0x3C0, v28;
	v31 =	vld.idx.msk [tilespmem:v1+s2+$0x0], $0xffff  }
0x3db: {  	v1 =	vld [tilespmem:$0x1FBD0];
	_ =	sdelay $0x3  }
0x3dc: {  	v37 =	vld.idx.msk [tilespmem:v11+s2+$0x0], $0xffff  }
0x3dd: {  	v11 =	vmov v1;
	v1 =	vld [tilespmem:$0x1FBE0];
	_ =	sdelay $0x6  }
0x3de: {  	[tilespmem:s23+$0xFFFFFD40] =	vst v22  }
0x3df: {  	v32 =	vld.idx.msk [tilespmem:v1+s2+$0x0], $0xffff  }
0x3e0: {  	v1 =	vld [tilespmem:$0x1FBF0];
	_ =	sdelay $0x4  }
0x3e1: {  	v21 =	vmov v1;
	v1 =	vld [tilespmem:$0x1FC00];
	_ =	sdelay $0x6  }
0x3e2: {  	[tilespmem:s23+$0xFFFFFD50] =	vst v33  }
0x3e3: {  	v33 =	vld.idx.msk [tilespmem:v1+s2+$0x0], $0xffff  }
0x3e4: {  	v1 =	vld [tilespmem:$0x1FC10];
	_ =	sdelay $0x4  }
0x3e5: {  	v13 =	vmov v1;
	v1 =	vld [tilespmem:$0x1FC30];
	_ =	sdelay $0x6  }
0x3e6: {  	[tilespmem:s23+$0xFFFFFD60] =	vst v58  }
0x3e7: {  	v10 =	vadd.s32 $0x3D0, v28;
	v22 =	vld.idx.msk [tilespmem:v1+s2+$0x0], $0xffff  }
0x3e8: {  	v1 =	vld [tilespmem:$0x1FC40];
	_ =	sdelay $0x3  }
0x3e9: {  	v38 =	vld.idx.msk [tilespmem:v10+s2+$0x0], $0xffff  }
0x3ea: {  	v10 =	vmov v1;
	v1 =	vld [tilespmem:$0x1FC50]  }
0x3eb: {  	v19 =	vadd.s32 $0x3F0, v28  }
0x3ec: {  	v20 =	vadd.s32 $0x3A0, v28;
	_ =	sdelay $0x3  }
0x3ed: {  	v19 =	vld.idx.msk [tilespmem:v19+s2+$0x0], $0xffff  }
0x3ee: {  	v52 =	vmov v43;
	v43 =	vld.idx.msk [tilespmem:v20+s2+$0x0], $0xffff;
	[tilespmem:s23+$0xFFFFFD70] =	vst v2  }
0x3ef: {  	s24 =	sadd.s32 $0x2, s24;
	v20 =	vld.idx.msk [tilespmem:v1+s2+$0x0], $0xffff  }
0x3f0: {  	p1 =	slt.u32 s24, $0x1E;
	v1 =	vld [tilespmem:$0x1FC60]  }
.Ltmp0:
0x3f1: {  	_ = 	snop;
	(pc) =	sbr.rel @p1 .LBB2_3-.Ltmp0, $3  }
0x3f2: {  	_ =	sdelay $0x1  }
0x3f3: {  	[tilespmem:$0x1FF80] =	vst v41;
	v41 =	vld [tilespmem:$0x1FC20]  }
0x3f4: {  	s25 =	sadd.s32 $0x20, s25;
	[tilespmem:s23+$0x3F0] =	vst v19;
	v6 =	vld [tilespmem:$0x1FB80];
	v19 =	vmov v1  }
0x3f5: {  	v1 =	vld [tilespmem:$0x1FC70];
	_ =	sdelay $0x4  }
0x3f6: {  	[tilespmem:s20+$0xFFFFFF20] =	vst v1  }
0x3f7: {  	v1 =	vld [tilespmem:$0x1FC80];
	[tilespmem:s20+$0xFFFFFF40] =	vst v9  }
0x3f8: {  	[tilespmem:s20+$0xFFFFFF50] =	vst v12  }
0x3f9: {  	[tilespmem:s20+$0xFFFFFF60] =	vst v14  }
0x3fa: {  	[tilespmem:s20+$0xFFFFFF70] =	vst v15  }
0x3fb: {  	[tilespmem:s19+$0xFFFFFF80] =	vst v16  }
0x3fc: {  	[tilespmem:s19+$0xFFFFFF90] =	vst v17  }
0x3fd: {  	[tilespmem:s19+$0xFFFFFFA0] =	vst v18  }
0x3fe: {  	[tilespmem:s19+$0xFFFFFFB0] =	vst v34  }
0x3ff: {  	[tilespmem:s19+$0xFFFFFFC0] =	vst v35  }
0x400: {  	[tilespmem:s19+$0xFFFFFFD0] =	vst v36  }
0x401: {  	[tilespmem:s19+$0xFFFFFFE0] =	vst v40  }
0x402: {  	[tilespmem:s19+$0xFFFFFFF0] =	vst v0  }
0x403: {  	[tilespmem:s23+$0x380] =	vst v47  }
0x404: {  	[tilespmem:s23+$0x390] =	vst v50  }
0x405: {  	[tilespmem:s23+$0x3A0] =	vst v43  }
0x406: {  	[tilespmem:s23+$0x3B0] =	vst v42  }
0x407: {  	[tilespmem:s20+$0xFFFFFF30] =	vst v1  }
0x408: {  	v7 =	vld [tilespmem:$0x1FE90]  }
0x409: {  	v2 =	vld.idx.msk [tilespmem:v27+s2+$0x0], $0xffff  }
0x40a: {  	v3 =	vld.idx.msk [tilespmem:v26+s2+$0x0], $0xffff  }
0x40b: {  	v1 =	vld.idx.msk [tilespmem:v25+s2+$0x0], $0xffff  }
0x40c: {  	v4 =	vld.idx.msk [tilespmem:v49+s2+$0x0], $0xffff  }
0x40d: {  	v5 =	vld.idx.msk [tilespmem:v41+s2+$0x0], $0xffff  }
0x40e: {  	v0 =	vld.idx.msk [tilespmem:v48+s2+$0x0], $0xffff  }
0x40f: {  	v6 =	vld.idx.msk [tilespmem:v6+s2+$0x0], $0xffff  }
0x410: {  	v7 =	vld.idx.msk [tilespmem:v7+s2+$0x0], $0xffff;
	[tilespmem:s23+$0xFFFFFD80] =	vst v1  }
0x411: {  	[tilespmem:s23+$0xFFFFFD90] =	vst v2  }
0x412: {  	[tilespmem:s23+$0xFFFFFDA0] =	vst v3  }
0x413: {  	[tilespmem:s23+$0xFFFFFDB0] =	vst v0  }
0x414: {  	[tilespmem:s23+$0xFFFFFDC0] =	vst v4  }
0x415: {  	[tilespmem:s23+$0xFFFFFDD0] =	vst v5  }
0x416: {  	[tilespmem:s23+$0xFFFFFDE0] =	vst v6  }
0x417: {  	[tilespmem:s23+$0xFFFFFDF0] =	vst v7  }
0x418: {  	v0 =	vld [tilespmem:$0x1FDA0];
	_ =	sdelay $0x3  }
0x419: {  	[tilespmem:s23+$0x3C0] =	vst v37  }
0x41a: {  	v1 =	vld [tilespmem:$0x1FEA0];
	[tilespmem:s23+$0x3D0] =	vst v38  }
0x41b: {  	v2 =	vld [tilespmem:$0x1FEB0];
	[tilespmem:s23+$0x3E0] =	vst v39  }
0x41c: {  	v3 =	vld [tilespmem:$0x1FEC0]  }
0x41d: {  	v0 =	vld.idx.msk [tilespmem:v0+s2+$0x0], $0xffff;
	[tilespmem:s22+$0xFFFFFE80] =	vst v29  }
0x41e: {  	v4 =	vld [tilespmem:$0x1FED0];
	[tilespmem:s22+$0xFFFFFE90] =	vst v30  }
0x41f: {  	v5 =	vld [tilespmem:$0x1FEE0];
	[tilespmem:s22+$0xFFFFFEA0] =	vst v31  }
0x420: {  	v6 =	vld [tilespmem:$0x1FEF0];
	[tilespmem:s22+$0xFFFFFEB0] =	vst v32  }
0x421: {  	v7 =	vld [tilespmem:$0x1FF00];
	[tilespmem:s22+$0xFFFFFEC0] =	vst v33  }
0x422: {  	v8 =	vld [tilespmem:$0x1FF10]  }
0x423: {  	v1 =	vld.idx.msk [tilespmem:v1+s2+$0x0], $0xffff  }
0x424: {  	v2 =	vld.idx.msk [tilespmem:v2+s2+$0x0], $0xffff  }
0x425: {  	v3 =	vld.idx.msk [tilespmem:v3+s2+$0x0], $0xffff  }
0x426: {  	v4 =	vld.idx.msk [tilespmem:v4+s2+$0x0], $0xffff  }
0x427: {  	v5 =	vld.idx.msk [tilespmem:v5+s2+$0x0], $0xffff  }
0x428: {  	v6 =	vld.idx.msk [tilespmem:v6+s2+$0x0], $0xffff  }
0x429: {  	v7 =	vld.idx.msk [tilespmem:v7+s2+$0x0], $0xffff  }
0x42a: {  	v8 =	vld.idx.msk [tilespmem:v8+s2+$0x0], $0xffff;
	[tilespmem:s23+$0xFFFFFE00] =	vst v1  }
0x42b: {  	[tilespmem:s23+$0xFFFFFE10] =	vst v2  }
0x42c: {  	[tilespmem:s23+$0xFFFFFE20] =	vst v3  }
0x42d: {  	[tilespmem:s23+$0xFFFFFE30] =	vst v4  }
0x42e: {  	v1 =	vld [tilespmem:$0x1FD10];
	[tilespmem:s23+$0xFFFFFE40] =	vst v5  }
0x42f: {  	v2 =	vld [tilespmem:$0x1FD20];
	[tilespmem:s23+$0xFFFFFE50] =	vst v6  }
0x430: {  	v3 =	vld [tilespmem:$0x1FD30];
	[tilespmem:s23+$0xFFFFFE60] =	vst v7  }
0x431: {  	v4 =	vld [tilespmem:$0x1FD40];
	[tilespmem:s23+$0xFFFFFE70] =	vst v8  }
0x432: {  	v5 =	vld [tilespmem:$0x1FD50];
	[tilespmem:s22+$0xFFFFFED0] =	vst v22  }
0x433: {  	v6 =	vld [tilespmem:$0x1FD60];
	[tilespmem:s22+$0xFFFFFEE0] =	vst v20  }
0x434: {  	v7 =	vld [tilespmem:$0x1FD70];
	[tilespmem:s22+$0xFFFFFEF0] =	vst v0  }
0x435: {  	v0 =	vld [tilespmem:$0x1FD80]  }
0x436: {  	v8 =	vld [tilespmem:$0x1FC90]  }
0x437: {  	v1 =	vld.idx.msk [tilespmem:v1+s2+$0x0], $0xffff  }
0x438: {  	v2 =	vld.idx.msk [tilespmem:v2+s2+$0x0], $0xffff  }
0x439: {  	v3 =	vld.idx.msk [tilespmem:v3+s2+$0x0], $0xffff  }
0x43a: {  	v4 =	vld.idx.msk [tilespmem:v4+s2+$0x0], $0xffff  }
0x43b: {  	v5 =	vld.idx.msk [tilespmem:v5+s2+$0x0], $0xffff  }
0x43c: {  	v6 =	vld.idx.msk [tilespmem:v6+s2+$0x0], $0xffff  }
0x43d: {  	v7 =	vld.idx.msk [tilespmem:v7+s2+$0x0], $0xffff  }
0x43e: {  	v0 =	vld.idx.msk [tilespmem:v0+s2+$0x0], $0xffff  }
0x43f: {  	v8 =	vld.idx.msk [tilespmem:v8+s2+$0x0], $0xffff;
	[tilespmem:s21+$0xFFFFFF00] =	vst v1  }
0x440: {  	v1 =	vld [tilespmem:$0x1FCA0];
	[tilespmem:s21+$0xFFFFFF10] =	vst v2  }
0x441: {  	v2 =	vld [tilespmem:$0x1FCB0];
	[tilespmem:s21+$0xFFFFFF20] =	vst v3  }
0x442: {  	v3 =	vld [tilespmem:$0x1FCC0];
	[tilespmem:s21+$0xFFFFFF30] =	vst v4  }
0x443: {  	v4 =	vld [tilespmem:$0x1FCD0];
	[tilespmem:s21+$0xFFFFFF40] =	vst v5  }
0x444: {  	v5 =	vld [tilespmem:$0x1FCE0];
	[tilespmem:s21+$0xFFFFFF50] =	vst v6  }
0x445: {  	v6 =	vld [tilespmem:$0x1FCF0];
	[tilespmem:s21+$0xFFFFFF60] =	vst v7  }
0x446: {  	v7 =	vld [tilespmem:$0x1FD00];
	[tilespmem:s21+$0xFFFFFF70] =	vst v0  }
0x447: {  	v0 =	vld [tilespmem:$0x1FF20]  }
0x448: {  	v1 =	vld.idx.msk [tilespmem:v1+s2+$0x0], $0xffff  }
0x449: {  	v2 =	vld.idx.msk [tilespmem:v2+s2+$0x0], $0xffff  }
0x44a: {  	v3 =	vld.idx.msk [tilespmem:v3+s2+$0x0], $0xffff  }
0x44b: {  	v4 =	vld.idx.msk [tilespmem:v4+s2+$0x0], $0xffff  }
0x44c: {  	v5 =	vld.idx.msk [tilespmem:v5+s2+$0x0], $0xffff  }
0x44d: {  	v6 =	vld.idx.msk [tilespmem:v6+s2+$0x0], $0xffff  }
0x44e: {  	v7 =	vld.idx.msk [tilespmem:v7+s2+$0x0], $0xffff;
	[tilespmem:s20+$0xFFFFFF80] =	vst v8  }
0x44f: {  	v8 =	vld [tilespmem:$0x1FF30];
	[tilespmem:s20+$0xFFFFFF90] =	vst v1  }
0x450: {  	[tilespmem:s20+$0xFFFFFFA0] =	vst v2  }
0x451: {  	[tilespmem:s20+$0xFFFFFFB0] =	vst v3  }
0x452: {  	[tilespmem:s20+$0xFFFFFFC0] =	vst v4  }
0x453: {  	[tilespmem:s20+$0xFFFFFFD0] =	vst v5  }
0x454: {  	[tilespmem:s20+$0xFFFFFFE0] =	vst v6  }
0x455: {  	v0 =	vld.idx.msk [tilespmem:v0+s2+$0x0], $0xffff;
	[tilespmem:s20+$0xFFFFFFF0] =	vst v7  }
0x456: {  	v6 =	vld [tilespmem:$0x1FF40]  }
0x457: {  	v1 =	vld.idx.msk [tilespmem:v11+s2+$0x0], $0xffff  }
0x458: {  	v2 =	vld.idx.msk [tilespmem:v21+s2+$0x0], $0xffff  }
0x459: {  	v3 =	vld.idx.msk [tilespmem:v13+s2+$0x0], $0xffff  }
0x45a: {  	v8 =	vld.idx.msk [tilespmem:v8+s2+$0x0], $0xffff  }
0x45b: {  	v4 =	vld.idx.msk [tilespmem:v10+s2+$0x0], $0xffff  }
0x45c: {  	v5 =	vld.idx.msk [tilespmem:v19+s2+$0x0], $0xffff  }
0x45d: {  	v7 =	vld [tilespmem:$0x1FDB0]  }
0x45e: {  	v6 =	vld.idx.msk [tilespmem:v6+s2+$0x0], $0xffff;
	[tilespmem:s23+$0xFFFFFE80] =	vst v0  }
0x45f: {  	v0 =	vld [tilespmem:$0x1FDC0];
	[tilespmem:s23+$0xFFFFFE90] =	vst v8  }
0x460: {  	v8 =	vld [tilespmem:$0x1FDD0];
	[tilespmem:s23+$0xFFFFFEA0] =	vst v1  }
0x461: {  	v1 =	vld [tilespmem:$0x1FDE0];
	[tilespmem:s23+$0xFFFFFEB0] =	vst v2  }
0x462: {  	v2 =	vld [tilespmem:$0x1FDF0];
	[tilespmem:s23+$0xFFFFFEC0] =	vst v3  }
0x463: {  	v3 =	vld [tilespmem:$0x1FE00];
	[tilespmem:s23+$0xFFFFFED0] =	vst v4  }
0x464: {  	v4 =	vld [tilespmem:$0x1FE10];
	[tilespmem:s23+$0xFFFFFEE0] =	vst v5  }
0x465: {  	v5 =	vld [tilespmem:$0x1FE20]  }
0x466: {  	v7 =	vld.idx.msk [tilespmem:v7+s2+$0x0], $0xffff  }
0x467: {  	v0 =	vld.idx.msk [tilespmem:v0+s2+$0x0], $0xffff  }
0x468: {  	v8 =	vld.idx.msk [tilespmem:v8+s2+$0x0], $0xffff  }
0x469: {  	v1 =	vld.idx.msk [tilespmem:v1+s2+$0x0], $0xffff  }
0x46a: {  	v2 =	vld.idx.msk [tilespmem:v2+s2+$0x0], $0xffff  }
0x46b: {  	v3 =	vld.idx.msk [tilespmem:v3+s2+$0x0], $0xffff  }
0x46c: {  	[tilespmem:s23+$0xFFFFFEF0] =	vst v6;
	v4 =	vld.idx.msk [tilespmem:v4+s2+$0x0], $0xffff  }
0x46d: {  	v5 =	vld.idx.msk [tilespmem:v5+s2+$0x0], $0xffff;
	[tilespmem:s22+$0xFFFFFF00] =	vst v7  }
0x46e: {  	v7 =	vld [tilespmem:$0x1FD90]  }
0x46f: {  	v6 =	vld.idx.msk [tilespmem:v45+s2+$0x0], $0xffff;
	[tilespmem:s22+$0xFFFFFF10] =	vst v0  }
0x470: {  	v0 =	vld.idx.msk [tilespmem:v46+s2+$0x0], $0xffff;
	[tilespmem:s22+$0xFFFFFF20] =	vst v8  }
0x471: {  	v8 =	vld.idx.msk [tilespmem:v60+s2+$0x0], $0xffff;
	[tilespmem:s22+$0xFFFFFF30] =	vst v1  }
0x472: {  	v1 =	vld.idx.msk [tilespmem:v59+s2+$0x0], $0xffff;
	[tilespmem:s22+$0xFFFFFF40] =	vst v2  }
0x473: {  	v2 =	vld.idx.msk [tilespmem:v62+s2+$0x0], $0xffff;
	[tilespmem:s22+$0xFFFFFF50] =	vst v3  }
0x474: {  	v3 =	vld.idx.msk [tilespmem:v61+s2+$0x0], $0xffff;
	[tilespmem:s22+$0xFFFFFF60] =	vst v4  }
0x475: {  	v4 =	vld.idx.msk [tilespmem:v63+s2+$0x0], $0xffff;
	[tilespmem:s22+$0xFFFFFF70] =	vst v5  }
0x476: {  	v7 =	vld.idx.msk [tilespmem:v7+s2+$0x0], $0xffff;
	[tilespmem:s21+$0xFFFFFF80] =	vst v6  }
0x477: {  	v5 =	vld [tilespmem:$0x1FF50];
	_ =	sdelay $0x3  }
0x478: {  	[tilespmem:s21+$0xFFFFFF90] =	vst v7  }
0x479: {  	v6 =	vld [tilespmem:$0x1FF60];
	[tilespmem:s21+$0xFFFFFFA0] =	vst v0  }
0x47a: {  	v0 =	vld [tilespmem:$0x1FF70];
	[tilespmem:s21+$0xFFFFFFB0] =	vst v8  }
0x47b: {  	v7 =	vld [tilespmem:$0x1FF80]  }
0x47c: {  	[tilespmem:s21+$0xFFFFFFC0] =	vst v1;
	v5 =	vld.idx.msk [tilespmem:v5+s2+$0x0], $0xffff  }
0x47d: {  	v1 =	vld [tilespmem:$0x1FF90];
	[tilespmem:s21+$0xFFFFFFD0] =	vst v2  }
0x47e: {  	v2 =	vld [tilespmem:$0x1FFA0];
	[tilespmem:s21+$0xFFFFFFE0] =	vst v3  }
0x47f: {  	v3 =	vld [tilespmem:$0x1FFB0];
	[tilespmem:s21+$0xFFFFFFF0] =	vst v4  }
0x480: {  	v4 =	vld [tilespmem:$0x1FFC0]  }
0x481: {  	v8 =	vld [tilespmem:$0x1FE30]  }
0x482: {  	v6 =	vld.idx.msk [tilespmem:v6+s2+$0x0], $0xffff  }
0x483: {  	v0 =	vld.idx.msk [tilespmem:v0+s2+$0x0], $0xffff  }
0x484: {  	v7 =	vld.idx.msk [tilespmem:v7+s2+$0x0], $0xffff  }
0x485: {  	v1 =	vld.idx.msk [tilespmem:v1+s2+$0x0], $0xffff  }
0x486: {  	v2 =	vld.idx.msk [tilespmem:v2+s2+$0x0], $0xffff  }
0x487: {  	v3 =	vld.idx.msk [tilespmem:v3+s2+$0x0], $0xffff  }
0x488: {  	v4 =	vld.idx.msk [tilespmem:v4+s2+$0x0], $0xffff;
	[tilespmem:s23+$0xFFFFFF00] =	vst v5  }
0x489: {  	v5 =	vld [tilespmem:$0x1FE40];
	[tilespmem:s23+$0xFFFFFF10] =	vst v6  }
0x48a: {  	v6 =	vld [tilespmem:$0x1FE50];
	[tilespmem:s23+$0xFFFFFF20] =	vst v0  }
0x48b: {  	v0 =	vld [tilespmem:$0x1FE60];
	[tilespmem:s23+$0xFFFFFF30] =	vst v7  }
0x48c: {  	v7 =	vld [tilespmem:$0x1FE70];
	[tilespmem:s23+$0xFFFFFF40] =	vst v1  }
0x48d: {  	v1 =	vld [tilespmem:$0x1FE80]  }
0x48e: {  	v8 =	vld.idx.msk [tilespmem:v8+s2+$0x0], $0xffff  }
0x48f: {  	[tilespmem:s23+$0xFFFFFF50] =	vst v2;
	v2 =	vld.idx.msk [tilespmem:v24+s2+$0x0], $0xffff  }
0x490: {  	[tilespmem:s23+$0xFFFFFF60] =	vst v3;
	v3 =	vld.idx.msk [tilespmem:v23+s2+$0x0], $0xffff  }
0x491: {  	v5 =	vld.idx.msk [tilespmem:v5+s2+$0x0], $0xffff  }
0x492: {  	v6 =	vld.idx.msk [tilespmem:v6+s2+$0x0], $0xffff  }
0x493: {  	v0 =	vld.idx.msk [tilespmem:v0+s2+$0x0], $0xffff  }
0x494: {  	[tilespmem:s23+$0xFFFFFF70] =	vst v4;
	v7 =	vld.idx.msk [tilespmem:v7+s2+$0x0], $0xffff  }
0x495: {  	v1 =	vld.idx.msk [tilespmem:v1+s2+$0x0], $0xffff;
	[tilespmem:s22+$0xFFFFFF80] =	vst v8  }
0x496: {  	v4 =	vld [tilespmem:$0x1FFD0];
	[tilespmem:s22+$0xFFFFFF90] =	vst v5  }
0x497: {  	v5 =	vld [tilespmem:$0x1FFE0];
	[tilespmem:s22+$0xFFFFFFA0] =	vst v6  }
0x498: {  	v6 =	vld [tilespmem:$0x1FFF0]  }
0x499: {  	[tilespmem:s22+$0xFFFFFFB0] =	vst v0;
	v0 =	vld.idx.msk [tilespmem:v53+s2+$0x0], $0xffff  }
0x49a: {  	[tilespmem:s22+$0xFFFFFFE0] =	vst v2;
	v2 =	vld.idx.msk [tilespmem:v52+s2+$0x0], $0xffff  }
0x49b: {  	[tilespmem:s22+$0xFFFFFFF0] =	vst v3;
	v3 =	vld.idx.msk [tilespmem:v44+s2+$0x0], $0xffff  }
0x49c: {  	[tilespmem:s22+$0xFFFFFFC0] =	vst v7;
	v7 =	vld.idx.msk [tilespmem:v51+s2+$0x0], $0xffff  }
0x49d: {  	[tilespmem:s22+$0xFFFFFFD0] =	vst v1;
	v1 =	vld.idx.msk [tilespmem:v54+s2+$0x0], $0xffff  }
0x49e: {  	v4 =	vld.idx.msk [tilespmem:v4+s2+$0x0], $0xffff  }
0x49f: {  	v5 =	vld.idx.msk [tilespmem:v5+s2+$0x0], $0xffff  }
0x4a0: {  	v6 =	vld.idx.msk [tilespmem:v6+s2+$0x0], $0xffff;
	[tilespmem:s23+$0xFFFFFFB0] =	vst v0  }
0x4a1: {  	[tilespmem:s23+$0xFFFFFFC0] =	vst v7  }
0x4a2: {  	[tilespmem:s23+$0xFFFFFFD0] =	vst v1  }
0x4a3: {  	[tilespmem:s23+$0xFFFFFFE0] =	vst v2  }
0x4a4: {  	s28 =	sshll.u32 s17, $0x10;
	[tilespmem:s23+$0xFFFFFFF0] =	vst v3  }
0x4a5: {  	s19 =	sadd.s32 s5, s28;
	[tilespmem:s23+$0xFFFFFF80] =	vst v4  }
0x4a6: {  	s19 =	sshrl.u32 s19, $0x3;
	[tilespmem:s23+$0xFFFFFF90] =	vst v5  }
0x4a7: {  	s19 =	sadd.s32 s4, s19;
	[tilespmem:s23+$0xFFFFFFA0] =	vst v6  }
0x4a8: {  	[hbm4b:s19+s2] =	stream.linear.scatter [tilespmem:s10], [sflag:$0x1], $0x8000, $0x38;
	[tilespmem:$0x14000] =	vst v63  }
0x4a9: {  	s19 =	simm.s32 @!p0 $0x2  }
0x4aa: {  	_ =	swait.ge @!p0 [sflag:s19], $0x8000  }
0x4ab: {  	[sflag:s19] =	ssyncset.done @!p0 $0x0  }
0x4ac: {  	[sflag:s19] =	ssyncadd.s32 @!p0 $0xFFFF8000  }
0x4ad: {  	v1 =	vld [tilespmem:s16+$0x0];
	_ =	sdelay $0x4  }
0x4ae: {  	v0 =	vadd.s32 $0x10, v1  }
0x4af: {  	v2 =	vadd.s32 $0x20, v1  }
0x4b0: {  	v3 =	vadd.s32 $0x30, v1  }
0x4b1: {  	v4 =	vadd.s32 $0x40, v1  }
0x4b2: {  	v6 =	vadd.s32 $0x50, v1;
	v5 =	vld.idx.msk [tilespmem:v1+s2+$0x0], $0xffff  }
0x4b3: {  	v7 =	vadd.s32 $0x60, v1;
	v0 =	vld.idx.msk [tilespmem:v0+s2+$0x0], $0xffff  }
0x4b4: {  	v8 =	vadd.s32 $0x70, v1;
	v2 =	vld.idx.msk [tilespmem:v2+s2+$0x0], $0xffff  }
0x4b5: {  	v3 =	vld.idx.msk [tilespmem:v3+s2+$0x0], $0xffff  }
0x4b6: {  	v4 =	vld.idx.msk [tilespmem:v4+s2+$0x0], $0xffff  }
0x4b7: {  	v6 =	vld.idx.msk [tilespmem:v6+s2+$0x0], $0xffff  }
0x4b8: {  	s19 =	simm.s32 $0xC400;
	v7 =	vld.idx.msk [tilespmem:v7+s2+$0x0], $0xffff  }
0x4b9: {  	v8 =	vld.idx.msk [tilespmem:v8+s2+$0x0], $0xffff;
	[tilespmem:s19+$0x0] =	vst v5  }
0x4ba: {  	[tilespmem:s19+$0x10] =	vst v0  }
0x4bb: {  	[tilespmem:s19+$0x20] =	vst v2  }
0x4bc: {  	v5 =	vadd.s32 $0xC0, v1;
	[tilespmem:s19+$0x30] =	vst v3  }
0x4bd: {  	v0 =	vadd.s32 $0x80, v1;
	[tilespmem:s19+$0x40] =	vst v4  }
0x4be: {  	v2 =	vadd.s32 $0x90, v1;
	[tilespmem:s19+$0x50] =	vst v6  }
0x4bf: {  	v3 =	vadd.s32 $0xA0, v1;
	[tilespmem:s19+$0x60] =	vst v7  }
0x4c0: {  	v4 =	vadd.s32 $0xB0, v1;
	[tilespmem:s19+$0x70] =	vst v8  }
0x4c1: {  	v6 =	vadd.s32 $0xD0, v1;
	v5 =	vld.idx.msk [tilespmem:v5+s2+$0x0], $0xffff  }
0x4c2: {  	v7 =	vadd.s32 $0xE0, v1;
	v0 =	vld.idx.msk [tilespmem:v0+s2+$0x0], $0xffff  }
0x4c3: {  	v8 =	vadd.s32 $0xF0, v1;
	v2 =	vld.idx.msk [tilespmem:v2+s2+$0x0], $0xffff  }
0x4c4: {  	v3 =	vld.idx.msk [tilespmem:v3+s2+$0x0], $0xffff  }
0x4c5: {  	v4 =	vld.idx.msk [tilespmem:v4+s2+$0x0], $0xffff  }
0x4c6: {  	v6 =	vld.idx.msk [tilespmem:v6+s2+$0x0], $0xffff  }
0x4c7: {  	v7 =	vld.idx.msk [tilespmem:v7+s2+$0x0], $0xffff  }
0x4c8: {  	v8 =	vld.idx.msk [tilespmem:v8+s2+$0x0], $0xffff;
	[tilespmem:s19+$0xC0] =	vst v5  }
0x4c9: {  	[tilespmem:s19+$0x80] =	vst v0  }
0x4ca: {  	[tilespmem:s19+$0x90] =	vst v2  }
0x4cb: {  	v9 =	vadd.s32 $0x170, v1;
	[tilespmem:s19+$0xA0] =	vst v3  }
0x4cc: {  	v5 =	vadd.s32 $0x130, v1;
	[tilespmem:s19+$0xB0] =	vst v4  }
0x4cd: {  	v2 =	vadd.s32 $0x100, v1;
	[tilespmem:s19+$0xD0] =	vst v6  }
0x4ce: {  	v3 =	vadd.s32 $0x110, v1;
	v0 =	vld [tilespmem:s16+$0xFFFFFFF0];
	[tilespmem:s19+$0xE0] =	vst v7  }
0x4cf: {  	v4 =	vadd.s32 $0x120, v1;
	[tilespmem:s19+$0xF0] =	vst v8  }
0x4d0: {  	v6 =	vadd.s32 $0x140, v1;
	v9 =	vld.idx.msk [tilespmem:v9+s2+$0x0], $0xffff  }
0x4d1: {  	v7 =	vadd.s32 $0x150, v1;
	v5 =	vld.idx.msk [tilespmem:v5+s2+$0x0], $0xffff  }
0x4d2: {  	v8 =	vadd.s32 $0x160, v1;
	v2 =	vld.idx.msk [tilespmem:v2+s2+$0x0], $0xffff  }
0x4d3: {  	v3 =	vld.idx.msk [tilespmem:v3+s2+$0x0], $0xffff;
	v10 =	vadd.s32 $0x10, v0  }
0x4d4: {  	v4 =	vld.idx.msk [tilespmem:v4+s2+$0x0], $0xffff;
	v11 =	vadd.s32 $0x20, v0  }
0x4d5: {  	v6 =	vld.idx.msk [tilespmem:v6+s2+$0x0], $0xffff;
	v12 =	vadd.s32 $0x30, v0  }
0x4d6: {  	v7 =	vld.idx.msk [tilespmem:v7+s2+$0x0], $0xffff;
	v13 =	vadd.s32 $0x40, v0  }
0x4d7: {  	v8 =	vld.idx.msk [tilespmem:v8+s2+$0x0], $0xffff;
	v14 =	vadd.s32 $0x50, v0;
	[tilespmem:s19+$0x170] =	vst v9  }
0x4d8: {  	v15 =	vadd.s32 $0x60, v0;
	[tilespmem:s19+$0x130] =	vst v5;
	v10 =	vld.idx.msk [tilespmem:v10+s2+$0x0], $0xffff  }
0x4d9: {  	[tilespmem:s19+$0x100] =	vst v2;
	v11 =	vld.idx.msk [tilespmem:v11+s2+$0x0], $0xffff  }
0x4da: {  	v2 =	vadd.s32 $0x70, v0;
	[tilespmem:s19+$0x110] =	vst v3;
	v3 =	vld.idx.msk [tilespmem:v12+s2+$0x0], $0xffff  }
0x4db: {  	v5 =	vadd.s32 $0x180, v1;
	[tilespmem:s19+$0x120] =	vst v4;
	v4 =	vld.idx.msk [tilespmem:v13+s2+$0x0], $0xffff  }
0x4dc: {  	v12 =	vld.idx.msk [tilespmem:v14+s2+$0x0], $0xffff;
	[tilespmem:s19+$0x140] =	vst v6;
	v6 =	vadd.s32 $0x190, v1  }
0x4dd: {  	v13 =	vld.idx.msk [tilespmem:v15+s2+$0x0], $0xffff;
	[tilespmem:s19+$0x150] =	vst v7;
	v7 =	vadd.s32 $0x1A0, v1  }
0x4de: {  	[tilespmem:s19+$0x160] =	vst v8;
	v8 =	vadd.s32 $0x1B0, v1;
	v14 =	vld.idx.msk [tilespmem:v0+s2+$0x0], $0xffff  }
0x4df: {  	v9 =	vadd.s32 $0x1C0, v1;
	v2 =	vld.idx.msk [tilespmem:v2+s2+$0x0], $0xffff;
	[tilespmem:s19+$0xFFFFFC10] =	vst v10  }
0x4e0: {  	v5 =	vld.idx.msk [tilespmem:v5+s2+$0x0], $0xffff;
	v10 =	vadd.s32 $0x1D0, v1;
	[tilespmem:s19+$0xFFFFFC20] =	vst v11  }
0x4e1: {  	v6 =	vld.idx.msk [tilespmem:v6+s2+$0x0], $0xffff;
	v11 =	vadd.s32 $0x1E0, v1;
	[tilespmem:s19+$0xFFFFFC30] =	vst v3  }
0x4e2: {  	v3 =	vld.idx.msk [tilespmem:v7+s2+$0x0], $0xffff;
	v7 =	vadd.s32 $0x1F0, v1;
	[tilespmem:s19+$0xFFFFFC40] =	vst v4  }
0x4e3: {  	v4 =	vld.idx.msk [tilespmem:v8+s2+$0x0], $0xffff;
	[tilespmem:s19+$0xFFFFFC50] =	vst v12  }
0x4e4: {  	v8 =	vld.idx.msk [tilespmem:v9+s2+$0x0], $0xffff;
	[tilespmem:s19+$0xFFFFFC60] =	vst v13  }
0x4e5: {  	[tilespmem:s19+$0xFFFFFC00] =	vst v14;
	v10 =	vld.idx.msk [tilespmem:v10+s2+$0x0], $0xffff  }
0x4e6: {  	v12 =	vadd.s32 $0x90, v0;
	[tilespmem:s19+$0xFFFFFC70] =	vst v2;
	v2 =	vld.idx.msk [tilespmem:v11+s2+$0x0], $0xffff  }
0x4e7: {  	v13 =	vadd.s32 $0xB0, v0;
	v7 =	vld.idx.msk [tilespmem:v7+s2+$0x0], $0xffff;
	[tilespmem:s19+$0x180] =	vst v5  }
0x4e8: {  	[tilespmem:s19+$0x190] =	vst v6  }
0x4e9: {  	[tilespmem:s19+$0x1A0] =	vst v3  }
0x4ea: {  	[tilespmem:s19+$0x1B0] =	vst v4;
	v4 =	vadd.s32 $0x200, v1  }
0x4eb: {  	[tilespmem:s19+$0x1C0] =	vst v8;
	v8 =	vadd.s32 $0x210, v1;
	v3 =	vld.idx.msk [tilespmem:v12+s2+$0x0], $0xffff  }
0x4ec: {  	v12 =	vld.idx.msk [tilespmem:v13+s2+$0x0], $0xffff;
	v13 =	vadd.s32 $0x250, v1;
	[tilespmem:s19+$0x1D0] =	vst v10  }
0x4ed: {  	v14 =	vadd.s32 $0x260, v1;
	[tilespmem:s19+$0x1E0] =	vst v2  }
0x4ee: {  	v15 =	vadd.s32 $0x270, v1;
	[tilespmem:s19+$0x1F0] =	vst v7  }
0x4ef: {  	v10 =	vadd.s32 $0x220, v1;
	v4 =	vld.idx.msk [tilespmem:v4+s2+$0x0], $0xffff  }
0x4f0: {  	v2 =	vadd.s32 $0x230, v1;
	v8 =	vld.idx.msk [tilespmem:v8+s2+$0x0], $0xffff  }
0x4f1: {  	v7 =	vadd.s32 $0x240, v1;
	v13 =	vld.idx.msk [tilespmem:v13+s2+$0x0], $0xffff  }
0x4f2: {  	v14 =	vld.idx.msk [tilespmem:v14+s2+$0x0], $0xffff  }
0x4f3: {  	v9 =	vadd.s32 $0x80, v0;
	v15 =	vld.idx.msk [tilespmem:v15+s2+$0x0], $0xffff  }
0x4f4: {  	v16 =	vadd.s32 $0xE0, v0;
	v10 =	vld.idx.msk [tilespmem:v10+s2+$0x0], $0xffff  }
0x4f5: {  	v11 =	vadd.s32 $0xA0, v0;
	v2 =	vld.idx.msk [tilespmem:v2+s2+$0x0], $0xffff  }
0x4f6: {  	v5 =	vadd.s32 $0xC0, v0;
	v7 =	vld.idx.msk [tilespmem:v7+s2+$0x0], $0xffff;
	[tilespmem:s19+$0x200] =	vst v4  }
0x4f7: {  	v6 =	vadd.s32 $0xD0, v0;
	[tilespmem:s19+$0x210] =	vst v8  }
0x4f8: {  	v17 =	vadd.s32 $0xF0, v0;
	v9 =	vld.idx.msk [tilespmem:v9+s2+$0x0], $0xffff;
	[tilespmem:s19+$0x250] =	vst v13  }
0x4f9: {  	v16 =	vld.idx.msk [tilespmem:v16+s2+$0x0], $0xffff;
	v8 =	vadd.s32 $0x2A0, v1;
	[tilespmem:s19+$0x260] =	vst v14  }
0x4fa: {  	v11 =	vld.idx.msk [tilespmem:v11+s2+$0x0], $0xffff;
	[tilespmem:s19+$0x270] =	vst v15;
	v13 =	vadd.s32 $0x2C0, v1  }
0x4fb: {  	v5 =	vld.idx.msk [tilespmem:v5+s2+$0x0], $0xffff;
	v14 =	vadd.s32 $0x2D0, v1;
	[tilespmem:s19+$0x220] =	vst v10  }
0x4fc: {  	v6 =	vld.idx.msk [tilespmem:v6+s2+$0x0], $0xffff;
	v15 =	vadd.s32 $0x2E0, v1;
	[tilespmem:s19+$0x230] =	vst v2  }
0x4fd: {  	v4 =	vld.idx.msk [tilespmem:v17+s2+$0x0], $0xffff;
	v17 =	vadd.s32 $0x2F0, v1;
	[tilespmem:s19+$0x240] =	vst v7  }
0x4fe: {  	v2 =	vadd.s32 $0x280, v1;
	v8 =	vld.idx.msk [tilespmem:v8+s2+$0x0], $0xffff  }
0x4ff: {  	v7 =	vadd.s32 $0x290, v1;
	v13 =	vld.idx.msk [tilespmem:v13+s2+$0x0], $0xffff  }
0x500: {  	v10 =	vadd.s32 $0x2B0, v1;
	v14 =	vld.idx.msk [tilespmem:v14+s2+$0x0], $0xffff  }
0x501: {  	v15 =	vld.idx.msk [tilespmem:v15+s2+$0x0], $0xffff  }
0x502: {  	v17 =	vld.idx.msk [tilespmem:v17+s2+$0x0], $0xffff  }
0x503: {  	v2 =	vld.idx.msk [tilespmem:v2+s2+$0x0], $0xffff  }
0x504: {  	[tilespmem:s19+$0xFFFFFC80] =	vst v9;
	v7 =	vld.idx.msk [tilespmem:v7+s2+$0x0], $0xffff  }
0x505: {  	v10 =	vld.idx.msk [tilespmem:v10+s2+$0x0], $0xffff;
	[tilespmem:s19+$0x2A0] =	vst v8  }
0x506: {  	[tilespmem:s19+$0x2C0] =	vst v13  }
0x507: {  	[tilespmem:s19+$0x2D0] =	vst v14  }
0x508: {  	v8 =	vadd.s32 $0x320, v1;
	[tilespmem:s19+$0x2E0] =	vst v15  }
0x509: {  	[tilespmem:s19+$0x280] =	vst v2;
	v2 =	vadd.s32 $0x300, v1  }
0x50a: {  	[tilespmem:s19+$0x2F0] =	vst v17  }
0x50b: {  	v13 =	vadd.s32 $0x340, v1;
	[tilespmem:s19+$0x290] =	vst v7  }
0x50c: {  	v9 =	vadd.s32 $0x350, v1;
	[tilespmem:s19+$0x2B0] =	vst v10  }
0x50d: {  	[tilespmem:s19+$0xFFFFFC90] =	vst v3;
	v7 =	vadd.s32 $0x310, v1;
	v8 =	vld.idx.msk [tilespmem:v8+s2+$0x0], $0xffff  }
0x50e: {  	s29 =	sadd.s32 $0x20, s16;
	[tilespmem:s19+$0xFFFFFCA0] =	vst v11;
	v11 =	vadd.s32 $0x370, v1;
	v14 =	vld.idx.msk [tilespmem:v2+s2+$0x0], $0xffff  }
0x50f: {  	[tilespmem:s19+$0xFFFFFCB0] =	vst v12;
	v15 =	vadd.s32 $0x100, v0;
	v2 =	vld [tilespmem:s29+$0x0]  }
0x510: {  	[tilespmem:s19+$0xFFFFFCC0] =	vst v5;
	v10 =	vadd.s32 $0x330, v1;
	v5 =	vld.idx.msk [tilespmem:v13+s2+$0x0], $0xffff  }
0x511: {  	[tilespmem:s19+$0xFFFFFCD0] =	vst v6;
	v17 =	vadd.s32 $0x110, v0;
	v6 =	vld.idx.msk [tilespmem:v9+s2+$0x0], $0xffff  }
0x512: {  	[tilespmem:s19+$0xFFFFFCE0] =	vst v16;
	v3 =	vld.idx.msk [tilespmem:v7+s2+$0x0], $0xffff;
	v7 =	vadd.s32 $0x360, v1  }
0x513: {  	[tilespmem:s19+$0xFFFFFCF0] =	vst v4;
	v4 =	vld.idx.msk [tilespmem:v11+s2+$0x0], $0xffff  }
0x514: {  	v13 =	vld.idx.msk [tilespmem:v15+s2+$0x0], $0xffff;
	v9 =	vadd.s32 $0x10, v2  }
0x515: {  	v10 =	vld.idx.msk [tilespmem:v10+s2+$0x0], $0xffff;
	v12 =	vadd.s32 $0x20, v2  }
0x516: {  	v17 =	vld.idx.msk [tilespmem:v17+s2+$0x0], $0xffff;
	v11 =	vadd.s32 $0x30, v2  }
0x517: {  	v7 =	vld.idx.msk [tilespmem:v7+s2+$0x0], $0xffff;
	v15 =	vadd.s32 $0x40, v2;
	[tilespmem:s19+$0x300] =	vst v14  }
0x518: {  	v16 =	vadd.s32 $0x50, v2;
	[tilespmem:s19+$0x310] =	vst v3;
	v14 =	vld.idx.msk [tilespmem:v2+s2+$0x0], $0xffff  }
0x519: {  	[tilespmem:s19+$0x320] =	vst v8;
	v3 =	vld.idx.msk [tilespmem:v9+s2+$0x0], $0xffff;
	v9 =	vadd.s32 $0x60, v2  }
0x51a: {  	[tilespmem:s19+$0x330] =	vst v10;
	v8 =	vld.idx.msk [tilespmem:v12+s2+$0x0], $0xffff;
	v12 =	vadd.s32 $0x70, v2  }
0x51b: {  	[tilespmem:s19+$0x340] =	vst v5;
	v10 =	vld.idx.msk [tilespmem:v11+s2+$0x0], $0xffff  }
0x51c: {  	[tilespmem:s19+$0x350] =	vst v6;
	v5 =	vld.idx.msk [tilespmem:v15+s2+$0x0], $0xffff  }
0x51d: {  	[tilespmem:s19+$0x370] =	vst v4;
	v6 =	vld.idx.msk [tilespmem:v16+s2+$0x0], $0xffff  }
0x51e: {  	s20 =	simm.s32 $0xCC00;
	[tilespmem:s19+$0x360] =	vst v7;
	v7 =	vld.idx.msk [tilespmem:v9+s2+$0x0], $0xffff  }
0x51f: {  	v11 =	vadd.s32 $0x120, v0;
	v4 =	vld.idx.msk [tilespmem:v12+s2+$0x0], $0xffff;
	[tilespmem:s20+$0x0] =	vst v14  }
0x520: {  	v16 =	vadd.s32 $0x140, v0;
	[tilespmem:s20+$0x10] =	vst v3  }
0x521: {  	v15 =	vadd.s32 $0x130, v0;
	[tilespmem:s20+$0x20] =	vst v8  }
0x522: {  	[tilespmem:s20+$0x30] =	vst v10;
	v10 =	vadd.s32 $0x80, v2  }
0x523: {  	[tilespmem:s20+$0x40] =	vst v5;
	v5 =	vadd.s32 $0x90, v2  }
0x524: {  	[tilespmem:s20+$0x50] =	vst v6;
	v6 =	vadd.s32 $0xA0, v2;
	v11 =	vld.idx.msk [tilespmem:v11+s2+$0x0], $0xffff  }
0x525: {  	v8 =	vld.idx.msk [tilespmem:v16+s2+$0x0], $0xffff;
	v16 =	vadd.s32 $0xD0, v2;
	[tilespmem:s20+$0x60] =	vst v7  }
0x526: {  	v18 =	vadd.s32 $0xE0, v2;
	v3 =	vld.idx.msk [tilespmem:v15+s2+$0x0], $0xffff;
	[tilespmem:s20+$0x70] =	vst v4  }
0x527: {  	v19 =	vadd.s32 $0xF0, v2;
	v10 =	vld.idx.msk [tilespmem:v10+s2+$0x0], $0xffff  }
0x528: {  	v7 =	vadd.s32 $0xB0, v2;
	v5 =	vld.idx.msk [tilespmem:v5+s2+$0x0], $0xffff  }
0x529: {  	v4 =	vadd.s32 $0xC0, v2;
	v6 =	vld.idx.msk [tilespmem:v6+s2+$0x0], $0xffff  }
0x52a: {  	v20 =	vadd.s32 $0x390, v1;
	v16 =	vld.idx.msk [tilespmem:v16+s2+$0x0], $0xffff  }
0x52b: {  	v21 =	vadd.s32 $0x3A0, v1;
	v18 =	vld.idx.msk [tilespmem:v18+s2+$0x0], $0xffff  }
0x52c: {  	v9 =	vadd.s32 $0x150, v0;
	v19 =	vld.idx.msk [tilespmem:v19+s2+$0x0], $0xffff  }
0x52d: {  	v12 =	vadd.s32 $0x160, v0;
	v7 =	vld.idx.msk [tilespmem:v7+s2+$0x0], $0xffff  }
0x52e: {  	v14 =	vadd.s32 $0x380, v1;
	v22 =	vld.idx.msk [tilespmem:v4+s2+$0x0], $0xffff;
	[tilespmem:s20+$0x80] =	vst v10  }
0x52f: {  	v15 =	vadd.s32 $0x3F0, v1;
	v20 =	vld.idx.msk [tilespmem:v20+s2+$0x0], $0xffff;
	[tilespmem:s20+$0x90] =	vst v5  }
0x530: {  	v23 =	vadd.s32 $0x3C0, v1;
	v21 =	vld.idx.msk [tilespmem:v21+s2+$0x0], $0xffff;
	[tilespmem:s20+$0xA0] =	vst v6  }
0x531: {  	v9 =	vld.idx.msk [tilespmem:v9+s2+$0x0], $0xffff;
	v10 =	vadd.s32 $0x170, v0;
	[tilespmem:s20+$0xD0] =	vst v16  }
0x532: {  	v12 =	vld.idx.msk [tilespmem:v12+s2+$0x0], $0xffff;
	v16 =	vadd.s32 $0x120, v2;
	[tilespmem:s20+$0xE0] =	vst v18  }
0x533: {  	v14 =	vld.idx.msk [tilespmem:v14+s2+$0x0], $0xffff;
	[tilespmem:s20+$0xB0] =	vst v7;
	v7 =	vadd.s32 $0x100, v2  }
0x534: {  	v15 =	vld.idx.msk [tilespmem:v15+s2+$0x0], $0xffff;
	[tilespmem:s20+$0xC0] =	vst v22;
	v22 =	vadd.s32 $0x110, v2  }
0x535: {  	v6 =	vld.idx.msk [tilespmem:v23+s2+$0x0], $0xffff;
	v18 =	vadd.s32 $0x130, v2;
	[tilespmem:s20+$0xF0] =	vst v19  }
0x536: {  	v19 =	vadd.s32 $0x140, v2;
	v10 =	vld.idx.msk [tilespmem:v10+s2+$0x0], $0xffff;
	[tilespmem:s19+$0xFFFFFD00] =	vst v13  }
0x537: {  	v13 =	vadd.s32 $0x150, v2;
	[tilespmem:s19+$0xFFFFFD20] =	vst v11;
	v11 =	vld.idx.msk [tilespmem:v16+s2+$0x0], $0xffff  }
0x538: {  	[tilespmem:s19+$0xFFFFFD10] =	vst v17;
	v16 =	vadd.s32 $0x170, v2;
	v7 =	vld.idx.msk [tilespmem:v7+s2+$0x0], $0xffff  }
0x539: {  	[tilespmem:s19+$0xFFFFFD30] =	vst v3;
	v17 =	vld.idx.msk [tilespmem:v22+s2+$0x0], $0xffff;
	v22 =	vadd.s32 $0x160, v2  }
0x53a: {  	v4 =	vadd.s32 $0x3B0, v1;
	v3 =	vld.idx.msk [tilespmem:v18+s2+$0x0], $0xffff;
	[tilespmem:s19+$0xFFFFFD40] =	vst v8  }
0x53b: {  	v24 =	vadd.s32 $0x3D0, v1;
	v8 =	vld.idx.msk [tilespmem:v19+s2+$0x0], $0xffff;
	[tilespmem:s19+$0xFFFFFD50] =	vst v9  }
0x53c: {  	v1 =	vadd.s32 $0x3E0, v1;
	[tilespmem:s19+$0xFFFFFD60] =	vst v12;
	v9 =	vld.idx.msk [tilespmem:v13+s2+$0x0], $0xffff  }
0x53d: {  	[tilespmem:s19+$0xFFFFFD70] =	vst v10;
	v10 =	vld.idx.msk [tilespmem:v16+s2+$0x0], $0xffff  }
0x53e: {  	v19 =	vadd.s32 $0x1A0, v0;
	v12 =	vld.idx.msk [tilespmem:v22+s2+$0x0], $0xffff;
	[tilespmem:s20+$0x100] =	vst v7  }
0x53f: {  	v25 =	vld.idx.msk [tilespmem:v4+s2+$0x0], $0xffff;
	v13 =	vadd.s32 $0x1B0, v0;
	[tilespmem:s20+$0x110] =	vst v17  }
0x540: {  	v4 =	vld.idx.msk [tilespmem:v24+s2+$0x0], $0xffff;
	v22 =	vadd.s32 $0x1C0, v0;
	[tilespmem:s20+$0x120] =	vst v11  }
0x541: {  	v5 =	vld.idx.msk [tilespmem:v1+s2+$0x0], $0xffff;
	[tilespmem:s20+$0x130] =	vst v3;
	v3 =	vadd.s32 $0x180, v2  }
0x542: {  	v1 =	vld [tilespmem:s29+$0xFFFFFFF0];
	[tilespmem:s20+$0x140] =	vst v8;
	v8 =	vadd.s32 $0x190, v2  }
0x543: {  	v17 =	vld.idx.msk [tilespmem:v19+s2+$0x0], $0xffff;
	[tilespmem:s20+$0x150] =	vst v9;
	v9 =	vadd.s32 $0x1A0, v2  }
0x544: {  	v11 =	vld.idx.msk [tilespmem:v13+s2+$0x0], $0xffff;
	[tilespmem:s20+$0x170] =	vst v10;
	v10 =	vadd.s32 $0x1C0, v2  }
0x545: {  	v24 =	vadd.s32 $0x1E0, v2;
	v13 =	vld.idx.msk [tilespmem:v22+s2+$0x0], $0xffff;
	[tilespmem:s20+$0x160] =	vst v12  }
0x546: {  	[tilespmem:s19+$0x3F0] =	vst v15;
	v15 =	vadd.s32 $0x1F0, v2;
	v3 =	vld.idx.msk [tilespmem:v3+s2+$0x0], $0xffff  }
0x547: {  	v12 =	vadd.s32 $0x1B0, v2;
	v8 =	vld.idx.msk [tilespmem:v8+s2+$0x0], $0xffff  }
0x548: {  	[tilespmem:s19+$0x380] =	vst v14;
	v22 =	vadd.s32 $0x1D0, v2;
	v9 =	vld.idx.msk [tilespmem:v9+s2+$0x0], $0xffff  }
0x549: {  	[tilespmem:s19+$0x390] =	vst v20;
	v26 =	vadd.s32 $0x20, v1;
	v10 =	vld.idx.msk [tilespmem:v10+s2+$0x0], $0xffff  }
0x54a: {  	[tilespmem:s19+$0x3A0] =	vst v21;
	v19 =	vadd.s32 $0x10, v1;
	v24 =	vld.idx.msk [tilespmem:v24+s2+$0x0], $0xffff  }
0x54b: {  	[tilespmem:s19+$0x3C0] =	vst v6;
	v14 =	vadd.s32 $0x30, v1;
	v6 =	vld.idx.msk [tilespmem:v15+s2+$0x0], $0xffff  }
0x54c: {  	v20 =	vadd.s32 $0x40, v1;
	[tilespmem:s19+$0x3B0] =	vst v25;
	v12 =	vld.idx.msk [tilespmem:v12+s2+$0x0], $0xffff  }
0x54d: {  	v25 =	vadd.s32 $0x60, v1;
	v21 =	vld.idx.msk [tilespmem:v22+s2+$0x0], $0xffff;
	[tilespmem:s20+$0x180] =	vst v3  }
0x54e: {  	v26 =	vld.idx.msk [tilespmem:v26+s2+$0x0], $0xffff;
	v15 =	vadd.s32 $0x70, v1;
	[tilespmem:s20+$0x190] =	vst v8  }
0x54f: {  	v19 =	vld.idx.msk [tilespmem:v19+s2+$0x0], $0xffff;
	v22 =	vadd.s32 $0x50, v1;
	[tilespmem:s20+$0x1A0] =	vst v9  }
0x550: {  	v3 =	vld.idx.msk [tilespmem:v14+s2+$0x0], $0xffff;
	[tilespmem:s20+$0x1C0] =	vst v10  }
0x551: {  	v23 =	vadd.s32 $0x180, v0;
	v14 =	vld.idx.msk [tilespmem:v20+s2+$0x0], $0xffff;
	[tilespmem:s20+$0x1E0] =	vst v24  }
0x552: {  	v18 =	vadd.s32 $0x190, v0;
	v20 =	vld.idx.msk [tilespmem:v25+s2+$0x0], $0xffff;
	[tilespmem:s20+$0x1F0] =	vst v6  }
0x553: {  	v15 =	vld.idx.msk [tilespmem:v15+s2+$0x0], $0xffff;
	[tilespmem:s20+$0x1B0] =	vst v12  }
0x554: {  	v16 =	vadd.s32 $0x1D0, v0;
	v9 =	vld.idx.msk [tilespmem:v22+s2+$0x0], $0xffff;
	[tilespmem:s20+$0x1D0] =	vst v21  }
0x555: {  	v7 =	vadd.s32 $0x1E0, v0;
	v22 =	vld.idx.msk [tilespmem:v1+s2+$0x0], $0xffff;
	[tilespmem:s20+$0xFFFFFC10] =	vst v19  }
0x556: {  	v23 =	vld.idx.msk [tilespmem:v23+s2+$0x0], $0xffff;
	v8 =	vadd.s32 $0x1F0, v0;
	[tilespmem:s20+$0xFFFFFC20] =	vst v26  }
0x557: {  	v18 =	vld.idx.msk [tilespmem:v18+s2+$0x0], $0xffff;
	v10 =	vadd.s32 $0x210, v2;
	[tilespmem:s20+$0xFFFFFC30] =	vst v3  }
0x558: {  	v24 =	vadd.s32 $0x230, v2;
	[tilespmem:s20+$0xFFFFFC40] =	vst v14  }
0x559: {  	v16 =	vld.idx.msk [tilespmem:v16+s2+$0x0], $0xffff;
	v12 =	vadd.s32 $0x200, v2;
	[tilespmem:s20+$0xFFFFFC60] =	vst v20  }
0x55a: {  	v7 =	vld.idx.msk [tilespmem:v7+s2+$0x0], $0xffff;
	v21 =	vadd.s32 $0x220, v2;
	[tilespmem:s20+$0xFFFFFC70] =	vst v15  }
0x55b: {  	v6 =	vadd.s32 $0x240, v2;
	v8 =	vld.idx.msk [tilespmem:v8+s2+$0x0], $0xffff;
	[tilespmem:s19+$0xFFFFFD80] =	vst v23  }
0x55c: {  	v25 =	vadd.s32 $0x260, v2;
	v10 =	vld.idx.msk [tilespmem:v10+s2+$0x0], $0xffff;
	[tilespmem:s19+$0xFFFFFD90] =	vst v18  }
0x55d: {  	v19 =	vadd.s32 $0x250, v2;
	v14 =	vld.idx.msk [tilespmem:v24+s2+$0x0], $0xffff;
	[tilespmem:s19+$0xFFFFFDA0] =	vst v17  }
0x55e: {  	v26 =	vadd.s32 $0x80, v1;
	[tilespmem:s19+$0xFFFFFDB0] =	vst v11;
	v12 =	vld.idx.msk [tilespmem:v12+s2+$0x0], $0xffff  }
0x55f: {  	[tilespmem:s19+$0xFFFFFDC0] =	vst v13;
	v3 =	vld.idx.msk [tilespmem:v21+s2+$0x0], $0xffff;
	v21 =	vadd.s32 $0x270, v2  }
0x560: {  	v24 =	vadd.s32 $0x90, v1;
	v6 =	vld.idx.msk [tilespmem:v6+s2+$0x0], $0xffff;
	[tilespmem:s19+$0xFFFFFDD0] =	vst v16  }
0x561: {  	v20 =	vadd.s32 $0xB0, v1;
	v15 =	vld.idx.msk [tilespmem:v25+s2+$0x0], $0xffff;
	[tilespmem:s20+$0xFFFFFC50] =	vst v9  }
0x562: {  	v25 =	vadd.s32 $0xC0, v1;
	v19 =	vld.idx.msk [tilespmem:v19+s2+$0x0], $0xffff;
	[tilespmem:s20+$0xFFFFFC00] =	vst v22  }
0x563: {  	[tilespmem:s19+$0xFFFFFDE0] =	vst v7;
	v9 =	vadd.s32 $0xA0, v1;
	v26 =	vld.idx.msk [tilespmem:v26+s2+$0x0], $0xffff  }
0x564: {  	v22 =	vadd.s32 $0xD0, v1;
	v21 =	vld.idx.msk [tilespmem:v21+s2+$0x0], $0xffff;
	[tilespmem:s20+$0x200] =	vst v12  }
0x565: {  	v24 =	vld.idx.msk [tilespmem:v24+s2+$0x0], $0xffff;
	v12 =	vadd.s32 $0xE0, v1;
	[tilespmem:s20+$0x210] =	vst v10  }
0x566: {  	v10 =	vadd.s32 $0xF0, v1;
	[tilespmem:s20+$0x220] =	vst v3;
	v3 =	vld.idx.msk [tilespmem:v20+s2+$0x0], $0xffff  }
0x567: {  	[tilespmem:s19+$0xFFFFFDF0] =	vst v8;
	v20 =	vld.idx.msk [tilespmem:v25+s2+$0x0], $0xffff;
	v25 =	vadd.s32 $0x200, v0  }
0x568: {  	v9 =	vld.idx.msk [tilespmem:v9+s2+$0x0], $0xffff;
	[tilespmem:s20+$0x230] =	vst v14  }
0x569: {  	v14 =	vadd.s32 $0x280, v2;
	[tilespmem:s20+$0x240] =	vst v6;
	v22 =	vld.idx.msk [tilespmem:v22+s2+$0x0], $0xffff  }
0x56a: {  	v6 =	vadd.s32 $0x290, v2;
	[tilespmem:s20+$0x250] =	vst v19;
	v12 =	vld.idx.msk [tilespmem:v12+s2+$0x0], $0xffff  }
0x56b: {  	v19 =	vadd.s32 $0x2A0, v2;
	[tilespmem:s20+$0x260] =	vst v15;
	v10 =	vld.idx.msk [tilespmem:v10+s2+$0x0], $0xffff  }
0x56c: {  	s30 =	sadd.s32 $0x20, s29;
	v15 =	vadd.s32 $0x2B0, v2;
	[tilespmem:s20+$0x270] =	vst v21;
	v25 =	vld.idx.msk [tilespmem:v25+s2+$0x0], $0xffff  }
0x56d: {  	v23 =	vadd.s32 $0x2D0, v2;
	[tilespmem:s20+$0xFFFFFCB0] =	vst v3;
	v3 =	vld [tilespmem:s30+$0x0]  }
0x56e: {  	v18 =	vadd.s32 $0x2E0, v2;
	v14 =	vld.idx.msk [tilespmem:v14+s2+$0x0], $0xffff  }
0x56f: {  	v21 =	vadd.s32 $0x2C0, v2;
	[tilespmem:s20+$0xFFFFFC80] =	vst v26;
	v6 =	vld.idx.msk [tilespmem:v6+s2+$0x0], $0xffff  }
0x570: {  	[tilespmem:s20+$0xFFFFFC90] =	vst v24;
	v17 =	vld.idx.msk [tilespmem:v19+s2+$0x0], $0xffff;
	v19 =	vadd.s32 $0x2F0, v2  }
0x571: {  	[tilespmem:s20+$0xFFFFFCA0] =	vst v9;
	v11 =	vld.idx.msk [tilespmem:v15+s2+$0x0], $0xffff;
	v15 =	vadd.s32 $0x210, v0  }
0x572: {  	[tilespmem:s20+$0xFFFFFCC0] =	vst v20;
	v16 =	vld.idx.msk [tilespmem:v23+s2+$0x0], $0xffff;
	v23 =	vadd.s32 $0x230, v0  }
0x573: {  	[tilespmem:s20+$0xFFFFFCD0] =	vst v22;
	v7 =	vld.idx.msk [tilespmem:v18+s2+$0x0], $0xffff;
	v18 =	vadd.s32 $0x240, v0  }
0x574: {  	v20 =	vadd.s32 $0x110, v1;
	v13 =	vld.idx.msk [tilespmem:v21+s2+$0x0], $0xffff;
	[tilespmem:s20+$0xFFFFFCE0] =	vst v12  }
0x575: {  	v21 =	vadd.s32 $0x220, v0;
	[tilespmem:s20+$0xFFFFFCF0] =	vst v10;
	v8 =	vld.idx.msk [tilespmem:v19+s2+$0x0], $0xffff  }
0x576: {  	v19 =	vadd.s32 $0x250, v0;
	[tilespmem:s20+$0x280] =	vst v14;
	v15 =	vld.idx.msk [tilespmem:v15+s2+$0x0], $0xffff  }
0x577: {  	v14 =	vadd.s32 $0x260, v0;
	[tilespmem:s20+$0x2A0] =	vst v17;
	v17 =	vld.idx.msk [tilespmem:v23+s2+$0x0], $0xffff  }
0x578: {  	[tilespmem:s20+$0x290] =	vst v6;
	v6 =	vadd.s32 $0x270, v0;
	v18 =	vld.idx.msk [tilespmem:v18+s2+$0x0], $0xffff  }
0x579: {  	[tilespmem:s20+$0x2B0] =	vst v11;
	v11 =	vadd.s32 $0x300, v2;
	v20 =	vld.idx.msk [tilespmem:v20+s2+$0x0], $0xffff  }
0x57a: {  	[tilespmem:s20+$0x2D0] =	vst v16;
	v16 =	vadd.s32 $0x320, v2;
	v21 =	vld.idx.msk [tilespmem:v21+s2+$0x0], $0xffff  }
0x57b: {  	[tilespmem:s20+$0x2E0] =	vst v7;
	v7 =	vadd.s32 $0x330, v2;
	v19 =	vld.idx.msk [tilespmem:v19+s2+$0x0], $0xffff  }
0x57c: {  	v23 =	vadd.s32 $0x350, v2;
	[tilespmem:s20+$0x2C0] =	vst v13;
	v14 =	vld.idx.msk [tilespmem:v14+s2+$0x0], $0xffff  }
0x57d: {  	v24 =	vadd.s32 $0x360, v2;
	v6 =	vld.idx.msk [tilespmem:v6+s2+$0x0], $0xffff;
	[tilespmem:s20+$0x2F0] =	vst v8  }
0x57e: {  	v13 =	vadd.s32 $0x310, v2;
	v11 =	vld.idx.msk [tilespmem:v11+s2+$0x0], $0xffff  }
0x57f: {  	v8 =	vadd.s32 $0x340, v2;
	v9 =	vld.idx.msk [tilespmem:v16+s2+$0x0], $0xffff  }
0x580: {  	[tilespmem:s19+$0x3D0] =	vst v4;
	v16 =	vadd.s32 $0x370, v2;
	v7 =	vld.idx.msk [tilespmem:v7+s2+$0x0], $0xffff  }
0x581: {  	[tilespmem:s19+$0x3E0] =	vst v5;
	v4 =	vadd.s32 $0x30, v3;
	v22 =	vld.idx.msk [tilespmem:v23+s2+$0x0], $0xffff  }
0x582: {  	v26 =	vadd.s32 $0x100, v1;
	[tilespmem:s19+$0xFFFFFE10] =	vst v15;
	v12 =	vld.idx.msk [tilespmem:v24+s2+$0x0], $0xffff  }
0x583: {  	v5 =	vadd.s32 $0x40, v3;
	v13 =	vld.idx.msk [tilespmem:v13+s2+$0x0], $0xffff;
	[tilespmem:s19+$0xFFFFFE20] =	vst v21  }
0x584: {  	v15 =	vadd.s32 $0x60, v3;
	v8 =	vld.idx.msk [tilespmem:v8+s2+$0x0], $0xffff;
	[tilespmem:s19+$0xFFFFFE60] =	vst v14  }
0x585: {  	v23 =	vadd.s32 $0x120, v1;
	v10 =	vld.idx.msk [tilespmem:v16+s2+$0x0], $0xffff;
	[tilespmem:s20+$0x300] =	vst v11  }
0x586: {  	v4 =	vld.idx.msk [tilespmem:v4+s2+$0x0], $0xffff;
	v24 =	vadd.s32 $0x130, v1;
	[tilespmem:s20+$0x320] =	vst v9  }
0x587: {  	v11 =	vld.idx.msk [tilespmem:v26+s2+$0x0], $0xffff;
	v26 =	vadd.s32 $0x150, v1;
	[tilespmem:s20+$0x330] =	vst v7  }
0x588: {  	v5 =	vld.idx.msk [tilespmem:v5+s2+$0x0], $0xffff;
	v7 =	vadd.s32 $0x380, v2;
	[tilespmem:s20+$0x350] =	vst v22  }
0x589: {  	v14 =	vld.idx.msk [tilespmem:v15+s2+$0x0], $0xffff;
	[tilespmem:s20+$0x360] =	vst v12  }
0x58a: {  	v9 =	vld.idx.msk [tilespmem:v23+s2+$0x0], $0xffff;
	[tilespmem:s20+$0x340] =	vst v8;
	v8 =	vadd.s32 $0x3F0, v2  }
0x58b: {  	v23 =	vld.idx.msk [tilespmem:v24+s2+$0x0], $0xffff;
	v12 =	vadd.s32 $0x10, v3;
	[tilespmem:s20+$0x310] =	vst v13  }
0x58c: {  	v21 =	vadd.s32 $0x70, v3;
	v22 =	vld.idx.msk [tilespmem:v26+s2+$0x0], $0xffff;
	[tilespmem:s20+$0x370] =	vst v10  }
0x58d: {  	v16 =	vadd.s32 $0x140, v1;
	v24 =	vld.idx.msk [tilespmem:v7+s2+$0x0], $0xffff  }
0x58e: {  	v10 =	vadd.s32 $0x20, v3;
	v7 =	vld.idx.msk [tilespmem:v3+s2+$0x0], $0xffff  }
0x58f: {  	[tilespmem:s19+$0xFFFFFE00] =	vst v25;
	v26 =	vld.idx.msk [tilespmem:v8+s2+$0x0], $0xffff;
	v8 =	vadd.s32 $0x50, v3  }
0x590: {  	[tilespmem:s19+$0xFFFFFE30] =	vst v17;
	v17 =	vadd.s32 $0x390, v2;
	v12 =	vld.idx.msk [tilespmem:v12+s2+$0x0], $0xffff  }
0x591: {  	[tilespmem:s19+$0xFFFFFE40] =	vst v18;
	v18 =	vadd.s32 $0x3A0, v2;
	v21 =	vld.idx.msk [tilespmem:v21+s2+$0x0], $0xffff  }
0x592: {  	[tilespmem:s19+$0xFFFFFE50] =	vst v19;
	v15 =	vadd.s32 $0x3D0, v2;
	v16 =	vld.idx.msk [tilespmem:v16+s2+$0x0], $0xffff  }
0x593: {  	s21 =	simm.s32 $0xD400;
	v19 =	vadd.s32 $0x3B0, v2;
	[tilespmem:s19+$0xFFFFFE70] =	vst v6;
	v10 =	vld.idx.msk [tilespmem:v10+s2+$0x0], $0xffff  }
0x594: {  	v25 =	vadd.s32 $0x3C0, v2;
	v8 =	vld.idx.msk [tilespmem:v8+s2+$0x0], $0xffff;
	[tilespmem:s21+$0x0] =	vst v7  }
0x595: {  	v2 =	vadd.s32 $0x3E0, v2;
	v17 =	vld.idx.msk [tilespmem:v17+s2+$0x0], $0xffff;
	[tilespmem:s21+$0x10] =	vst v12  }
0x596: {  	v13 =	vadd.s32 $0x160, v1;
	v18 =	vld.idx.msk [tilespmem:v18+s2+$0x0], $0xffff;
	[tilespmem:s21+$0x30] =	vst v4  }
0x597: {  	v6 =	vadd.s32 $0x170, v1;
	v15 =	vld.idx.msk [tilespmem:v15+s2+$0x0], $0xffff;
	[tilespmem:s21+$0x40] =	vst v5  }
0x598: {  	v7 =	vadd.s32 $0x280, v0;
	v12 =	vld.idx.msk [tilespmem:v19+s2+$0x0], $0xffff;
	[tilespmem:s21+$0x60] =	vst v14  }
0x599: {  	v19 =	vld.idx.msk [tilespmem:v25+s2+$0x0], $0xffff;
	v4 =	vadd.s32 $0x80, v3;
	[tilespmem:s21+$0x70] =	vst v21  }
0x59a: {  	v5 =	vadd.s32 $0x90, v3;
	v25 =	vld.idx.msk [tilespmem:v2+s2+$0x0], $0xffff;
	[tilespmem:s20+$0x3F0] =	vst v26  }
0x59b: {  	v13 =	vld.idx.msk [tilespmem:v13+s2+$0x0], $0xffff;
	v2 =	vadd.s32 $0xA0, v3;
	[tilespmem:s21+$0x20] =	vst v10  }
0x59c: {  	v10 =	vadd.s32 $0xB0, v3;
	[tilespmem:s21+$0x50] =	vst v8;
	v8 =	vld.idx.msk [tilespmem:v6+s2+$0x0], $0xffff  }
0x59d: {  	v14 =	vadd.s32 $0xE0, v3;
	v6 =	vld.idx.msk [tilespmem:v7+s2+$0x0], $0xffff;
	[tilespmem:s20+$0xFFFFFD00] =	vst v11  }
0x59e: {  	v7 =	vadd.s32 $0xC0, v3;
	[tilespmem:s20+$0xFFFFFD10] =	vst v20;
	v4 =	vld.idx.msk [tilespmem:v4+s2+$0x0], $0xffff  }
0x59f: {  	v11 =	vadd.s32 $0xD0, v3;
	[tilespmem:s20+$0xFFFFFD20] =	vst v9;
	v5 =	vld.idx.msk [tilespmem:v5+s2+$0x0], $0xffff  }
0x5a0: {  	v9 =	vadd.s32 $0xF0, v3;
	[tilespmem:s20+$0xFFFFFD30] =	vst v23;
	v2 =	vld.idx.msk [tilespmem:v2+s2+$0x0], $0xffff  }
0x5a1: {  	v20 =	vadd.s32 $0x290, v0;
	[tilespmem:s20+$0xFFFFFD40] =	vst v16;
	v21 =	vld.idx.msk [tilespmem:v10+s2+$0x0], $0xffff  }
0x5a2: {  	v23 =	vadd.s32 $0x2A0, v0;
	[tilespmem:s20+$0xFFFFFD60] =	vst v13;
	v13 =	vld.idx.msk [tilespmem:v14+s2+$0x0], $0xffff  }
0x5a3: {  	[tilespmem:s20+$0xFFFFFD50] =	vst v22;
	v14 =	vadd.s32 $0x2D0, v0;
	v16 =	vld.idx.msk [tilespmem:v7+s2+$0x0], $0xffff  }
0x5a4: {  	v11 =	vld.idx.msk [tilespmem:v11+s2+$0x0], $0xffff;
	[tilespmem:s20+$0xFFFFFD70] =	vst v8  }
0x5a5: {  	v7 =	vadd.s32 $0x2B0, v0;
	v27 =	vld.idx.msk [tilespmem:v9+s2+$0x0], $0xffff;
	[tilespmem:s21+$0x80] =	vst v4  }
0x5a6: {  	v22 =	vadd.s32 $0x2C0, v0;
	v10 =	vld.idx.msk [tilespmem:v20+s2+$0x0], $0xffff;
	[tilespmem:s21+$0x90] =	vst v5  }
0x5a7: {  	v9 =	vld.idx.msk [tilespmem:v23+s2+$0x0], $0xffff;
	v20 =	vadd.s32 $0x180, v1;
	[tilespmem:s21+$0xA0] =	vst v2  }
0x5a8: {  	[tilespmem:s21+$0xB0] =	vst v21;
	v21 =	vadd.s32 $0x100, v3;
	v4 =	vld.idx.msk [tilespmem:v14+s2+$0x0], $0xffff  }
0x5a9: {  	v14 =	vadd.s32 $0x110, v3;
	v2 =	vld [tilespmem:s30+$0xFFFFFFF0];
	[tilespmem:s21+$0xE0] =	vst v13  }
0x5aa: {  	v13 =	vadd.s32 $0x130, v3;
	v8 =	vld.idx.msk [tilespmem:v7+s2+$0x0], $0xffff;
	[tilespmem:s21+$0xC0] =	vst v16  }
0x5ab: {  	v23 =	vadd.s32 $0x160, v3;
	v7 =	vld.idx.msk [tilespmem:v22+s2+$0x0], $0xffff;
	[tilespmem:s21+$0xD0] =	vst v11  }
0x5ac: {  	v11 =	vadd.s32 $0x120, v3;
	v16 =	vld.idx.msk [tilespmem:v20+s2+$0x0], $0xffff;
	[tilespmem:s21+$0xF0] =	vst v27  }
0x5ad: {  	[tilespmem:s20+$0x380] =	vst v24;
	v20 =	vadd.s32 $0x140, v3;
	v21 =	vld.idx.msk [tilespmem:v21+s2+$0x0], $0xffff  }
0x5ae: {  	[tilespmem:s20+$0x390] =	vst v17;
	v22 =	vadd.s32 $0x150, v3;
	v14 =	vld.idx.msk [tilespmem:v14+s2+$0x0], $0xffff  }
0x5af: {  	v17 =	vadd.s32 $0x170, v3;
	[tilespmem:s20+$0x3A0] =	vst v18;
	v13 =	vld.idx.msk [tilespmem:v13+s2+$0x0], $0xffff  }
0x5b0: {  	[tilespmem:s20+$0x3D0] =	vst v15;
	v24 =	vadd.s32 $0x10, v2;
	v15 =	vld.idx.msk [tilespmem:v23+s2+$0x0], $0xffff  }
0x5b1: {  	[tilespmem:s20+$0x3B0] =	vst v12;
	v18 =	vadd.s32 $0x20, v2;
	v11 =	vld.idx.msk [tilespmem:v11+s2+$0x0], $0xffff  }
0x5b2: {  	[tilespmem:s20+$0x3C0] =	vst v19;
	v12 =	vld.idx.msk [tilespmem:v20+s2+$0x0], $0xffff;
	v20 =	vadd.s32 $0x30, v2  }
0x5b3: {  	[tilespmem:s20+$0x3E0] =	vst v25;
	v19 =	vld.idx.msk [tilespmem:v22+s2+$0x0], $0xffff;
	v22 =	vadd.s32 $0x40, v2  }
0x5b4: {  	v23 =	vadd.s32 $0x50, v2;
	v17 =	vld.idx.msk [tilespmem:v17+s2+$0x0], $0xffff;
	[tilespmem:s21+$0x100] =	vst v21  }
0x5b5: {  	v25 =	vadd.s32 $0x60, v2;
	v24 =	vld.idx.msk [tilespmem:v24+s2+$0x0], $0xffff;
	[tilespmem:s21+$0x110] =	vst v14  }
0x5b6: {  	v18 =	vld.idx.msk [tilespmem:v18+s2+$0x0], $0xffff;
	[tilespmem:s21+$0x130] =	vst v13  }
0x5b7: {  	v21 =	vadd.s32 $0x70, v2;
	[tilespmem:s21+$0x160] =	vst v15;
	v14 =	vld.idx.msk [tilespmem:v20+s2+$0x0], $0xffff  }
0x5b8: {  	v13 =	vadd.s32 $0x180, v3;
	[tilespmem:s21+$0x120] =	vst v11;
	v11 =	vld.idx.msk [tilespmem:v22+s2+$0x0], $0xffff  }
0x5b9: {  	[tilespmem:s21+$0x170] =	vst v17;
	v17 =	vadd.s32 $0x1C0, v3;
	v20 =	vld.idx.msk [tilespmem:v23+s2+$0x0], $0xffff  }
0x5ba: {  	v22 =	vld.idx.msk [tilespmem:v25+s2+$0x0], $0xffff;
	[tilespmem:s21+$0x150] =	vst v19;
	v19 =	vadd.s32 $0x1A0, v3  }
0x5bb: {  	[tilespmem:s21+$0x140] =	vst v12;
	v12 =	vadd.s32 $0x190, v3;
	v23 =	vld.idx.msk [tilespmem:v2+s2+$0x0], $0xffff  }
0x5bc: {  	v15 =	vadd.s32 $0x1B0, v3;
	v21 =	vld.idx.msk [tilespmem:v21+s2+$0x0], $0xffff;
	[tilespmem:s21+$0xFFFFFC10] =	vst v24  }
0x5bd: {  	v13 =	vld.idx.msk [tilespmem:v13+s2+$0x0], $0xffff;
	v24 =	vadd.s32 $0x1D0, v3;
	[tilespmem:s21+$0xFFFFFC20] =	vst v18  }
0x5be: {  	v18 =	vadd.s32 $0x1E0, v3;
	v17 =	vld.idx.msk [tilespmem:v17+s2+$0x0], $0xffff;
	[tilespmem:s21+$0xFFFFFC30] =	vst v14  }
0x5bf: {  	v14 =	vld.idx.msk [tilespmem:v19+s2+$0x0], $0xffff;
	v19 =	vadd.s32 $0x1F0, v3;
	[tilespmem:s21+$0xFFFFFC40] =	vst v11  }
0x5c0: {  	v12 =	vld.idx.msk [tilespmem:v12+s2+$0x0], $0xffff;
	[tilespmem:s21+$0xFFFFFC50] =	vst v20  }
0x5c1: {  	v25 =	vadd.s32 $0x190, v1;
	v11 =	vld.idx.msk [tilespmem:v15+s2+$0x0], $0xffff;
	[tilespmem:s21+$0xFFFFFC60] =	vst v22  }
0x5c2: {  	v15 =	vadd.s32 $0x1A0, v1;
	[tilespmem:s21+$0xFFFFFC00] =	vst v23;
	v22 =	vld.idx.msk [tilespmem:v24+s2+$0x0], $0xffff  }
0x5c3: {  	v20 =	vadd.s32 $0x1B0, v1;
	[tilespmem:s21+$0xFFFFFC70] =	vst v21;
	v18 =	vld.idx.msk [tilespmem:v18+s2+$0x0], $0xffff  }
0x5c4: {  	v23 =	vadd.s32 $0x1E0, v1;
	v19 =	vld.idx.msk [tilespmem:v19+s2+$0x0], $0xffff;
	[tilespmem:s21+$0x180] =	vst v13  }
0x5c5: {  	v24 =	vadd.s32 $0x1C0, v1;
	[tilespmem:s21+$0x190] =	vst v12  }
0x5c6: {  	v25 =	vld.idx.msk [tilespmem:v25+s2+$0x0], $0xffff;
	v21 =	vadd.s32 $0x1D0, v1;
	[tilespmem:s21+$0x1A0] =	vst v14  }
0x5c7: {  	v13 =	vadd.s32 $0x1F0, v1;
	v15 =	vld.idx.msk [tilespmem:v15+s2+$0x0], $0xffff;
	[tilespmem:s21+$0x1B0] =	vst v11  }
0x5c8: {  	v20 =	vld.idx.msk [tilespmem:v20+s2+$0x0], $0xffff;
	[tilespmem:s21+$0x1C0] =	vst v17  }
0x5c9: {  	v28 =	vadd.s32 $0x2E0, v0;
	v23 =	vld.idx.msk [tilespmem:v23+s2+$0x0], $0xffff;
	[tilespmem:s21+$0x1D0] =	vst v22  }
0x5ca: {  	v12 =	vadd.s32 $0x2F0, v0;
	v14 =	vld.idx.msk [tilespmem:v24+s2+$0x0], $0xffff;
	[tilespmem:s21+$0x1E0] =	vst v18  }
0x5cb: {  	v24 =	vadd.s32 $0x200, v3;
	v21 =	vld.idx.msk [tilespmem:v21+s2+$0x0], $0xffff;
	[tilespmem:s21+$0x1F0] =	vst v19  }
0x5cc: {  	v17 =	vadd.s32 $0x210, v3;
	v13 =	vld.idx.msk [tilespmem:v13+s2+$0x0], $0xffff;
	[tilespmem:s20+$0xFFFFFD80] =	vst v16  }
0x5cd: {  	v22 =	vadd.s32 $0x220, v3;
	[tilespmem:s20+$0xFFFFFD90] =	vst v25  }
0x5ce: {  	v5 =	vld.idx.msk [tilespmem:v28+s2+$0x0], $0xffff;
	v18 =	vadd.s32 $0x230, v3;
	[tilespmem:s20+$0xFFFFFDA0] =	vst v15  }
0x5cf: {  	v11 =	vld.idx.msk [tilespmem:v12+s2+$0x0], $0xffff;
	v12 =	vadd.s32 $0x240, v3;
	[tilespmem:s20+$0xFFFFFDB0] =	vst v20  }
0x5d0: {  	v19 =	vadd.s32 $0x250, v3;
	[tilespmem:s20+$0xFFFFFDE0] =	vst v23;
	v16 =	vld.idx.msk [tilespmem:v24+s2+$0x0], $0xffff  }
0x5d1: {  	v25 =	vadd.s32 $0x80, v2;
	[tilespmem:s19+$0xFFFFFE80] =	vst v6;
	v17 =	vld.idx.msk [tilespmem:v17+s2+$0x0], $0xffff  }
0x5d2: {  	[tilespmem:s19+$0xFFFFFE90] =	vst v10;
	v24 =	vadd.s32 $0x260, v3;
	v15 =	vld.idx.msk [tilespmem:v22+s2+$0x0], $0xffff  }
0x5d3: {  	[tilespmem:s19+$0xFFFFFEA0] =	vst v9;
	v22 =	vadd.s32 $0x270, v3;
	v18 =	vld.idx.msk [tilespmem:v18+s2+$0x0], $0xffff  }
0x5d4: {  	v20 =	vadd.s32 $0x90, v2;
	[tilespmem:s19+$0xFFFFFEB0] =	vst v8;
	v12 =	vld.idx.msk [tilespmem:v12+s2+$0x0], $0xffff  }
0x5d5: {  	[tilespmem:s20+$0xFFFFFDC0] =	vst v14;
	v14 =	vadd.s32 $0xA0, v2;
	v19 =	vld.idx.msk [tilespmem:v19+s2+$0x0], $0xffff  }
0x5d6: {  	[tilespmem:s20+$0xFFFFFDD0] =	vst v21;
	v21 =	vadd.s32 $0xB0, v2;
	v25 =	vld.idx.msk [tilespmem:v25+s2+$0x0], $0xffff  }
0x5d7: {  	[tilespmem:s20+$0xFFFFFDF0] =	vst v13;
	v23 =	vld.idx.msk [tilespmem:v24+s2+$0x0], $0xffff;
	v24 =	vadd.s32 $0xC0, v2  }
0x5d8: {  	v13 =	vld.idx.msk [tilespmem:v22+s2+$0x0], $0xffff;
	v22 =	vadd.s32 $0xD0, v2;
	[tilespmem:s21+$0x200] =	vst v16  }
0x5d9: {  	v20 =	vld.idx.msk [tilespmem:v20+s2+$0x0], $0xffff;
	v16 =	vadd.s32 $0xE0, v2;
	[tilespmem:s21+$0x210] =	vst v17  }
0x5da: {  	v17 =	vadd.s32 $0xF0, v2;
	v14 =	vld.idx.msk [tilespmem:v14+s2+$0x0], $0xffff;
	[tilespmem:s21+$0x220] =	vst v15  }
0x5db: {  	v15 =	vld.idx.msk [tilespmem:v21+s2+$0x0], $0xffff;
	[tilespmem:s21+$0x230] =	vst v18;
	v18 =	vadd.s32 $0x280, v3  }
0x5dc: {  	[tilespmem:s21+$0x240] =	vst v12;
	v12 =	vadd.s32 $0x290, v3;
	v21 =	vld.idx.msk [tilespmem:v24+s2+$0x0], $0xffff  }
0x5dd: {  	[tilespmem:s21+$0x250] =	vst v19;
	v19 =	vadd.s32 $0x2A0, v3;
	v22 =	vld.idx.msk [tilespmem:v22+s2+$0x0], $0xffff  }
0x5de: {  	v16 =	vld.idx.msk [tilespmem:v16+s2+$0x0], $0xffff;
	[tilespmem:s21+$0x260] =	vst v23;
	v23 =	vadd.s32 $0x2B0, v3  }
0x5df: {  	v17 =	vld.idx.msk [tilespmem:v17+s2+$0x0], $0xffff;
	[tilespmem:s21+$0x270] =	vst v13;
	v13 =	vadd.s32 $0x2C0, v3  }
0x5e0: {  	[tilespmem:s19+$0xFFFFFEC0] =	vst v7;
	v24 =	vadd.s32 $0x200, v1;
	v6 =	vld.idx.msk [tilespmem:v18+s2+$0x0], $0xffff  }
0x5e1: {  	[tilespmem:s19+$0xFFFFFED0] =	vst v4;
	v18 =	vadd.s32 $0x2D0, v3;
	v10 =	vld.idx.msk [tilespmem:v12+s2+$0x0], $0xffff  }
0x5e2: {  	[tilespmem:s21+$0xFFFFFC80] =	vst v25;
	v12 =	vadd.s32 $0x2E0, v3;
	v9 =	vld.idx.msk [tilespmem:v19+s2+$0x0], $0xffff  }
0x5e3: {  	[tilespmem:s21+$0xFFFFFC90] =	vst v20;
	v19 =	vadd.s32 $0x2F0, v3;
	v8 =	vld.idx.msk [tilespmem:v23+s2+$0x0], $0xffff  }
0x5e4: {  	v20 =	vadd.s32 $0x240, v1;
	[tilespmem:s21+$0xFFFFFCA0] =	vst v14;
	v7 =	vld.idx.msk [tilespmem:v13+s2+$0x0], $0xffff  }
0x5e5: {  	v25 =	vadd.s32 $0x230, v1;
	[tilespmem:s21+$0xFFFFFCB0] =	vst v15;
	v24 =	vld.idx.msk [tilespmem:v24+s2+$0x0], $0xffff  }
0x5e6: {  	v23 =	vadd.s32 $0x210, v1;
	[tilespmem:s21+$0xFFFFFCC0] =	vst v21;
	v18 =	vld.idx.msk [tilespmem:v18+s2+$0x0], $0xffff  }
0x5e7: {  	v13 =	vadd.s32 $0x220, v1;
	[tilespmem:s21+$0xFFFFFCD0] =	vst v22;
	v12 =	vld.idx.msk [tilespmem:v12+s2+$0x0], $0xffff  }
0x5e8: {  	v14 =	vld.idx.msk [tilespmem:v19+s2+$0x0], $0xffff;
	v19 =	vadd.s32 $0x250, v1;
	[tilespmem:s21+$0x280] =	vst v6  }
0x5e9: {  	v20 =	vld.idx.msk [tilespmem:v20+s2+$0x0], $0xffff;
	v6 =	vadd.s32 $0x260, v1;
	[tilespmem:s21+$0x290] =	vst v10  }
0x5ea: {  	v10 =	vadd.s32 $0x270, v1;
	[tilespmem:s21+$0x2A0] =	vst v9;
	v9 =	vld.idx.msk [tilespmem:v25+s2+$0x0], $0xffff  }
0x5eb: {  	v23 =	vld.idx.msk [tilespmem:v23+s2+$0x0], $0xffff;
	[tilespmem:s21+$0x2B0] =	vst v8;
	v8 =	vadd.s32 $0x300, v3  }
0x5ec: {  	v13 =	vld.idx.msk [tilespmem:v13+s2+$0x0], $0xffff;
	[tilespmem:s21+$0x2C0] =	vst v7;
	v7 =	vadd.s32 $0x310, v3  }
0x5ed: {  	v15 =	vadd.s32 $0x350, v3;
	[tilespmem:s21+$0x2D0] =	vst v18;
	v19 =	vld.idx.msk [tilespmem:v19+s2+$0x0], $0xffff  }
0x5ee: {  	v21 =	vadd.s32 $0x360, v3;
	v6 =	vld.idx.msk [tilespmem:v6+s2+$0x0], $0xffff;
	[tilespmem:s21+$0x2E0] =	vst v12  }
0x5ef: {  	v22 =	vadd.s32 $0x370, v3;
	v10 =	vld.idx.msk [tilespmem:v10+s2+$0x0], $0xffff;
	[tilespmem:s21+$0x2F0] =	vst v14  }
0x5f0: {  	[tilespmem:s21+$0xFFFFFCE0] =	vst v16;
	v18 =	vadd.s32 $0x320, v3;
	v8 =	vld.idx.msk [tilespmem:v8+s2+$0x0], $0xffff  }
0x5f1: {  	[tilespmem:s21+$0xFFFFFCF0] =	vst v17;
	v12 =	vadd.s32 $0x330, v3;
	v7 =	vld.idx.msk [tilespmem:v7+s2+$0x0], $0xffff  }
0x5f2: {  	v14 =	vadd.s32 $0x340, v3;
	[tilespmem:s20+$0xFFFFFE00] =	vst v24;
	v15 =	vld.idx.msk [tilespmem:v15+s2+$0x0], $0xffff  }
0x5f3: {  	[tilespmem:s20+$0xFFFFFE30] =	vst v9;
	v21 =	vld.idx.msk [tilespmem:v21+s2+$0x0], $0xffff  }
0x5f4: {  	v16 =	vadd.s32 $0x100, v2;
	[tilespmem:s20+$0xFFFFFE20] =	vst v13;
	v13 =	vld.idx.msk [tilespmem:v22+s2+$0x0], $0xffff  }
0x5f5: {  	v17 =	vadd.s32 $0x110, v2;
	[tilespmem:s20+$0xFFFFFE10] =	vst v23;
	v18 =	vld.idx.msk [tilespmem:v18+s2+$0x0], $0xffff  }
0x5f6: {  	v24 =	vadd.s32 $0x120, v2;
	v12 =	vld.idx.msk [tilespmem:v12+s2+$0x0], $0xffff;
	[tilespmem:s20+$0xFFFFFE50] =	vst v19  }
0x5f7: {  	v14 =	vld.idx.msk [tilespmem:v14+s2+$0x0], $0xffff;
	[tilespmem:s21+$0x300] =	vst v8;
	v8 =	vadd.s32 $0x150, v2  }
0x5f8: {  	[tilespmem:s21+$0x310] =	vst v7;
	v7 =	vadd.s32 $0x160, v2  }
0x5f9: {  	v25 =	vld.idx.msk [tilespmem:v16+s2+$0x0], $0xffff;
	v23 =	vadd.s32 $0x130, v2;
	[tilespmem:s21+$0x350] =	vst v15  }
0x5fa: {  	v17 =	vld.idx.msk [tilespmem:v17+s2+$0x0], $0xffff;
	v22 =	vadd.s32 $0x140, v2;
	[tilespmem:s21+$0x370] =	vst v13  }
0x5fb: {  	v9 =	vadd.s32 $0x3C0, v3;
	v24 =	vld.idx.msk [tilespmem:v24+s2+$0x0], $0xffff;
	v19 =	vadd.s32 $0x170, v2;
	v15 =	vadd.s32 $0x390, v3;
	[tilespmem:s21+$0x330] =	vst v12  }
0x5fc: {  	v13 =	vadd.s32 $0x3D0, v3;
	v12 =	vadd.s32 $0x380, v3;
	[tilespmem:s21+$0x340] =	vst v14;
	v14 =	vadd.s32 $0x3F0, v3;
	v26 =	vld.idx.msk [tilespmem:v8+s2+$0x0], $0xffff  }
0x5fd: {  	[tilespmem:s21+$0x360] =	vst v21;
	v8 =	vadd.s32 $0x3A0, v3;
	v21 =	vld.idx.msk [tilespmem:v7+s2+$0x0], $0xffff;
	v7 =	vadd.s32 $0x3B0, v3;
	v3 =	vadd.s32 $0x3E0, v3  }
0x5fe: {  	[tilespmem:s19+$0xFFFFFEE0] =	vst v5;
	v23 =	vld.idx.msk [tilespmem:v23+s2+$0x0], $0xffff  }
0x5ff: {  	[tilespmem:s19+$0xFFFFFEF0] =	vst v11;
	v22 =	vld.idx.msk [tilespmem:v22+s2+$0x0], $0xffff  }
0x600: {  	[tilespmem:s21+$0x320] =	vst v18;
	v19 =	vld.idx.msk [tilespmem:v19+s2+$0x0], $0xffff  }
0x601: {  	[tilespmem:s20+$0xFFFFFE40] =	vst v20;
	v16 =	vld.idx.msk [tilespmem:v15+s2+$0x0], $0xffff  }
0x602: {  	s31 =	sadd.s32 $0x20, s30;
	[tilespmem:s21+$0xFFFFFD00] =	vst v25;
	v11 =	vld.idx.msk [tilespmem:v3+s2+$0x0], $0xffff  }
0x603: {  	[tilespmem:s21+$0xFFFFFD10] =	vst v17;
	v3 =	vld [tilespmem:s31+$0x0]  }
0x604: {  	v13 =	vld.idx.msk [tilespmem:v13+s2+$0x0], $0xffff;
	[tilespmem:s21+$0xFFFFFD20] =	vst v24  }
0x605: {  	[tilespmem:s21+$0xFFFFFD30] =	vst v23;
	v23 =	vadd.s32 $0x190, v2;
	v12 =	vld.idx.msk [tilespmem:v12+s2+$0x0], $0xffff  }
0x606: {  	v20 =	vld.idx.msk [tilespmem:v14+s2+$0x0], $0xffff;
	[tilespmem:s21+$0xFFFFFD60] =	vst v21;
	v21 =	vadd.s32 $0x1C0, v2  }
0x607: {  	[tilespmem:s21+$0xFFFFFD40] =	vst v22;
	v14 =	vld.idx.msk [tilespmem:v9+s2+$0x0], $0xffff  }
0x608: {  	[tilespmem:s21+$0xFFFFFD70] =	vst v19;
	v18 =	vld.idx.msk [tilespmem:v8+s2+$0x0], $0xffff;
	v4 =	vadd.s32 $0x10, v3  }
0x609: {  	v15 =	vld.idx.msk [tilespmem:v7+s2+$0x0], $0xffff;
	[tilespmem:s21+$0xFFFFFD50] =	vst v26;
	v5 =	vadd.s32 $0x20, v3  }
0x60a: {  	[tilespmem:s20+$0xFFFFFE60] =	vst v6;
	v26 =	vld.idx.msk [tilespmem:v23+s2+$0x0], $0xffff;
	v6 =	vadd.s32 $0x30, v3  }
0x60b: {  	v7 =	vadd.s32 $0x40, v3;
	v19 =	vld.idx.msk [tilespmem:v21+s2+$0x0], $0xffff  }
0x60c: {  	v9 =	vadd.s32 $0x50, v3;
	v8 =	vld.idx.msk [tilespmem:v3+s2+$0x0], $0xffff  }
0x60d: {  	[tilespmem:s20+$0xFFFFFE70] =	vst v10;
	v10 =	vadd.s32 $0x60, v3;
	v4 =	vld.idx.msk [tilespmem:v4+s2+$0x0], $0xffff  }
0x60e: {  	v17 =	vadd.s32 $0x70, v3;
	v5 =	vld.idx.msk [tilespmem:v5+s2+$0x0], $0xffff  }
0x60f: {  	[tilespmem:s21+$0x3F0] =	vst v20;
	v20 =	vadd.s32 $0x280, v1;
	v6 =	vld.idx.msk [tilespmem:v6+s2+$0x0], $0xffff  }
0x610: {  	v58 =	vadd.s32 $0x1D0, v2;
	v27 =	vld.idx.msk [tilespmem:v7+s2+$0x0], $0xffff  }
0x611: {  	v25 =	vadd.s32 $0x290, v1;
	v9 =	vld.idx.msk [tilespmem:v9+s2+$0x0], $0xffff  }
0x612: {  	s22 =	simm.s32 $0xDC00;
	v28 =	vadd.s32 $0x2B0, v1;
	v29 =	vld.idx.msk [tilespmem:v10+s2+$0x0], $0xffff  }
0x613: {  	v30 =	vadd.s32 $0x2C0, v1;
	v31 =	vld.idx.msk [tilespmem:v17+s2+$0x0], $0xffff;
	[tilespmem:s22+$0x0] =	vst v8  }
0x614: {  	v17 =	vld.idx.msk [tilespmem:v20+s2+$0x0], $0xffff;
	v20 =	vadd.s32 $0x2E0, v1;
	[tilespmem:s22+$0x10] =	vst v4  }
0x615: {  	v21 =	vld.idx.msk [tilespmem:v58+s2+$0x0], $0xffff;
	[tilespmem:s22+$0x20] =	vst v5  }
0x616: {  	v10 =	vld.idx.msk [tilespmem:v25+s2+$0x0], $0xffff;
	v25 =	vadd.s32 $0x80, v3;
	[tilespmem:s22+$0x30] =	vst v6  }
0x617: {  	v5 =	vld.idx.msk [tilespmem:v28+s2+$0x0], $0xffff;
	[tilespmem:s22+$0x40] =	vst v27;
	v27 =	vadd.s32 $0x90, v3  }
0x618: {  	v6 =	vld.idx.msk [tilespmem:v30+s2+$0x0], $0xffff;
	[tilespmem:s22+$0x50] =	vst v9;
	v28 =	vadd.s32 $0xA0, v3  }
0x619: {  	v9 =	vld.idx.msk [tilespmem:v20+s2+$0x0], $0xffff;
	[tilespmem:s22+$0x60] =	vst v29;
	v20 =	vadd.s32 $0xB0, v3  }
0x61a: {  	v4 =	vld [tilespmem:s31+$0xFFFFFFF0];
	[tilespmem:s22+$0x70] =	vst v31;
	v29 =	vadd.s32 $0xC0, v3  }
0x61b: {  	v30 =	vadd.s32 $0xD0, v3;
	v25 =	vld.idx.msk [tilespmem:v25+s2+$0x0], $0xffff  }
0x61c: {  	v31 =	vld.idx.msk [tilespmem:v27+s2+$0x0], $0xffff;
	v27 =	vadd.s32 $0xE0, v3  }
0x61d: {  	v24 =	vld.idx.msk [tilespmem:v28+s2+$0x0], $0xffff;
	v28 =	vadd.s32 $0xF0, v3  }
0x61e: {  	v54 =	vadd.s32 $0x2D0, v1;
	v20 =	vld.idx.msk [tilespmem:v20+s2+$0x0], $0xffff  }
0x61f: {  	v22 =	vld.idx.msk [tilespmem:v29+s2+$0x0], $0xffff;
	v29 =	vadd.s32 $0x1A0, v2  }
0x620: {  	v7 =	vadd.s32 $0x2A0, v1;
	v30 =	vld.idx.msk [tilespmem:v30+s2+$0x0], $0xffff  }
0x621: {  	v55 =	vadd.s32 $0x180, v2;
	v57 =	vld.idx.msk [tilespmem:v27+s2+$0x0], $0xffff  }
0x622: {  	v56 =	vadd.s32 $0x1B0, v2;
	v28 =	vld.idx.msk [tilespmem:v28+s2+$0x0], $0xffff;
	[tilespmem:s22+$0x80] =	vst v25  }
0x623: {  	v8 =	vld.idx.msk [tilespmem:v54+s2+$0x0], $0xffff;
	v25 =	vadd.s32 $0x1E0, v2;
	[tilespmem:s22+$0x90] =	vst v31  }
0x624: {  	v23 =	vld.idx.msk [tilespmem:v29+s2+$0x0], $0xffff;
	v29 =	vadd.s32 $0x10, v4;
	[tilespmem:s22+$0xA0] =	vst v24  }
0x625: {  	v7 =	vld.idx.msk [tilespmem:v7+s2+$0x0], $0xffff;
	[tilespmem:s22+$0xB0] =	vst v20;
	v20 =	vadd.s32 $0x100, v3  }
0x626: {  	v27 =	vld.idx.msk [tilespmem:v55+s2+$0x0], $0xffff;
	[tilespmem:s22+$0xC0] =	vst v22;
	v31 =	vadd.s32 $0x110, v3  }
0x627: {  	v24 =	vld.idx.msk [tilespmem:v56+s2+$0x0], $0xffff;
	[tilespmem:s22+$0xD0] =	vst v30;
	v30 =	vadd.s32 $0x120, v3  }
0x628: {  	v59 =	vadd.s32 $0x150, v3;
	v22 =	vld.idx.msk [tilespmem:v25+s2+$0x0], $0xffff;
	[tilespmem:s22+$0xE0] =	vst v57  }
0x629: {  	v60 =	vadd.s32 $0x160, v3;
	v29 =	vld.idx.msk [tilespmem:v29+s2+$0x0], $0xffff;
	[tilespmem:s22+$0xF0] =	vst v28  }
0x62a: {  	v61 =	vadd.s32 $0x170, v3;
	v20 =	vld.idx.msk [tilespmem:v20+s2+$0x0], $0xffff  }
0x62b: {  	v62 =	vadd.s32 $0x20, v4;
	v31 =	vld.idx.msk [tilespmem:v31+s2+$0x0], $0xffff  }
0x62c: {  	v63 =	vadd.s32 $0x30, v4;
	v30 =	vld.idx.msk [tilespmem:v30+s2+$0x0], $0xffff  }
0x62d: {  	v46 =	vadd.s32 $0x60, v4;
	v32 =	vld.idx.msk [tilespmem:v59+s2+$0x0], $0xffff;
	[tilespmem:s21+$0x380] =	vst v12  }
0x62e: {  	v25 =	vadd.s32 $0x130, v3;
	v33 =	vld.idx.msk [tilespmem:v60+s2+$0x0], $0xffff;
	[tilespmem:s21+$0x390] =	vst v16  }
0x62f: {  	v28 =	vadd.s32 $0x140, v3;
	v34 =	vld.idx.msk [tilespmem:v61+s2+$0x0], $0xffff;
	[tilespmem:s21+$0x3A0] =	vst v18  }
0x630: {  	v47 =	vadd.s32 $0x70, v4;
	v35 =	vld.idx.msk [tilespmem:v62+s2+$0x0], $0xffff;
	[tilespmem:s21+$0x3B0] =	vst v15  }
0x631: {  	v36 =	vld.idx.msk [tilespmem:v63+s2+$0x0], $0xffff;
	[tilespmem:s21+$0x3C0] =	vst v14  }
0x632: {  	v44 =	vadd.s32 $0x40, v4;
	v37 =	vld.idx.msk [tilespmem:v46+s2+$0x0], $0xffff;
	[tilespmem:s21+$0x3D0] =	vst v13  }
0x633: {  	v45 =	vadd.s32 $0x50, v4;
	[tilespmem:s21+$0x3E0] =	vst v11;
	v25 =	vld.idx.msk [tilespmem:v25+s2+$0x0], $0xffff  }
0x634: {  	v13 =	vadd.s32 $0x320, v0;
	v28 =	vld.idx.msk [tilespmem:v28+s2+$0x0], $0xffff;
	[tilespmem:s22+$0x100] =	vst v20  }
0x635: {  	v57 =	vadd.s32 $0x340, v0;
	v48 =	vld.idx.msk [tilespmem:v47+s2+$0x0], $0xffff;
	[tilespmem:s22+$0x110] =	vst v31  }
0x636: {  	v50 =	vld.idx.msk [tilespmem:v4+s2+$0x0], $0xffff;
	v20 =	vadd.s32 $0x1F0, v2;
	[tilespmem:s22+$0x120] =	vst v30  }
0x637: {  	v49 =	vadd.s32 $0x1A0, v3;
	v31 =	vld.idx.msk [tilespmem:v44+s2+$0x0], $0xffff;
	[tilespmem:s22+$0x150] =	vst v32  }
0x638: {  	v51 =	vadd.s32 $0x1B0, v3;
	v30 =	vld.idx.msk [tilespmem:v45+s2+$0x0], $0xffff;
	[tilespmem:s22+$0x160] =	vst v33  }
0x639: {  	v11 =	vld.idx.msk [tilespmem:v13+s2+$0x0], $0xffff;
	[tilespmem:s22+$0x130] =	vst v25;
	v25 =	vadd.s32 $0x180, v3  }
0x63a: {  	v13 =	vld.idx.msk [tilespmem:v57+s2+$0x0], $0xffff;
	[tilespmem:s22+$0x140] =	vst v28;
	v28 =	vadd.s32 $0x190, v3  }
0x63b: {  	v18 =	vadd.s32 $0x1F0, v3;
	[tilespmem:s22+$0x170] =	vst v34;
	v40 =	vld.idx.msk [tilespmem:v20+s2+$0x0], $0xffff  }
0x63c: {  	v52 =	vadd.s32 $0x2F0, v1;
	[tilespmem:s22+$0xFFFFFC10] =	vst v29;
	v32 =	vld.idx.msk [tilespmem:v49+s2+$0x0], $0xffff  }
0x63d: {  	[tilespmem:s22+$0xFFFFFC20] =	vst v35;
	v20 =	vadd.s32 $0x1C0, v3;
	v15 =	vld.idx.msk [tilespmem:v51+s2+$0x0], $0xffff  }
0x63e: {  	[tilespmem:s22+$0xFFFFFC30] =	vst v36;
	v12 =	vld.idx.msk [tilespmem:v25+s2+$0x0], $0xffff;
	v25 =	vadd.s32 $0x1D0, v3  }
0x63f: {  	[tilespmem:s22+$0xFFFFFC60] =	vst v37;
	v16 =	vld.idx.msk [tilespmem:v28+s2+$0x0], $0xffff;
	v28 =	vadd.s32 $0x1E0, v3  }
0x640: {  	v47 =	vadd.s32 $0x90, v4;
	[tilespmem:s22+$0xFFFFFC70] =	vst v48;
	v29 =	vld.idx.msk [tilespmem:v18+s2+$0x0], $0xffff  }
0x641: {  	[tilespmem:s22+$0xFFFFFC00] =	vst v50;
	v50 =	vadd.s32 $0xC0, v4;
	v18 =	vld.idx.msk [tilespmem:v52+s2+$0x0], $0xffff  }
0x642: {  	v53 =	vadd.s32 $0x300, v0;
	[tilespmem:s22+$0xFFFFFC40] =	vst v31;
	v14 =	vld.idx.msk [tilespmem:v20+s2+$0x0], $0xffff  }
0x643: {  	[tilespmem:s22+$0xFFFFFC50] =	vst v30;
	v30 =	vadd.s32 $0x80, v4;
	v55 =	vld.idx.msk [tilespmem:v25+s2+$0x0], $0xffff  }
0x644: {  	v49 =	vadd.s32 $0xB0, v4;
	v28 =	vld.idx.msk [tilespmem:v28+s2+$0x0], $0xffff;
	[tilespmem:s22+$0x180] =	vst v12  }
0x645: {  	v54 =	vadd.s32 $0x310, v0;
	v52 =	vld.idx.msk [tilespmem:v47+s2+$0x0], $0xffff;
	[tilespmem:s22+$0x190] =	vst v16  }
0x646: {  	v35 =	vld.idx.msk [tilespmem:v50+s2+$0x0], $0xffff;
	v16 =	vadd.s32 $0x360, v0;
	[tilespmem:s22+$0x1A0] =	vst v32  }
0x647: {  	v59 =	vadd.s32 $0x200, v3;
	v20 =	vld.idx.msk [tilespmem:v53+s2+$0x0], $0xffff;
	[tilespmem:s22+$0x1B0] =	vst v15  }
0x648: {  	v60 =	vadd.s32 $0x210, v3;
	v30 =	vld.idx.msk [tilespmem:v30+s2+$0x0], $0xffff;
	[tilespmem:s22+$0x1F0] =	vst v29  }
0x649: {  	v61 =	vadd.s32 $0x220, v3;
	v53 =	vld.idx.msk [tilespmem:v49+s2+$0x0], $0xffff;
	[tilespmem:s22+$0x1C0] =	vst v14  }
0x64a: {  	v62 =	vadd.s32 $0x250, v3;
	v25 =	vld.idx.msk [tilespmem:v54+s2+$0x0], $0xffff;
	[tilespmem:s22+$0x1D0] =	vst v55  }
0x64b: {  	v63 =	vadd.s32 $0x260, v3;
	[tilespmem:s22+$0x1E0] =	vst v28;
	v15 =	vld.idx.msk [tilespmem:v16+s2+$0x0], $0xffff  }
0x64c: {  	v44 =	vadd.s32 $0x270, v3;
	[tilespmem:s21+$0xFFFFFD80] =	vst v27;
	v29 =	vld.idx.msk [tilespmem:v59+s2+$0x0], $0xffff  }
0x64d: {  	[tilespmem:s21+$0xFFFFFD90] =	vst v26;
	v28 =	vadd.s32 $0x230, v3;
	v33 =	vld.idx.msk [tilespmem:v60+s2+$0x0], $0xffff  }
0x64e: {  	[tilespmem:s21+$0xFFFFFDA0] =	vst v23;
	v16 =	vadd.s32 $0x240, v3;
	v31 =	vld.idx.msk [tilespmem:v61+s2+$0x0], $0xffff  }
0x64f: {  	v56 =	vadd.s32 $0x330, v0;
	[tilespmem:s21+$0xFFFFFDB0] =	vst v24;
	v32 =	vld.idx.msk [tilespmem:v62+s2+$0x0], $0xffff  }
0x650: {  	v58 =	vadd.s32 $0x350, v0;
	[tilespmem:s21+$0xFFFFFDC0] =	vst v19;
	v34 =	vld.idx.msk [tilespmem:v63+s2+$0x0], $0xffff  }
0x651: {  	v45 =	vadd.s32 $0x370, v0;
	[tilespmem:s21+$0xFFFFFDD0] =	vst v21;
	v27 =	vld.idx.msk [tilespmem:v44+s2+$0x0], $0xffff  }
0x652: {  	v48 =	vadd.s32 $0xA0, v4;
	[tilespmem:s21+$0xFFFFFDE0] =	vst v22;
	v28 =	vld.idx.msk [tilespmem:v28+s2+$0x0], $0xffff  }
0x653: {  	v51 =	vadd.s32 $0xE0, v4;
	v46 =	vld.idx.msk [tilespmem:v16+s2+$0x0], $0xffff;
	[tilespmem:s22+$0x200] =	vst v29  }
0x654: {  	v12 =	vld.idx.msk [tilespmem:v56+s2+$0x0], $0xffff;
	v59 =	vadd.s32 $0xF0, v4;
	[tilespmem:s22+$0x210] =	vst v33  }
0x655: {  	v14 =	vld.idx.msk [tilespmem:v58+s2+$0x0], $0xffff;
	v29 =	vadd.s32 $0xD0, v4;
	[tilespmem:s22+$0x220] =	vst v31  }
0x656: {  	v54 =	vadd.s32 $0x290, v3;
	v16 =	vld.idx.msk [tilespmem:v45+s2+$0x0], $0xffff;
	[tilespmem:s22+$0x250] =	vst v32  }
0x657: {  	v55 =	vadd.s32 $0x2A0, v3;
	v31 =	vld.idx.msk [tilespmem:v48+s2+$0x0], $0xffff;
	[tilespmem:s22+$0x260] =	vst v34  }
0x658: {  	v33 =	vld.idx.msk [tilespmem:v51+s2+$0x0], $0xffff;
	[tilespmem:s22+$0x230] =	vst v28;
	v28 =	vadd.s32 $0x280, v3  }
0x659: {  	v56 =	vadd.s32 $0x2B0, v3;
	[tilespmem:s22+$0x270] =	vst v27;
	v39 =	vld.idx.msk [tilespmem:v59+s2+$0x0], $0xffff  }
0x65a: {  	v27 =	vadd.s32 $0x2C0, v3;
	[tilespmem:s22+$0x240] =	vst v46;
	v29 =	vld.idx.msk [tilespmem:v29+s2+$0x0], $0xffff  }
0x65b: {  	v57 =	vadd.s32 $0x2E0, v3;
	[tilespmem:s20+$0xFFFFFE80] =	vst v17;
	v23 =	vld.idx.msk [tilespmem:v54+s2+$0x0], $0xffff  }
0x65c: {  	[tilespmem:s20+$0xFFFFFE90] =	vst v10;
	v58 =	vadd.s32 $0x2F0, v3;
	v24 =	vld.idx.msk [tilespmem:v55+s2+$0x0], $0xffff  }
0x65d: {  	[tilespmem:s20+$0xFFFFFEA0] =	vst v7;
	v26 =	vld.idx.msk [tilespmem:v28+s2+$0x0], $0xffff;
	v28 =	vadd.s32 $0x2D0, v3  }
0x65e: {  	[tilespmem:s21+$0xFFFFFDF0] =	vst v40;
	v60 =	vadd.s32 $0x200, v2;
	v19 =	vld.idx.msk [tilespmem:v56+s2+$0x0], $0xffff  }
0x65f: {  	v62 =	vadd.s32 $0x240, v2;
	v21 =	vld.idx.msk [tilespmem:v27+s2+$0x0], $0xffff;
	[tilespmem:s22+$0xFFFFFC80] =	vst v30  }
0x660: {  	v27 =	vadd.s32 $0x210, v2;
	v37 =	vld.idx.msk [tilespmem:v57+s2+$0x0], $0xffff;
	[tilespmem:s22+$0xFFFFFC90] =	vst v52  }
0x661: {  	v45 =	vadd.s32 $0x270, v2;
	v17 =	vld.idx.msk [tilespmem:v58+s2+$0x0], $0xffff;
	[tilespmem:s22+$0xFFFFFCA0] =	vst v31  }
0x662: {  	v22 =	vld.idx.msk [tilespmem:v28+s2+$0x0], $0xffff;
	v28 =	vadd.s32 $0x220, v2;
	[tilespmem:s22+$0x280] =	vst v26  }
0x663: {  	v61 =	vadd.s32 $0x230, v2;
	v34 =	vld.idx.msk [tilespmem:v60+s2+$0x0], $0xffff;
	[tilespmem:s22+$0x290] =	vst v23  }
0x664: {  	v63 =	vld.idx.msk [tilespmem:v62+s2+$0x0], $0xffff;
	v26 =	vadd.s32 $0x250, v2;
	[tilespmem:s22+$0x2A0] =	vst v24  }
0x665: {  	v27 =	vld.idx.msk [tilespmem:v27+s2+$0x0], $0xffff;
	v23 =	vadd.s32 $0x260, v2;
	[tilespmem:s22+$0x2B0] =	vst v19  }
0x666: {  	v19 =	vadd.s32 $0x300, v3;
	[tilespmem:s22+$0x2E0] =	vst v37;
	v37 =	vld.idx.msk [tilespmem:v45+s2+$0x0], $0xffff  }
0x667: {  	[tilespmem:s22+$0x2C0] =	vst v21;
	v21 =	vadd.s32 $0x310, v3;
	v24 =	vld.idx.msk [tilespmem:v28+s2+$0x0], $0xffff  }
0x668: {  	v43 =	vadd.s32 $0x330, v3;
	[tilespmem:s22+$0xFFFFFCB0] =	vst v53;
	v28 =	vld.idx.msk [tilespmem:v61+s2+$0x0], $0xffff  }
0x669: {  	[tilespmem:s22+$0x2F0] =	vst v17;
	v17 =	vadd.s32 $0x340, v3;
	v26 =	vld.idx.msk [tilespmem:v26+s2+$0x0], $0xffff  }
0x66a: {  	v30 =	vadd.s32 $0x350, v3;
	[tilespmem:s22+$0x2D0] =	vst v22;
	v23 =	vld.idx.msk [tilespmem:v23+s2+$0x0], $0xffff  }
0x66b: {  	v44 =	vadd.s32 $0x360, v3;
	[tilespmem:s22+$0xFFFFFCC0] =	vst v35;
	v19 =	vld.idx.msk [tilespmem:v19+s2+$0x0], $0xffff  }
0x66c: {  	v31 =	vadd.s32 $0x370, v3;
	[tilespmem:s22+$0xFFFFFCE0] =	vst v33;
	v21 =	vld.idx.msk [tilespmem:v21+s2+$0x0], $0xffff  }
0x66d: {  	[tilespmem:s22+$0xFFFFFCF0] =	vst v39;
	v22 =	vadd.s32 $0x320, v3;
	v32 =	vld.idx.msk [tilespmem:v43+s2+$0x0], $0xffff  }
0x66e: {  	[tilespmem:s22+$0xFFFFFCD0] =	vst v29;
	v17 =	vld.idx.msk [tilespmem:v17+s2+$0x0], $0xffff  }
0x66f: {  	v46 =	vadd.s32 $0x100, v4;
	[tilespmem:s21+$0xFFFFFE00] =	vst v34;
	v29 =	vld.idx.msk [tilespmem:v30+s2+$0x0], $0xffff  }
0x670: {  	v47 =	vadd.s32 $0x110, v4;
	[tilespmem:s21+$0xFFFFFE10] =	vst v27;
	v48 =	vld.idx.msk [tilespmem:v44+s2+$0x0], $0xffff  }
0x671: {  	v49 =	vadd.s32 $0x130, v4;
	[tilespmem:s21+$0xFFFFFE40] =	vst v63;
	v31 =	vld.idx.msk [tilespmem:v31+s2+$0x0], $0xffff  }
0x672: {  	v50 =	vadd.s32 $0x140, v4;
	v22 =	vld.idx.msk [tilespmem:v22+s2+$0x0], $0xffff;
	[tilespmem:s22+$0x300] =	vst v19  }
0x673: {  	v19 =	vadd.s32 $0x150, v4;
	[tilespmem:s22+$0x310] =	vst v21  }
0x674: {  	v38 =	vld.idx.msk [tilespmem:v46+s2+$0x0], $0xffff;
	v21 =	vadd.s32 $0x160, v4;
	[tilespmem:s22+$0x330] =	vst v32  }
0x675: {  	v35 =	vld.idx.msk [tilespmem:v47+s2+$0x0], $0xffff;
	[tilespmem:s22+$0x340] =	vst v17;
	v17 =	vadd.s32 $0x3F0, v3  }
0x676: {  	v10 =	vadd.s32 $0x3C0, v3;
	v36 =	vld.idx.msk [tilespmem:v49+s2+$0x0], $0xffff;
	[tilespmem:s22+$0x350] =	vst v29  }
0x677: {  	v7 =	vadd.s32 $0x3D0, v3;
	v39 =	vld.idx.msk [tilespmem:v50+s2+$0x0], $0xffff;
	[tilespmem:s22+$0x360] =	vst v48  }
0x678: {  	[tilespmem:s22+$0x370] =	vst v31;
	v52 =	vld.idx.msk [tilespmem:v19+s2+$0x0], $0xffff  }
0x679: {  	v30 =	vadd.s32 $0x120, v4;
	[tilespmem:s22+$0x320] =	vst v22;
	v53 =	vld.idx.msk [tilespmem:v21+s2+$0x0], $0xffff  }
0x67a: {  	v56 =	vadd.s32 $0x2D0, v2;
	[tilespmem:s21+$0xFFFFFE70] =	vst v37;
	v29 =	vadd.s32 $0x390, v3;
	v22 =	vadd.s32 $0x380, v3;
	v55 =	vld.idx.msk [tilespmem:v17+s2+$0x0], $0xffff  }
0x67b: {  	[tilespmem:s21+$0xFFFFFE20] =	vst v24;
	v19 =	vadd.s32 $0x3A0, v3;
	v21 =	vadd.s32 $0x3B0, v3;
	v17 =	vadd.s32 $0x3E0, v3;
	v3 =	vld.idx.msk [tilespmem:v10+s2+$0x0], $0xffff  }
0x67c: {  	s25 =	sadd.s32 $0x20, s31;
	[tilespmem:s21+$0xFFFFFE30] =	vst v28;
	v10 =	vld.idx.msk [tilespmem:v7+s2+$0x0], $0xffff  }
0x67d: {  	[tilespmem:s21+$0xFFFFFE50] =	vst v26;
	v7 =	vld [tilespmem:s25+$0x0]  }
0x67e: {  	[tilespmem:s21+$0xFFFFFE60] =	vst v23;
	v51 =	vld.idx.msk [tilespmem:v30+s2+$0x0], $0xffff  }
0x67f: {  	[tilespmem:s20+$0xFFFFFEC0] =	vst v6;
	v6 =	vld.idx.msk [tilespmem:v56+s2+$0x0], $0xffff  }
0x680: {  	v30 =	vld.idx.msk [tilespmem:v29+s2+$0x0], $0xffff  }
0x681: {  	v54 =	vld.idx.msk [tilespmem:v22+s2+$0x0], $0xffff;
	v22 =	vadd.s32 $0x290, v2  }
0x682: {  	[tilespmem:s20+$0xFFFFFEB0] =	vst v5;
	v27 =	vadd.s32 $0x2A0, v2;
	v31 =	vld.idx.msk [tilespmem:v19+s2+$0x0], $0xffff  }
0x683: {  	[tilespmem:s20+$0xFFFFFED0] =	vst v8;
	v19 =	vadd.s32 $0x170, v4;
	v32 =	vld.idx.msk [tilespmem:v21+s2+$0x0], $0xffff  }
0x684: {  	[tilespmem:s20+$0xFFFFFEE0] =	vst v9;
	v21 =	vadd.s32 $0x280, v2;
	v17 =	vld.idx.msk [tilespmem:v17+s2+$0x0], $0xffff  }
0x685: {  	[tilespmem:s19+$0xFFFFFF10] =	vst v25;
	v26 =	vadd.s32 $0x2B0, v2;
	v25 =	vld.idx.msk [tilespmem:v7+s2+$0x0], $0xffff  }
0x686: {  	[tilespmem:s20+$0xFFFFFEF0] =	vst v18;
	v28 =	vadd.s32 $0x2C0, v2;
	v24 =	vld.idx.msk [tilespmem:v22+s2+$0x0], $0xffff  }
0x687: {  	[tilespmem:s19+$0xFFFFFF00] =	vst v20;
	v8 =	vadd.s32 $0x10, v7;
	v22 =	vld.idx.msk [tilespmem:v27+s2+$0x0], $0xffff  }
0x688: {  	[tilespmem:s19+$0xFFFFFF20] =	vst v11;
	v9 =	vadd.s32 $0x20, v7;
	v29 =	vld.idx.msk [tilespmem:v19+s2+$0x0], $0xffff  }
0x689: {  	v18 =	vadd.s32 $0x30, v7;
	[tilespmem:s22+$0x3F0] =	vst v55;
	v23 =	vld.idx.msk [tilespmem:v21+s2+$0x0], $0xffff  }
0x68a: {  	v20 =	vadd.s32 $0x40, v7;
	[tilespmem:s22+$0x3D0] =	vst v10;
	v19 =	vld.idx.msk [tilespmem:v26+s2+$0x0], $0xffff  }
0x68b: {  	v21 =	vld.idx.msk [tilespmem:v28+s2+$0x0], $0xffff;
	[tilespmem:s22+$0xFFFFFD00] =	vst v38  }
0x68c: {  	v27 =	vadd.s32 $0x60, v7;
	[tilespmem:s22+$0xFFFFFD10] =	vst v35;
	v8 =	vld.idx.msk [tilespmem:v8+s2+$0x0], $0xffff  }
0x68d: {  	v26 =	vadd.s32 $0x50, v7;
	[tilespmem:s22+$0xFFFFFD20] =	vst v51;
	v9 =	vld.idx.msk [tilespmem:v9+s2+$0x0], $0xffff  }
0x68e: {  	v28 =	vadd.s32 $0x70, v7;
	[tilespmem:s22+$0xFFFFFD30] =	vst v36;
	v57 =	vld.idx.msk [tilespmem:v18+s2+$0x0], $0xffff  }
0x68f: {  	v5 =	vadd.s32 $0x2E0, v2;
	[tilespmem:s22+$0xFFFFFD40] =	vst v39;
	v58 =	vld.idx.msk [tilespmem:v20+s2+$0x0], $0xffff  }
0x690: {  	v10 =	vadd.s32 $0x300, v1;
	[tilespmem:s22+$0xFFFFFD50] =	vst v52;
	v20 =	vld [tilespmem:s25+$0xFFFFFFF0]  }
0x691: {  	v18 =	vadd.s32 $0x180, v4;
	[tilespmem:s22+$0xFFFFFD60] =	vst v53;
	v61 =	vld.idx.msk [tilespmem:v27+s2+$0x0], $0xffff  }
0x692: {  	s23 =	simm.s32 $0xE400;
	v59 =	vadd.s32 $0x190, v4;
	v26 =	vld.idx.msk [tilespmem:v26+s2+$0x0], $0xffff;
	[tilespmem:s22+$0xFFFFFD70] =	vst v29  }
0x693: {  	v60 =	vadd.s32 $0x1A0, v4;
	v63 =	vld.idx.msk [tilespmem:v28+s2+$0x0], $0xffff;
	[tilespmem:s23+$0x0] =	vst v25  }
0x694: {  	v5 =	vld.idx.msk [tilespmem:v5+s2+$0x0], $0xffff;
	[tilespmem:s23+$0x10] =	vst v8  }
0x695: {  	v10 =	vld.idx.msk [tilespmem:v10+s2+$0x0], $0xffff;
	v8 =	vadd.s32 $0x1E0, v4;
	[tilespmem:s23+$0x20] =	vst v9  }
0x696: {  	[tilespmem:s23+$0x30] =	vst v57;
	v9 =	vadd.s32 $0x80, v7;
	v18 =	vld.idx.msk [tilespmem:v18+s2+$0x0], $0xffff  }
0x697: {  	v42 =	vadd.s32 $0x90, v7;
	[tilespmem:s23+$0x40] =	vst v58;
	v33 =	vld.idx.msk [tilespmem:v59+s2+$0x0], $0xffff  }
0x698: {  	v45 =	vadd.s32 $0xA0, v7;
	v27 =	vld.idx.msk [tilespmem:v60+s2+$0x0], $0xffff;
	[tilespmem:s23+$0x60] =	vst v61  }
0x699: {  	v46 =	vadd.s32 $0xB0, v7;
	v55 =	vld.idx.msk [tilespmem:v20+s2+$0x0], $0xffff;
	[tilespmem:s23+$0x50] =	vst v26  }
0x69a: {  	v47 =	vadd.s32 $0xD0, v7;
	v26 =	vld.idx.msk [tilespmem:v8+s2+$0x0], $0xffff;
	[tilespmem:s23+$0x70] =	vst v63  }
0x69b: {  	[tilespmem:s19+$0xFFFFFF30] =	vst v12;
	v48 =	vadd.s32 $0xE0, v7;
	v9 =	vld.idx.msk [tilespmem:v9+s2+$0x0], $0xffff  }
0x69c: {  	[tilespmem:s19+$0xFFFFFF40] =	vst v13;
	v49 =	vadd.s32 $0xF0, v7;
	v11 =	vld.idx.msk [tilespmem:v42+s2+$0x0], $0xffff  }
0x69d: {  	[tilespmem:s19+$0xFFFFFF50] =	vst v14;
	v8 =	vadd.s32 $0xC0, v7;
	v12 =	vld.idx.msk [tilespmem:v45+s2+$0x0], $0xffff  }
0x69e: {  	[tilespmem:s19+$0xFFFFFF60] =	vst v15;
	v13 =	vadd.s32 $0x10, v20;
	v36 =	vld.idx.msk [tilespmem:v46+s2+$0x0], $0xffff  }
0x69f: {  	[tilespmem:s19+$0xFFFFFF70] =	vst v16;
	v14 =	vadd.s32 $0x20, v20;
	v37 =	vld.idx.msk [tilespmem:v47+s2+$0x0], $0xffff  }
0x6a0: {  	[tilespmem:s22+$0x380] =	vst v54;
	v15 =	vadd.s32 $0x30, v20;
	v34 =	vld.idx.msk [tilespmem:v48+s2+$0x0], $0xffff  }
0x6a1: {  	[tilespmem:s22+$0x3A0] =	vst v31;
	v16 =	vadd.s32 $0x40, v20;
	v35 =	vld.idx.msk [tilespmem:v49+s2+$0x0], $0xffff  }
0x6a2: {  	v50 =	vadd.s32 $0x50, v20;
	v8 =	vld.idx.msk [tilespmem:v8+s2+$0x0], $0xffff;
	[tilespmem:s23+$0x80] =	vst v9  }
0x6a3: {  	v13 =	vld.idx.msk [tilespmem:v13+s2+$0x0], $0xffff;
	v9 =	vadd.s32 $0x70, v20;
	[tilespmem:s23+$0x90] =	vst v11  }
0x6a4: {  	v51 =	vadd.s32 $0x60, v20;
	v14 =	vld.idx.msk [tilespmem:v14+s2+$0x0], $0xffff;
	[tilespmem:s23+$0xA0] =	vst v12  }
0x6a5: {  	v15 =	vld.idx.msk [tilespmem:v15+s2+$0x0], $0xffff;
	[tilespmem:s23+$0xB0] =	vst v36;
	v11 =	vadd.s32 $0x100, v7  }
0x6a6: {  	v16 =	vld.idx.msk [tilespmem:v16+s2+$0x0], $0xffff;
	[tilespmem:s23+$0xD0] =	vst v37;
	v12 =	vadd.s32 $0x120, v7  }
0x6a7: {  	v56 =	vadd.s32 $0x140, v7;
	v52 =	vld.idx.msk [tilespmem:v50+s2+$0x0], $0xffff;
	[tilespmem:s23+$0xE0] =	vst v34  }
0x6a8: {  	[tilespmem:s23+$0xF0] =	vst v35;
	v54 =	vld.idx.msk [tilespmem:v9+s2+$0x0], $0xffff;
	v9 =	vadd.s32 $0x130, v7  }
0x6a9: {  	v31 =	vadd.s32 $0x160, v7;
	v53 =	vld.idx.msk [tilespmem:v51+s2+$0x0], $0xffff;
	[tilespmem:s23+$0xC0] =	vst v8  }
0x6aa: {  	[tilespmem:s22+$0x390] =	vst v30;
	v30 =	vadd.s32 $0x150, v7;
	v11 =	vld.idx.msk [tilespmem:v11+s2+$0x0], $0xffff  }
0x6ab: {  	v57 =	vadd.s32 $0x170, v7;
	v12 =	vld.idx.msk [tilespmem:v12+s2+$0x0], $0xffff  }
0x6ac: {  	v8 =	vadd.s32 $0x110, v7;
	v35 =	vld.idx.msk [tilespmem:v56+s2+$0x0], $0xffff  }
0x6ad: {  	[tilespmem:s22+$0x3C0] =	vst v3;
	v3 =	vld.idx.msk [tilespmem:v9+s2+$0x0], $0xffff;
	v9 =	vadd.s32 $0x2F0, v2  }
0x6ae: {  	[tilespmem:s23+$0xFFFFFC10] =	vst v13;
	v13 =	vld.idx.msk [tilespmem:v31+s2+$0x0], $0xffff;
	v31 =	vadd.s32 $0x320, v1  }
0x6af: {  	v62 =	vadd.s32 $0x1B0, v4;
	[tilespmem:s22+$0x3E0] =	vst v17;
	v17 =	vld.idx.msk [tilespmem:v30+s2+$0x0], $0xffff  }
0x6b0: {  	v29 =	vadd.s32 $0x1C0, v4;
	[tilespmem:s23+$0xFFFFFC20] =	vst v14;
	v14 =	vld.idx.msk [tilespmem:v57+s2+$0x0], $0xffff  }
0x6b1: {  	v25 =	vadd.s32 $0x1D0, v4;
	v8 =	vld.idx.msk [tilespmem:v8+s2+$0x0], $0xffff  }
0x6b2: {  	v58 =	vadd.s32 $0x1F0, v4;
	[tilespmem:s23+$0x100] =	vst v11;
	v11 =	vld.idx.msk [tilespmem:v9+s2+$0x0], $0xffff  }
0x6b3: {  	v30 =	vadd.s32 $0x310, v1;
	v9 =	vld.idx.msk [tilespmem:v31+s2+$0x0], $0xffff  }
0x6b4: {  	[tilespmem:s22+$0x3B0] =	vst v32;
	v28 =	vld.idx.msk [tilespmem:v62+s2+$0x0], $0xffff;
	v59 =	vadd.s32 $0x330, v1  }
0x6b5: {  	v29 =	vld.idx.msk [tilespmem:v29+s2+$0x0], $0xffff;
	[tilespmem:s23+$0x120] =	vst v12  }
0x6b6: {  	v25 =	vld.idx.msk [tilespmem:v25+s2+$0x0], $0xffff;
	[tilespmem:s23+$0x110] =	vst v8  }
0x6b7: {  	v39 =	vld.idx.msk [tilespmem:v58+s2+$0x0], $0xffff;
	[tilespmem:s23+$0x130] =	vst v3  }
0x6b8: {  	v8 =	vld.idx.msk [tilespmem:v30+s2+$0x0], $0xffff;
	[tilespmem:$0x1F640] =	vst v9  }
0x6b9: {  	v9 =	vld.idx.msk [tilespmem:v59+s2+$0x0], $0xffff;
	_ =	sdelay $0x3  }
0x6ba: {  	[tilespmem:s23+$0x140] =	vst v35  }
0x6bb: {  	[tilespmem:$0x1F650] =	vst v9  }
0x6bc: {  	[tilespmem:s23+$0x150] =	vst v17  }
0x6bd: {  	[tilespmem:s23+$0x160] =	vst v13  }
0x6be: {  	v60 =	vadd.s32 $0x340, v1;
	[tilespmem:s23+$0x170] =	vst v14  }
0x6bf: {  	v61 =	vadd.s32 $0x350, v1;
	[tilespmem:s23+$0xFFFFFC30] =	vst v15  }
0x6c0: {  	v3 =	vadd.s32 $0x180, v7;
	[tilespmem:s23+$0xFFFFFC40] =	vst v16  }
0x6c1: {  	v30 =	vadd.s32 $0x190, v7;
	[tilespmem:s23+$0xFFFFFC50] =	vst v52  }
0x6c2: {  	v31 =	vadd.s32 $0x1F0, v7;
	[tilespmem:s23+$0xFFFFFC60] =	vst v53  }
0x6c3: {  	v44 =	vadd.s32 $0x80, v20;
	v9 =	vld.idx.msk [tilespmem:v60+s2+$0x0], $0xffff;
	[tilespmem:s23+$0xFFFFFC70] =	vst v54  }
0x6c4: {  	v17 =	vadd.s32 $0x1A0, v7;
	v12 =	vld.idx.msk [tilespmem:v61+s2+$0x0], $0xffff;
	[tilespmem:s23+$0xFFFFFC00] =	vst v55  }
0x6c5: {  	v13 =	vadd.s32 $0x1B0, v7;
	[tilespmem:s22+$0xFFFFFD80] =	vst v18;
	v3 =	vld.idx.msk [tilespmem:v3+s2+$0x0], $0xffff  }
0x6c6: {  	v14 =	vadd.s32 $0x1C0, v7;
	[tilespmem:s22+$0xFFFFFD90] =	vst v33;
	v16 =	vld.idx.msk [tilespmem:v30+s2+$0x0], $0xffff  }
0x6c7: {  	v15 =	vadd.s32 $0x1D0, v7;
	[tilespmem:s22+$0xFFFFFDA0] =	vst v27;
	v31 =	vld.idx.msk [tilespmem:v31+s2+$0x0], $0xffff  }
0x6c8: {  	[tilespmem:s22+$0xFFFFFDB0] =	vst v28;
	v30 =	vadd.s32 $0x1E0, v7;
	v33 =	vld.idx.msk [tilespmem:v44+s2+$0x0], $0xffff  }
0x6c9: {  	v45 =	vadd.s32 $0xA0, v20;
	[tilespmem:s22+$0xFFFFFDC0] =	vst v29;
	v17 =	vld.idx.msk [tilespmem:v17+s2+$0x0], $0xffff  }
0x6ca: {  	v50 =	vadd.s32 $0xB0, v20;
	[tilespmem:s22+$0xFFFFFDD0] =	vst v25;
	v13 =	vld.idx.msk [tilespmem:v13+s2+$0x0], $0xffff  }
0x6cb: {  	v56 =	vadd.s32 $0x230, v4;
	[tilespmem:s22+$0xFFFFFDE0] =	vst v26;
	v40 =	vld.idx.msk [tilespmem:v14+s2+$0x0], $0xffff  }
0x6cc: {  	v62 =	vadd.s32 $0x360, v1;
	[tilespmem:s22+$0xFFFFFDF0] =	vst v39;
	v42 =	vld.idx.msk [tilespmem:v15+s2+$0x0], $0xffff  }
0x6cd: {  	v63 =	vadd.s32 $0x370, v1;
	v30 =	vld.idx.msk [tilespmem:v30+s2+$0x0], $0xffff;
	[tilespmem:s23+$0x180] =	vst v3  }
0x6ce: {  	v18 =	vadd.s32 $0x3A0, v0;
	v32 =	vld.idx.msk [tilespmem:v45+s2+$0x0], $0xffff;
	[tilespmem:s23+$0x190] =	vst v16  }
0x6cf: {  	v52 =	vadd.s32 $0xF0, v20;
	v36 =	vld.idx.msk [tilespmem:v50+s2+$0x0], $0xffff;
	[tilespmem:s23+$0x1F0] =	vst v31  }
0x6d0: {  	v46 =	vadd.s32 $0x210, v7;
	v39 =	vld.idx.msk [tilespmem:v56+s2+$0x0], $0xffff;
	[tilespmem:s23+$0x1A0] =	vst v17  }
0x6d1: {  	v47 =	vadd.s32 $0x220, v7;
	v14 =	vld.idx.msk [tilespmem:v62+s2+$0x0], $0xffff;
	[tilespmem:s23+$0x1B0] =	vst v13  }
0x6d2: {  	v15 =	vld.idx.msk [tilespmem:v63+s2+$0x0], $0xffff;
	v31 =	vadd.s32 $0x240, v7;
	[tilespmem:s23+$0x1C0] =	vst v40  }
0x6d3: {  	v27 =	vadd.s32 $0x250, v7;
	v18 =	vld.idx.msk [tilespmem:v18+s2+$0x0], $0xffff;
	[tilespmem:s23+$0x1D0] =	vst v42  }
0x6d4: {  	v48 =	vadd.s32 $0x260, v7;
	v54 =	vld.idx.msk [tilespmem:v52+s2+$0x0], $0xffff;
	[tilespmem:s23+$0x1E0] =	vst v30  }
0x6d5: {  	v49 =	vadd.s32 $0x270, v7;
	v28 =	vld.idx.msk [tilespmem:v46+s2+$0x0], $0xffff  }
0x6d6: {  	v13 =	vadd.s32 $0x200, v7;
	v29 =	vld.idx.msk [tilespmem:v47+s2+$0x0], $0xffff  }
0x6d7: {  	v30 =	vadd.s32 $0x230, v7;
	v26 =	vld.idx.msk [tilespmem:v31+s2+$0x0], $0xffff  }
0x6d8: {  	v53 =	vadd.s32 $0x200, v4;
	v27 =	vld.idx.msk [tilespmem:v27+s2+$0x0], $0xffff  }
0x6d9: {  	v41 =	vadd.s32 $0x380, v0;
	[tilespmem:s21+$0xFFFFFE80] =	vst v23;
	v23 =	vld.idx.msk [tilespmem:v48+s2+$0x0], $0xffff  }
0x6da: {  	v43 =	vadd.s32 $0x390, v0;
	[tilespmem:s21+$0xFFFFFE90] =	vst v24;
	v24 =	vld.idx.msk [tilespmem:v49+s2+$0x0], $0xffff  }
0x6db: {  	v3 =	vadd.s32 $0x90, v20;
	v13 =	vld.idx.msk [tilespmem:v13+s2+$0x0], $0xffff  }
0x6dc: {  	v31 =	vadd.s32 $0xD0, v20;
	v25 =	vld.idx.msk [tilespmem:v30+s2+$0x0], $0xffff;
	[tilespmem:s23+$0x210] =	vst v28  }
0x6dd: {  	v51 =	vadd.s32 $0xE0, v20;
	v55 =	vld.idx.msk [tilespmem:v53+s2+$0x0], $0xffff;
	[tilespmem:s23+$0x220] =	vst v29  }
0x6de: {  	v16 =	vld.idx.msk [tilespmem:v41+s2+$0x0], $0xffff;
	v30 =	vadd.s32 $0xC0, v20;
	[tilespmem:s23+$0x240] =	vst v26  }
0x6df: {  	v57 =	vadd.s32 $0x240, v4;
	v17 =	vld.idx.msk [tilespmem:v43+s2+$0x0], $0xffff;
	[tilespmem:s23+$0x250] =	vst v27  }
0x6e0: {  	v3 =	vld.idx.msk [tilespmem:v3+s2+$0x0], $0xffff;
	v26 =	vadd.s32 $0x290, v7;
	[tilespmem:s23+$0x260] =	vst v23  }
0x6e1: {  	v31 =	vld.idx.msk [tilespmem:v31+s2+$0x0], $0xffff;
	v27 =	vadd.s32 $0x2A0, v7;
	[tilespmem:s23+$0x270] =	vst v24  }
0x6e2: {  	v29 =	vld.idx.msk [tilespmem:v51+s2+$0x0], $0xffff;
	[tilespmem:s23+$0x230] =	vst v25;
	v25 =	vadd.s32 $0x280, v7  }
0x6e3: {  	v23 =	vadd.s32 $0x2B0, v7;
	[tilespmem:s23+$0x200] =	vst v13;
	v30 =	vld.idx.msk [tilespmem:v30+s2+$0x0], $0xffff  }
0x6e4: {  	v24 =	vadd.s32 $0x2C0, v7;
	[tilespmem:s23+$0xFFFFFC80] =	vst v33;
	v33 =	vld.idx.msk [tilespmem:v57+s2+$0x0], $0xffff  }
0x6e5: {  	[tilespmem:s21+$0xFFFFFEB0] =	vst v19;
	v19 =	vld.idx.msk [tilespmem:v26+s2+$0x0], $0xffff;
	v26 =	vadd.s32 $0x2E0, v7  }
0x6e6: {  	[tilespmem:s21+$0xFFFFFEC0] =	vst v21;
	v21 =	vld.idx.msk [tilespmem:v27+s2+$0x0], $0xffff;
	v27 =	vadd.s32 $0x2F0, v7  }
0x6e7: {  	[tilespmem:s21+$0xFFFFFEA0] =	vst v22;
	v22 =	vld.idx.msk [tilespmem:v25+s2+$0x0], $0xffff;
	v25 =	vadd.s32 $0x2D0, v7  }
0x6e8: {  	v58 =	vadd.s32 $0x260, v4;
	[tilespmem:s23+$0xFFFFFC90] =	vst v3;
	v23 =	vld.idx.msk [tilespmem:v23+s2+$0x0], $0xffff  }
0x6e9: {  	v28 =	vadd.s32 $0x220, v4;
	[tilespmem:s23+$0xFFFFFCA0] =	vst v32;
	v3 =	vld.idx.msk [tilespmem:v24+s2+$0x0], $0xffff  }
0x6ea: {  	v13 =	vadd.s32 $0x210, v4;
	[tilespmem:s23+$0xFFFFFCB0] =	vst v36;
	v26 =	vld.idx.msk [tilespmem:v26+s2+$0x0], $0xffff  }
0x6eb: {  	v24 =	vadd.s32 $0x250, v4;
	[tilespmem:s23+$0xFFFFFCC0] =	vst v30;
	v27 =	vld.idx.msk [tilespmem:v27+s2+$0x0], $0xffff  }
0x6ec: {  	v25 =	vld.idx.msk [tilespmem:v25+s2+$0x0], $0xffff;
	[tilespmem:s23+$0x280] =	vst v22  }
0x6ed: {  	v32 =	vld.idx.msk [tilespmem:v58+s2+$0x0], $0xffff;
	[tilespmem:s23+$0x290] =	vst v19  }
0x6ee: {  	v59 =	vadd.s32 $0x270, v4;
	v28 =	vld.idx.msk [tilespmem:v28+s2+$0x0], $0xffff;
	[tilespmem:s23+$0x2A0] =	vst v21  }
0x6ef: {  	v60 =	vadd.s32 $0x380, v1;
	v13 =	vld.idx.msk [tilespmem:v13+s2+$0x0], $0xffff;
	[tilespmem:s23+$0x2B0] =	vst v23  }
0x6f0: {  	v61 =	vadd.s32 $0x390, v1;
	v30 =	vadd.s32 $0x3B0, v0;
	v24 =	vld.idx.msk [tilespmem:v24+s2+$0x0], $0xffff;
	[tilespmem:$0x1F660] =	vst v60  }
0x6f1: {  	[tilespmem:$0x1F670] =	vst v61  }
0x6f2: {  	v62 =	vadd.s32 $0x3A0, v1;
	[tilespmem:s23+$0x2C0] =	vst v3  }
0x6f3: {  	v63 =	vadd.s32 $0x3B0, v1;
	v41 =	vld.idx.msk [tilespmem:v59+s2+$0x0], $0xffff;
	[tilespmem:$0x1F680] =	vst v62  }
0x6f4: {  	v22 =	vadd.s32 $0x3C0, v0;
	[tilespmem:$0x1F690] =	vst v63  }
0x6f5: {  	v34 =	vld.idx.msk [tilespmem:v30+s2+$0x0], $0xffff;
	v30 =	vadd.s32 $0x3C0, v1;
	[tilespmem:s23+$0x2D0] =	vst v25  }
0x6f6: {  	v19 =	vadd.s32 $0x3D0, v0;
	[tilespmem:$0x1F6A0] =	vst v30;
	v30 =	vadd.s32 $0x3D0, v1  }
0x6f7: {  	[tilespmem:$0x1F6B0] =	vst v30  }
0x6f8: {  	[tilespmem:s23+$0x2E0] =	vst v26;
	v26 =	vadd.s32 $0x3E0, v1  }
0x6f9: {  	v35 =	vld.idx.msk [tilespmem:v22+s2+$0x0], $0xffff;
	v1 =	vadd.s32 $0x3F0, v1;
	[tilespmem:$0x1F6C0] =	vst v26  }
0x6fa: {  	v23 =	vadd.s32 $0x300, v7;
	[tilespmem:$0x1F6D0] =	vst v1  }
0x6fb: {  	v36 =	vld.idx.msk [tilespmem:v19+s2+$0x0], $0xffff;
	[tilespmem:s23+$0x2F0] =	vst v27;
	v19 =	vadd.s32 $0x300, v2  }
0x6fc: {  	[tilespmem:$0x1F6E0] =	vst v19;
	v19 =	vadd.s32 $0x310, v2  }
0x6fd: {  	v3 =	vadd.s32 $0x310, v7;
	[tilespmem:$0x1F6F0] =	vst v19  }
0x6fe: {  	v26 =	vadd.s32 $0x320, v2;
	[tilespmem:s23+$0xFFFFFCD0] =	vst v31  }
0x6ff: {  	v19 =	vld.idx.msk [tilespmem:v23+s2+$0x0], $0xffff;
	[tilespmem:$0x1F700] =	vst v26;
	v26 =	vadd.s32 $0x330, v2  }
0x700: {  	v25 =	vadd.s32 $0x320, v7;
	[tilespmem:$0x1F710] =	vst v26  }
0x701: {  	v27 =	vadd.s32 $0x340, v2;
	[tilespmem:s23+$0xFFFFFCE0] =	vst v29  }
0x702: {  	v3 =	vld.idx.msk [tilespmem:v3+s2+$0x0], $0xffff;
	[tilespmem:$0x1F720] =	vst v27;
	v27 =	vadd.s32 $0x350, v2  }
0x703: {  	v22 =	vadd.s32 $0x330, v7;
	[tilespmem:$0x1F730] =	vst v27  }
0x704: {  	v29 =	vadd.s32 $0x360, v2;
	[tilespmem:s23+$0xFFFFFCF0] =	vst v54  }
0x705: {  	v1 =	vadd.s32 $0x340, v7;
	v25 =	vld.idx.msk [tilespmem:v25+s2+$0x0], $0xffff;
	[tilespmem:$0x1F740] =	vst v29;
	v29 =	vadd.s32 $0x370, v2  }
0x706: {  	v23 =	vadd.s32 $0x350, v7;
	[tilespmem:$0x1F750] =	vst v29  }
0x707: {  	v26 =	vadd.s32 $0x360, v7;
	v29 =	vadd.s32 $0x390, v2;
	[tilespmem:s22+$0xFFFFFE00] =	vst v55  }
0x708: {  	v27 =	vadd.s32 $0x370, v7;
	v22 =	vld.idx.msk [tilespmem:v22+s2+$0x0], $0xffff;
	[tilespmem:$0x1F760] =	vst v29  }
0x709: {  	v21 =	vadd.s32 $0x3E0, v0;
	[tilespmem:s22+$0xFFFFFE10] =	vst v13  }
0x70a: {  	v30 =	vadd.s32 $0x140, v20;
	v1 =	vld.idx.msk [tilespmem:v1+s2+$0x0], $0xffff;
	[tilespmem:s22+$0xFFFFFE20] =	vst v28  }
0x70b: {  	v45 =	vadd.s32 $0x380, v2;
	v29 =	vadd.s32 $0x100, v20;
	v23 =	vld.idx.msk [tilespmem:v23+s2+$0x0], $0xffff;
	[tilespmem:s22+$0xFFFFFE30] =	vst v39  }
0x70c: {  	v46 =	vadd.s32 $0x3A0, v2;
	v60 =	vadd.s32 $0x3B0, v2;
	v13 =	vadd.s32 $0x110, v20;
	v26 =	vld.idx.msk [tilespmem:v26+s2+$0x0], $0xffff;
	[tilespmem:s22+$0xFFFFFE40] =	vst v33  }
0x70d: {  	v61 =	vadd.s32 $0x3E0, v2;
	v59 =	vadd.s32 $0x3C0, v2;
	v28 =	vadd.s32 $0x120, v20;
	v27 =	vld.idx.msk [tilespmem:v27+s2+$0x0], $0xffff;
	[tilespmem:s23+$0x300] =	vst v19  }
0x70e: {  	v62 =	vadd.s32 $0x3D0, v2;
	v63 =	vadd.s32 $0x3F0, v2;
	v2 =	vadd.s32 $0x130, v20;
	v40 =	vld.idx.msk [tilespmem:v21+s2+$0x0], $0xffff;
	[tilespmem:s23+$0x310] =	vst v3  }
0x70f: {  	[tilespmem:s23+$0x320] =	vst v25;
	v53 =	vld.idx.msk [tilespmem:v30+s2+$0x0], $0xffff  }
0x710: {  	v31 =	vadd.s32 $0x150, v20;
	[tilespmem:s23+$0x330] =	vst v22;
	v29 =	vld.idx.msk [tilespmem:v29+s2+$0x0], $0xffff  }
0x711: {  	v58 =	vld.idx.msk [tilespmem:v13+s2+$0x0], $0xffff;
	[tilespmem:s23+$0x340] =	vst v1  }
0x712: {  	v28 =	vld.idx.msk [tilespmem:v28+s2+$0x0], $0xffff;
	[tilespmem:s23+$0x350] =	vst v23;
	v23 =	vadd.s32 $0x2F0, v4  }
0x713: {  	v1 =	vld.idx.msk [tilespmem:v2+s2+$0x0], $0xffff;
	[tilespmem:$0x1F770] =	vst v23  }
0x714: {  	v33 =	vadd.s32 $0x160, v20;
	v23 =	vadd.s32 $0x300, v4;
	[tilespmem:s23+$0x360] =	vst v26  }
0x715: {  	v56 =	vld.idx.msk [tilespmem:v31+s2+$0x0], $0xffff;
	[tilespmem:$0x1F780] =	vst v23;
	v23 =	vadd.s32 $0x310, v4  }
0x716: {  	[tilespmem:$0x1F790] =	vst v23;
	v23 =	vadd.s32 $0x320, v4  }
0x717: {  	v19 =	vadd.s32 $0x380, v7;
	[tilespmem:$0x1F7A0] =	vst v23  }
0x718: {  	v23 =	vadd.s32 $0x330, v4;
	[tilespmem:s23+$0x370] =	vst v27  }
0x719: {  	v57 =	vld.idx.msk [tilespmem:v33+s2+$0x0], $0xffff;
	[tilespmem:$0x1F7B0] =	vst v23;
	v23 =	vadd.s32 $0x340, v4  }
0x71a: {  	[tilespmem:$0x1F7C0] =	vst v23;
	v23 =	vadd.s32 $0x350, v4  }
0x71b: {  	[tilespmem:$0x1F7D0] =	vst v23  }
0x71c: {  	v3 =	vadd.s32 $0x3F0, v7;
	[tilespmem:s22+$0xFFFFFE50] =	vst v24;
	v47 =	vld.idx.msk [tilespmem:v19+s2+$0x0], $0xffff;
	v19 =	vadd.s32 $0x360, v4  }
0x71d: {  	[tilespmem:$0x1F7E0] =	vst v19;
	v19 =	vadd.s32 $0x370, v4  }
0x71e: {  	[tilespmem:$0x1F7F0] =	vst v19;
	v19 =	vadd.s32 $0x380, v4  }
0x71f: {  	[tilespmem:$0x1F800] =	vst v19  }
0x720: {  	v21 =	vadd.s32 $0x390, v7;
	v19 =	vadd.s32 $0x390, v4;
	[tilespmem:s22+$0xFFFFFE60] =	vst v32  }
0x721: {  	v3 =	vld.idx.msk [tilespmem:v3+s2+$0x0], $0xffff;
	[tilespmem:$0x1F810] =	vst v19;
	v19 =	vadd.s32 $0x3A0, v4  }
0x722: {  	[tilespmem:$0x1F820] =	vst v19;
	v19 =	vadd.s32 $0x3B0, v4  }
0x723: {  	v37 =	vadd.s32 $0x3A0, v7;
	[tilespmem:$0x1F830] =	vst v19  }
0x724: {  	v13 =	vadd.s32 $0x3B0, v7;
	v19 =	vadd.s32 $0x3C0, v4;
	[tilespmem:s22+$0xFFFFFE70] =	vst v41  }
0x725: {  	v38 =	vadd.s32 $0x3C0, v7;
	v50 =	vld.idx.msk [tilespmem:v21+s2+$0x0], $0xffff;
	[tilespmem:$0x1F840] =	vst v19;
	v19 =	vadd.s32 $0x3D0, v4  }
0x726: {  	v39 =	vadd.s32 $0x3D0, v7;
	[tilespmem:$0x1F850] =	vst v19  }
0x727: {  	[tilespmem:s21+$0xFFFFFED0] =	vst v6  }
0x728: {  	v43 =	vld.idx.msk [tilespmem:v37+s2+$0x0], $0xffff;
	[tilespmem:s21+$0xFFFFFEE0] =	vst v5  }
0x729: {  	v44 =	vadd.s32 $0x290, v4;
	v52 =	vadd.s32 $0x2C0, v4;
	v42 =	vld.idx.msk [tilespmem:v13+s2+$0x0], $0xffff;
	[tilespmem:s21+$0xFFFFFEF0] =	vst v11  }
0x72a: {  	v51 =	vadd.s32 $0x2B0, v4;
	v7 =	vadd.s32 $0x3E0, v7;
	v37 =	vld.idx.msk [tilespmem:v38+s2+$0x0], $0xffff;
	[tilespmem:s20+$0xFFFFFF00] =	vst v10;
	v5 =	vadd.s32 $0x1F0, v20  }
0x72b: {  	v54 =	vadd.s32 $0x2D0, v4;
	v55 =	vadd.s32 $0x2E0, v4;
	v38 =	vld.idx.msk [tilespmem:v39+s2+$0x0], $0xffff;
	[tilespmem:$0x1F860] =	vst v5;
	v5 =	vadd.s32 $0x200, v20  }
0x72c: {  	v22 =	vadd.s32 $0x280, v4;
	v2 =	vadd.s32 $0x2A0, v4;
	[tilespmem:$0x1F870] =	vst v5;
	v5 =	vadd.s32 $0x210, v20  }
0x72d: {  	v23 =	vadd.s32 $0x3F0, v4;
	v24 =	vadd.s32 $0x3E0, v4;
	v4 =	vadd.s32 $0x170, v20;
	[tilespmem:$0x1F880] =	vst v5  }
0x72e: {  	v5 =	vadd.s32 $0x220, v20;
	[tilespmem:s20+$0xFFFFFF10] =	vst v8  }
0x72f: {  	v39 =	vld.idx.msk [tilespmem:v7+s2+$0x0], $0xffff;
	[tilespmem:$0x1F890] =	vst v5;
	v5 =	vadd.s32 $0x230, v20  }
0x730: {  	[tilespmem:$0x1F8A0] =	vst v5;
	v5 =	vadd.s32 $0x240, v20  }
0x731: {  	[tilespmem:$0x1F8B0] =	vst v5  }
0x732: {  	v0 =	vadd.s32 $0x3F0, v0;
	[tilespmem:s23+$0x3F0] =	vst v3;
	v3 =	vld.idx.msk [tilespmem:v4+s2+$0x0], $0xffff;
	v4 =	vadd.s32 $0x250, v20  }
0x733: {  	[tilespmem:$0x1F8C0] =	vst v4;
	v4 =	vadd.s32 $0x260, v20  }
0x734: {  	[tilespmem:$0x1F8D0] =	vst v4;
	v4 =	vadd.s32 $0x270, v20  }
0x735: {  	[tilespmem:$0x1F8E0] =	vst v4  }
0x736: {  	v4 =	vadd.s32 $0x280, v20;
	[tilespmem:s23+$0xFFFFFD00] =	vst v29  }
0x737: {  	v0 =	vld.idx.msk [tilespmem:v0+s2+$0x0], $0xffff;
	[tilespmem:$0x1F8F0] =	vst v4;
	v4 =	vadd.s32 $0x290, v20  }
0x738: {  	[tilespmem:$0x1F900] =	vst v4  }
0x739: {  	[tilespmem:s23+$0xFFFFFD10] =	vst v58  }
0x73a: {  	v4 =	vadd.s32 $0x2F0, v20;
	v29 =	vld.idx.msk [tilespmem:v22+s2+$0x0], $0xffff;
	[tilespmem:s23+$0xFFFFFD20] =	vst v28  }
0x73b: {  	v30 =	vld.idx.msk [tilespmem:v44+s2+$0x0], $0xffff;
	[tilespmem:$0x1F910] =	vst v4;
	v4 =	vadd.s32 $0x300, v20  }
0x73c: {  	[tilespmem:$0x1F920] =	vst v4  }
0x73d: {  	[tilespmem:s23+$0xFFFFFD30] =	vst v1;
	v1 =	vadd.s32 $0x310, v20  }
0x73e: {  	v31 =	vld.idx.msk [tilespmem:v2+s2+$0x0], $0xffff;
	[tilespmem:$0x1F930] =	vst v1;
	v1 =	vadd.s32 $0x320, v20  }
0x73f: {  	[tilespmem:$0x1F940] =	vst v1;
	v1 =	vadd.s32 $0x330, v20  }
0x740: {  	[tilespmem:$0x1F950] =	vst v1  }
0x741: {  	v1 =	vadd.s32 $0x340, v20;
	[tilespmem:s23+$0xFFFFFD40] =	vst v53  }
0x742: {  	v32 =	vld.idx.msk [tilespmem:v51+s2+$0x0], $0xffff;
	[tilespmem:$0x1F960] =	vst v1;
	v1 =	vadd.s32 $0x350, v20  }
0x743: {  	[tilespmem:$0x1F970] =	vst v1;
	v1 =	vadd.s32 $0x360, v20  }
0x744: {  	[tilespmem:$0x1F980] =	vst v1  }
0x745: {  	v48 =	vadd.s32 $0x1B0, v20;
	v49 =	vadd.s32 $0x1C0, v20;
	v1 =	vadd.s32 $0x370, v20;
	[tilespmem:s23+$0xFFFFFD50] =	vst v56  }
0x746: {  	v25 =	vadd.s32 $0x180, v20;
	v26 =	vadd.s32 $0x1A0, v20;
	v33 =	vld.idx.msk [tilespmem:v52+s2+$0x0], $0xffff;
	[tilespmem:$0x1F990] =	vst v1;
	v1 =	vadd.s32 $0x380, v20  }
0x747: {  	v27 =	vadd.s32 $0x190, v20;
	v41 =	vadd.s32 $0x1D0, v20;
	[tilespmem:$0x1F9A0] =	vst v1;
	v1 =	vadd.s32 $0x390, v20  }
0x748: {  	v21 =	vadd.s32 $0x2B0, v20;
	v19 =	vadd.s32 $0x2E0, v20;
	v6 =	vadd.s32 $0x1E0, v20;
	[tilespmem:$0x1F9B0] =	vst v1  }
0x749: {  	v11 =	vadd.s32 $0x2A0, v20;
	v13 =	vadd.s32 $0x2C0, v20;
	v1 =	vadd.s32 $0x3A0, v20;
	[tilespmem:s23+$0xFFFFFD60] =	vst v57  }
0x74a: {  	v10 =	vadd.s32 $0x2D0, v20;
	v44 =	vadd.s32 $0x3F0, v20;
	v53 =	vadd.s32 $0x3B0, v20;
	v22 =	vld.idx.msk [tilespmem:v54+s2+$0x0], $0xffff;
	[tilespmem:$0x1F9C0] =	vst v1  }
0x74b: {  	v51 =	vadd.s32 $0x3C0, v20;
	v52 =	vadd.s32 $0x3E0, v20;
	v54 =	vadd.s32 $0x3D0, v20;
	v20 =	vld.idx.msk [tilespmem:v55+s2+$0x0], $0xffff;
	_ =	sdelay $0x1  }
0x74c: {  	s18 =	sor.u32 $0x20, s18;
	s24 =	simm.s32 $0x8;
	s25 =	sadd.s32 $0x20, s25;
	[tilespmem:s23+$0xFFFFFD70] =	vst v3  }
.LBB2_5:
0x74d: {  	[tilespmem:$0x1F4B0] =	vst v44  }
0x74e: {  	[tilespmem:$0x1F430] =	vst v51  }
0x74f: {  	[tilespmem:$0x1F540] =	vst v20  }
0x750: {  	[tilespmem:$0x1F410] =	vst v53  }
0x751: {  	[tilespmem:$0x1F400] =	vst v60  }
0x752: {  	[tilespmem:$0x1F490] =	vst v63  }
0x753: {  	[tilespmem:$0x1F420] =	vst v59;
	v1 =	vld [tilespmem:$0x1F640]  }
0x754: {  	[tilespmem:$0x1F440] =	vst v62;
	v2 =	vld [tilespmem:$0x1F650]  }
0x755: {  	[tilespmem:$0x1F460] =	vst v61  }
0x756: {  	[tilespmem:$0x1F590] =	vst v11  }
0x757: {  	[tilespmem:$0x1F470] =	vst v24  }
0x758: {  	[tilespmem:s20+$0xFFFFFF20] =	vst v1  }
0x759: {  	v1 =	vld [tilespmem:s25+$0xFFFFFFF0];
	[tilespmem:s20+$0xFFFFFF30] =	vst v2  }
0x75a: {  	[tilespmem:$0x1F450] =	vst v54;
	v2 =	vld.idx.msk [tilespmem:v25+s2+$0x0], $0xffff  }
0x75b: {  	[tilespmem:$0x1F5D0] =	vst v13  }
0x75c: {  	[tilespmem:$0x1F620] =	vst v19  }
0x75d: {  	[tilespmem:$0x1F600] =	vst v10  }
0x75e: {  	[tilespmem:s20+$0xFFFFFF40] =	vst v9  }
0x75f: {  	[tilespmem:$0x1F3A0] =	vst v2;
	v2 =	vld.idx.msk [tilespmem:v27+s2+$0x0], $0xffff  }
0x760: {  	[tilespmem:$0x1F480] =	vst v52  }
0x761: {  	[tilespmem:$0x1F4A0] =	vst v23  }
0x762: {  	[tilespmem:$0x1F530] =	vst v22;
	v28 =	vld [tilespmem:s25+$0x0]  }
0x763: {  	[tilespmem:s20+$0xFFFFFF50] =	vst v12  }
0x764: {  	[tilespmem:$0x1F3B0] =	vst v2;
	v2 =	vld.idx.msk [tilespmem:v26+s2+$0x0], $0xffff  }
0x765: {  	[tilespmem:$0x1F5B0] =	vst v21;
	v7 =	vadd.s32 $0x280, v1  }
0x766: {  	[tilespmem:$0x1F570] =	vst v7;
	v7 =	vadd.s32 $0x290, v1  }
0x767: {  	v3 =	vadd.s32 $0x10, v28;
	[tilespmem:$0x1F580] =	vst v7  }
0x768: {  	v22 =	vadd.s32 $0x40, v28;
	[tilespmem:s20+$0xFFFFFF60] =	vst v14  }
0x769: {  	v7 =	vadd.s32 $0x2A0, v1;
	[tilespmem:$0x1F3C0] =	vst v2;
	v2 =	vld.idx.msk [tilespmem:v48+s2+$0x0], $0xffff  }
0x76a: {  	v24 =	vadd.s32 $0x50, v28;
	[tilespmem:$0x1F5A0] =	vst v7;
	v7 =	vadd.s32 $0x2B0, v1  }
0x76b: {  	v21 =	vld.idx.msk [tilespmem:v28+s2+$0x0], $0xffff;
	[tilespmem:$0x1F5C0] =	vst v7;
	v7 =	vadd.s32 $0x2C0, v1;
	v14 =	vadd.s32 $0x20, v28  }
0x76c: {  	v3 =	vld.idx.msk [tilespmem:v3+s2+$0x0], $0xffff;
	[tilespmem:$0x1F5E0] =	vst v7  }
0x76d: {  	v23 =	vadd.s32 $0x30, v28;
	v63 =	vld.idx.msk [tilespmem:v22+s2+$0x0], $0xffff;
	[tilespmem:s20+$0xFFFFFF70] =	vst v15  }
0x76e: {  	v7 =	vadd.s32 $0x2D0, v1;
	[tilespmem:$0x1F3D0] =	vst v2;
	v2 =	vld.idx.msk [tilespmem:v49+s2+$0x0], $0xffff  }
0x76f: {  	v4 =	vld.idx.msk [tilespmem:v24+s2+$0x0], $0xffff;
	[tilespmem:$0x1F610] =	vst v7  }
0x770: {  	v14 =	vld.idx.msk [tilespmem:v14+s2+$0x0], $0xffff;
	[tilespmem:s19+$0xFFFFFF80] =	vst v16  }
0x771: {  	v52 =	vld.idx.msk [tilespmem:v41+s2+$0x0], $0xffff;
	[tilespmem:s19+$0xFFFFFF90] =	vst v17  }
0x772: {  	v41 =	vld.idx.msk [tilespmem:v23+s2+$0x0], $0xffff;
	[tilespmem:s23+$0x380] =	vst v47  }
0x773: {  	[tilespmem:$0x1F3E0] =	vst v2  }
0x774: {  	v2 =	vld.idx.msk [tilespmem:v6+s2+$0x0], $0xffff;
	[tilespmem:s19+$0xFFFFFFA0] =	vst v18  }
0x775: {  	[tilespmem:s19+$0xFFFFFFB0] =	vst v34  }
0x776: {  	v26 =	vadd.s32 $0x60, v28;
	[tilespmem:s19+$0xFFFFFFC0] =	vst v35  }
0x777: {  	[tilespmem:s19+$0xFFFFFFD0] =	vst v36  }
0x778: {  	[tilespmem:s19+$0xFFFFFFE0] =	vst v40  }
0x779: {  	[tilespmem:s19+$0xFFFFFFF0] =	vst v0;
	s19 =	smov.u32 s20;
	v0 =	vadd.s32 $0x130, v1  }
0x77a: {  	s20 =	smov.u32 s21;
	s21 =	smov.u32 s22;
	s22 =	smov.u32 s23;
	[tilespmem:$0x1F4F0] =	vst v0  }
0x77b: {  	v47 =	vld.idx.msk [tilespmem:v26+s2+$0x0], $0xffff;
	v0 =	vadd.s32 $0x140, v1;
	[tilespmem:s22+$0x390] =	vst v50  }
0x77c: {  	v34 =	vadd.s32 $0x70, v28;
	[tilespmem:$0x1F500] =	vst v0;
	v0 =	vadd.s32 $0x150, v1  }
0x77d: {  	[tilespmem:$0x1F510] =	vst v0;
	v0 =	vadd.s32 $0x160, v1  }
0x77e: {  	[tilespmem:$0x1F520] =	vst v0  }
0x77f: {  	v0 =	vadd.s32 $0x170, v1;
	[tilespmem:$0x1F3F0] =	vst v2  }
0x780: {  	v15 =	vadd.s32 $0x30, v1;
	s23 =	sadd.s32 $0x800, s23;
	[tilespmem:$0x1F560] =	vst v0  }
0x781: {  	v16 =	vadd.s32 $0x40, v1;
	v5 =	vld.idx.msk [tilespmem:v34+s2+$0x0], $0xffff;
	[tilespmem:s23+$0x0] =	vst v21  }
0x782: {  	[tilespmem:s23+$0x10] =	vst v3  }
0x783: {  	v13 =	vadd.s32 $0xF0, v28;
	[tilespmem:s23+$0x20] =	vst v14  }
0x784: {  	v9 =	vadd.s32 $0x10, v1;
	v54 =	vadd.s32 $0x60, v1;
	v59 =	vadd.s32 $0x80, v1;
	[tilespmem:s23+$0x30] =	vst v41  }
0x785: {  	v62 =	vadd.s32 $0x90, v1;
	v60 =	vadd.s32 $0xA0, v1;
	v14 =	vld.idx.msk [tilespmem:v15+s2+$0x0], $0xffff;
	v3 =	vadd.s32 $0x80, v28;
	[tilespmem:s23+$0x40] =	vst v63  }
0x786: {  	v61 =	vadd.s32 $0xB0, v1;
	v56 =	vadd.s32 $0xC0, v1;
	v15 =	vld.idx.msk [tilespmem:v16+s2+$0x0], $0xffff;
	v16 =	vadd.s32 $0x90, v28;
	[tilespmem:s23+$0x50] =	vst v4  }
0x787: {  	v58 =	vadd.s32 $0xD0, v1;
	v2 =	vadd.s32 $0x100, v1;
	v4 =	vadd.s32 $0xA0, v28;
	[tilespmem:s23+$0x60] =	vst v47  }
0x788: {  	v53 =	vadd.s32 $0xE0, v1;
	v25 =	vadd.s32 $0x180, v1;
	v47 =	vadd.s32 $0xB0, v28;
	[tilespmem:$0x1F4C0] =	vst v2  }
0x789: {  	v57 =	vadd.s32 $0x210, v1;
	v55 =	vadd.s32 $0x220, v1;
	[tilespmem:s23+$0x70] =	vst v5;
	v5 =	vadd.s32 $0xC0, v28  }
0x78a: {  	v51 =	vadd.s32 $0x240, v1;
	v8 =	vadd.s32 $0x2F0, v1;
	v63 =	vadd.s32 $0xD0, v28;
	v7 =	vld.idx.msk [tilespmem:v3+s2+$0x0], $0xffff;
	[tilespmem:s22+$0x3A0] =	vst v43  }
0x78b: {  	v10 =	vadd.s32 $0x300, v1;
	v11 =	vadd.s32 $0x310, v1;
	v43 =	vadd.s32 $0xE0, v28;
	v16 =	vld.idx.msk [tilespmem:v16+s2+$0x0], $0xffff;
	[tilespmem:s22+$0x3B0] =	vst v42  }
0x78c: {  	v19 =	vadd.s32 $0x340, v1;
	v20 =	vadd.s32 $0x360, v1;
	v44 =	vadd.s32 $0x390, v1;
	v4 =	vld.idx.msk [tilespmem:v4+s2+$0x0], $0xffff;
	[tilespmem:s22+$0x3C0] =	vst v37  }
0x78d: {  	v12 =	vadd.s32 $0x20, v1;
	v27 =	vadd.s32 $0x190, v1;
	v48 =	vadd.s32 $0x1B0, v1;
	v41 =	vld.idx.msk [tilespmem:v47+s2+$0x0], $0xffff;
	[tilespmem:s22+$0x3D0] =	vst v38  }
0x78e: {  	v49 =	vadd.s32 $0x1C0, v1;
	v17 =	vadd.s32 $0x50, v1;
	v0 =	vadd.s32 $0x1D0, v1;
	v22 =	vld.idx.msk [tilespmem:v5+s2+$0x0], $0xffff;
	[tilespmem:s22+$0x3E0] =	vst v39  }
0x78f: {  	v23 =	vmovc v45;
	v26 =	vadd.s32 $0x1A0, v1;
	v18 =	vadd.s32 $0x70, v1;
	v2 =	vadd.s32 $0x110, v1;
	[tilespmem:$0x1F5F0] =	vst v0;
	v45 =	vld.idx.msk [tilespmem:v63+s2+$0x0], $0xffff  }
0x790: {  	v24 =	vmovc v46;
	v36 =	vadd.s32 $0xF0, v1;
	v6 =	vadd.s32 $0x1F0, v1;
	v0 =	vadd.s32 $0x1E0, v1;
	[tilespmem:$0x1F4D0] =	vst v2;
	v46 =	vld.idx.msk [tilespmem:v43+s2+$0x0], $0xffff  }
0x791: {  	v40 =	vadd.s32 $0x250, v1;
	v35 =	vadd.s32 $0x260, v1;
	v50 =	vadd.s32 $0x230, v1;
	[tilespmem:$0x1F550] =	vst v0;
	v13 =	vld.idx.msk [tilespmem:v13+s2+$0x0], $0xffff  }
0x792: {  	v34 =	vadd.s32 $0x270, v1;
	v21 =	vadd.s32 $0x370, v1;
	v2 =	vadd.s32 $0x120, v1;
	[tilespmem:s23+$0xB0] =	vst v41;
	v41 =	vld [tilespmem:$0x1F910]  }
0x793: {  	v0 =	vadd.s32 $0x200, v1;
	[tilespmem:$0x1F4E0] =	vst v2;
	v2 =	vld.idx.msk [tilespmem:v54+s2+$0x0], $0xffff;
	v54 =	vadd.s32 $0x3C0, v1;
	v3 =	vadd.s32 $0x2E0, v1  }
0x794: {  	[tilespmem:$0x1F630] =	vst v3;
	v42 =	vadd.s32 $0x330, v1;
	v3 =	vadd.s32 $0x3A0, v1;
	v37 =	vadd.s32 $0x320, v1  }
0x795: {  	v38 =	vadd.s32 $0x350, v1;
	v47 =	vadd.s32 $0x3D0, v1;
	v39 =	vadd.s32 $0x380, v1;
	[tilespmem:s23+$0x80] =	vst v7;
	v7 =	vld.idx.msk [tilespmem:v1+s2+$0x0], $0xffff  }
0x796: {  	v5 =	vadd.s32 $0x3F0, v1;
	v63 =	vadd.s32 $0x3B0, v1;
	v43 =	vadd.s32 $0x3E0, v1;
	v1 =	vld [tilespmem:$0x1F860];
	[tilespmem:s23+$0xA0] =	vst v4;
	v4 =	vmovc v6  }
0x797: {  	[tilespmem:$0x1F860] =	vst v4;
	v4 =	vld [tilespmem:$0x1F770];
	v41 =	vmov v41  }
0x798: {  	[tilespmem:$0x1F770] =	vst v41;
	v41 =	vld [tilespmem:$0x1F780];
	_ =	sdelay $0x4  }
0x799: {  	v6 =	vmov v8;
	v8 =	vmov v41;
	v41 =	vld [tilespmem:$0x1F920];
	_ =	sdelay $0x2  }
0x79a: {  	[tilespmem:s23+$0xD0] =	vst v45;
	v45 =	vld [tilespmem:$0x1F790]  }
0x79b: {  	[tilespmem:$0x1F910] =	vst v6  }
0x79c: {  	[tilespmem:s23+$0xE0] =	vst v46;
	v41 =	vmov v41  }
0x79d: {  	v6 =	vld [tilespmem:$0x1F6E0];
	[tilespmem:$0x1F6E0] =	vst v8;
	v8 =	vmov v10  }
0x79e: {  	v46 =	vld [tilespmem:$0x1F700];
	[tilespmem:$0x1F920] =	vst v8  }
0x79f: {  	v8 =	vld [tilespmem:$0x1F6F0];
	[tilespmem:$0x1F780] =	vst v41;
	v41 =	vmov v45  }
0x7a0: {  	[tilespmem:$0x1F6F0] =	vst v41;
	v41 =	vld [tilespmem:$0x1F930];
	_ =	sdelay $0x4  }
0x7a1: {  	v45 =	vmov v41;
	_ =	sdelay $0x2  }
0x7a2: {  	v41 =	vld.idx.msk [tilespmem:v46+s2+$0x0], $0xffff;
	[tilespmem:$0x1F790] =	vst v45;
	v45 =	vmov v11  }
0x7a3: {  	[tilespmem:$0x1F930] =	vst v45;
	v45 =	vld [tilespmem:$0x1F7A0];
	_ =	sdelay $0x4  }
0x7a4: {  	[tilespmem:$0x1F640] =	vst v41;
	v41 =	vmov v45  }
0x7a5: {  	[tilespmem:$0x1F700] =	vst v41;
	v41 =	vld [tilespmem:$0x1F940];
	_ =	sdelay $0x4  }
0x7a6: {  	v9 =	vld.idx.msk [tilespmem:v9+s2+$0x0], $0xffff;
	v45 =	vmov v41  }
0x7a7: {  	[tilespmem:$0x1F7A0] =	vst v45;
	v45 =	vld [tilespmem:$0x1F710]  }
0x7a8: {  	v12 =	vld.idx.msk [tilespmem:v12+s2+$0x0], $0xffff  }
0x7a9: {  	v17 =	vld.idx.msk [tilespmem:v17+s2+$0x0], $0xffff  }
0x7aa: {  	v18 =	vld.idx.msk [tilespmem:v18+s2+$0x0], $0xffff  }
0x7ab: {  	v1 =	vld.idx.msk [tilespmem:v1+s2+$0x0], $0xffff  }
0x7ac: {  	v4 =	vld.idx.msk [tilespmem:v4+s2+$0x0], $0xffff  }
0x7ad: {  	v6 =	vld.idx.msk [tilespmem:v6+s2+$0x0], $0xffff  }
0x7ae: {  	[tilespmem:s23+$0xC0] =	vst v22;
	v22 =	vadd.s32 $0x110, v28;
	v8 =	vld.idx.msk [tilespmem:v8+s2+$0x0], $0xffff  }
0x7af: {  	v46 =	vmov v37;
	v37 =	vld.idx.msk [tilespmem:v45+s2+$0x0], $0xffff;
	[tilespmem:s23+$0xFFFFFC30] =	vst v14;
	v14 =	vadd.s32 $0x170, v28;
	_ =	sdelay $0x1  }
0x7b0: {  	[tilespmem:s23+$0x90] =	vst v16  }
0x7b1: {  	[tilespmem:s23+$0xF0] =	vst v13  }
0x7b2: {  	[tilespmem:s23+$0xFFFFFC20] =	vst v12;
	v12 =	vld.idx.msk [tilespmem:v22+s2+$0x0], $0xffff  }
0x7b3: {  	v22 =	vadd.s32 $0x160, v28;
	[tilespmem:s23+$0xFFFFFC70] =	vst v18;
	v18 =	vld.idx.msk [tilespmem:v14+s2+$0x0], $0xffff  }
0x7b4: {  	v14 =	vld [tilespmem:$0x1F7C0];
	_ =	sdelay $0x3  }
0x7b5: {  	v10 =	vadd.s32 $0x120, v28;
	[tilespmem:s23+$0xFFFFFC50] =	vst v17;
	v17 =	vld.idx.msk [tilespmem:v22+s2+$0x0], $0xffff  }
0x7b6: {  	v16 =	vadd.s32 $0x100, v28;
	v22 =	vmov v14;
	v14 =	vld [tilespmem:$0x1F960];
	_ =	sdelay $0x2  }
0x7b7: {  	v13 =	vadd.s32 $0x140, v28  }
0x7b8: {  	v10 =	vld.idx.msk [tilespmem:v10+s2+$0x0], $0xffff;
	v11 =	vadd.s32 $0x130, v28  }
0x7b9: {  	[tilespmem:s23+$0xFFFFFC10] =	vst v9;
	v9 =	vld.idx.msk [tilespmem:v16+s2+$0x0], $0xffff;
	v16 =	vadd.s32 $0x150, v28;
	v14 =	vmov v14  }
0x7ba: {  	[tilespmem:$0x1F7C0] =	vst v14;
	v14 =	vld [tilespmem:$0x1F7D0];
	_ =	sdelay $0x1  }
0x7bb: {  	v13 =	vld.idx.msk [tilespmem:v13+s2+$0x0], $0xffff  }
0x7bc: {  	v11 =	vld.idx.msk [tilespmem:v11+s2+$0x0], $0xffff;
	[tilespmem:s23+$0xFFFFFC40] =	vst v15  }
0x7bd: {  	[tilespmem:s23+$0xFFFFFC60] =	vst v2;
	v2 =	vld.idx.msk [tilespmem:v16+s2+$0x0], $0xffff  }
0x7be: {  	[tilespmem:s23+$0x120] =	vst v10;
	v10 =	vld [tilespmem:$0x1F730];
	v15 =	vmov v14  }
0x7bf: {  	[tilespmem:$0x1F730] =	vst v15;
	v15 =	vld [tilespmem:$0x1F7E0];
	_ =	sdelay $0x2  }
0x7c0: {  	[tilespmem:s23+$0x140] =	vst v13;
	v13 =	vld [tilespmem:$0x1F750];
	_ =	sdelay $0x1  }
0x7c1: {  	v16 =	vmov v15;
	v15 =	vld [tilespmem:$0x1F980]  }
0x7c2: {  	[tilespmem:s23+$0x130] =	vst v11;
	v11 =	vld [tilespmem:$0x1F740]  }
0x7c3: {  	[tilespmem:$0x1F740] =	vst v16;
	v16 =	vld [tilespmem:$0x1F7F0];
	_ =	sdelay $0x2  }
0x7c4: {  	v15 =	vmov v15  }
0x7c5: {  	[tilespmem:$0x1F7E0] =	vst v15;
	v15 =	vld.idx.msk [tilespmem:v13+s2+$0x0], $0xffff  }
0x7c6: {  	[tilespmem:s23+$0x110] =	vst v12;
	v12 =	vmov v19;
	v19 =	vmov v16;
	v16 =	vld [tilespmem:$0x1F990];
	v13 =	vmov v21  }
0x7c7: {  	[tilespmem:$0x1F990] =	vst v13;
	v13 =	vld [tilespmem:$0x1F660];
	_ =	sdelay $0x3  }
0x7c8: {  	[tilespmem:$0x1F750] =	vst v19;
	v19 =	vld [tilespmem:$0x1F9A0];
	_ =	sdelay $0x2  }
0x7c9: {  	v14 =	vld [tilespmem:$0x1F970];
	v16 =	vmov v16  }
0x7ca: {  	[tilespmem:$0x1F7F0] =	vst v16;
	v16 =	vld.idx.msk [tilespmem:v13+s2+$0x0], $0xffff;
	v13 =	vmov v23  }
0x7cb: {  	v19 =	vmov v19;
	[tilespmem:$0x1F660] =	vst v13;
	v13 =	vld [tilespmem:$0x1F800]  }
0x7cc: {  	[tilespmem:$0x1F800] =	vst v19;
	v19 =	vld [tilespmem:$0x1F760];
	_ =	sdelay $0x3  }
0x7cd: {  	[tilespmem:s23+$0x160] =	vst v17;
	v17 =	vld [tilespmem:$0x1F670];
	v14 =	vmov v14  }
0x7ce: {  	[tilespmem:$0x1F7D0] =	vst v14;
	v14 =	vld.idx.msk [tilespmem:v11+s2+$0x0], $0xffff;
	v11 =	vmov v20;
	v20 =	vmov v19  }
0x7cf: {  	[tilespmem:$0x1F670] =	vst v20;
	v20 =	vld [tilespmem:$0x1F810];
	_ =	sdelay $0x3  }
0x7d0: {  	[tilespmem:s23+$0x100] =	vst v9;
	v9 =	vld [tilespmem:$0x1F720]  }
0x7d1: {  	[tilespmem:$0x1F720] =	vst v22;
	v22 =	vmov v20;
	v20 =	vld [tilespmem:$0x1F9B0];
	_ =	sdelay $0x1  }
0x7d2: {  	[tilespmem:$0x1F940] =	vst v46  }
0x7d3: {  	[tilespmem:s23+$0x170] =	vst v18;
	v18 =	vld [tilespmem:$0x1F680]  }
0x7d4: {  	[tilespmem:$0x1F650] =	vst v37  }
0x7d5: {  	v46 =	vld [tilespmem:$0x1F7B0];
	[tilespmem:$0x1F960] =	vst v12;
	v21 =	vmov v20  }
0x7d6: {  	v20 =	vmov v24;
	[tilespmem:$0x1F810] =	vst v21;
	v21 =	vld [tilespmem:$0x1F9C0]  }
0x7d7: {  	[tilespmem:$0x1F680] =	vst v20;
	v20 =	vld [tilespmem:$0x1F820]  }
0x7d8: {  	[tilespmem:s23+$0x150] =	vst v2;
	v12 =	vld.idx.msk [tilespmem:v10+s2+$0x0], $0xffff;
	v10 =	vmov v38  }
0x7d9: {  	v2 =	vadd.s32 $0x1A0, v28;
	v9 =	vld.idx.msk [tilespmem:v9+s2+$0x0], $0xffff;
	[tilespmem:$0x1F970] =	vst v10  }
0x7da: {  	v17 =	vld.idx.msk [tilespmem:v17+s2+$0x0], $0xffff;
	v10 =	vadd.s32 $0x180, v28;
	[tilespmem:$0x1F980] =	vst v11  }
0x7db: {  	v18 =	vld.idx.msk [tilespmem:v18+s2+$0x0], $0xffff;
	v11 =	vadd.s32 $0x190, v28;
	[tilespmem:s23+$0xFFFFFC00] =	vst v7;
	v21 =	vmov v21  }
0x7dc: {  	v37 =	vmov v46;
	v46 =	vmov v20;
	v20 =	vmov v3;
	[tilespmem:$0x1F820] =	vst v21;
	v21 =	vld [tilespmem:$0x1F3B0]  }
0x7dd: {  	v7 =	vadd.s32 $0x1D0, v28;
	v45 =	vmov v13;
	v13 =	vmov v39;
	[tilespmem:$0x1F9C0] =	vst v20;
	v20 =	vld [tilespmem:$0x1F3A0]  }
0x7de: {  	v2 =	vld.idx.msk [tilespmem:v2+s2+$0x0], $0xffff;
	v19 =	vmov v44;
	[tilespmem:$0x1F9A0] =	vst v13;
	v13 =	vadd.s32 $0x1B0, v28  }
0x7df: {  	[tilespmem:$0x1F9B0] =	vst v19;
	v19 =	vadd.s32 $0x1C0, v28;
	v3 =	vld.idx.msk [tilespmem:v10+s2+$0x0], $0xffff  }
0x7e0: {  	v10 =	vld.idx.msk [tilespmem:v11+s2+$0x0], $0xffff;
	v11 =	vadd.s32 $0x1E0, v28  }
0x7e1: {  	[tilespmem:s22+$0xFFFFFD90] =	vst v21;
	v21 =	vld [tilespmem:$0x1F3C0]  }
0x7e2: {  	v7 =	vld.idx.msk [tilespmem:v7+s2+$0x0], $0xffff;
	[tilespmem:s22+$0xFFFFFD80] =	vst v20;
	v20 =	vadd.s32 $0x1F0, v28  }
0x7e3: {  	v13 =	vld.idx.msk [tilespmem:v13+s2+$0x0], $0xffff  }
0x7e4: {  	v19 =	vld.idx.msk [tilespmem:v19+s2+$0x0], $0xffff  }
0x7e5: {  	v11 =	vld.idx.msk [tilespmem:v11+s2+$0x0], $0xffff  }
0x7e6: {  	[tilespmem:s22+$0xFFFFFDA0] =	vst v21;
	v21 =	vld [tilespmem:$0x1F3D0]  }
0x7e7: {  	v20 =	vld.idx.msk [tilespmem:v20+s2+$0x0], $0xffff;
	[tilespmem:s23+$0x180] =	vst v3  }
0x7e8: {  	[tilespmem:s23+$0x190] =	vst v10  }
0x7e9: {  	[tilespmem:s23+$0x1A0] =	vst v2  }
0x7ea: {  	[tilespmem:s23+$0x1B0] =	vst v13  }
0x7eb: {  	v13 =	vadd.s32 $0x200, v28;
	[tilespmem:s23+$0x1C0] =	vst v19  }
0x7ec: {  	v19 =	vadd.s32 $0x210, v28;
	[tilespmem:s22+$0xFFFFFDB0] =	vst v21;
	v21 =	vld [tilespmem:$0x1F3E0]  }
0x7ed: {  	[tilespmem:s23+$0x1D0] =	vst v7  }
0x7ee: {  	[tilespmem:s23+$0x1E0] =	vst v11  }
0x7ef: {  	v23 =	vld [tilespmem:$0x1F3F0];
	[tilespmem:s23+$0x1F0] =	vst v20  }
0x7f0: {  	[tilespmem:s22+$0xFFFFFDD0] =	vst v52;
	v13 =	vld.idx.msk [tilespmem:v13+s2+$0x0], $0xffff  }
0x7f1: {  	v19 =	vld.idx.msk [tilespmem:v19+s2+$0x0], $0xffff;
	[tilespmem:s22+$0xFFFFFDC0] =	vst v21  }
0x7f2: {  	v3 =	vld.idx.msk [tilespmem:v59+s2+$0x0], $0xffff  }
0x7f3: {  	v10 =	vld.idx.msk [tilespmem:v62+s2+$0x0], $0xffff  }
0x7f4: {  	v7 =	vadd.s32 $0x220, v28;
	v2 =	vld.idx.msk [tilespmem:v60+s2+$0x0], $0xffff  }
0x7f5: {  	v20 =	vadd.s32 $0x240, v28;
	v21 =	vld.idx.msk [tilespmem:v61+s2+$0x0], $0xffff  }
0x7f6: {  	[tilespmem:$0x1F760] =	vst v22;
	v11 =	vadd.s32 $0x230, v28;
	v22 =	vld.idx.msk [tilespmem:v56+s2+$0x0], $0xffff  }
0x7f7: {  	v52 =	vld.idx.msk [tilespmem:v53+s2+$0x0], $0xffff;
	v53 =	vadd.s32 $0x250, v28  }
0x7f8: {  	v44 =	vld.idx.msk [tilespmem:v58+s2+$0x0], $0xffff;
	v56 =	vadd.s32 $0x260, v28  }
0x7f9: {  	[tilespmem:s22+$0xFFFFFDF0] =	vst v1;
	v1 =	vld.idx.msk [tilespmem:v7+s2+$0x0], $0xffff;
	v7 =	vadd.s32 $0x270, v28  }
0x7fa: {  	v20 =	vld.idx.msk [tilespmem:v20+s2+$0x0], $0xffff  }
0x7fb: {  	v11 =	vld.idx.msk [tilespmem:v11+s2+$0x0], $0xffff  }
0x7fc: {  	[tilespmem:s21+$0xFFFFFE80] =	vst v29;
	v29 =	vld.idx.msk [tilespmem:v53+s2+$0x0], $0xffff  }
0x7fd: {  	[tilespmem:s21+$0xFFFFFE90] =	vst v30;
	v30 =	vld.idx.msk [tilespmem:v56+s2+$0x0], $0xffff  }
0x7fe: {  	[tilespmem:s22+$0xFFFFFDE0] =	vst v23;
	v7 =	vld.idx.msk [tilespmem:v7+s2+$0x0], $0xffff  }
0x7ff: {  	v23 =	vmov v55;
	[tilespmem:s23+$0x240] =	vst v20;
	v20 =	vld [tilespmem:$0x1F890]  }
0x800: {  	[tilespmem:$0x1F890] =	vst v23;
	v23 =	vld [tilespmem:$0x1F8A0];
	_ =	sdelay $0x4  }
0x801: {  	[tilespmem:s21+$0xFFFFFEA0] =	vst v31  }
0x802: {  	[tilespmem:s21+$0xFFFFFEB0] =	vst v32  }
0x803: {  	[tilespmem:s21+$0xFFFFFEC0] =	vst v33  }
0x804: {  	v31 =	vld.idx.msk [tilespmem:v23+s2+$0x0], $0xffff;
	v23 =	vmov v50  }
0x805: {  	[tilespmem:$0x1F8A0] =	vst v23;
	v23 =	vld [tilespmem:$0x1F8B0];
	_ =	sdelay $0x4  }
0x806: {  	[tilespmem:s23+$0x200] =	vst v13  }
0x807: {  	[tilespmem:s23+$0x220] =	vst v1;
	v1 =	vld [tilespmem:$0x1F870]  }
0x808: {  	[tilespmem:s23+$0x230] =	vst v11;
	v11 =	vld [tilespmem:$0x1F880]  }
0x809: {  	v24 =	vmov v0;
	v0 =	vadd.s32 $0x280, v28;
	[tilespmem:s23+$0x210] =	vst v19;
	v32 =	vld.idx.msk [tilespmem:v23+s2+$0x0], $0xffff;
	v23 =	vmov v51  }
0x80a: {  	[tilespmem:$0x1F8B0] =	vst v23;
	v23 =	vld [tilespmem:$0x1F8C0]  }
0x80b: {  	[tilespmem:s23+$0x250] =	vst v29  }
0x80c: {  	[tilespmem:s23+$0x260] =	vst v30  }
0x80d: {  	v13 =	vld.idx.msk [tilespmem:v36+s2+$0x0], $0xffff;
	v19 =	vmov v57;
	[tilespmem:s23+$0x270] =	vst v7  }
0x80e: {  	[tilespmem:$0x1F880] =	vst v19;
	v19 =	vadd.s32 $0x290, v28;
	v0 =	vld.idx.msk [tilespmem:v0+s2+$0x0], $0xffff  }
0x80f: {  	v29 =	vadd.s32 $0x2A0, v28;
	v1 =	vld.idx.msk [tilespmem:v1+s2+$0x0], $0xffff  }
0x810: {  	v7 =	vadd.s32 $0x2C0, v28;
	v11 =	vld.idx.msk [tilespmem:v11+s2+$0x0], $0xffff  }
0x811: {  	v30 =	vadd.s32 $0x2B0, v28;
	v20 =	vld.idx.msk [tilespmem:v20+s2+$0x0], $0xffff  }
0x812: {  	v33 =	vld.idx.msk [tilespmem:v23+s2+$0x0], $0xffff;
	[tilespmem:s23+$0xFFFFFC80] =	vst v3;
	v3 =	vadd.s32 $0x2D0, v28  }
0x813: {  	[tilespmem:s23+$0xFFFFFC90] =	vst v10;
	v10 =	vld.idx.msk [tilespmem:v19+s2+$0x0], $0xffff;
	v19 =	vadd.s32 $0x2E0, v28  }
0x814: {  	[tilespmem:s23+$0xFFFFFCA0] =	vst v2;
	v2 =	vld.idx.msk [tilespmem:v29+s2+$0x0], $0xffff;
	v29 =	vadd.s32 $0x2F0, v28  }
0x815: {  	v7 =	vld.idx.msk [tilespmem:v7+s2+$0x0], $0xffff  }
0x816: {  	[tilespmem:s23+$0xFFFFFCB0] =	vst v21;
	v21 =	vld.idx.msk [tilespmem:v30+s2+$0x0], $0xffff  }
0x817: {  	v3 =	vld.idx.msk [tilespmem:v3+s2+$0x0], $0xffff  }
0x818: {  	v19 =	vld.idx.msk [tilespmem:v19+s2+$0x0], $0xffff  }
0x819: {  	[tilespmem:s23+$0xFFFFFCC0] =	vst v22;
	v22 =	vld.idx.msk [tilespmem:v29+s2+$0x0], $0xffff  }
0x81a: {  	[tilespmem:s23+$0x280] =	vst v0;
	v0 =	vld [tilespmem:$0x1F8D0];
	_ =	sdelay $0x5  }
0x81b: {  	[tilespmem:s23+$0xFFFFFCD0] =	vst v44  }
0x81c: {  	[tilespmem:s23+$0xFFFFFCE0] =	vst v52  }
0x81d: {  	[tilespmem:s23+$0x290] =	vst v10;
	v10 =	vld.idx.msk [tilespmem:v0+s2+$0x0], $0xffff;
	v0 =	vmov v35  }
0x81e: {  	[tilespmem:$0x1F8D0] =	vst v0;
	v0 =	vld [tilespmem:$0x1F8E0];
	_ =	sdelay $0x7  }
0x81f: {  	[tilespmem:s23+$0x2A0] =	vst v2;
	v2 =	vld.idx.msk [tilespmem:v0+s2+$0x0], $0xffff;
	v0 =	vmov v34  }
0x820: {  	[tilespmem:$0x1F8E0] =	vst v0;
	v0 =	vld [tilespmem:$0x1F690];
	_ =	sdelay $0x2  }
0x821: {  	v23 =	vmov v40  }
0x822: {  	[tilespmem:$0x1F8C0] =	vst v23;
	v23 =	vld [tilespmem:$0x1F400];
	_ =	sdelay $0x3  }
0x823: {  	v34 =	vld.idx.msk [tilespmem:v0+s2+$0x0], $0xffff  }
0x824: {  	v0 =	vmov v23;
	v23 =	vld [tilespmem:$0x1F410]  }
0x825: {  	[tilespmem:$0x1F690] =	vst v0;
	v0 =	vld [tilespmem:$0x1F830];
	_ =	sdelay $0x4  }
0x826: {  	v60 =	vmov v0;
	v0 =	vmov v23  }
0x827: {  	[tilespmem:$0x1F830] =	vst v0;
	v0 =	vld [tilespmem:$0x1F6A0];
	_ =	sdelay $0x3  }
0x828: {  	v23 =	vld [tilespmem:$0x1F420];
	_ =	sdelay $0x3  }
0x829: {  	v35 =	vld.idx.msk [tilespmem:v0+s2+$0x0], $0xffff  }
0x82a: {  	v0 =	vmov v23;
	v23 =	vld [tilespmem:$0x1F430]  }
0x82b: {  	[tilespmem:$0x1F6A0] =	vst v0;
	v0 =	vld [tilespmem:$0x1F840];
	_ =	sdelay $0x4  }
0x82c: {  	v59 =	vmov v0;
	v0 =	vmov v23  }
0x82d: {  	[tilespmem:$0x1F840] =	vst v0;
	v0 =	vld [tilespmem:$0x1F6B0];
	_ =	sdelay $0x3  }
0x82e: {  	v23 =	vld [tilespmem:$0x1F440];
	_ =	sdelay $0x3  }
0x82f: {  	v36 =	vld.idx.msk [tilespmem:v0+s2+$0x0], $0xffff  }
0x830: {  	v0 =	vmov v23;
	v23 =	vld [tilespmem:$0x1F450]  }
0x831: {  	[tilespmem:$0x1F6B0] =	vst v0;
	v0 =	vld [tilespmem:$0x1F850];
	_ =	sdelay $0x4  }
0x832: {  	v62 =	vmov v0;
	v0 =	vmov v23  }
0x833: {  	[tilespmem:$0x1F850] =	vst v0;
	v0 =	vld [tilespmem:$0x1F6C0];
	_ =	sdelay $0x2  }
0x834: {  	v23 =	vld [tilespmem:$0x1F460];
	_ =	sdelay $0x4  }
0x835: {  	v40 =	vld.idx.msk [tilespmem:v0+s2+$0x0], $0xffff;
	v0 =	vmov v23  }
0x836: {  	[tilespmem:$0x1F6C0] =	vst v0;
	v0 =	vld [tilespmem:$0x1F470];
	_ =	sdelay $0x4  }
0x837: {  	v61 =	vmov v0;
	v0 =	vld [tilespmem:$0x1F480]  }
0x838: {  	v29 =	vld [tilespmem:$0x1F490];
	_ =	sdelay $0x1  }
0x839: {  	[tilespmem:$0x1F870] =	vst v24  }
0x83a: {  	[tilespmem:s23+$0x2B0] =	vst v21  }
0x83b: {  	v21 =	vadd.s32 $0x300, v28;
	[tilespmem:s23+$0x2C0] =	vst v7;
	v24 =	vmov v0;
	v0 =	vld [tilespmem:$0x1F6D0]  }
0x83c: {  	v7 =	vadd.s32 $0x310, v28;
	[tilespmem:s23+$0x2D0] =	vst v3;
	v23 =	vmov v29;
	v29 =	vld [tilespmem:$0x1F4B0]  }
0x83d: {  	[tilespmem:$0x1F6D0] =	vst v23;
	v23 =	vld [tilespmem:$0x1F4A0]  }
0x83e: {  	[tilespmem:s23+$0x2E0] =	vst v19  }
0x83f: {  	v3 =	vadd.s32 $0x320, v28;
	[tilespmem:s23+$0x2F0] =	vst v22  }
0x840: {  	v44 =	vmov v5;
	v19 =	vadd.s32 $0x330, v28;
	v5 =	vld.idx.msk [tilespmem:v21+s2+$0x0], $0xffff  }
0x841: {  	v22 =	vadd.s32 $0x340, v28;
	v7 =	vld.idx.msk [tilespmem:v7+s2+$0x0], $0xffff  }
0x842: {  	v53 =	vmovc v63;
	v21 =	vadd.s32 $0x360, v28;
	v63 =	vmov v23;
	v23 =	vmov v29;
	v29 =	vld [tilespmem:$0x1F510]  }
0x843: {  	v0 =	vld.idx.msk [tilespmem:v0+s2+$0x0], $0xffff;
	[tilespmem:s23+$0xFFFFFCF0] =	vst v13  }
0x844: {  	[tilespmem:s22+$0xFFFFFE00] =	vst v1;
	v1 =	vld.idx.msk [tilespmem:v3+s2+$0x0], $0xffff  }
0x845: {  	v13 =	vadd.s32 $0x350, v28;
	[tilespmem:s22+$0xFFFFFE10] =	vst v11;
	v11 =	vld.idx.msk [tilespmem:v19+s2+$0x0], $0xffff  }
0x846: {  	v3 =	vadd.s32 $0x370, v28;
	v19 =	vld.idx.msk [tilespmem:v22+s2+$0x0], $0xffff  }
0x847: {  	[tilespmem:s22+$0xFFFFFE20] =	vst v20;
	v20 =	vld.idx.msk [tilespmem:v21+s2+$0x0], $0xffff  }
0x848: {  	v21 =	vld [tilespmem:$0x1F4F0]  }
0x849: {  	[tilespmem:s22+$0xFFFFFE30] =	vst v31;
	v22 =	vld [tilespmem:$0x1F500]  }
0x84a: {  	[tilespmem:s22+$0xFFFFFE40] =	vst v32;
	v13 =	vld.idx.msk [tilespmem:v13+s2+$0x0], $0xffff  }
0x84b: {  	[tilespmem:s22+$0xFFFFFE50] =	vst v33;
	v3 =	vld.idx.msk [tilespmem:v3+s2+$0x0], $0xffff  }
0x84c: {  	[tilespmem:s23+$0x300] =	vst v5;
	v5 =	vld [tilespmem:$0x1F4C0]  }
0x84d: {  	[tilespmem:s23+$0x310] =	vst v7;
	v7 =	vld [tilespmem:$0x1F4D0]  }
0x84e: {  	[tilespmem:s23+$0x320] =	vst v1;
	v1 =	vld [tilespmem:$0x1F4E0]  }
0x84f: {  	v33 =	vld.idx.msk [tilespmem:v29+s2+$0x0], $0xffff  }
0x850: {  	v29 =	vld [tilespmem:$0x1F520];
	_ =	sdelay $0x1  }
0x851: {  	[tilespmem:$0x1F710] =	vst v37;
	v37 =	vld [tilespmem:$0x1F950]  }
0x852: {  	[tilespmem:s23+$0x330] =	vst v11;
	v21 =	vld.idx.msk [tilespmem:v21+s2+$0x0], $0xffff  }
0x853: {  	v22 =	vld.idx.msk [tilespmem:v22+s2+$0x0], $0xffff;
	[tilespmem:s23+$0x350] =	vst v13;
	v13 =	vadd.s32 $0x390, v28  }
0x854: {  	[tilespmem:s23+$0x340] =	vst v19;
	v5 =	vld.idx.msk [tilespmem:v5+s2+$0x0], $0xffff  }
0x855: {  	[tilespmem:s23+$0x360] =	vst v20;
	v7 =	vld.idx.msk [tilespmem:v7+s2+$0x0], $0xffff  }
0x856: {  	[tilespmem:s23+$0x370] =	vst v3;
	v1 =	vld.idx.msk [tilespmem:v1+s2+$0x0], $0xffff  }
0x857: {  	v58 =	vld.idx.msk [tilespmem:v29+s2+$0x0], $0xffff;
	[tilespmem:s22+$0xFFFFFE70] =	vst v2;
	v2 =	vadd.s32 $0x3E0, v28  }
0x858: {  	v50 =	vld.idx.msk [tilespmem:v13+s2+$0x0], $0xffff  }
0x859: {  	v13 =	vld [tilespmem:$0x1F530]  }
0x85a: {  	v3 =	vadd.s32 $0x3B0, v28;
	_ =	sdelay $0x1  }
0x85b: {  	v41 =	vmov v37;
	v39 =	vld.idx.msk [tilespmem:v2+s2+$0x0], $0xffff  }
0x85c: {  	v2 =	vld [tilespmem:$0x1F560]  }
0x85d: {  	[tilespmem:s21+$0xFFFFFED0] =	vst v13;
	v13 =	vld [tilespmem:$0x1F540]  }
0x85e: {  	[tilespmem:$0x1F7B0] =	vst v41;
	v41 =	vmov v42;
	v42 =	vld.idx.msk [tilespmem:v3+s2+$0x0], $0xffff  }
0x85f: {  	v3 =	vld [tilespmem:$0x1F8F0]  }
0x860: {  	[tilespmem:s22+$0xFFFFFE60] =	vst v10  }
0x861: {  	[tilespmem:s21+$0xFFFFFEF0] =	vst v4  }
0x862: {  	[tilespmem:s21+$0xFFFFFEE0] =	vst v13  }
0x863: {  	[tilespmem:s20+$0xFFFFFF00] =	vst v6  }
0x864: {  	v4 =	vld [tilespmem:$0x1F570];
	[tilespmem:s20+$0xFFFFFF10] =	vst v8  }
0x865: {  	v2 =	vld.idx.msk [tilespmem:v2+s2+$0x0], $0xffff;
	[tilespmem:s23+$0xFFFFFD00] =	vst v5  }
0x866: {  	[tilespmem:s23+$0xFFFFFD10] =	vst v7  }
0x867: {  	v29 =	vld.idx.msk [tilespmem:v3+s2+$0x0], $0xffff  }
0x868: {  	[tilespmem:s23+$0xFFFFFD20] =	vst v1;
	v1 =	vld [tilespmem:$0x1F900];
	_ =	sdelay $0x1  }
0x869: {  	v3 =	vmov v4  }
0x86a: {  	[tilespmem:$0x1F8F0] =	vst v3;
	v3 =	vld [tilespmem:$0x1F580];
	_ =	sdelay $0x4  }
0x86b: {  	v30 =	vld.idx.msk [tilespmem:v1+s2+$0x0], $0xffff;
	v1 =	vmov v3  }
0x86c: {  	[tilespmem:$0x1F900] =	vst v1;
	v1 =	vld [tilespmem:$0x1F590];
	_ =	sdelay $0x1  }
0x86d: {  	v11 =	vadd.s32 $0x380, v28;
	_ =	sdelay $0x4  }
0x86e: {  	v51 =	vmov v54;
	v54 =	vmov v47;
	v47 =	vld.idx.msk [tilespmem:v11+s2+$0x0], $0xffff;
	[tilespmem:s23+$0xFFFFFD30] =	vst v21  }
0x86f: {  	v11 =	vadd.s32 $0x3C0, v28;
	v31 =	vld.idx.msk [tilespmem:v1+s2+$0x0], $0xffff  }
0x870: {  	v1 =	vld [tilespmem:$0x1F5A0];
	_ =	sdelay $0x3  }
0x871: {  	v37 =	vld.idx.msk [tilespmem:v11+s2+$0x0], $0xffff  }
0x872: {  	v11 =	vmov v1;
	v1 =	vld [tilespmem:$0x1F5B0];
	_ =	sdelay $0x6  }
0x873: {  	[tilespmem:s23+$0xFFFFFD40] =	vst v22  }
0x874: {  	v32 =	vld.idx.msk [tilespmem:v1+s2+$0x0], $0xffff  }
0x875: {  	v1 =	vld [tilespmem:$0x1F5C0];
	_ =	sdelay $0x4  }
0x876: {  	v21 =	vmov v1;
	v1 =	vld [tilespmem:$0x1F5D0];
	_ =	sdelay $0x6  }
0x877: {  	[tilespmem:s23+$0xFFFFFD50] =	vst v33  }
0x878: {  	v33 =	vld.idx.msk [tilespmem:v1+s2+$0x0], $0xffff  }
0x879: {  	v1 =	vld [tilespmem:$0x1F5E0];
	_ =	sdelay $0x4  }
0x87a: {  	v13 =	vmov v1;
	v1 =	vld [tilespmem:$0x1F600];
	_ =	sdelay $0x6  }
0x87b: {  	[tilespmem:s23+$0xFFFFFD60] =	vst v58  }
0x87c: {  	v10 =	vadd.s32 $0x3D0, v28;
	v22 =	vld.idx.msk [tilespmem:v1+s2+$0x0], $0xffff  }
0x87d: {  	v1 =	vld [tilespmem:$0x1F610];
	_ =	sdelay $0x3  }
0x87e: {  	v38 =	vld.idx.msk [tilespmem:v10+s2+$0x0], $0xffff  }
0x87f: {  	v10 =	vmov v1;
	v1 =	vld [tilespmem:$0x1F620]  }
0x880: {  	v19 =	vadd.s32 $0x3F0, v28  }
0x881: {  	v20 =	vadd.s32 $0x3A0, v28;
	_ =	sdelay $0x3  }
0x882: {  	v19 =	vld.idx.msk [tilespmem:v19+s2+$0x0], $0xffff  }
0x883: {  	v52 =	vmov v43;
	v43 =	vld.idx.msk [tilespmem:v20+s2+$0x0], $0xffff;
	[tilespmem:s23+$0xFFFFFD70] =	vst v2  }
0x884: {  	s24 =	sadd.s32 $0x2, s24;
	v20 =	vld.idx.msk [tilespmem:v1+s2+$0x0], $0xffff  }
0x885: {  	p0 =	slt.u32 s24, $0x1E;
	v1 =	vld [tilespmem:$0x1F630]  }
.Ltmp1:
0x886: {  	_ = 	snop;
	(pc) =	sbr.rel @p0 .LBB2_5-.Ltmp1, $3  }
0x887: {  	_ =	sdelay $0x1  }
0x888: {  	[tilespmem:$0x1F950] =	vst v41;
	v41 =	vld [tilespmem:$0x1F5F0]  }
0x889: {  	s25 =	sadd.s32 $0x20, s25;
	[tilespmem:s23+$0x3F0] =	vst v19;
	v6 =	vld [tilespmem:$0x1F550];
	v19 =	vmov v1  }
0x88a: {  	v1 =	vld [tilespmem:$0x1F640];
	_ =	sdelay $0x4  }
0x88b: {  	[tilespmem:s20+$0xFFFFFF20] =	vst v1  }
0x88c: {  	v1 =	vld [tilespmem:$0x1F650];
	[tilespmem:s20+$0xFFFFFF40] =	vst v9  }
0x88d: {  	[tilespmem:s20+$0xFFFFFF50] =	vst v12  }
0x88e: {  	[tilespmem:s20+$0xFFFFFF60] =	vst v14  }
0x88f: {  	[tilespmem:s20+$0xFFFFFF70] =	vst v15  }
0x890: {  	[tilespmem:s19+$0xFFFFFF80] =	vst v16  }
0x891: {  	[tilespmem:s19+$0xFFFFFF90] =	vst v17  }
0x892: {  	[tilespmem:s19+$0xFFFFFFA0] =	vst v18  }
0x893: {  	[tilespmem:s19+$0xFFFFFFB0] =	vst v34  }
0x894: {  	[tilespmem:s19+$0xFFFFFFC0] =	vst v35  }
0x895: {  	[tilespmem:s19+$0xFFFFFFD0] =	vst v36  }
0x896: {  	[tilespmem:s19+$0xFFFFFFE0] =	vst v40  }
0x897: {  	[tilespmem:s19+$0xFFFFFFF0] =	vst v0  }
0x898: {  	[tilespmem:s23+$0x380] =	vst v47  }
0x899: {  	[tilespmem:s23+$0x390] =	vst v50  }
0x89a: {  	[tilespmem:s23+$0x3A0] =	vst v43  }
0x89b: {  	[tilespmem:s23+$0x3B0] =	vst v42  }
0x89c: {  	[tilespmem:s20+$0xFFFFFF30] =	vst v1  }
0x89d: {  	v7 =	vld [tilespmem:$0x1F860]  }
0x89e: {  	v2 =	vld.idx.msk [tilespmem:v27+s2+$0x0], $0xffff  }
0x89f: {  	v3 =	vld.idx.msk [tilespmem:v26+s2+$0x0], $0xffff  }
0x8a0: {  	v35 =	vld.idx.msk [tilespmem:v25+s2+$0x0], $0xffff  }
0x8a1: {  	v4 =	vld.idx.msk [tilespmem:v49+s2+$0x0], $0xffff  }
0x8a2: {  	v5 =	vld.idx.msk [tilespmem:v41+s2+$0x0], $0xffff  }
0x8a3: {  	v36 =	vld.idx.msk [tilespmem:v48+s2+$0x0], $0xffff  }
0x8a4: {  	v6 =	vld.idx.msk [tilespmem:v6+s2+$0x0], $0xffff  }
0x8a5: {  	v7 =	vld.idx.msk [tilespmem:v7+s2+$0x0], $0xffff;
	[tilespmem:s23+$0xFFFFFD80] =	vst v35  }
0x8a6: {  	[tilespmem:s23+$0xFFFFFD90] =	vst v2  }
0x8a7: {  	[tilespmem:s23+$0xFFFFFDA0] =	vst v3  }
0x8a8: {  	[tilespmem:s23+$0xFFFFFDB0] =	vst v36  }
0x8a9: {  	[tilespmem:s23+$0xFFFFFDC0] =	vst v4  }
0x8aa: {  	[tilespmem:s23+$0xFFFFFDD0] =	vst v5  }
0x8ab: {  	[tilespmem:s23+$0xFFFFFDE0] =	vst v6  }
0x8ac: {  	[tilespmem:s23+$0xFFFFFDF0] =	vst v7  }
0x8ad: {  	v0 =	vld [tilespmem:$0x1F770];
	_ =	sdelay $0x3  }
0x8ae: {  	[tilespmem:s23+$0x3C0] =	vst v37  }
0x8af: {  	v1 =	vld [tilespmem:$0x1F870];
	[tilespmem:s23+$0x3D0] =	vst v38  }
0x8b0: {  	v2 =	vld [tilespmem:$0x1F880];
	[tilespmem:s23+$0x3E0] =	vst v39  }
0x8b1: {  	v3 =	vld [tilespmem:$0x1F890]  }
0x8b2: {  	v0 =	vld.idx.msk [tilespmem:v0+s2+$0x0], $0xffff;
	[tilespmem:s22+$0xFFFFFE80] =	vst v29  }
0x8b3: {  	v4 =	vld [tilespmem:$0x1F8A0];
	[tilespmem:s22+$0xFFFFFE90] =	vst v30  }
0x8b4: {  	v5 =	vld [tilespmem:$0x1F8B0];
	[tilespmem:s22+$0xFFFFFEA0] =	vst v31  }
0x8b5: {  	v6 =	vld [tilespmem:$0x1F8C0];
	[tilespmem:s22+$0xFFFFFEB0] =	vst v32  }
0x8b6: {  	v7 =	vld [tilespmem:$0x1F8D0];
	[tilespmem:s22+$0xFFFFFEC0] =	vst v33  }
0x8b7: {  	v8 =	vld [tilespmem:$0x1F8E0]  }
0x8b8: {  	v1 =	vld.idx.msk [tilespmem:v1+s2+$0x0], $0xffff  }
0x8b9: {  	v2 =	vld.idx.msk [tilespmem:v2+s2+$0x0], $0xffff  }
0x8ba: {  	v3 =	vld.idx.msk [tilespmem:v3+s2+$0x0], $0xffff  }
0x8bb: {  	v4 =	vld.idx.msk [tilespmem:v4+s2+$0x0], $0xffff  }
0x8bc: {  	v5 =	vld.idx.msk [tilespmem:v5+s2+$0x0], $0xffff  }
0x8bd: {  	v6 =	vld.idx.msk [tilespmem:v6+s2+$0x0], $0xffff  }
0x8be: {  	v7 =	vld.idx.msk [tilespmem:v7+s2+$0x0], $0xffff  }
0x8bf: {  	v8 =	vld.idx.msk [tilespmem:v8+s2+$0x0], $0xffff;
	[tilespmem:s23+$0xFFFFFE00] =	vst v1  }
0x8c0: {  	[tilespmem:s23+$0xFFFFFE10] =	vst v2  }
0x8c1: {  	[tilespmem:s23+$0xFFFFFE20] =	vst v3  }
0x8c2: {  	[tilespmem:s23+$0xFFFFFE30] =	vst v4  }
0x8c3: {  	v1 =	vld [tilespmem:$0x1F6E0];
	[tilespmem:s23+$0xFFFFFE40] =	vst v5  }
0x8c4: {  	v2 =	vld [tilespmem:$0x1F6F0];
	[tilespmem:s23+$0xFFFFFE50] =	vst v6  }
0x8c5: {  	v3 =	vld [tilespmem:$0x1F700];
	[tilespmem:s23+$0xFFFFFE60] =	vst v7  }
0x8c6: {  	v4 =	vld [tilespmem:$0x1F710];
	[tilespmem:s23+$0xFFFFFE70] =	vst v8  }
0x8c7: {  	v5 =	vld [tilespmem:$0x1F720];
	[tilespmem:s22+$0xFFFFFED0] =	vst v22  }
0x8c8: {  	v6 =	vld [tilespmem:$0x1F730];
	[tilespmem:s22+$0xFFFFFEE0] =	vst v20  }
0x8c9: {  	v7 =	vld [tilespmem:$0x1F740];
	[tilespmem:s22+$0xFFFFFEF0] =	vst v0  }
0x8ca: {  	v0 =	vld [tilespmem:$0x1F750]  }
0x8cb: {  	v1 =	vld.idx.msk [tilespmem:v1+s2+$0x0], $0xffff  }
0x8cc: {  	v2 =	vld.idx.msk [tilespmem:v2+s2+$0x0], $0xffff  }
0x8cd: {  	v3 =	vld.idx.msk [tilespmem:v3+s2+$0x0], $0xffff  }
0x8ce: {  	v4 =	vld.idx.msk [tilespmem:v4+s2+$0x0], $0xffff  }
0x8cf: {  	v5 =	vld.idx.msk [tilespmem:v5+s2+$0x0], $0xffff  }
0x8d0: {  	v6 =	vld.idx.msk [tilespmem:v6+s2+$0x0], $0xffff  }
0x8d1: {  	v7 =	vld.idx.msk [tilespmem:v7+s2+$0x0], $0xffff  }
0x8d2: {  	v0 =	vld.idx.msk [tilespmem:v0+s2+$0x0], $0xffff;
	[tilespmem:s21+$0xFFFFFF00] =	vst v1  }
0x8d3: {  	v1 =	vld [tilespmem:$0x1F660];
	[tilespmem:s21+$0xFFFFFF10] =	vst v2  }
0x8d4: {  	v2 =	vld [tilespmem:$0x1F670];
	[tilespmem:s21+$0xFFFFFF20] =	vst v3  }
0x8d5: {  	v3 =	vld [tilespmem:$0x1F680];
	[tilespmem:s21+$0xFFFFFF30] =	vst v4  }
0x8d6: {  	v4 =	vld [tilespmem:$0x1F690];
	[tilespmem:s21+$0xFFFFFF40] =	vst v5  }
0x8d7: {  	v5 =	vld [tilespmem:$0x1F6A0];
	[tilespmem:s21+$0xFFFFFF50] =	vst v6  }
0x8d8: {  	v6 =	vld [tilespmem:$0x1F6B0];
	[tilespmem:s21+$0xFFFFFF60] =	vst v7  }
0x8d9: {  	v7 =	vld [tilespmem:$0x1F6C0];
	[tilespmem:s21+$0xFFFFFF70] =	vst v0  }
0x8da: {  	v0 =	vld [tilespmem:$0x1F6D0]  }
0x8db: {  	v1 =	vld.idx.msk [tilespmem:v1+s2+$0x0], $0xffff  }
0x8dc: {  	v2 =	vld.idx.msk [tilespmem:v2+s2+$0x0], $0xffff  }
0x8dd: {  	v3 =	vld.idx.msk [tilespmem:v3+s2+$0x0], $0xffff  }
0x8de: {  	v4 =	vld.idx.msk [tilespmem:v4+s2+$0x0], $0xffff  }
0x8df: {  	v5 =	vld.idx.msk [tilespmem:v5+s2+$0x0], $0xffff  }
0x8e0: {  	v6 =	vld.idx.msk [tilespmem:v6+s2+$0x0], $0xffff  }
0x8e1: {  	v7 =	vld.idx.msk [tilespmem:v7+s2+$0x0], $0xffff  }
0x8e2: {  	v0 =	vld.idx.msk [tilespmem:v0+s2+$0x0], $0xffff;
	[tilespmem:s20+$0xFFFFFF80] =	vst v1  }
0x8e3: {  	v1 =	vld [tilespmem:$0x1F8F0];
	[tilespmem:s20+$0xFFFFFF90] =	vst v2  }
0x8e4: {  	v2 =	vld [tilespmem:$0x1F900];
	[tilespmem:s20+$0xFFFFFFA0] =	vst v3  }
0x8e5: {  	[tilespmem:s20+$0xFFFFFFB0] =	vst v4  }
0x8e6: {  	[tilespmem:s20+$0xFFFFFFC0] =	vst v5  }
0x8e7: {  	[tilespmem:s20+$0xFFFFFFD0] =	vst v6  }
0x8e8: {  	[tilespmem:s20+$0xFFFFFFE0] =	vst v7  }
0x8e9: {  	[tilespmem:s20+$0xFFFFFFF0] =	vst v0  }
0x8ea: {  	v0 =	vld [tilespmem:$0x1F910]  }
0x8eb: {  	v39 =	vld.idx.msk [tilespmem:v11+s2+$0x0], $0xffff  }
0x8ec: {  	v40 =	vld.idx.msk [tilespmem:v21+s2+$0x0], $0xffff  }
0x8ed: {  	v1 =	vld.idx.msk [tilespmem:v1+s2+$0x0], $0xffff  }
0x8ee: {  	v2 =	vld.idx.msk [tilespmem:v2+s2+$0x0], $0xffff  }
0x8ef: {  	v41 =	vld.idx.msk [tilespmem:v13+s2+$0x0], $0xffff  }
0x8f0: {  	v42 =	vld.idx.msk [tilespmem:v10+s2+$0x0], $0xffff  }
0x8f1: {  	v43 =	vld.idx.msk [tilespmem:v19+s2+$0x0], $0xffff  }
0x8f2: {  	v0 =	vld.idx.msk [tilespmem:v0+s2+$0x0], $0xffff;
	[tilespmem:s23+$0xFFFFFE80] =	vst v1  }
0x8f3: {  	v1 =	vld [tilespmem:$0x1F780];
	[tilespmem:s23+$0xFFFFFE90] =	vst v2  }
0x8f4: {  	v2 =	vld [tilespmem:$0x1F790];
	[tilespmem:s23+$0xFFFFFEA0] =	vst v39  }
0x8f5: {  	v3 =	vld [tilespmem:$0x1F7A0];
	[tilespmem:s23+$0xFFFFFEB0] =	vst v40  }
0x8f6: {  	v4 =	vld [tilespmem:$0x1F7B0];
	[tilespmem:s23+$0xFFFFFEC0] =	vst v41  }
0x8f7: {  	v5 =	vld [tilespmem:$0x1F7C0];
	[tilespmem:s23+$0xFFFFFED0] =	vst v42  }
0x8f8: {  	v6 =	vld [tilespmem:$0x1F7D0];
	[tilespmem:s23+$0xFFFFFEE0] =	vst v43  }
0x8f9: {  	v7 =	vld [tilespmem:$0x1F7E0];
	[tilespmem:s23+$0xFFFFFEF0] =	vst v0  }
0x8fa: {  	v0 =	vld [tilespmem:$0x1F7F0]  }
0x8fb: {  	v1 =	vld.idx.msk [tilespmem:v1+s2+$0x0], $0xffff  }
0x8fc: {  	v2 =	vld.idx.msk [tilespmem:v2+s2+$0x0], $0xffff  }
0x8fd: {  	v3 =	vld.idx.msk [tilespmem:v3+s2+$0x0], $0xffff  }
0x8fe: {  	v4 =	vld.idx.msk [tilespmem:v4+s2+$0x0], $0xffff  }
0x8ff: {  	v5 =	vld.idx.msk [tilespmem:v5+s2+$0x0], $0xffff  }
0x900: {  	v6 =	vld.idx.msk [tilespmem:v6+s2+$0x0], $0xffff  }
0x901: {  	v7 =	vld.idx.msk [tilespmem:v7+s2+$0x0], $0xffff  }
0x902: {  	v0 =	vld.idx.msk [tilespmem:v0+s2+$0x0], $0xffff;
	[tilespmem:s22+$0xFFFFFF00] =	vst v1  }
0x903: {  	[tilespmem:s22+$0xFFFFFF10] =	vst v2  }
0x904: {  	v2 =	vld [tilespmem:$0x1F760];
	_ =	sdelay $0x4  }
0x905: {  	v45 =	vld.idx.msk [tilespmem:v45+s2+$0x0], $0xffff  }
0x906: {  	v47 =	vld.idx.msk [tilespmem:v46+s2+$0x0], $0xffff;
	[tilespmem:s22+$0xFFFFFF20] =	vst v3  }
0x907: {  	v48 =	vld.idx.msk [tilespmem:v60+s2+$0x0], $0xffff;
	[tilespmem:s22+$0xFFFFFF30] =	vst v4  }
0x908: {  	[tilespmem:s22+$0xFFFFFF40] =	vst v5;
	v2 =	vld.idx.msk [tilespmem:v2+s2+$0x0], $0xffff  }
0x909: {  	v49 =	vld.idx.msk [tilespmem:v59+s2+$0x0], $0xffff;
	[tilespmem:s22+$0xFFFFFF50] =	vst v6  }
0x90a: {  	v50 =	vld.idx.msk [tilespmem:v62+s2+$0x0], $0xffff;
	[tilespmem:s22+$0xFFFFFF60] =	vst v7  }
0x90b: {  	v55 =	vld.idx.msk [tilespmem:v61+s2+$0x0], $0xffff;
	[tilespmem:s22+$0xFFFFFF70] =	vst v0  }
0x90c: {  	v56 =	vld.idx.msk [tilespmem:v63+s2+$0x0], $0xffff;
	[tilespmem:s21+$0xFFFFFF80] =	vst v45  }
0x90d: {  	v1 =	vld [tilespmem:$0x1F920];
	[tilespmem:s21+$0xFFFFFF90] =	vst v2  }
0x90e: {  	v2 =	vld [tilespmem:$0x1F930];
	[tilespmem:s21+$0xFFFFFFA0] =	vst v47  }
0x90f: {  	v3 =	vld [tilespmem:$0x1F940];
	[tilespmem:s21+$0xFFFFFFB0] =	vst v48  }
0x910: {  	v4 =	vld [tilespmem:$0x1F950];
	[tilespmem:s21+$0xFFFFFFC0] =	vst v49  }
0x911: {  	v5 =	vld [tilespmem:$0x1F960];
	[tilespmem:s21+$0xFFFFFFD0] =	vst v50  }
0x912: {  	v6 =	vld [tilespmem:$0x1F970];
	[tilespmem:s21+$0xFFFFFFE0] =	vst v55  }
0x913: {  	v7 =	vld [tilespmem:$0x1F980];
	[tilespmem:s21+$0xFFFFFFF0] =	vst v56  }
0x914: {  	v0 =	vld [tilespmem:$0x1F990]  }
0x915: {  	v1 =	vld.idx.msk [tilespmem:v1+s2+$0x0], $0xffff  }
0x916: {  	v2 =	vld.idx.msk [tilespmem:v2+s2+$0x0], $0xffff  }
0x917: {  	v3 =	vld.idx.msk [tilespmem:v3+s2+$0x0], $0xffff  }
0x918: {  	v4 =	vld.idx.msk [tilespmem:v4+s2+$0x0], $0xffff  }
0x919: {  	v5 =	vld.idx.msk [tilespmem:v5+s2+$0x0], $0xffff  }
0x91a: {  	v6 =	vld.idx.msk [tilespmem:v6+s2+$0x0], $0xffff  }
0x91b: {  	v7 =	vld.idx.msk [tilespmem:v7+s2+$0x0], $0xffff  }
0x91c: {  	v0 =	vld.idx.msk [tilespmem:v0+s2+$0x0], $0xffff;
	[tilespmem:s23+$0xFFFFFF00] =	vst v1  }
0x91d: {  	v1 =	vld [tilespmem:$0x1F800];
	[tilespmem:s23+$0xFFFFFF10] =	vst v2  }
0x91e: {  	v2 =	vld [tilespmem:$0x1F810];
	[tilespmem:s23+$0xFFFFFF20] =	vst v3  }
0x91f: {  	v3 =	vld [tilespmem:$0x1F820];
	[tilespmem:s23+$0xFFFFFF30] =	vst v4  }
0x920: {  	v4 =	vld [tilespmem:$0x1F830];
	[tilespmem:s23+$0xFFFFFF40] =	vst v5  }
0x921: {  	v5 =	vld [tilespmem:$0x1F840];
	[tilespmem:s23+$0xFFFFFF50] =	vst v6  }
0x922: {  	v6 =	vld [tilespmem:$0x1F850]  }
0x923: {  	v57 =	vld.idx.msk [tilespmem:v24+s2+$0x0], $0xffff  }
0x924: {  	v58 =	vld.idx.msk [tilespmem:v23+s2+$0x0], $0xffff  }
0x925: {  	v1 =	vld.idx.msk [tilespmem:v1+s2+$0x0], $0xffff  }
0x926: {  	v2 =	vld.idx.msk [tilespmem:v2+s2+$0x0], $0xffff  }
0x927: {  	v3 =	vld.idx.msk [tilespmem:v3+s2+$0x0], $0xffff  }
0x928: {  	[tilespmem:s23+$0xFFFFFF60] =	vst v7;
	v4 =	vld.idx.msk [tilespmem:v4+s2+$0x0], $0xffff  }
0x929: {  	[tilespmem:s23+$0xFFFFFF70] =	vst v0;
	v5 =	vld.idx.msk [tilespmem:v5+s2+$0x0], $0xffff  }
0x92a: {  	v6 =	vld.idx.msk [tilespmem:v6+s2+$0x0], $0xffff;
	[tilespmem:s22+$0xFFFFFF80] =	vst v1  }
0x92b: {  	v1 =	vld [tilespmem:$0x1F9A0];
	[tilespmem:s22+$0xFFFFFF90] =	vst v2  }
0x92c: {  	v2 =	vld [tilespmem:$0x1F9B0];
	[tilespmem:s22+$0xFFFFFFA0] =	vst v3  }
0x92d: {  	v3 =	vld [tilespmem:$0x1F9C0]  }
0x92e: {  	v59 =	vld.idx.msk [tilespmem:v53+s2+$0x0], $0xffff  }
0x92f: {  	v60 =	vld.idx.msk [tilespmem:v51+s2+$0x0], $0xffff  }
0x930: {  	v61 =	vld.idx.msk [tilespmem:v54+s2+$0x0], $0xffff;
	[tilespmem:s22+$0xFFFFFFB0] =	vst v4  }
0x931: {  	v62 =	vld.idx.msk [tilespmem:v52+s2+$0x0], $0xffff;
	[tilespmem:s22+$0xFFFFFFE0] =	vst v57  }
0x932: {  	v63 =	vld.idx.msk [tilespmem:v44+s2+$0x0], $0xffff;
	[tilespmem:s22+$0xFFFFFFF0] =	vst v58  }
0x933: {  	[tilespmem:s22+$0xFFFFFFC0] =	vst v5;
	v1 =	vld.idx.msk [tilespmem:v1+s2+$0x0], $0xffff  }
0x934: {  	[tilespmem:s22+$0xFFFFFFD0] =	vst v6;
	v2 =	vld.idx.msk [tilespmem:v2+s2+$0x0], $0xffff  }
0x935: {  	v3 =	vld.idx.msk [tilespmem:v3+s2+$0x0], $0xffff;
	[tilespmem:s23+$0xFFFFFFB0] =	vst v59  }
0x936: {  	[tilespmem:s23+$0xFFFFFFC0] =	vst v60  }
0x937: {  	s17 =	sadd.s32 $0x1, s17;
	[tilespmem:s23+$0xFFFFFFD0] =	vst v61  }
0x938: {  	p0 =	sne.s32 s17, $0x8;
	[tilespmem:s23+$0xFFFFFFE0] =	vst v62  }
.Ltmp2:
0x939: {  	s18 =	sshll.u32 s18, $0xA;
	[tilespmem:s23+$0xFFFFFFF0] =	vst v63;
	(pc) =	sbr.rel @p0 .LBB2_2-.Ltmp2, $4  }
0x93a: {  	s18 =	sadd.s32 s5, s18;
	[tilespmem:s23+$0xFFFFFF80] =	vst v1  }
0x93b: {  	s18 =	sshrl.u32 s18, $0x3;
	[tilespmem:s23+$0xFFFFFF90] =	vst v2  }
0x93c: {  	s15 =	sadd.s32 $0x400, s15;
	s16 =	sadd.s32 $0x400, s16;
	s18 =	sadd.s32 s4, s18;
	[tilespmem:s23+$0xFFFFFFA0] =	vst v3  }
0x93d: {  	[hbm4b:s18+s2] =	stream.linear.scatter [tilespmem:s11], [sflag:$0x2], $0x8000, $0x38;
	[tilespmem:$0x14000] =	vst v63  }
0x93e: {  	s14 =	sadd.s32 $0x1, s14  }
0x93f: {  	_ =	swait.ge [sflag:s12], $0x8000;
	p0 =	sne.s32 s14, s7  }
.Ltmp3:
0x940: {  	[sflag:s12] =	ssyncset.done $0x0;
	(pc) =	sbr.rel @p0 .LBB2_1-.Ltmp3, $4  }
0x941: {  	[sflag:s12] =	ssyncadd.s32 $0xFFFF8000  }
0x942: {  	_ =	swait.ge [sflag:s13], $0x8000  }
0x943: {  	[sflag:s13] =	ssyncset.done $0x0  }
0x944: {  	[sflag:s13] =	ssyncadd.s32 $0xFFFF8000  }
0x945: {  	_ =	sfence.sel $0x180000  }
0x946: {  	[bflag:$0x0] =	sbarrier.arrive $0xFFFF  }
0x947: {  	p0 =	sne.s32 s1, $0x0;
	_ =	strace $0x90000047  }
0x948: {  	s0 =	sadd.s32 @!p0 $0x100000, s0;
	[bflag:$0x2] =	sbarrier.arrive $0xFFFF  }
0x949: {  	[sflag:s0] =	ssyncadd.tile.s32 @!p0 $0x1;
	_ =	shalt  }
.Lfunc_end2:
_tile_overlayer_lowered:
.L_overlay_start_2:
0x94a: {  	(tag) =	ssettag $0x2  }
0x94b: {  	s0 =	rddreg [dreg:$0x0];
	s2 =	stileid.u32  }
0x94c: {  	s1 =	rddreg [dreg:$0x1];
	p0 =	sne.s32 s2, $0x0  }
0x94d: {  	s3 =	rddreg [dreg:$0x2];
	[bflag:$0x3] =	sbarrier.arrive $0xFFFF;
	s2 =	simm.s32 @!p0 $0x1C03  }
0x94e: {  	[timem:s3], [sflag:s2] =	dma.local @!p0 [hbm:s0], s1  }
0x94f: {  	s0 =	simm.s32 @!p0 $0x3  }
0x950: {  	_ =	swait.ge @!p0 [sflag:s0], s1  }
0x951: {  	s1 =	ssub.s32 @!p0 $0x0, s1;
	[sflag:s0] =	ssyncset.done @!p0 $0x0  }
0x952: {  	[sflag:s0] =	ssyncadd.s32 @!p0 s1  }
0x953: {  	[bflag:$0x3] =	sbarrier.arrive $0xFFFF  }
0x954: {  	_ =	shalt  }

</sc_bundles>
